<compile_context>
chip_gen: v7x
topology: tpu7x:2x2x1
jax: 0.10.2.dev20260603
libtpu: 0.0.44.dev20260713+nightly
codegen_flags: <defaults>
</compile_context>

<pallas_src>
import functools

import jax
import jax.numpy as jnp
from jax import lax
from jax.experimental import pallas as pl
from jax.experimental.pallas import tpu as pltpu
from jax.experimental.pallas import tpu_sc as plsc

B = 16384
D = 64
NC = 2
NS = 16
NW = NC * NS
BPW = B // NW
C = 16
NCH = BPW // C


def _gmf_body(uid_hbm, iid_hbm, ut_hbm, it_hbm, w_hbm, b_hbm, out_hbm,
              idx_u, idx_i, tu_a, tu_b, ti_a, ti_b, w_v, b_v, out_v,
              sem_u, sem_i):
    wid = lax.axis_index("s") * NC + lax.axis_index("c")
    base = wid * BPW

    pltpu.sync_copy(uid_hbm.at[pl.ds(base, BPW)], idx_u)
    pltpu.sync_copy(iid_hbm.at[pl.ds(base, BPW)], idx_i)
    pltpu.sync_copy(w_hbm, w_v)
    pltpu.sync_copy(b_hbm, b_v)

    w0 = w_v[pl.ds(0, 16)]
    w1 = w_v[pl.ds(16, 16)]
    w2 = w_v[pl.ds(32, 16)]
    w3 = w_v[pl.ds(48, 16)]
    bvec = b_v[...]
    lane = lax.iota(jnp.int32, 16)

    def issue(ch, bu, bi):
        uvec = lax.shift_right_logical(idx_u[pl.ds(ch * C, 16)], 3)
        ivec = lax.shift_right_logical(idx_i[pl.ds(ch * C, 16)], 3)
        for k in range(16):
            pltpu.async_copy(ut_hbm.at[uvec[k]], bu.at[k], sem_u)
            pltpu.async_copy(it_hbm.at[ivec[k]], bi.at[k], sem_i)

    def drain():
        pltpu.make_async_copy(ut_hbm.at[pl.ds(0, C)], tu_a, sem_u).wait()
        pltpu.make_async_copy(it_hbm.at[pl.ds(0, C)], ti_a, sem_i).wait()

    def compute(ch, bu, bi):
        ru_vec = idx_u[pl.ds(ch * C, 16)] & 7
        ri_vec = idx_i[pl.ds(ch * C, 16)] & 7
        vec = jnp.zeros((16,), jnp.float32)
        for k in range(16):
            ru = ru_vec[k]
            ri = ri_vec[k]
            acc = bu[k, ru, pl.ds(0, 16)] * bi[k, ri, pl.ds(0, 16)] * w0
            acc += bu[k, ru, pl.ds(16, 16)] * bi[k, ri, pl.ds(16, 16)] * w1
            acc += bu[k, ru, pl.ds(32, 16)] * bi[k, ri, pl.ds(32, 16)] * w2
            acc += bu[k, ru, pl.ds(48, 16)] * bi[k, ri, pl.ds(48, 16)] * w3
            vec = jnp.where(lane == k, jnp.sum(acc), vec)
        out_v[pl.ds(ch * C, 16)] = vec + bvec

    issue(0, tu_a, ti_a)

    def super_chunk(s, carry):
        ch = 2 * s
        issue(ch + 1, tu_b, ti_b)
        drain()
        compute(ch, tu_a, ti_a)
        issue((ch + 2) % NCH, tu_a, ti_a)
        drain()
        compute(ch + 1, tu_b, ti_b)
        return carry

    lax.fori_loop(0, NCH // 2, super_chunk, 0)
    drain()

    pltpu.sync_copy(out_v, out_hbm.at[pl.ds(base, BPW)])


@jax.jit
def kernel(userID, itemID, user_table, item_table, W, b):
    ut3 = user_table.reshape(-1, 8, D)
    it3 = item_table.reshape(-1, 8, D)
    w1d = W.reshape(D)
    b16 = jnp.broadcast_to(b.astype(jnp.float32), (16,))

    mesh = plsc.VectorSubcoreMesh(core_axis_name="c", subcore_axis_name="s")
    f = pl.kernel(
        _gmf_body,
        mesh=mesh,
        compiler_params=pltpu.CompilerParams(needs_layout_passes=False),
        out_type=jax.ShapeDtypeStruct((B,), jnp.float32),
        scratch_types=[
            pltpu.VMEM((BPW,), jnp.int32),
            pltpu.VMEM((BPW,), jnp.int32),
            pltpu.VMEM((C, 8, D), jnp.float32),
            pltpu.VMEM((C, 8, D), jnp.float32),
            pltpu.VMEM((C, 8, D), jnp.float32),
            pltpu.VMEM((C, 8, D), jnp.float32),
            pltpu.VMEM((D,), jnp.float32),
            pltpu.VMEM((16,), jnp.float32),
            pltpu.VMEM((BPW,), jnp.float32),
            pltpu.SemaphoreType.DMA,
            pltpu.SemaphoreType.DMA,
        ],
    )
    return f(userID, itemID, ut3, it3, w1d, b16)

# --- scband reference (transcript-rebuilt; emitter-appended) ---
"""Pipeline reference for scband-gmf-20212116095336 (READ-ONLY COPY).

The authoritative reference and input builder live on the scoring server;
editing this copy changes nothing except your own understanding.
"""

import jax, jax.numpy as jnp
import numpy as np

NUM_USERS = 1000000
NUM_ITEMS = 1000000
EMBED_DIM = 64
BATCH = 16384


def setup_inputs(seed: int = 0) -> dict:
    key = jax.random.key(seed)
    k1, k2, k3, k4, k5 = jax.random.split(key, 5)
    userID = jax.random.randint(k1, (BATCH,), 0, NUM_USERS, dtype=jnp.int64 if jax.config.jax_enable_x64 else jnp.int32).astype(jnp.int32)
    itemID = jax.random.randint(k2, (BATCH,), 0, NUM_ITEMS, dtype=jnp.int32)
    user_table = jax.random.normal(k3, (NUM_USERS, EMBED_DIM), dtype=jnp.float32)
    item_table = jax.random.normal(k4, (NUM_ITEMS, EMBED_DIM), dtype=jnp.float32)
    W = jax.random.normal(k5, (EMBED_DIM, 1), dtype=jnp.float32) * (1.0 / np.sqrt(EMBED_DIM))
    b = jnp.zeros((1,), dtype=jnp.float32)
    return {"userID": userID, "itemID": itemID, "user_table": user_table, "item_table": item_table, "W": W, "b": b}


def reference(userID, itemID, user_table, item_table, W, b):
    # Embedding lookups (gather rows)
    user_embedding = jnp.take(user_table, userID, axis=0)   # [B, D]
    item_embedding = jnp.take(item_table, itemID, axis=0)   # [B, D]
    # Elementwise (Hadamard) product
    element_product = user_embedding * item_embedding        # [B, D]
    # Final linear layer to a scalar logit per example
    logits = element_product @ W + b                         # [B, 1]
    return logits.reshape(-1)                                # [B]

if __name__ == "__main__":
    import jax
    _d = setup_inputs()
    print(jax.jit(kernel)(*tuple(_d.values())))

</pallas_src>

<mosaic_0001>
#map = affine_map<(d0, d1) -> (0)>
#map1 = affine_map<(d0, d1) -> (0, 0, 0)>
module attributes {stable_mosaic.version = 14 : i64} {
  func.func @_gmf_body(%arg0: i32, %arg1: i32, %arg2: memref<16384xi32, #tpu.memory_space<hbm>>, %arg3: memref<16384xi32, #tpu.memory_space<hbm>>, %arg4: memref<125000x8x64xf32, #tpu.memory_space<hbm>>, %arg5: memref<125000x8x64xf32, #tpu.memory_space<hbm>>, %arg6: memref<64xf32, #tpu.memory_space<hbm>>, %arg7: memref<16xf32, #tpu.memory_space<hbm>>, %arg8: memref<16384xf32, #tpu.memory_space<hbm>>, %arg9: memref<512xi32, #tpu.memory_space<vmem>>, %arg10: memref<512xi32, #tpu.memory_space<vmem>>, %arg11: memref<16x8x64xf32, #tpu.memory_space<vmem>>, %arg12: memref<16x8x64xf32, #tpu.memory_space<vmem>>, %arg13: memref<16x8x64xf32, #tpu.memory_space<vmem>>, %arg14: memref<16x8x64xf32, #tpu.memory_space<vmem>>, %arg15: memref<64xf32, #tpu.memory_space<vmem>>, %arg16: memref<16xf32, #tpu.memory_space<vmem>>, %arg17: memref<512xf32, #tpu.memory_space<vmem>>, %arg18: memref<!tpu.dma_semaphore, #tpu.memory_space<semaphore_mem>>, %arg19: memref<!tpu.dma_semaphore, #tpu.memory_space<semaphore_mem>>) attributes {dimension_semantics = [#tpu.dimension_semantics<core_parallel>, #tpu.dimension_semantics<subcore_parallel>], iteration_bounds = array<i64: 2, 16>, scalar_prefetch = 0 : i64, scratch_operands = 11 : i64, tpu.core_type = #tpu.core_type<sc_vector_subcore>, window_params = [{transform_indices = #map}, {transform_indices = #map}, {transform_indices = #map1}, {transform_indices = #map1}, {transform_indices = #map}, {transform_indices = #map}, {transform_indices = #map}]} {
    %mul3A = arith.constant 2 : i32
    %mul3A_0 = arith.muli %arg1, %mul3A : i32
    %add3A = arith.addi %mul3A_0, %arg0 : i32
    %mul3A_1 = arith.constant 512 : i32
    %mul3A_2 = arith.muli %add3A, %mul3A_1 : i32
    "tpu.region"() ({
      %run_scoped3A = tpu.sem_alloc : memref<!tpu.dma_semaphore, #tpu.memory_space<semaphore_mem>>
      %dma_start3A_646 = tpu.memref_slice %arg2[%mul3A_2] : memref<16384xi32, #tpu.memory_space<hbm>> -> memref<512xi32, #tpu.memory_space<hbm>>
      %dma_start3A_647 = tpu.memref_slice %arg2[%mul3A_2] : memref<16384xi32, #tpu.memory_space<hbm>> -> memref<512xi32, #tpu.memory_space<hbm>>
      tpu.enqueue_dma source(%dma_start3A_647 : memref<512xi32, #tpu.memory_space<hbm>>) target(%arg9 : memref<512xi32, #tpu.memory_space<vmem>>) target_semaphore(%run_scoped3A : memref<!tpu.dma_semaphore, #tpu.memory_space<semaphore_mem>>)
      %dma_wait3A_648 = tpu.memref_slice %arg2[%mul3A_2] : memref<16384xi32, #tpu.memory_space<hbm>> -> memref<512xi32, #tpu.memory_space<hbm>>
      %dma_wait3A_649 = tpu.memref_slice %arg2[%mul3A_2] : memref<16384xi32, #tpu.memory_space<hbm>> -> memref<512xi32, #tpu.memory_space<hbm>>
      tpu.wait_dma2 semaphore(%run_scoped3A : memref<!tpu.dma_semaphore, #tpu.memory_space<semaphore_mem>>) src(%dma_wait3A_649 : memref<512xi32, #tpu.memory_space<hbm>>) dst(%arg9 : memref<512xi32, #tpu.memory_space<vmem>>)
      tpu.yield
    }) : () -> ()
    "tpu.region"() ({
      %run_scoped3A = tpu.sem_alloc : memref<!tpu.dma_semaphore, #tpu.memory_space<semaphore_mem>>
      %dma_start3A_646 = tpu.memref_slice %arg3[%mul3A_2] : memref<16384xi32, #tpu.memory_space<hbm>> -> memref<512xi32, #tpu.memory_space<hbm>>
      %dma_start3A_647 = tpu.memref_slice %arg3[%mul3A_2] : memref<16384xi32, #tpu.memory_space<hbm>> -> memref<512xi32, #tpu.memory_space<hbm>>
      tpu.enqueue_dma source(%dma_start3A_647 : memref<512xi32, #tpu.memory_space<hbm>>) target(%arg10 : memref<512xi32, #tpu.memory_space<vmem>>) target_semaphore(%run_scoped3A : memref<!tpu.dma_semaphore, #tpu.memory_space<semaphore_mem>>)
      %dma_wait3A_648 = tpu.memref_slice %arg3[%mul3A_2] : memref<16384xi32, #tpu.memory_space<hbm>> -> memref<512xi32, #tpu.memory_space<hbm>>
      %dma_wait3A_649 = tpu.memref_slice %arg3[%mul3A_2] : memref<16384xi32, #tpu.memory_space<hbm>> -> memref<512xi32, #tpu.memory_space<hbm>>
      tpu.wait_dma2 semaphore(%run_scoped3A : memref<!tpu.dma_semaphore, #tpu.memory_space<semaphore_mem>>) src(%dma_wait3A_649 : memref<512xi32, #tpu.memory_space<hbm>>) dst(%arg10 : memref<512xi32, #tpu.memory_space<vmem>>)
      tpu.yield
    }) : () -> ()
    "tpu.region"() ({
      %run_scoped3A = tpu.sem_alloc : memref<!tpu.dma_semaphore, #tpu.memory_space<semaphore_mem>>
      tpu.enqueue_dma source(%arg6 : memref<64xf32, #tpu.memory_space<hbm>>) target(%arg15 : memref<64xf32, #tpu.memory_space<vmem>>) target_semaphore(%run_scoped3A : memref<!tpu.dma_semaphore, #tpu.memory_space<semaphore_mem>>)
      tpu.wait_dma2 semaphore(%run_scoped3A : memref<!tpu.dma_semaphore, #tpu.memory_space<semaphore_mem>>) src(%arg6 : memref<64xf32, #tpu.memory_space<hbm>>) dst(%arg15 : memref<64xf32, #tpu.memory_space<vmem>>)
      tpu.yield
    }) : () -> ()
    "tpu.region"() ({
      %run_scoped3A = tpu.sem_alloc : memref<!tpu.dma_semaphore, #tpu.memory_space<semaphore_mem>>
      tpu.enqueue_dma source(%arg7 : memref<16xf32, #tpu.memory_space<hbm>>) target(%arg16 : memref<16xf32, #tpu.memory_space<vmem>>) target_semaphore(%run_scoped3A : memref<!tpu.dma_semaphore, #tpu.memory_space<semaphore_mem>>)
      tpu.wait_dma2 semaphore(%run_scoped3A : memref<!tpu.dma_semaphore, #tpu.memory_space<semaphore_mem>>) src(%arg7 : memref<16xf32, #tpu.memory_space<hbm>>) dst(%arg16 : memref<16xf32, #tpu.memory_space<vmem>>)
      tpu.yield
    }) : () -> ()
    %get3A = arith.constant 0 : index
    %get3A_3 = tpu.vector_load %arg15[%get3A] {strides = array<i32>} : memref<64xf32, #tpu.memory_space<vmem>>, vector<16xf32>,
    %get3A_4 = arith.constant 16 : index
    %get3A_5 = tpu.vector_load %arg15[%get3A_4] {strides = array<i32>} : memref<64xf32, #tpu.memory_space<vmem>>, vector<16xf32>,
    %get3A_6 = arith.constant 32 : index
    %get3A_7 = tpu.vector_load %arg15[%get3A_6] {strides = array<i32>} : memref<64xf32, #tpu.memory_space<vmem>>, vector<16xf32>,
    %get3A_8 = arith.constant 48 : index
    %get3A_9 = tpu.vector_load %arg15[%get3A_8] {strides = array<i32>} : memref<64xf32, #tpu.memory_space<vmem>>, vector<16xf32>,
    %get3A_10 = arith.constant 0 : index
    %get3A_11 = tpu.vector_load %arg16[%get3A_10] {strides = array<i32>} : memref<16xf32, #tpu.memory_space<vmem>>, vector<16xf32>,
    %iota3A = tpu.iota {dimensions = array<i32: 0>} : vector<16xi32>
    %get3A_12 = arith.constant 0 : index
    %get3A_13 = tpu.vector_load %arg9[%get3A_12] {strides = array<i32>} : memref<512xi32, #tpu.memory_space<vmem>>, vector<16xi32>,
    %shift_right_logical3A = arith.constant 3 : i32
    %shift_right_logical3A_14 = vector.broadcast %shift_right_logical3A : i32 to vector<16xi32>
    %shift_right_logical3A_15 = arith.shrui %get3A_13, %shift_right_logical3A_14 : vector<16xi32>
    %get3A_16 = arith.constant 0 : index
    %get3A_17 = tpu.vector_load %arg10[%get3A_16] {strides = array<i32>} : memref<512xi32, #tpu.memory_space<vmem>>, vector<16xi32>,
    %shift_right_logical3A_18 = arith.constant 3 : i32
    %shift_right_logical3A_19 = vector.broadcast %shift_right_logical3A_18 : i32 to vector<16xi32>
    %shift_right_logical3A_20 = arith.shrui %get3A_17, %shift_right_logical3A_19 : vector<16xi32>
    %slice3A = vector.extract_strided_slice %shift_right_logical3A_15 {offsets = [0], sizes = [1], strides = [1]} : vector<16xi32> to vector<1xi32>
    %squeeze3A = vector.extract %slice3A[0] : i32 from vector<1xi32>
    %dma_start3A = arith.constant 0 : i32
    %dma_start3A_21 = arith.constant 0 : i32
    %dma_start3A_22 = arith.constant 0 : i32
    %dma_start3A_23 = tpu.memref_slice %arg11[%dma_start3A, %dma_start3A_21, %dma_start3A_22] : memref<16x8x64xf32, #tpu.memory_space<vmem>> -> memref<1x8x64xf32, #tpu.memory_space<vmem>>
    %dma_start3A_24 = tpu.memref_squeeze %dma_start3A_23 : memref<1x8x64xf32, #tpu.memory_space<vmem>> -> memref<8x64xf32, #tpu.memory_space<vmem>>
    %dma_start3A_25 = arith.constant 0 : i32
    %dma_start3A_26 = arith.constant 0 : i32
    %dma_start3A_27 = tpu.memref_slice %arg4[%squeeze3A, %dma_start3A_25, %dma_start3A_26] : memref<125000x8x64xf32, #tpu.memory_space<hbm>> -> memref<1x8x64xf32, #tpu.memory_space<hbm>>
    %dma_start3A_28 = tpu.memref_squeeze %dma_start3A_27 : memref<1x8x64xf32, #tpu.memory_space<hbm>> -> memref<8x64xf32, #tpu.memory_space<hbm>>
    %dma_start3A_29 = arith.constant 0 : i32
    %dma_start3A_30 = arith.constant 0 : i32
    %dma_start3A_31 = tpu.memref_slice %arg11[%dma_start3A, %dma_start3A_29, %dma_start3A_30] : memref<16x8x64xf32, #tpu.memory_space<vmem>> -> memref<1x8x64xf32, #tpu.memory_space<vmem>>
    %dma_start3A_32 = tpu.memref_squeeze %dma_start3A_31 : memref<1x8x64xf32, #tpu.memory_space<vmem>> -> memref<8x64xf32, #tpu.memory_space<vmem>>
    %dma_start3A_33 = arith.constant 0 : i32
    %dma_start3A_34 = arith.constant 0 : i32
    %dma_start3A_35 = tpu.memref_slice %arg4[%squeeze3A, %dma_start3A_33, %dma_start3A_34] : memref<125000x8x64xf32, #tpu.memory_space<hbm>> -> memref<1x8x64xf32, #tpu.memory_space<hbm>>
    %dma_start3A_36 = tpu.memref_squeeze %dma_start3A_35 : memref<1x8x64xf32, #tpu.memory_space<hbm>> -> memref<8x64xf32, #tpu.memory_space<hbm>>
    tpu.enqueue_dma source(%dma_start3A_36 : memref<8x64xf32, #tpu.memory_space<hbm>>) target(%dma_start3A_32 : memref<8x64xf32, #tpu.memory_space<vmem>>) target_semaphore(%arg18 : memref<!tpu.dma_semaphore, #tpu.memory_space<semaphore_mem>>)
    %slice3A_37 = vector.extract_strided_slice %shift_right_logical3A_20 {offsets = [0], sizes = [1], strides = [1]} : vector<16xi32> to vector<1xi32>
    %squeeze3A_38 = vector.extract %slice3A_37[0] : i32 from vector<1xi32>
    %dma_start3A_39 = arith.constant 0 : i32
    %dma_start3A_40 = arith.constant 0 : i32
    %dma_start3A_41 = arith.constant 0 : i32
    %dma_start3A_42 = tpu.memref_slice %arg13[%dma_start3A_39, %dma_start3A_40, %dma_start3A_41] : memref<16x8x64xf32, #tpu.memory_space<vmem>> -> memref<1x8x64xf32, #tpu.memory_space<vmem>>
    %dma_start3A_43 = tpu.memref_squeeze %dma_start3A_42 : memref<1x8x64xf32, #tpu.memory_space<vmem>> -> memref<8x64xf32, #tpu.memory_space<vmem>>
    %dma_start3A_44 = arith.constant 0 : i32
    %dma_start3A_45 = arith.constant 0 : i32
    %dma_start3A_46 = tpu.memref_slice %arg5[%squeeze3A_38, %dma_start3A_44, %dma_start3A_45] : memref<125000x8x64xf32, #tpu.memory_space<hbm>> -> memref<1x8x64xf32, #tpu.memory_space<hbm>>
    %dma_start3A_47 = tpu.memref_squeeze %dma_start3A_46 : memref<1x8x64xf32, #tpu.memory_space<hbm>> -> memref<8x64xf32, #tpu.memory_space<hbm>>
    %dma_start3A_48 = arith.constant 0 : i32
    %dma_start3A_49 = arith.constant 0 : i32
    %dma_start3A_50 = tpu.memref_slice %arg13[%dma_start3A_39, %dma_start3A_48, %dma_start3A_49] : memref<16x8x64xf32, #tpu.memory_space<vmem>> -> memref<1x8x64xf32, #tpu.memory_space<vmem>>
    %dma_start3A_51 = tpu.memref_squeeze %dma_start3A_50 : memref<1x8x64xf32, #tpu.memory_space<vmem>> -> memref<8x64xf32, #tpu.memory_space<vmem>>
    %dma_start3A_52 = arith.constant 0 : i32
    %dma_start3A_53 = arith.constant 0 : i32
    %dma_start3A_54 = tpu.memref_slice %arg5[%squeeze3A_38, %dma_start3A_52, %dma_start3A_53] : memref<125000x8x64xf32, #tpu.memory_space<hbm>> -> memref<1x8x64xf32, #tpu.memory_space<hbm>>
    %dma_start3A_55 = tpu.memref_squeeze %dma_start3A_54 : memref<1x8x64xf32, #tpu.memory_space<hbm>> -> memref<8x64xf32, #tpu.memory_space<hbm>>
    tpu.enqueue_dma source(%dma_start3A_55 : memref<8x64xf32, #tpu.memory_space<hbm>>) target(%dma_start3A_51 : memref<8x64xf32, #tpu.memory_space<vmem>>) target_semaphore(%arg19 : memref<!tpu.dma_semaphore, #tpu.memory_space<semaphore_mem>>)
    %slice3A_56 = vector.extract_strided_slice %shift_right_logical3A_15 {offsets = [1], sizes = [1], strides = [1]} : vector<16xi32> to vector<1xi32>
    %squeeze3A_57 = vector.extract %slice3A_56[0] : i32 from vector<1xi32>
    %dma_start3A_58 = arith.constant 1 : i32
    %dma_start3A_59 = arith.constant 0 : i32
    %dma_start3A_60 = arith.constant 0 : i32
    %dma_start3A_61 = tpu.memref_slice %arg11[%dma_start3A_58, %dma_start3A_59, %dma_start3A_60] : memref<16x8x64xf32, #tpu.memory_space<vmem>> -> memref<1x8x64xf32, #tpu.memory_space<vmem>>
    %dma_start3A_62 = tpu.memref_squeeze %dma_start3A_61 : memref<1x8x64xf32, #tpu.memory_space<vmem>> -> memref<8x64xf32, #tpu.memory_space<vmem>>
    %dma_start3A_63 = arith.constant 0 : i32
    %dma_start3A_64 = arith.constant 0 : i32
    %dma_start3A_65 = tpu.memref_slice %arg4[%squeeze3A_57, %dma_start3A_63, %dma_start3A_64] : memref<125000x8x64xf32, #tpu.memory_space<hbm>> -> memref<1x8x64xf32, #tpu.memory_space<hbm>>
    %dma_start3A_66 = tpu.memref_squeeze %dma_start3A_65 : memref<1x8x64xf32, #tpu.memory_space<hbm>> -> memref<8x64xf32, #tpu.memory_space<hbm>>
    %dma_start3A_67 = arith.constant 0 : i32
    %dma_start3A_68 = arith.constant 0 : i32
    %dma_start3A_69 = tpu.memref_slice %arg11[%dma_start3A_58, %dma_start3A_67, %dma_start3A_68] : memref<16x8x64xf32, #tpu.memory_space<vmem>> -> memref<1x8x64xf32, #tpu.memory_space<vmem>>
    %dma_start3A_70 = tpu.memref_squeeze %dma_start3A_69 : memref<1x8x64xf32, #tpu.memory_space<vmem>> -> memref<8x64xf32, #tpu.memory_space<vmem>>
    %dma_start3A_71 = arith.constant 0 : i32
    %dma_start3A_72 = arith.constant 0 : i32
    %dma_start3A_73 = tpu.memref_slice %arg4[%squeeze3A_57, %dma_start3A_71, %dma_start3A_72] : memref<125000x8x64xf32, #tpu.memory_space<hbm>> -> memref<1x8x64xf32, #tpu.memory_space<hbm>>
    %dma_start3A_74 = tpu.memref_squeeze %dma_start3A_73 : memref<1x8x64xf32, #tpu.memory_space<hbm>> -> memref<8x64xf32, #tpu.memory_space<hbm>>
    tpu.enqueue_dma source(%dma_start3A_74 : memref<8x64xf32, #tpu.memory_space<hbm>>) target(%dma_start3A_70 : memref<8x64xf32, #tpu.memory_space<vmem>>) target_semaphore(%arg18 : memref<!tpu.dma_semaphore, #tpu.memory_space<semaphore_mem>>)
    %slice3A_75 = vector.extract_strided_slice %shift_right_logical3A_20 {offsets = [1], sizes = [1], strides = [1]} : vector<16xi32> to vector<1xi32>
    %squeeze3A_76 = vector.extract %slice3A_75[0] : i32 from vector<1xi32>
    %dma_start3A_77 = arith.constant 1 : i32
    %dma_start3A_78 = arith.constant 0 : i32
    %dma_start3A_79 = arith.constant 0 : i32
    %dma_start3A_80 = tpu.memref_slice %arg13[%dma_start3A_77, %dma_start3A_78, %dma_start3A_79] : memref<16x8x64xf32, #tpu.memory_space<vmem>> -> memref<1x8x64xf32, #tpu.memory_space<vmem>>
    %dma_start3A_81 = tpu.memref_squeeze %dma_start3A_80 : memref<1x8x64xf32, #tpu.memory_space<vmem>> -> memref<8x64xf32, #tpu.memory_space<vmem>>
    %dma_start3A_82 = arith.constant 0 : i32
    %dma_start3A_83 = arith.constant 0 : i32
    %dma_start3A_84 = tpu.memref_slice %arg5[%squeeze3A_76, %dma_start3A_82, %dma_start3A_83] : memref<125000x8x64xf32, #tpu.memory_space<hbm>> -> memref<1x8x64xf32, #tpu.memory_space<hbm>>
    %dma_start3A_85 = tpu.memref_squeeze %dma_start3A_84 : memref<1x8x64xf32, #tpu.memory_space<hbm>> -> memref<8x64xf32, #tpu.memory_space<hbm>>
    %dma_start3A_86 = arith.constant 0 : i32
    %dma_start3A_87 = arith.constant 0 : i32
    %dma_start3A_88 = tpu.memref_slice %arg13[%dma_start3A_77, %dma_start3A_86, %dma_start3A_87] : memref<16x8x64xf32, #tpu.memory_space<vmem>> -> memref<1x8x64xf32, #tpu.memory_space<vmem>>
    %dma_start3A_89 = tpu.memref_squeeze %dma_start3A_88 : memref<1x8x64xf32, #tpu.memory_space<vmem>> -> memref<8x64xf32, #tpu.memory_space<vmem>>
    %dma_start3A_90 = arith.constant 0 : i32
    %dma_start3A_91 = arith.constant 0 : i32
    %dma_start3A_92 = tpu.memref_slice %arg5[%squeeze3A_76, %dma_start3A_90, %dma_start3A_91] : memref<125000x8x64xf32, #tpu.memory_space<hbm>> -> memref<1x8x64xf32, #tpu.memory_space<hbm>>
    %dma_start3A_93 = tpu.memref_squeeze %dma_start3A_92 : memref<1x8x64xf32, #tpu.memory_space<hbm>> -> memref<8x64xf32, #tpu.memory_space<hbm>>
    tpu.enqueue_dma source(%dma_start3A_93 : memref<8x64xf32, #tpu.memory_space<hbm>>) target(%dma_start3A_89 : memref<8x64xf32, #tpu.memory_space<vmem>>) target_semaphore(%arg19 : memref<!tpu.dma_semaphore, #tpu.memory_space<semaphore_mem>>)
    %slice3A_94 = vector.extract_strided_slice %shift_right_logical3A_15 {offsets = [2], sizes = [1], strides = [1]} : vector<16xi32> to vector<1xi32>
    %squeeze3A_95 = vector.extract %slice3A_94[0] : i32 from vector<1xi32>
    %dma_start3A_96 = arith.constant 2 : i32
    %dma_start3A_97 = arith.constant 0 : i32
    %dma_start3A_98 = arith.constant 0 : i32
    %dma_start3A_99 = tpu.memref_slice %arg11[%dma_start3A_96, %dma_start3A_97, %dma_start3A_98] : memref<16x8x64xf32, #tpu.memory_space<vmem>> -> memref<1x8x64xf32, #tpu.memory_space<vmem>>
    %dma_start3A_100 = tpu.memref_squeeze %dma_start3A_99 : memref<1x8x64xf32, #tpu.memory_space<vmem>> -> memref<8x64xf32, #tpu.memory_space<vmem>>
    %dma_start3A_101 = arith.constant 0 : i32
    %dma_start3A_102 = arith.constant 0 : i32
    %dma_start3A_103 = tpu.memref_slice %arg4[%squeeze3A_95, %dma_start3A_101, %dma_start3A_102] : memref<125000x8x64xf32, #tpu.memory_space<hbm>> -> memref<1x8x64xf32, #tpu.memory_space<hbm>>
    %dma_start3A_104 = tpu.memref_squeeze %dma_start3A_103 : memref<1x8x64xf32, #tpu.memory_space<hbm>> -> memref<8x64xf32, #tpu.memory_space<hbm>>
    %dma_start3A_105 = arith.constant 0 : i32
    %dma_start3A_106 = arith.constant 0 : i32
    %dma_start3A_107 = tpu.memref_slice %arg11[%dma_start3A_96, %dma_start3A_105, %dma_start3A_106] : memref<16x8x64xf32, #tpu.memory_space<vmem>> -> memref<1x8x64xf32, #tpu.memory_space<vmem>>
    %dma_start3A_108 = tpu.memref_squeeze %dma_start3A_107 : memref<1x8x64xf32, #tpu.memory_space<vmem>> -> memref<8x64xf32, #tpu.memory_space<vmem>>
    %dma_start3A_109 = arith.constant 0 : i32
    %dma_start3A_110 = arith.constant 0 : i32
    %dma_start3A_111 = tpu.memref_slice %arg4[%squeeze3A_95, %dma_start3A_109, %dma_start3A_110] : memref<125000x8x64xf32, #tpu.memory_space<hbm>> -> memref<1x8x64xf32, #tpu.memory_space<hbm>>
    %dma_start3A_112 = tpu.memref_squeeze %dma_start3A_111 : memref<1x8x64xf32, #tpu.memory_space<hbm>> -> memref<8x64xf32, #tpu.memory_space<hbm>>
    tpu.enqueue_dma source(%dma_start3A_112 : memref<8x64xf32, #tpu.memory_space<hbm>>) target(%dma_start3A_108 : memref<8x64xf32, #tpu.memory_space<vmem>>) target_semaphore(%arg18 : memref<!tpu.dma_semaphore, #tpu.memory_space<semaphore_mem>>)
    %slice3A_113 = vector.extract_strided_slice %shift_right_logical3A_20 {offsets = [2], sizes = [1], strides = [1]} : vector<16xi32> to vector<1xi32>
    %squeeze3A_114 = vector.extract %slice3A_113[0] : i32 from vector<1xi32>
    %dma_start3A_115 = arith.constant 2 : i32
    %dma_start3A_116 = arith.constant 0 : i32
    %dma_start3A_117 = arith.constant 0 : i32
    %dma_start3A_118 = tpu.memref_slice %arg13[%dma_start3A_115, %dma_start3A_116, %dma_start3A_117] : memref<16x8x64xf32, #tpu.memory_space<vmem>> -> memref<1x8x64xf32, #tpu.memory_space<vmem>>
    %dma_start3A_119 = tpu.memref_squeeze %dma_start3A_118 : memref<1x8x64xf32, #tpu.memory_space<vmem>> -> memref<8x64xf32, #tpu.memory_space<vmem>>
    %dma_start3A_120 = arith.constant 0 : i32
    %dma_start3A_121 = arith.constant 0 : i32
    %dma_start3A_122 = tpu.memref_slice %arg5[%squeeze3A_114, %dma_start3A_120, %dma_start3A_121] : memref<125000x8x64xf32, #tpu.memory_space<hbm>> -> memref<1x8x64xf32, #tpu.memory_space<hbm>>
    %dma_start3A_123 = tpu.memref_squeeze %dma_start3A_122 : memref<1x8x64xf32, #tpu.memory_space<hbm>> -> memref<8x64xf32, #tpu.memory_space<hbm>>
    %dma_start3A_124 = arith.constant 0 : i32
    %dma_start3A_125 = arith.constant 0 : i32
    %dma_start3A_126 = tpu.memref_slice %arg13[%dma_start3A_115, %dma_start3A_124, %dma_start3A_125] : memref<16x8x64xf32, #tpu.memory_space<vmem>> -> memref<1x8x64xf32, #tpu.memory_space<vmem>>
    %dma_start3A_127 = tpu.memref_squeeze %dma_start3A_126 : memref<1x8x64xf32, #tpu.memory_space<vmem>> -> memref<8x64xf32, #tpu.memory_space<vmem>>
    %dma_start3A_128 = arith.constant 0 : i32
    %dma_start3A_129 = arith.constant 0 : i32
    %dma_start3A_130 = tpu.memref_slice %arg5[%squeeze3A_114, %dma_start3A_128, %dma_start3A_129] : memref<125000x8x64xf32, #tpu.memory_space<hbm>> -> memref<1x8x64xf32, #tpu.memory_space<hbm>>
    %dma_start3A_131 = tpu.memref_squeeze %dma_start3A_130 : memref<1x8x64xf32, #tpu.memory_space<hbm>> -> memref<8x64xf32, #tpu.memory_space<hbm>>
    tpu.enqueue_dma source(%dma_start3A_131 : memref<8x64xf32, #tpu.memory_space<hbm>>) target(%dma_start3A_127 : memref<8x64xf32, #tpu.memory_space<vmem>>) target_semaphore(%arg19 : memref<!tpu.dma_semaphore, #tpu.memory_space<semaphore_mem>>)
    %slice3A_132 = vector.extract_strided_slice %shift_right_logical3A_15 {offsets = [3], sizes = [1], strides = [1]} : vector<16xi32> to vector<1xi32>
    %squeeze3A_133 = vector.extract %slice3A_132[0] : i32 from vector<1xi32>
    %dma_start3A_134 = arith.constant 3 : i32
    %dma_start3A_135 = arith.constant 0 : i32
    %dma_start3A_136 = arith.constant 0 : i32
    %dma_start3A_137 = tpu.memref_slice %arg11[%dma_start3A_134, %dma_start3A_135, %dma_start3A_136] : memref<16x8x64xf32, #tpu.memory_space<vmem>> -> memref<1x8x64xf32, #tpu.memory_space<vmem>>
    %dma_start3A_138 = tpu.memref_squeeze %dma_start3A_137 : memref<1x8x64xf32, #tpu.memory_space<vmem>> -> memref<8x64xf32, #tpu.memory_space<vmem>>
    %dma_start3A_139 = arith.constant 0 : i32
    %dma_start3A_140 = arith.constant 0 : i32
    %dma_start3A_141 = tpu.memref_slice %arg4[%squeeze3A_133, %dma_start3A_139, %dma_start3A_140] : memref<125000x8x64xf32, #tpu.memory_space<hbm>> -> memref<1x8x64xf32, #tpu.memory_space<hbm>>
    %dma_start3A_142 = tpu.memref_squeeze %dma_start3A_141 : memref<1x8x64xf32, #tpu.memory_space<hbm>> -> memref<8x64xf32, #tpu.memory_space<hbm>>
    %dma_start3A_143 = arith.constant 0 : i32
    %dma_start3A_144 = arith.constant 0 : i32
    %dma_start3A_145 = tpu.memref_slice %arg11[%dma_start3A_134, %dma_start3A_143, %dma_start3A_144] : memref<16x8x64xf32, #tpu.memory_space<vmem>> -> memref<1x8x64xf32, #tpu.memory_space<vmem>>
    %dma_start3A_146 = tpu.memref_squeeze %dma_start3A_145 : memref<1x8x64xf32, #tpu.memory_space<vmem>> -> memref<8x64xf32, #tpu.memory_space<vmem>>
    %dma_start3A_147 = arith.constant 0 : i32
    %dma_start3A_148 = arith.constant 0 : i32
    %dma_start3A_149 = tpu.memref_slice %arg4[%squeeze3A_133, %dma_start3A_147, %dma_start3A_148] : memref<125000x8x64xf32, #tpu.memory_space<hbm>> -> memref<1x8x64xf32, #tpu.memory_space<hbm>>
    %dma_start3A_150 = tpu.memref_squeeze %dma_start3A_149 : memref<1x8x64xf32, #tpu.memory_space<hbm>> -> memref<8x64xf32, #tpu.memory_space<hbm>>
    tpu.enqueue_dma source(%dma_start3A_150 : memref<8x64xf32, #tpu.memory_space<hbm>>) target(%dma_start3A_146 : memref<8x64xf32, #tpu.memory_space<vmem>>) target_semaphore(%arg18 : memref<!tpu.dma_semaphore, #tpu.memory_space<semaphore_mem>>)
    %slice3A_151 = vector.extract_strided_slice %shift_right_logical3A_20 {offsets = [3], sizes = [1], strides = [1]} : vector<16xi32> to vector<1xi32>
    %squeeze3A_152 = vector.extract %slice3A_151[0] : i32 from vector<1xi32>
    %dma_start3A_153 = arith.constant 3 : i32
    %dma_start3A_154 = arith.constant 0 : i32
    %dma_start3A_155 = arith.constant 0 : i32
    %dma_start3A_156 = tpu.memref_slice %arg13[%dma_start3A_153, %dma_start3A_154, %dma_start3A_155] : memref<16x8x64xf32, #tpu.memory_space<vmem>> -> memref<1x8x64xf32, #tpu.memory_space<vmem>>
    %dma_start3A_157 = tpu.memref_squeeze %dma_start3A_156 : memref<1x8x64xf32, #tpu.memory_space<vmem>> -> memref<8x64xf32, #tpu.memory_space<vmem>>
    %dma_start3A_158 = arith.constant 0 : i32
    %dma_start3A_159 = arith.constant 0 : i32
    %dma_start3A_160 = tpu.memref_slice %arg5[%squeeze3A_152, %dma_start3A_158, %dma_start3A_159] : memref<125000x8x64xf32, #tpu.memory_space<hbm>> -> memref<1x8x64xf32, #tpu.memory_space<hbm>>
    %dma_start3A_161 = tpu.memref_squeeze %dma_start3A_160 : memref<1x8x64xf32, #tpu.memory_space<hbm>> -> memref<8x64xf32, #tpu.memory_space<hbm>>
    %dma_start3A_162 = arith.constant 0 : i32
    %dma_start3A_163 = arith.constant 0 : i32
    %dma_start3A_164 = tpu.memref_slice %arg13[%dma_start3A_153, %dma_start3A_162, %dma_start3A_163] : memref<16x8x64xf32, #tpu.memory_space<vmem>> -> memref<1x8x64xf32, #tpu.memory_space<vmem>>
    %dma_start3A_165 = tpu.memref_squeeze %dma_start3A_164 : memref<1x8x64xf32, #tpu.memory_space<vmem>> -> memref<8x64xf32, #tpu.memory_space<vmem>>
    %dma_start3A_166 = arith.constant 0 : i32
    %dma_start3A_167 = arith.constant 0 : i32
    %dma_start3A_168 = tpu.memref_slice %arg5[%squeeze3A_152, %dma_start3A_166, %dma_start3A_167] : memref<125000x8x64xf32, #tpu.memory_space<hbm>> -> memref<1x8x64xf32, #tpu.memory_space<hbm>>
    %dma_start3A_169 = tpu.memref_squeeze %dma_start3A_168 : memref<1x8x64xf32, #tpu.memory_space<hbm>> -> memref<8x64xf32, #tpu.memory_space<hbm>>
    tpu.enqueue_dma source(%dma_start3A_169 : memref<8x64xf32, #tpu.memory_space<hbm>>) target(%dma_start3A_165 : memref<8x64xf32, #tpu.memory_space<vmem>>) target_semaphore(%arg19 : memref<!tpu.dma_semaphore, #tpu.memory_space<semaphore_mem>>)
    %slice3A_170 = vector.extract_strided_slice %shift_right_logical3A_15 {offsets = [4], sizes = [1], strides = [1]} : vector<16xi32> to vector<1xi32>
    %squeeze3A_171 = vector.extract %slice3A_170[0] : i32 from vector<1xi32>
    %dma_start3A_172 = arith.constant 4 : i32
    %dma_start3A_173 = arith.constant 0 : i32
    %dma_start3A_174 = arith.constant 0 : i32
    %dma_start3A_175 = tpu.memref_slice %arg11[%dma_start3A_172, %dma_start3A_173, %dma_start3A_174] : memref<16x8x64xf32, #tpu.memory_space<vmem>> -> memref<1x8x64xf32, #tpu.memory_space<vmem>>
    %dma_start3A_176 = tpu.memref_squeeze %dma_start3A_175 : memref<1x8x64xf32, #tpu.memory_space<vmem>> -> memref<8x64xf32, #tpu.memory_space<vmem>>
    %dma_start3A_177 = arith.constant 0 : i32
    %dma_start3A_178 = arith.constant 0 : i32
    %dma_start3A_179 = tpu.memref_slice %arg4[%squeeze3A_171, %dma_start3A_177, %dma_start3A_178] : memref<125000x8x64xf32, #tpu.memory_space<hbm>> -> memref<1x8x64xf32, #tpu.memory_space<hbm>>
    %dma_start3A_180 = tpu.memref_squeeze %dma_start3A_179 : memref<1x8x64xf32, #tpu.memory_space<hbm>> -> memref<8x64xf32, #tpu.memory_space<hbm>>
    %dma_start3A_181 = arith.constant 0 : i32
    %dma_start3A_182 = arith.constant 0 : i32
    %dma_start3A_183 = tpu.memref_slice %arg11[%dma_start3A_172, %dma_start3A_181, %dma_start3A_182] : memref<16x8x64xf32, #tpu.memory_space<vmem>> -> memref<1x8x64xf32, #tpu.memory_space<vmem>>
    %dma_start3A_184 = tpu.memref_squeeze %dma_start3A_183 : memref<1x8x64xf32, #tpu.memory_space<vmem>> -> memref<8x64xf32, #tpu.memory_space<vmem>>
    %dma_start3A_185 = arith.constant 0 : i32
    %dma_start3A_186 = arith.constant 0 : i32
    %dma_start3A_187 = tpu.memref_slice %arg4[%squeeze3A_171, %dma_start3A_185, %dma_start3A_186] : memref<125000x8x64xf32, #tpu.memory_space<hbm>> -> memref<1x8x64xf32, #tpu.memory_space<hbm>>
    %dma_start3A_188 = tpu.memref_squeeze %dma_start3A_187 : memref<1x8x64xf32, #tpu.memory_space<hbm>> -> memref<8x64xf32, #tpu.memory_space<hbm>>
    tpu.enqueue_dma source(%dma_start3A_188 : memref<8x64xf32, #tpu.memory_space<hbm>>) target(%dma_start3A_184 : memref<8x64xf32, #tpu.memory_space<vmem>>) target_semaphore(%arg18 : memref<!tpu.dma_semaphore, #tpu.memory_space<semaphore_mem>>)
    %slice3A_189 = vector.extract_strided_slice %shift_right_logical3A_20 {offsets = [4], sizes = [1], strides = [1]} : vector<16xi32> to vector<1xi32>
    %squeeze3A_190 = vector.extract %slice3A_189[0] : i32 from vector<1xi32>
    %dma_start3A_191 = arith.constant 4 : i32
    %dma_start3A_192 = arith.constant 0 : i32
    %dma_start3A_193 = arith.constant 0 : i32
    %dma_start3A_194 = tpu.memref_slice %arg13[%dma_start3A_191, %dma_start3A_192, %dma_start3A_193] : memref<16x8x64xf32, #tpu.memory_space<vmem>> -> memref<1x8x64xf32, #tpu.memory_space<vmem>>
    %dma_start3A_195 = tpu.memref_squeeze %dma_start3A_194 : memref<1x8x64xf32, #tpu.memory_space<vmem>> -> memref<8x64xf32, #tpu.memory_space<vmem>>
    %dma_start3A_196 = arith.constant 0 : i32
    %dma_start3A_197 = arith.constant 0 : i32
    %dma_start3A_198 = tpu.memref_slice %arg5[%squeeze3A_190, %dma_start3A_196, %dma_start3A_197] : memref<125000x8x64xf32, #tpu.memory_space<hbm>> -> memref<1x8x64xf32, #tpu.memory_space<hbm>>
    %dma_start3A_199 = tpu.memref_squeeze %dma_start3A_198 : memref<1x8x64xf32, #tpu.memory_space<hbm>> -> memref<8x64xf32, #tpu.memory_space<hbm>>
    %dma_start3A_200 = arith.constant 0 : i32
    %dma_start3A_201 = arith.constant 0 : i32
    %dma_start3A_202 = tpu.memref_slice %arg13[%dma_start3A_191, %dma_start3A_200, %dma_start3A_201] : memref<16x8x64xf32, #tpu.memory_space<vmem>> -> memref<1x8x64xf32, #tpu.memory_space<vmem>>
    %dma_start3A_203 = tpu.memref_squeeze %dma_start3A_202 : memref<1x8x64xf32, #tpu.memory_space<vmem>> -> memref<8x64xf32, #tpu.memory_space<vmem>>
    %dma_start3A_204 = arith.constant 0 : i32
    %dma_start3A_205 = arith.constant 0 : i32
    %dma_start3A_206 = tpu.memref_slice %arg5[%squeeze3A_190, %dma_start3A_204, %dma_start3A_205] : memref<125000x8x64xf32, #tpu.memory_space<hbm>> -> memref<1x8x64xf32, #tpu.memory_space<hbm>>
    %dma_start3A_207 = tpu.memref_squeeze %dma_start3A_206 : memref<1x8x64xf32, #tpu.memory_space<hbm>> -> memref<8x64xf32, #tpu.memory_space<hbm>>
    tpu.enqueue_dma source(%dma_start3A_207 : memref<8x64xf32, #tpu.memory_space<hbm>>) target(%dma_start3A_203 : memref<8x64xf32, #tpu.memory_space<vmem>>) target_semaphore(%arg19 : memref<!tpu.dma_semaphore, #tpu.memory_space<semaphore_mem>>)
    %slice3A_208 = vector.extract_strided_slice %shift_right_logical3A_15 {offsets = [5], sizes = [1], strides = [1]} : vector<16xi32> to vector<1xi32>
    %squeeze3A_209 = vector.extract %slice3A_208[0] : i32 from vector<1xi32>
    %dma_start3A_210 = arith.constant 5 : i32
    %dma_start3A_211 = arith.constant 0 : i32
    %dma_start3A_212 = arith.constant 0 : i32
    %dma_start3A_213 = tpu.memref_slice %arg11[%dma_start3A_210, %dma_start3A_211, %dma_start3A_212] : memref<16x8x64xf32, #tpu.memory_space<vmem>> -> memref<1x8x64xf32, #tpu.memory_space<vmem>>
    %dma_start3A_214 = tpu.memref_squeeze %dma_start3A_213 : memref<1x8x64xf32, #tpu.memory_space<vmem>> -> memref<8x64xf32, #tpu.memory_space<vmem>>
    %dma_start3A_215 = arith.constant 0 : i32
    %dma_start3A_216 = arith.constant 0 : i32
    %dma_start3A_217 = tpu.memref_slice %arg4[%squeeze3A_209, %dma_start3A_215, %dma_start3A_216] : memref<125000x8x64xf32, #tpu.memory_space<hbm>> -> memref<1x8x64xf32, #tpu.memory_space<hbm>>
    %dma_start3A_218 = tpu.memref_squeeze %dma_start3A_217 : memref<1x8x64xf32, #tpu.memory_space<hbm>> -> memref<8x64xf32, #tpu.memory_space<hbm>>
    %dma_start3A_219 = arith.constant 0 : i32
    %dma_start3A_220 = arith.constant 0 : i32
    %dma_start3A_221 = tpu.memref_slice %arg11[%dma_start3A_210, %dma_start3A_219, %dma_start3A_220] : memref<16x8x64xf32, #tpu.memory_space<vmem>> -> memref<1x8x64xf32, #tpu.memory_space<vmem>>
    %dma_start3A_222 = tpu.memref_squeeze %dma_start3A_221 : memref<1x8x64xf32, #tpu.memory_space<vmem>> -> memref<8x64xf32, #tpu.memory_space<vmem>>
    %dma_start3A_223 = arith.constant 0 : i32
    %dma_start3A_224 = arith.constant 0 : i32
    %dma_start3A_225 = tpu.memref_slice %arg4[%squeeze3A_209, %dma_start3A_223, %dma_start3A_224] : memref<125000x8x64xf32, #tpu.memory_space<hbm>> -> memref<1x8x64xf32, #tpu.memory_space<hbm>>
    %dma_start3A_226 = tpu.memref_squeeze %dma_start3A_225 : memref<1x8x64xf32, #tpu.memory_space<hbm>> -> memref<8x64xf32, #tpu.memory_space<hbm>>
    tpu.enqueue_dma source(%dma_start3A_226 : memref<8x64xf32, #tpu.memory_space<hbm>>) target(%dma_start3A_222 : memref<8x64xf32, #tpu.memory_space<vmem>>) target_semaphore(%arg18 : memref<!tpu.dma_semaphore, #tpu.memory_space<semaphore_mem>>)
    %slice3A_227 = vector.extract_strided_slice %shift_right_logical3A_20 {offsets = [5], sizes = [1], strides = [1]} : vector<16xi32> to vector<1xi32>
    %squeeze3A_228 = vector.extract %slice3A_227[0] : i32 from vector<1xi32>
    %dma_start3A_229 = arith.constant 5 : i32
    %dma_start3A_230 = arith.constant 0 : i32
    %dma_start3A_231 = arith.constant 0 : i32
    %dma_start3A_232 = tpu.memref_slice %arg13[%dma_start3A_229, %dma_start3A_230, %dma_start3A_231] : memref<16x8x64xf32, #tpu.memory_space<vmem>> -> memref<1x8x64xf32, #tpu.memory_space<vmem>>
    %dma_start3A_233 = tpu.memref_squeeze %dma_start3A_232 : memref<1x8x64xf32, #tpu.memory_space<vmem>> -> memref<8x64xf32, #tpu.memory_space<vmem>>
    %dma_start3A_234 = arith.constant 0 : i32
    %dma_start3A_235 = arith.constant 0 : i32
    %dma_start3A_236 = tpu.memref_slice %arg5[%squeeze3A_228, %dma_start3A_234, %dma_start3A_235] : memref<125000x8x64xf32, #tpu.memory_space<hbm>> -> memref<1x8x64xf32, #tpu.memory_space<hbm>>
    %dma_start3A_237 = tpu.memref_squeeze %dma_start3A_236 : memref<1x8x64xf32, #tpu.memory_space<hbm>> -> memref<8x64xf32, #tpu.memory_space<hbm>>
    %dma_start3A_238 = arith.constant 0 : i32
    %dma_start3A_239 = arith.constant 0 : i32
    %dma_start3A_240 = tpu.memref_slice %arg13[%dma_start3A_229, %dma_start3A_238, %dma_start3A_239] : memref<16x8x64xf32, #tpu.memory_space<vmem>> -> memref<1x8x64xf32, #tpu.memory_space<vmem>>
    %dma_start3A_241 = tpu.memref_squeeze %dma_start3A_240 : memref<1x8x64xf32, #tpu.memory_space<vmem>> -> memref<8x64xf32, #tpu.memory_space<vmem>>
    %dma_start3A_242 = arith.constant 0 : i32
    %dma_start3A_243 = arith.constant 0 : i32
    %dma_start3A_244 = tpu.memref_slice %arg5[%squeeze3A_228, %dma_start3A_242, %dma_start3A_243] : memref<125000x8x64xf32, #tpu.memory_space<hbm>> -> memref<1x8x64xf32, #tpu.memory_space<hbm>>
    %dma_start3A_245 = tpu.memref_squeeze %dma_start3A_244 : memref<1x8x64xf32, #tpu.memory_space<hbm>> -> memref<8x64xf32, #tpu.memory_space<hbm>>
    tpu.enqueue_dma source(%dma_start3A_245 : memref<8x64xf32, #tpu.memory_space<hbm>>) target(%dma_start3A_241 : memref<8x64xf32, #tpu.memory_space<vmem>>) target_semaphore(%arg19 : memref<!tpu.dma_semaphore, #tpu.memory_space<semaphore_mem>>)
    %slice3A_246 = vector.extract_strided_slice %shift_right_logical3A_15 {offsets = [6], sizes = [1], strides = [1]} : vector<16xi32> to vector<1xi32>
    %squeeze3A_247 = vector.extract %slice3A_246[0] : i32 from vector<1xi32>
    %dma_start3A_248 = arith.constant 6 : i32
    %dma_start3A_249 = arith.constant 0 : i32
    %dma_start3A_250 = arith.constant 0 : i32
    %dma_start3A_251 = tpu.memref_slice %arg11[%dma_start3A_248, %dma_start3A_249, %dma_start3A_250] : memref<16x8x64xf32, #tpu.memory_space<vmem>> -> memref<1x8x64xf32, #tpu.memory_space<vmem>>
    %dma_start3A_252 = tpu.memref_squeeze %dma_start3A_251 : memref<1x8x64xf32, #tpu.memory_space<vmem>> -> memref<8x64xf32, #tpu.memory_space<vmem>>
    %dma_start3A_253 = arith.constant 0 : i32
    %dma_start3A_254 = arith.constant 0 : i32
    %dma_start3A_255 = tpu.memref_slice %arg4[%squeeze3A_247, %dma_start3A_253, %dma_start3A_254] : memref<125000x8x64xf32, #tpu.memory_space<hbm>> -> memref<1x8x64xf32, #tpu.memory_space<hbm>>
    %dma_start3A_256 = tpu.memref_squeeze %dma_start3A_255 : memref<1x8x64xf32, #tpu.memory_space<hbm>> -> memref<8x64xf32, #tpu.memory_space<hbm>>
    %dma_start3A_257 = arith.constant 0 : i32
    %dma_start3A_258 = arith.constant 0 : i32
    %dma_start3A_259 = tpu.memref_slice %arg11[%dma_start3A_248, %dma_start3A_257, %dma_start3A_258] : memref<16x8x64xf32, #tpu.memory_space<vmem>> -> memref<1x8x64xf32, #tpu.memory_space<vmem>>
    %dma_start3A_260 = tpu.memref_squeeze %dma_start3A_259 : memref<1x8x64xf32, #tpu.memory_space<vmem>> -> memref<8x64xf32, #tpu.memory_space<vmem>>
    %dma_start3A_261 = arith.constant 0 : i32
    %dma_start3A_262 = arith.constant 0 : i32
    %dma_start3A_263 = tpu.memref_slice %arg4[%squeeze3A_247, %dma_start3A_261, %dma_start3A_262] : memref<125000x8x64xf32, #tpu.memory_space<hbm>> -> memref<1x8x64xf32, #tpu.memory_space<hbm>>
    %dma_start3A_264 = tpu.memref_squeeze %dma_start3A_263 : memref<1x8x64xf32, #tpu.memory_space<hbm>> -> memref<8x64xf32, #tpu.memory_space<hbm>>
    tpu.enqueue_dma source(%dma_start3A_264 : memref<8x64xf32, #tpu.memory_space<hbm>>) target(%dma_start3A_260 : memref<8x64xf32, #tpu.memory_space<vmem>>) target_semaphore(%arg18 : memref<!tpu.dma_semaphore, #tpu.memory_space<semaphore_mem>>)
    %slice3A_265 = vector.extract_strided_slice %shift_right_logical3A_20 {offsets = [6], sizes = [1], strides = [1]} : vector<16xi32> to vector<1xi32>
    %squeeze3A_266 = vector.extract %slice3A_265[0] : i32 from vector<1xi32>
    %dma_start3A_267 = arith.constant 6 : i32
    %dma_start3A_268 = arith.constant 0 : i32
    %dma_start3A_269 = arith.constant 0 : i32
    %dma_start3A_270 = tpu.memref_slice %arg13[%dma_start3A_267, %dma_start3A_268, %dma_start3A_269] : memref<16x8x64xf32, #tpu.memory_space<vmem>> -> memref<1x8x64xf32, #tpu.memory_space<vmem>>
    %dma_start3A_271 = tpu.memref_squeeze %dma_start3A_270 : memref<1x8x64xf32, #tpu.memory_space<vmem>> -> memref<8x64xf32, #tpu.memory_space<vmem>>
    %dma_start3A_272 = arith.constant 0 : i32
    %dma_start3A_273 = arith.constant 0 : i32
    %dma_start3A_274 = tpu.memref_slice %arg5[%squeeze3A_266, %dma_start3A_272, %dma_start3A_273] : memref<125000x8x64xf32, #tpu.memory_space<hbm>> -> memref<1x8x64xf32, #tpu.memory_space<hbm>>
    %dma_start3A_275 = tpu.memref_squeeze %dma_start3A_274 : memref<1x8x64xf32, #tpu.memory_space<hbm>> -> memref<8x64xf32, #tpu.memory_space<hbm>>
    %dma_start3A_276 = arith.constant 0 : i32
    %dma_start3A_277 = arith.constant 0 : i32
    %dma_start3A_278 = tpu.memref_slice %arg13[%dma_start3A_267, %dma_start3A_276, %dma_start3A_277] : memref<16x8x64xf32, #tpu.memory_space<vmem>> -> memref<1x8x64xf32, #tpu.memory_space<vmem>>
    %dma_start3A_279 = tpu.memref_squeeze %dma_start3A_278 : memref<1x8x64xf32, #tpu.memory_space<vmem>> -> memref<8x64xf32, #tpu.memory_space<vmem>>
    %dma_start3A_280 = arith.constant 0 : i32
    %dma_start3A_281 = arith.constant 0 : i32
    %dma_start3A_282 = tpu.memref_slice %arg5[%squeeze3A_266, %dma_start3A_280, %dma_start3A_281] : memref<125000x8x64xf32, #tpu.memory_space<hbm>> -> memref<1x8x64xf32, #tpu.memory_space<hbm>>
    %dma_start3A_283 = tpu.memref_squeeze %dma_start3A_282 : memref<1x8x64xf32, #tpu.memory_space<hbm>> -> memref<8x64xf32, #tpu.memory_space<hbm>>
    tpu.enqueue_dma source(%dma_start3A_283 : memref<8x64xf32, #tpu.memory_space<hbm>>) target(%dma_start3A_279 : memref<8x64xf32, #tpu.memory_space<vmem>>) target_semaphore(%arg19 : memref<!tpu.dma_semaphore, #tpu.memory_space<semaphore_mem>>)
    %slice3A_284 = vector.extract_strided_slice %shift_right_logical3A_15 {offsets = [7], sizes = [1], strides = [1]} : vector<16xi32> to vector<1xi32>
    %squeeze3A_285 = vector.extract %slice3A_284[0] : i32 from vector<1xi32>
    %dma_start3A_286 = arith.constant 7 : i32
    %dma_start3A_287 = arith.constant 0 : i32
    %dma_start3A_288 = arith.constant 0 : i32
    %dma_start3A_289 = tpu.memref_slice %arg11[%dma_start3A_286, %dma_start3A_287, %dma_start3A_288] : memref<16x8x64xf32, #tpu.memory_space<vmem>> -> memref<1x8x64xf32, #tpu.memory_space<vmem>>
    %dma_start3A_290 = tpu.memref_squeeze %dma_start3A_289 : memref<1x8x64xf32, #tpu.memory_space<vmem>> -> memref<8x64xf32, #tpu.memory_space<vmem>>
    %dma_start3A_291 = arith.constant 0 : i32
    %dma_start3A_292 = arith.constant 0 : i32
    %dma_start3A_293 = tpu.memref_slice %arg4[%squeeze3A_285, %dma_start3A_291, %dma_start3A_292] : memref<125000x8x64xf32, #tpu.memory_space<hbm>> -> memref<1x8x64xf32, #tpu.memory_space<hbm>>
    %dma_start3A_294 = tpu.memref_squeeze %dma_start3A_293 : memref<1x8x64xf32, #tpu.memory_space<hbm>> -> memref<8x64xf32, #tpu.memory_space<hbm>>
    %dma_start3A_295 = arith.constant 0 : i32
    %dma_start3A_296 = arith.constant 0 : i32
    %dma_start3A_297 = tpu.memref_slice %arg11[%dma_start3A_286, %dma_start3A_295, %dma_start3A_296] : memref<16x8x64xf32, #tpu.memory_space<vmem>> -> memref<1x8x64xf32, #tpu.memory_space<vmem>>
    %dma_start3A_298 = tpu.memref_squeeze %dma_start3A_297 : memref<1x8x64xf32, #tpu.memory_space<vmem>> -> memref<8x64xf32, #tpu.memory_space<vmem>>
    %dma_start3A_299 = arith.constant 0 : i32
    %dma_start3A_300 = arith.constant 0 : i32
    %dma_start3A_301 = tpu.memref_slice %arg4[%squeeze3A_285, %dma_start3A_299, %dma_start3A_300] : memref<125000x8x64xf32, #tpu.memory_space<hbm>> -> memref<1x8x64xf32, #tpu.memory_space<hbm>>
    %dma_start3A_302 = tpu.memref_squeeze %dma_start3A_301 : memref<1x8x64xf32, #tpu.memory_space<hbm>> -> memref<8x64xf32, #tpu.memory_space<hbm>>
    tpu.enqueue_dma source(%dma_start3A_302 : memref<8x64xf32, #tpu.memory_space<hbm>>) target(%dma_start3A_298 : memref<8x64xf32, #tpu.memory_space<vmem>>) target_semaphore(%arg18 : memref<!tpu.dma_semaphore, #tpu.memory_space<semaphore_mem>>)
    %slice3A_303 = vector.extract_strided_slice %shift_right_logical3A_20 {offsets = [7], sizes = [1], strides = [1]} : vector<16xi32> to vector<1xi32>
    %squeeze3A_304 = vector.extract %slice3A_303[0] : i32 from vector<1xi32>
    %dma_start3A_305 = arith.constant 7 : i32
    %dma_start3A_306 = arith.constant 0 : i32
    %dma_start3A_307 = arith.constant 0 : i32
    %dma_start3A_308 = tpu.memref_slice %arg13[%dma_start3A_305, %dma_start3A_306, %dma_start3A_307] : memref<16x8x64xf32, #tpu.memory_space<vmem>> -> memref<1x8x64xf32, #tpu.memory_space<vmem>>
    %dma_start3A_309 = tpu.memref_squeeze %dma_start3A_308 : memref<1x8x64xf32, #tpu.memory_space<vmem>> -> memref<8x64xf32, #tpu.memory_space<vmem>>
    %dma_start3A_310 = arith.constant 0 : i32
    %dma_start3A_311 = arith.constant 0 : i32
    %dma_start3A_312 = tpu.memref_slice %arg5[%squeeze3A_304, %dma_start3A_310, %dma_start3A_311] : memref<125000x8x64xf32, #tpu.memory_space<hbm>> -> memref<1x8x64xf32, #tpu.memory_space<hbm>>
    %dma_start3A_313 = tpu.memref_squeeze %dma_start3A_312 : memref<1x8x64xf32, #tpu.memory_space<hbm>> -> memref<8x64xf32, #tpu.memory_space<hbm>>
    %dma_start3A_314 = arith.constant 0 : i32
    %dma_start3A_315 = arith.constant 0 : i32
    %dma_start3A_316 = tpu.memref_slice %arg13[%dma_start3A_305, %dma_start3A_314, %dma_start3A_315] : memref<16x8x64xf32, #tpu.memory_space<vmem>> -> memref<1x8x64xf32, #tpu.memory_space<vmem>>
    %dma_start3A_317 = tpu.memref_squeeze %dma_start3A_316 : memref<1x8x64xf32, #tpu.memory_space<vmem>> -> memref<8x64xf32, #tpu.memory_space<vmem>>
    %dma_start3A_318 = arith.constant 0 : i32
    %dma_start3A_319 = arith.constant 0 : i32
    %dma_start3A_320 = tpu.memref_slice %arg5[%squeeze3A_304, %dma_start3A_318, %dma_start3A_319] : memref<125000x8x64xf32, #tpu.memory_space<hbm>> -> memref<1x8x64xf32, #tpu.memory_space<hbm>>
    %dma_start3A_321 = tpu.memref_squeeze %dma_start3A_320 : memref<1x8x64xf32, #tpu.memory_space<hbm>> -> memref<8x64xf32, #tpu.memory_space<hbm>>
    tpu.enqueue_dma source(%dma_start3A_321 : memref<8x64xf32, #tpu.memory_space<hbm>>) target(%dma_start3A_317 : memref<8x64xf32, #tpu.memory_space<vmem>>) target_semaphore(%arg19 : memref<!tpu.dma_semaphore, #tpu.memory_space<semaphore_mem>>)
    %slice3A_322 = vector.extract_strided_slice %shift_right_logical3A_15 {offsets = [8], sizes = [1], strides = [1]} : vector<16xi32> to vector<1xi32>
    %squeeze3A_323 = vector.extract %slice3A_322[0] : i32 from vector<1xi32>
    %dma_start3A_324 = arith.constant 8 : i32
    %dma_start3A_325 = arith.constant 0 : i32
    %dma_start3A_326 = arith.constant 0 : i32
    %dma_start3A_327 = tpu.memref_slice %arg11[%dma_start3A_324, %dma_start3A_325, %dma_start3A_326] : memref<16x8x64xf32, #tpu.memory_space<vmem>> -> memref<1x8x64xf32, #tpu.memory_space<vmem>>
    %dma_start3A_328 = tpu.memref_squeeze %dma_start3A_327 : memref<1x8x64xf32, #tpu.memory_space<vmem>> -> memref<8x64xf32, #tpu.memory_space<vmem>>
    %dma_start3A_329 = arith.constant 0 : i32
    %dma_start3A_330 = arith.constant 0 : i32
    %dma_start3A_331 = tpu.memref_slice %arg4[%squeeze3A_323, %dma_start3A_329, %dma_start3A_330] : memref<125000x8x64xf32, #tpu.memory_space<hbm>> -> memref<1x8x64xf32, #tpu.memory_space<hbm>>
    %dma_start3A_332 = tpu.memref_squeeze %dma_start3A_331 : memref<1x8x64xf32, #tpu.memory_space<hbm>> -> memref<8x64xf32, #tpu.memory_space<hbm>>
    %dma_start3A_333 = arith.constant 0 : i32
    %dma_start3A_334 = arith.constant 0 : i32
    %dma_start3A_335 = tpu.memref_slice %arg11[%dma_start3A_324, %dma_start3A_333, %dma_start3A_334] : memref<16x8x64xf32, #tpu.memory_space<vmem>> -> memref<1x8x64xf32, #tpu.memory_space<vmem>>
    %dma_start3A_336 = tpu.memref_squeeze %dma_start3A_335 : memref<1x8x64xf32, #tpu.memory_space<vmem>> -> memref<8x64xf32, #tpu.memory_space<vmem>>
    %dma_start3A_337 = arith.constant 0 : i32
    %dma_start3A_338 = arith.constant 0 : i32
    %dma_start3A_339 = tpu.memref_slice %arg4[%squeeze3A_323, %dma_start3A_337, %dma_start3A_338] : memref<125000x8x64xf32, #tpu.memory_space<hbm>> -> memref<1x8x64xf32, #tpu.memory_space<hbm>>
    %dma_start3A_340 = tpu.memref_squeeze %dma_start3A_339 : memref<1x8x64xf32, #tpu.memory_space<hbm>> -> memref<8x64xf32, #tpu.memory_space<hbm>>
    tpu.enqueue_dma source(%dma_start3A_340 : memref<8x64xf32, #tpu.memory_space<hbm>>) target(%dma_start3A_336 : memref<8x64xf32, #tpu.memory_space<vmem>>) target_semaphore(%arg18 : memref<!tpu.dma_semaphore, #tpu.memory_space<semaphore_mem>>)
    %slice3A_341 = vector.extract_strided_slice %shift_right_logical3A_20 {offsets = [8], sizes = [1], strides = [1]} : vector<16xi32> to vector<1xi32>
    %squeeze3A_342 = vector.extract %slice3A_341[0] : i32 from vector<1xi32>
    %dma_start3A_343 = arith.constant 8 : i32
    %dma_start3A_344 = arith.constant 0 : i32
    %dma_start3A_345 = arith.constant 0 : i32
    %dma_start3A_346 = tpu.memref_slice %arg13[%dma_start3A_343, %dma_start3A_344, %dma_start3A_345] : memref<16x8x64xf32, #tpu.memory_space<vmem>> -> memref<1x8x64xf32, #tpu.memory_space<vmem>>
    %dma_start3A_347 = tpu.memref_squeeze %dma_start3A_346 : memref<1x8x64xf32, #tpu.memory_space<vmem>> -> memref<8x64xf32, #tpu.memory_space<vmem>>
    %dma_start3A_348 = arith.constant 0 : i32
    %dma_start3A_349 = arith.constant 0 : i32
    %dma_start3A_350 = tpu.memref_slice %arg5[%squeeze3A_342, %dma_start3A_348, %dma_start3A_349] : memref<125000x8x64xf32, #tpu.memory_space<hbm>> -> memref<1x8x64xf32, #tpu.memory_space<hbm>>
    %dma_start3A_351 = tpu.memref_squeeze %dma_start3A_350 : memref<1x8x64xf32, #tpu.memory_space<hbm>> -> memref<8x64xf32, #tpu.memory_space<hbm>>
    %dma_start3A_352 = arith.constant 0 : i32
    %dma_start3A_353 = arith.constant 0 : i32
    %dma_start3A_354 = tpu.memref_slice %arg13[%dma_start3A_343, %dma_start3A_352, %dma_start3A_353] : memref<16x8x64xf32, #tpu.memory_space<vmem>> -> memref<1x8x64xf32, #tpu.memory_space<vmem>>
    %dma_start3A_355 = tpu.memref_squeeze %dma_start3A_354 : memref<1x8x64xf32, #tpu.memory_space<vmem>> -> memref<8x64xf32, #tpu.memory_space<vmem>>
    %dma_start3A_356 = arith.constant 0 : i32
    %dma_start3A_357 = arith.constant 0 : i32
    %dma_start3A_358 = tpu.memref_slice %arg5[%squeeze3A_342, %dma_start3A_356, %dma_start3A_357] : memref<125000x8x64xf32, #tpu.memory_space<hbm>> -> memref<1x8x64xf32, #tpu.memory_space<hbm>>
    %dma_start3A_359 = tpu.memref_squeeze %dma_start3A_358 : memref<1x8x64xf32, #tpu.memory_space<hbm>> -> memref<8x64xf32, #tpu.memory_space<hbm>>
    tpu.enqueue_dma source(%dma_start3A_359 : memref<8x64xf32, #tpu.memory_space<hbm>>) target(%dma_start3A_355 : memref<8x64xf32, #tpu.memory_space<vmem>>) target_semaphore(%arg19 : memref<!tpu.dma_semaphore, #tpu.memory_space<semaphore_mem>>)
    %slice3A_360 = vector.extract_strided_slice %shift_right_logical3A_15 {offsets = [9], sizes = [1], strides = [1]} : vector<16xi32> to vector<1xi32>
    %squeeze3A_361 = vector.extract %slice3A_360[0] : i32 from vector<1xi32>
    %dma_start3A_362 = arith.constant 9 : i32
    %dma_start3A_363 = arith.constant 0 : i32
    %dma_start3A_364 = arith.constant 0 : i32
    %dma_start3A_365 = tpu.memref_slice %arg11[%dma_start3A_362, %dma_start3A_363, %dma_start3A_364] : memref<16x8x64xf32, #tpu.memory_space<vmem>> -> memref<1x8x64xf32, #tpu.memory_space<vmem>>
    %dma_start3A_366 = tpu.memref_squeeze %dma_start3A_365 : memref<1x8x64xf32, #tpu.memory_space<vmem>> -> memref<8x64xf32, #tpu.memory_space<vmem>>
    %dma_start3A_367 = arith.constant 0 : i32
    %dma_start3A_368 = arith.constant 0 : i32
    %dma_start3A_369 = tpu.memref_slice %arg4[%squeeze3A_361, %dma_start3A_367, %dma_start3A_368] : memref<125000x8x64xf32, #tpu.memory_space<hbm>> -> memref<1x8x64xf32, #tpu.memory_space<hbm>>
    %dma_start3A_370 = tpu.memref_squeeze %dma_start3A_369 : memref<1x8x64xf32, #tpu.memory_space<hbm>> -> memref<8x64xf32, #tpu.memory_space<hbm>>
    %dma_start3A_371 = arith.constant 0 : i32
    %dma_start3A_372 = arith.constant 0 : i32
    %dma_start3A_373 = tpu.memref_slice %arg11[%dma_start3A_362, %dma_start3A_371, %dma_start3A_372] : memref<16x8x64xf32, #tpu.memory_space<vmem>> -> memref<1x8x64xf32, #tpu.memory_space<vmem>>
    %dma_start3A_374 = tpu.memref_squeeze %dma_start3A_373 : memref<1x8x64xf32, #tpu.memory_space<vmem>> -> memref<8x64xf32, #tpu.memory_space<vmem>>
    %dma_start3A_375 = arith.constant 0 : i32
    %dma_start3A_376 = arith.constant 0 : i32
    %dma_start3A_377 = tpu.memref_slice %arg4[%squeeze3A_361, %dma_start3A_375, %dma_start3A_376] : memref<125000x8x64xf32, #tpu.memory_space<hbm>> -> memref<1x8x64xf32, #tpu.memory_space<hbm>>
    %dma_start3A_378 = tpu.memref_squeeze %dma_start3A_377 : memref<1x8x64xf32, #tpu.memory_space<hbm>> -> memref<8x64xf32, #tpu.memory_space<hbm>>
    tpu.enqueue_dma source(%dma_start3A_378 : memref<8x64xf32, #tpu.memory_space<hbm>>) target(%dma_start3A_374 : memref<8x64xf32, #tpu.memory_space<vmem>>) target_semaphore(%arg18 : memref<!tpu.dma_semaphore, #tpu.memory_space<semaphore_mem>>)
    %slice3A_379 = vector.extract_strided_slice %shift_right_logical3A_20 {offsets = [9], sizes = [1], strides = [1]} : vector<16xi32> to vector<1xi32>
    %squeeze3A_380 = vector.extract %slice3A_379[0] : i32 from vector<1xi32>
    %dma_start3A_381 = arith.constant 9 : i32
    %dma_start3A_382 = arith.constant 0 : i32
    %dma_start3A_383 = arith.constant 0 : i32
    %dma_start3A_384 = tpu.memref_slice %arg13[%dma_start3A_381, %dma_start3A_382, %dma_start3A_383] : memref<16x8x64xf32, #tpu.memory_space<vmem>> -> memref<1x8x64xf32, #tpu.memory_space<vmem>>
    %dma_start3A_385 = tpu.memref_squeeze %dma_start3A_384 : memref<1x8x64xf32, #tpu.memory_space<vmem>> -> memref<8x64xf32, #tpu.memory_space<vmem>>
    %dma_start3A_386 = arith.constant 0 : i32
    %dma_start3A_387 = arith.constant 0 : i32
    %dma_start3A_388 = tpu.memref_slice %arg5[%squeeze3A_380, %dma_start3A_386, %dma_start3A_387] : memref<125000x8x64xf32, #tpu.memory_space<hbm>> -> memref<1x8x64xf32, #tpu.memory_space<hbm>>
    %dma_start3A_389 = tpu.memref_squeeze %dma_start3A_388 : memref<1x8x64xf32, #tpu.memory_space<hbm>> -> memref<8x64xf32, #tpu.memory_space<hbm>>
    %dma_start3A_390 = arith.constant 0 : i32
    %dma_start3A_391 = arith.constant 0 : i32
    %dma_start3A_392 = tpu.memref_slice %arg13[%dma_start3A_381, %dma_start3A_390, %dma_start3A_391] : memref<16x8x64xf32, #tpu.memory_space<vmem>> -> memref<1x8x64xf32, #tpu.memory_space<vmem>>
    %dma_start3A_393 = tpu.memref_squeeze %dma_start3A_392 : memref<1x8x64xf32, #tpu.memory_space<vmem>> -> memref<8x64xf32, #tpu.memory_space<vmem>>
    %dma_start3A_394 = arith.constant 0 : i32
    %dma_start3A_395 = arith.constant 0 : i32
    %dma_start3A_396 = tpu.memref_slice %arg5[%squeeze3A_380, %dma_start3A_394, %dma_start3A_395] : memref<125000x8x64xf32, #tpu.memory_space<hbm>> -> memref<1x8x64xf32, #tpu.memory_space<hbm>>
    %dma_start3A_397 = tpu.memref_squeeze %dma_start3A_396 : memref<1x8x64xf32, #tpu.memory_space<hbm>> -> memref<8x64xf32, #tpu.memory_space<hbm>>
    tpu.enqueue_dma source(%dma_start3A_397 : memref<8x64xf32, #tpu.memory_space<hbm>>) target(%dma_start3A_393 : memref<8x64xf32, #tpu.memory_space<vmem>>) target_semaphore(%arg19 : memref<!tpu.dma_semaphore, #tpu.memory_space<semaphore_mem>>)
    %slice3A_398 = vector.extract_strided_slice %shift_right_logical3A_15 {offsets = [10], sizes = [1], strides = [1]} : vector<16xi32> to vector<1xi32>
    %squeeze3A_399 = vector.extract %slice3A_398[0] : i32 from vector<1xi32>
    %dma_start3A_400 = arith.constant 10 : i32
    %dma_start3A_401 = arith.constant 0 : i32
    %dma_start3A_402 = arith.constant 0 : i32
    %dma_start3A_403 = tpu.memref_slice %arg11[%dma_start3A_400, %dma_start3A_401, %dma_start3A_402] : memref<16x8x64xf32, #tpu.memory_space<vmem>> -> memref<1x8x64xf32, #tpu.memory_space<vmem>>
    %dma_start3A_404 = tpu.memref_squeeze %dma_start3A_403 : memref<1x8x64xf32, #tpu.memory_space<vmem>> -> memref<8x64xf32, #tpu.memory_space<vmem>>
    %dma_start3A_405 = arith.constant 0 : i32
    %dma_start3A_406 = arith.constant 0 : i32
    %dma_start3A_407 = tpu.memref_slice %arg4[%squeeze3A_399, %dma_start3A_405, %dma_start3A_406] : memref<125000x8x64xf32, #tpu.memory_space<hbm>> -> memref<1x8x64xf32, #tpu.memory_space<hbm>>
    %dma_start3A_408 = tpu.memref_squeeze %dma_start3A_407 : memref<1x8x64xf32, #tpu.memory_space<hbm>> -> memref<8x64xf32, #tpu.memory_space<hbm>>
    %dma_start3A_409 = arith.constant 0 : i32
    %dma_start3A_410 = arith.constant 0 : i32
    %dma_start3A_411 = tpu.memref_slice %arg11[%dma_start3A_400, %dma_start3A_409, %dma_start3A_410] : memref<16x8x64xf32, #tpu.memory_space<vmem>> -> memref<1x8x64xf32, #tpu.memory_space<vmem>>
    %dma_start3A_412 = tpu.memref_squeeze %dma_start3A_411 : memref<1x8x64xf32, #tpu.memory_space<vmem>> -> memref<8x64xf32, #tpu.memory_space<vmem>>
    %dma_start3A_413 = arith.constant 0 : i32
    %dma_start3A_414 = arith.constant 0 : i32
    %dma_start3A_415 = tpu.memref_slice %arg4[%squeeze3A_399, %dma_start3A_413, %dma_start3A_414] : memref<125000x8x64xf32, #tpu.memory_space<hbm>> -> memref<1x8x64xf32, #tpu.memory_space<hbm>>
    %dma_start3A_416 = tpu.memref_squeeze %dma_start3A_415 : memref<1x8x64xf32, #tpu.memory_space<hbm>> -> memref<8x64xf32, #tpu.memory_space<hbm>>
    tpu.enqueue_dma source(%dma_start3A_416 : memref<8x64xf32, #tpu.memory_space<hbm>>) target(%dma_start3A_412 : memref<8x64xf32, #tpu.memory_space<vmem>>) target_semaphore(%arg18 : memref<!tpu.dma_semaphore, #tpu.memory_space<semaphore_mem>>)
    %slice3A_417 = vector.extract_strided_slice %shift_right_logical3A_20 {offsets = [10], sizes = [1], strides = [1]} : vector<16xi32> to vector<1xi32>
    %squeeze3A_418 = vector.extract %slice3A_417[0] : i32 from vector<1xi32>
    %dma_start3A_419 = arith.constant 10 : i32
    %dma_start3A_420 = arith.constant 0 : i32
    %dma_start3A_421 = arith.constant 0 : i32
    %dma_start3A_422 = tpu.memref_slice %arg13[%dma_start3A_419, %dma_start3A_420, %dma_start3A_421] : memref<16x8x64xf32, #tpu.memory_space<vmem>> -> memref<1x8x64xf32, #tpu.memory_space<vmem>>
    %dma_start3A_423 = tpu.memref_squeeze %dma_start3A_422 : memref<1x8x64xf32, #tpu.memory_space<vmem>> -> memref<8x64xf32, #tpu.memory_space<vmem>>
    %dma_start3A_424 = arith.constant 0 : i32
    %dma_start3A_425 = arith.constant 0 : i32
    %dma_start3A_426 = tpu.memref_slice %arg5[%squeeze3A_418, %dma_start3A_424, %dma_start3A_425] : memref<125000x8x64xf32, #tpu.memory_space<hbm>> -> memref<1x8x64xf32, #tpu.memory_space<hbm>>
    %dma_start3A_427 = tpu.memref_squeeze %dma_start3A_426 : memref<1x8x64xf32, #tpu.memory_space<hbm>> -> memref<8x64xf32, #tpu.memory_space<hbm>>
    %dma_start3A_428 = arith.constant 0 : i32
    %dma_start3A_429 = arith.constant 0 : i32
    %dma_start3A_430 = tpu.memref_slice %arg13[%dma_start3A_419, %dma_start3A_428, %dma_start3A_429] : memref<16x8x64xf32, #tpu.memory_space<vmem>> -> memref<1x8x64xf32, #tpu.memory_space<vmem>>
    %dma_start3A_431 = tpu.memref_squeeze %dma_start3A_430 : memref<1x8x64xf32, #tpu.memory_space<vmem>> -> memref<8x64xf32, #tpu.memory_space<vmem>>
    %dma_start3A_432 = arith.constant 0 : i32
    %dma_start3A_433 = arith.constant 0 : i32
    %dma_start3A_434 = tpu.memref_slice %arg5[%squeeze3A_418, %dma_start3A_432, %dma_start3A_433] : memref<125000x8x64xf32, #tpu.memory_space<hbm>> -> memref<1x8x64xf32, #tpu.memory_space<hbm>>
    %dma_start3A_435 = tpu.memref_squeeze %dma_start3A_434 : memref<1x8x64xf32, #tpu.memory_space<hbm>> -> memref<8x64xf32, #tpu.memory_space<hbm>>
    tpu.enqueue_dma source(%dma_start3A_435 : memref<8x64xf32, #tpu.memory_space<hbm>>) target(%dma_start3A_431 : memref<8x64xf32, #tpu.memory_space<vmem>>) target_semaphore(%arg19 : memref<!tpu.dma_semaphore, #tpu.memory_space<semaphore_mem>>)
    %slice3A_436 = vector.extract_strided_slice %shift_right_logical3A_15 {offsets = [11], sizes = [1], strides = [1]} : vector<16xi32> to vector<1xi32>
    %squeeze3A_437 = vector.extract %slice3A_436[0] : i32 from vector<1xi32>
    %dma_start3A_438 = arith.constant 11 : i32
    %dma_start3A_439 = arith.constant 0 : i32
    %dma_start3A_440 = arith.constant 0 : i32
    %dma_start3A_441 = tpu.memref_slice %arg11[%dma_start3A_438, %dma_start3A_439, %dma_start3A_440] : memref<16x8x64xf32, #tpu.memory_space<vmem>> -> memref<1x8x64xf32, #tpu.memory_space<vmem>>
    %dma_start3A_442 = tpu.memref_squeeze %dma_start3A_441 : memref<1x8x64xf32, #tpu.memory_space<vmem>> -> memref<8x64xf32, #tpu.memory_space<vmem>>
    %dma_start3A_443 = arith.constant 0 : i32
    %dma_start3A_444 = arith.constant 0 : i32
    %dma_start3A_445 = tpu.memref_slice %arg4[%squeeze3A_437, %dma_start3A_443, %dma_start3A_444] : memref<125000x8x64xf32, #tpu.memory_space<hbm>> -> memref<1x8x64xf32, #tpu.memory_space<hbm>>
    %dma_start3A_446 = tpu.memref_squeeze %dma_start3A_445 : memref<1x8x64xf32, #tpu.memory_space<hbm>> -> memref<8x64xf32, #tpu.memory_space<hbm>>
    %dma_start3A_447 = arith.constant 0 : i32
    %dma_start3A_448 = arith.constant 0 : i32
    %dma_start3A_449 = tpu.memref_slice %arg11[%dma_start3A_438, %dma_start3A_447, %dma_start3A_448] : memref<16x8x64xf32, #tpu.memory_space<vmem>> -> memref<1x8x64xf32, #tpu.memory_space<vmem>>
    %dma_start3A_450 = tpu.memref_squeeze %dma_start3A_449 : memref<1x8x64xf32, #tpu.memory_space<vmem>> -> memref<8x64xf32, #tpu.memory_space<vmem>>
    %dma_start3A_451 = arith.constant 0 : i32
    %dma_start3A_452 = arith.constant 0 : i32
    %dma_start3A_453 = tpu.memref_slice %arg4[%squeeze3A_437, %dma_start3A_451, %dma_start3A_452] : memref<125000x8x64xf32, #tpu.memory_space<hbm>> -> memref<1x8x64xf32, #tpu.memory_space<hbm>>
    %dma_start3A_454 = tpu.memref_squeeze %dma_start3A_453 : memref<1x8x64xf32, #tpu.memory_space<hbm>> -> memref<8x64xf32, #tpu.memory_space<hbm>>
    tpu.enqueue_dma source(%dma_start3A_454 : memref<8x64xf32, #tpu.memory_space<hbm>>) target(%dma_start3A_450 : memref<8x64xf32, #tpu.memory_space<vmem>>) target_semaphore(%arg18 : memref<!tpu.dma_semaphore, #tpu.memory_space<semaphore_mem>>)
    %slice3A_455 = vector.extract_strided_slice %shift_right_logical3A_20 {offsets = [11], sizes = [1], strides = [1]} : vector<16xi32> to vector<1xi32>
    %squeeze3A_456 = vector.extract %slice3A_455[0] : i32 from vector<1xi32>
    %dma_start3A_457 = arith.constant 11 : i32
    %dma_start3A_458 = arith.constant 0 : i32
    %dma_start3A_459 = arith.constant 0 : i32
    %dma_start3A_460 = tpu.memref_slice %arg13[%dma_start3A_457, %dma_start3A_458, %dma_start3A_459] : memref<16x8x64xf32, #tpu.memory_space<vmem>> -> memref<1x8x64xf32, #tpu.memory_space<vmem>>
    %dma_start3A_461 = tpu.memref_squeeze %dma_start3A_460 : memref<1x8x64xf32, #tpu.memory_space<vmem>> -> memref<8x64xf32, #tpu.memory_space<vmem>>
    %dma_start3A_462 = arith.constant 0 : i32
    %dma_start3A_463 = arith.constant 0 : i32
    %dma_start3A_464 = tpu.memref_slice %arg5[%squeeze3A_456, %dma_start3A_462, %dma_start3A_463] : memref<125000x8x64xf32, #tpu.memory_space<hbm>> -> memref<1x8x64xf32, #tpu.memory_space<hbm>>
    %dma_start3A_465 = tpu.memref_squeeze %dma_start3A_464 : memref<1x8x64xf32, #tpu.memory_space<hbm>> -> memref<8x64xf32, #tpu.memory_space<hbm>>
    %dma_start3A_466 = arith.constant 0 : i32
    %dma_start3A_467 = arith.constant 0 : i32
    %dma_start3A_468 = tpu.memref_slice %arg13[%dma_start3A_457, %dma_start3A_466, %dma_start3A_467] : memref<16x8x64xf32, #tpu.memory_space<vmem>> -> memref<1x8x64xf32, #tpu.memory_space<vmem>>
    %dma_start3A_469 = tpu.memref_squeeze %dma_start3A_468 : memref<1x8x64xf32, #tpu.memory_space<vmem>> -> memref<8x64xf32, #tpu.memory_space<vmem>>
    %dma_start3A_470 = arith.constant 0 : i32
    %dma_start3A_471 = arith.constant 0 : i32
    %dma_start3A_472 = tpu.memref_slice %arg5[%squeeze3A_456, %dma_start3A_470, %dma_start3A_471] : memref<125000x8x64xf32, #tpu.memory_space<hbm>> -> memref<1x8x64xf32, #tpu.memory_space<hbm>>
    %dma_start3A_473 = tpu.memref_squeeze %dma_start3A_472 : memref<1x8x64xf32, #tpu.memory_space<hbm>> -> memref<8x64xf32, #tpu.memory_space<hbm>>
    tpu.enqueue_dma source(%dma_start3A_473 : memref<8x64xf32, #tpu.memory_space<hbm>>) target(%dma_start3A_469 : memref<8x64xf32, #tpu.memory_space<vmem>>) target_semaphore(%arg19 : memref<!tpu.dma_semaphore, #tpu.memory_space<semaphore_mem>>)
    %slice3A_474 = vector.extract_strided_slice %shift_right_logical3A_15 {offsets = [12], sizes = [1], strides = [1]} : vector<16xi32> to vector<1xi32>
    %squeeze3A_475 = vector.extract %slice3A_474[0] : i32 from vector<1xi32>
    %dma_start3A_476 = arith.constant 12 : i32
    %dma_start3A_477 = arith.constant 0 : i32
    %dma_start3A_478 = arith.constant 0 : i32
    %dma_start3A_479 = tpu.memref_slice %arg11[%dma_start3A_476, %dma_start3A_477, %dma_start3A_478] : memref<16x8x64xf32, #tpu.memory_space<vmem>> -> memref<1x8x64xf32, #tpu.memory_space<vmem>>
    %dma_start3A_480 = tpu.memref_squeeze %dma_start3A_479 : memref<1x8x64xf32, #tpu.memory_space<vmem>> -> memref<8x64xf32, #tpu.memory_space<vmem>>
    %dma_start3A_481 = arith.constant 0 : i32
    %dma_start3A_482 = arith.constant 0 : i32
    %dma_start3A_483 = tpu.memref_slice %arg4[%squeeze3A_475, %dma_start3A_481, %dma_start3A_482] : memref<125000x8x64xf32, #tpu.memory_space<hbm>> -> memref<1x8x64xf32, #tpu.memory_space<hbm>>
    %dma_start3A_484 = tpu.memref_squeeze %dma_start3A_483 : memref<1x8x64xf32, #tpu.memory_space<hbm>> -> memref<8x64xf32, #tpu.memory_space<hbm>>
    %dma_start3A_485 = arith.constant 0 : i32
    %dma_start3A_486 = arith.constant 0 : i32
    %dma_start3A_487 = tpu.memref_slice %arg11[%dma_start3A_476, %dma_start3A_485, %dma_start3A_486] : memref<16x8x64xf32, #tpu.memory_space<vmem>> -> memref<1x8x64xf32, #tpu.memory_space<vmem>>
    %dma_start3A_488 = tpu.memref_squeeze %dma_start3A_487 : memref<1x8x64xf32, #tpu.memory_space<vmem>> -> memref<8x64xf32, #tpu.memory_space<vmem>>
    %dma_start3A_489 = arith.constant 0 : i32
    %dma_start3A_490 = arith.constant 0 : i32
    %dma_start3A_491 = tpu.memref_slice %arg4[%squeeze3A_475, %dma_start3A_489, %dma_start3A_490] : memref<125000x8x64xf32, #tpu.memory_space<hbm>> -> memref<1x8x64xf32, #tpu.memory_space<hbm>>
    %dma_start3A_492 = tpu.memref_squeeze %dma_start3A_491 : memref<1x8x64xf32, #tpu.memory_space<hbm>> -> memref<8x64xf32, #tpu.memory_space<hbm>>
    tpu.enqueue_dma source(%dma_start3A_492 : memref<8x64xf32, #tpu.memory_space<hbm>>) target(%dma_start3A_488 : memref<8x64xf32, #tpu.memory_space<vmem>>) target_semaphore(%arg18 : memref<!tpu.dma_semaphore, #tpu.memory_space<semaphore_mem>>)
    %slice3A_493 = vector.extract_strided_slice %shift_right_logical3A_20 {offsets = [12], sizes = [1], strides = [1]} : vector<16xi32> to vector<1xi32>
    %squeeze3A_494 = vector.extract %slice3A_493[0] : i32 from vector<1xi32>
    %dma_start3A_495 = arith.constant 12 : i32
    %dma_start3A_496 = arith.constant 0 : i32
    %dma_start3A_497 = arith.constant 0 : i32
    %dma_start3A_498 = tpu.memref_slice %arg13[%dma_start3A_495, %dma_start3A_496, %dma_start3A_497] : memref<16x8x64xf32, #tpu.memory_space<vmem>> -> memref<1x8x64xf32, #tpu.memory_space<vmem>>
    %dma_start3A_499 = tpu.memref_squeeze %dma_start3A_498 : memref<1x8x64xf32, #tpu.memory_space<vmem>> -> memref<8x64xf32, #tpu.memory_space<vmem>>
    %dma_start3A_500 = arith.constant 0 : i32
    %dma_start3A_501 = arith.constant 0 : i32
    %dma_start3A_502 = tpu.memref_slice %arg5[%squeeze3A_494, %dma_start3A_500, %dma_start3A_501] : memref<125000x8x64xf32, #tpu.memory_space<hbm>> -> memref<1x8x64xf32, #tpu.memory_space<hbm>>
    %dma_start3A_503 = tpu.memref_squeeze %dma_start3A_502 : memref<1x8x64xf32, #tpu.memory_space<hbm>> -> memref<8x64xf32, #tpu.memory_space<hbm>>
    %dma_start3A_504 = arith.constant 0 : i32
    %dma_start3A_505 = arith.constant 0 : i32
    %dma_start3A_506 = tpu.memref_slice %arg13[%dma_start3A_495, %dma_start3A_504, %dma_start3A_505] : memref<16x8x64xf32, #tpu.memory_space<vmem>> -> memref<1x8x64xf32, #tpu.memory_space<vmem>>
    %dma_start3A_507 = tpu.memref_squeeze %dma_start3A_506 : memref<1x8x64xf32, #tpu.memory_space<vmem>> -> memref<8x64xf32, #tpu.memory_space<vmem>>
    %dma_start3A_508 = arith.constant 0 : i32
    %dma_start3A_509 = arith.constant 0 : i32
    %dma_start3A_510 = tpu.memref_slice %arg5[%squeeze3A_494, %dma_start3A_508, %dma_start3A_509] : memref<125000x8x64xf32, #tpu.memory_space<hbm>> -> memref<1x8x64xf32, #tpu.memory_space<hbm>>
    %dma_start3A_511 = tpu.memref_squeeze %dma_start3A_510 : memref<1x8x64xf32, #tpu.memory_space<hbm>> -> memref<8x64xf32, #tpu.memory_space<hbm>>
    tpu.enqueue_dma source(%dma_start3A_511 : memref<8x64xf32, #tpu.memory_space<hbm>>) target(%dma_start3A_507 : memref<8x64xf32, #tpu.memory_space<vmem>>) target_semaphore(%arg19 : memref<!tpu.dma_semaphore, #tpu.memory_space<semaphore_mem>>)
    %slice3A_512 = vector.extract_strided_slice %shift_right_logical3A_15 {offsets = [13], sizes = [1], strides = [1]} : vector<16xi32> to vector<1xi32>
    %squeeze3A_513 = vector.extract %slice3A_512[0] : i32 from vector<1xi32>
    %dma_start3A_514 = arith.constant 13 : i32
    %dma_start3A_515 = arith.constant 0 : i32
    %dma_start3A_516 = arith.constant 0 : i32
    %dma_start3A_517 = tpu.memref_slice %arg11[%dma_start3A_514, %dma_start3A_515, %dma_start3A_516] : memref<16x8x64xf32, #tpu.memory_space<vmem>> -> memref<1x8x64xf32, #tpu.memory_space<vmem>>
    %dma_start3A_518 = tpu.memref_squeeze %dma_start3A_517 : memref<1x8x64xf32, #tpu.memory_space<vmem>> -> memref<8x64xf32, #tpu.memory_space<vmem>>
    %dma_start3A_519 = arith.constant 0 : i32
    %dma_start3A_520 = arith.constant 0 : i32
    %dma_start3A_521 = tpu.memref_slice %arg4[%squeeze3A_513, %dma_start3A_519, %dma_start3A_520] : memref<125000x8x64xf32, #tpu.memory_space<hbm>> -> memref<1x8x64xf32, #tpu.memory_space<hbm>>
    %dma_start3A_522 = tpu.memref_squeeze %dma_start3A_521 : memref<1x8x64xf32, #tpu.memory_space<hbm>> -> memref<8x64xf32, #tpu.memory_space<hbm>>
    %dma_start3A_523 = arith.constant 0 : i32
    %dma_start3A_524 = arith.constant 0 : i32
    %dma_start3A_525 = tpu.memref_slice %arg11[%dma_start3A_514, %dma_start3A_523, %dma_start3A_524] : memref<16x8x64xf32, #tpu.memory_space<vmem>> -> memref<1x8x64xf32, #tpu.memory_space<vmem>>
    %dma_start3A_526 = tpu.memref_squeeze %dma_start3A_525 : memref<1x8x64xf32, #tpu.memory_space<vmem>> -> memref<8x64xf32, #tpu.memory_space<vmem>>
    %dma_start3A_527 = arith.constant 0 : i32
    %dma_start3A_528 = arith.constant 0 : i32
    %dma_start3A_529 = tpu.memref_slice %arg4[%squeeze3A_513, %dma_start3A_527, %dma_start3A_528] : memref<125000x8x64xf32, #tpu.memory_space<hbm>> -> memref<1x8x64xf32, #tpu.memory_space<hbm>>
    %dma_start3A_530 = tpu.memref_squeeze %dma_start3A_529 : memref<1x8x64xf32, #tpu.memory_space<hbm>> -> memref<8x64xf32, #tpu.memory_space<hbm>>
    tpu.enqueue_dma source(%dma_start3A_530 : memref<8x64xf32, #tpu.memory_space<hbm>>) target(%dma_start3A_526 : memref<8x64xf32, #tpu.memory_space<vmem>>) target_semaphore(%arg18 : memref<!tpu.dma_semaphore, #tpu.memory_space<semaphore_mem>>)
    %slice3A_531 = vector.extract_strided_slice %shift_right_logical3A_20 {offsets = [13], sizes = [1], strides = [1]} : vector<16xi32> to vector<1xi32>
    %squeeze3A_532 = vector.extract %slice3A_531[0] : i32 from vector<1xi32>
    %dma_start3A_533 = arith.constant 13 : i32
    %dma_start3A_534 = arith.constant 0 : i32
    %dma_start3A_535 = arith.constant 0 : i32
    %dma_start3A_536 = tpu.memref_slice %arg13[%dma_start3A_533, %dma_start3A_534, %dma_start3A_535] : memref<16x8x64xf32, #tpu.memory_space<vmem>> -> memref<1x8x64xf32, #tpu.memory_space<vmem>>
    %dma_start3A_537 = tpu.memref_squeeze %dma_start3A_536 : memref<1x8x64xf32, #tpu.memory_space<vmem>> -> memref<8x64xf32, #tpu.memory_space<vmem>>
    %dma_start3A_538 = arith.constant 0 : i32
    %dma_start3A_539 = arith.constant 0 : i32
    %dma_start3A_540 = tpu.memref_slice %arg5[%squeeze3A_532, %dma_start3A_538, %dma_start3A_539] : memref<125000x8x64xf32, #tpu.memory_space<hbm>> -> memref<1x8x64xf32, #tpu.memory_space<hbm>>
    %dma_start3A_541 = tpu.memref_squeeze %dma_start3A_540 : memref<1x8x64xf32, #tpu.memory_space<hbm>> -> memref<8x64xf32, #tpu.memory_space<hbm>>
    %dma_start3A_542 = arith.constant 0 : i32
    %dma_start3A_543 = arith.constant 0 : i32
    %dma_start3A_544 = tpu.memref_slice %arg13[%dma_start3A_533, %dma_start3A_542, %dma_start3A_543] : memref<16x8x64xf32, #tpu.memory_space<vmem>> -> memref<1x8x64xf32, #tpu.memory_space<vmem>>
    %dma_start3A_545 = tpu.memref_squeeze %dma_start3A_544 : memref<1x8x64xf32, #tpu.memory_space<vmem>> -> memref<8x64xf32, #tpu.memory_space<vmem>>
    %dma_start3A_546 = arith.constant 0 : i32
    %dma_start3A_547 = arith.constant 0 : i32
    %dma_start3A_548 = tpu.memref_slice %arg5[%squeeze3A_532, %dma_start3A_546, %dma_start3A_547] : memref<125000x8x64xf32, #tpu.memory_space<hbm>> -> memref<1x8x64xf32, #tpu.memory_space<hbm>>
    %dma_start3A_549 = tpu.memref_squeeze %dma_start3A_548 : memref<1x8x64xf32, #tpu.memory_space<hbm>> -> memref<8x64xf32, #tpu.memory_space<hbm>>
    tpu.enqueue_dma source(%dma_start3A_549 : memref<8x64xf32, #tpu.memory_space<hbm>>) target(%dma_start3A_545 : memref<8x64xf32, #tpu.memory_space<vmem>>) target_semaphore(%arg19 : memref<!tpu.dma_semaphore, #tpu.memory_space<semaphore_mem>>)
    %slice3A_550 = vector.extract_strided_slice %shift_right_logical3A_15 {offsets = [14], sizes = [1], strides = [1]} : vector<16xi32> to vector<1xi32>
    %squeeze3A_551 = vector.extract %slice3A_550[0] : i32 from vector<1xi32>
    %dma_start3A_552 = arith.constant 14 : i32
    %dma_start3A_553 = arith.constant 0 : i32
    %dma_start3A_554 = arith.constant 0 : i32
    %dma_start3A_555 = tpu.memref_slice %arg11[%dma_start3A_552, %dma_start3A_553, %dma_start3A_554] : memref<16x8x64xf32, #tpu.memory_space<vmem>> -> memref<1x8x64xf32, #tpu.memory_space<vmem>>
    %dma_start3A_556 = tpu.memref_squeeze %dma_start3A_555 : memref<1x8x64xf32, #tpu.memory_space<vmem>> -> memref<8x64xf32, #tpu.memory_space<vmem>>
    %dma_start3A_557 = arith.constant 0 : i32
    %dma_start3A_558 = arith.constant 0 : i32
    %dma_start3A_559 = tpu.memref_slice %arg4[%squeeze3A_551, %dma_start3A_557, %dma_start3A_558] : memref<125000x8x64xf32, #tpu.memory_space<hbm>> -> memref<1x8x64xf32, #tpu.memory_space<hbm>>
    %dma_start3A_560 = tpu.memref_squeeze %dma_start3A_559 : memref<1x8x64xf32, #tpu.memory_space<hbm>> -> memref<8x64xf32, #tpu.memory_space<hbm>>
    %dma_start3A_561 = arith.constant 0 : i32
    %dma_start3A_562 = arith.constant 0 : i32
    %dma_start3A_563 = tpu.memref_slice %arg11[%dma_start3A_552, %dma_start3A_561, %dma_start3A_562] : memref<16x8x64xf32, #tpu.memory_space<vmem>> -> memref<1x8x64xf32, #tpu.memory_space<vmem>>
    %dma_start3A_564 = tpu.memref_squeeze %dma_start3A_563 : memref<1x8x64xf32, #tpu.memory_space<vmem>> -> memref<8x64xf32, #tpu.memory_space<vmem>>
    %dma_start3A_565 = arith.constant 0 : i32
    %dma_start3A_566 = arith.constant 0 : i32
    %dma_start3A_567 = tpu.memref_slice %arg4[%squeeze3A_551, %dma_start3A_565, %dma_start3A_566] : memref<125000x8x64xf32, #tpu.memory_space<hbm>> -> memref<1x8x64xf32, #tpu.memory_space<hbm>>
    %dma_start3A_568 = tpu.memref_squeeze %dma_start3A_567 : memref<1x8x64xf32, #tpu.memory_space<hbm>> -> memref<8x64xf32, #tpu.memory_space<hbm>>
    tpu.enqueue_dma source(%dma_start3A_568 : memref<8x64xf32, #tpu.memory_space<hbm>>) target(%dma_start3A_564 : memref<8x64xf32, #tpu.memory_space<vmem>>) target_semaphore(%arg18 : memref<!tpu.dma_semaphore, #tpu.memory_space<semaphore_mem>>)
    %slice3A_569 = vector.extract_strided_slice %shift_right_logical3A_20 {offsets = [14], sizes = [1], strides = [1]} : vector<16xi32> to vector<1xi32>
    %squeeze3A_570 = vector.extract %slice3A_569[0] : i32 from vector<1xi32>
    %dma_start3A_571 = arith.constant 14 : i32
    %dma_start3A_572 = arith.constant 0 : i32
    %dma_start3A_573 = arith.constant 0 : i32
    %dma_start3A_574 = tpu.memref_slice %arg13[%dma_start3A_571, %dma_start3A_572, %dma_start3A_573] : memref<16x8x64xf32, #tpu.memory_space<vmem>> -> memref<1x8x64xf32, #tpu.memory_space<vmem>>
    %dma_start3A_575 = tpu.memref_squeeze %dma_start3A_574 : memref<1x8x64xf32, #tpu.memory_space<vmem>> -> memref<8x64xf32, #tpu.memory_space<vmem>>
    %dma_start3A_576 = arith.constant 0 : i32
    %dma_start3A_577 = arith.constant 0 : i32
    %dma_start3A_578 = tpu.memref_slice %arg5[%squeeze3A_570, %dma_start3A_576, %dma_start3A_577] : memref<125000x8x64xf32, #tpu.memory_space<hbm>> -> memref<1x8x64xf32, #tpu.memory_space<hbm>>
    %dma_start3A_579 = tpu.memref_squeeze %dma_start3A_578 : memref<1x8x64xf32, #tpu.memory_space<hbm>> -> memref<8x64xf32, #tpu.memory_space<hbm>>
    %dma_start3A_580 = arith.constant 0 : i32
    %dma_start3A_581 = arith.constant 0 : i32
    %dma_start3A_582 = tpu.memref_slice %arg13[%dma_start3A_571, %dma_start3A_580, %dma_start3A_581] : memref<16x8x64xf32, #tpu.memory_space<vmem>> -> memref<1x8x64xf32, #tpu.memory_space<vmem>>
    %dma_start3A_583 = tpu.memref_squeeze %dma_start3A_582 : memref<1x8x64xf32, #tpu.memory_space<vmem>> -> memref<8x64xf32, #tpu.memory_space<vmem>>
    %dma_start3A_584 = arith.constant 0 : i32
    %dma_start3A_585 = arith.constant 0 : i32
    %dma_start3A_586 = tpu.memref_slice %arg5[%squeeze3A_570, %dma_start3A_584, %dma_start3A_585] : memref<125000x8x64xf32, #tpu.memory_space<hbm>> -> memref<1x8x64xf32, #tpu.memory_space<hbm>>
    %dma_start3A_587 = tpu.memref_squeeze %dma_start3A_586 : memref<1x8x64xf32, #tpu.memory_space<hbm>> -> memref<8x64xf32, #tpu.memory_space<hbm>>
    tpu.enqueue_dma source(%dma_start3A_587 : memref<8x64xf32, #tpu.memory_space<hbm>>) target(%dma_start3A_583 : memref<8x64xf32, #tpu.memory_space<vmem>>) target_semaphore(%arg19 : memref<!tpu.dma_semaphore, #tpu.memory_space<semaphore_mem>>)
    %slice3A_588 = vector.extract_strided_slice %shift_right_logical3A_15 {offsets = [15], sizes = [1], strides = [1]} : vector<16xi32> to vector<1xi32>
    %squeeze3A_589 = vector.extract %slice3A_588[0] : i32 from vector<1xi32>
    %dma_start3A_590 = arith.constant 15 : i32
    %dma_start3A_591 = arith.constant 0 : i32
    %dma_start3A_592 = arith.constant 0 : i32
    %dma_start3A_593 = tpu.memref_slice %arg11[%dma_start3A_590, %dma_start3A_591, %dma_start3A_592] : memref<16x8x64xf32, #tpu.memory_space<vmem>> -> memref<1x8x64xf32, #tpu.memory_space<vmem>>
    %dma_start3A_594 = tpu.memref_squeeze %dma_start3A_593 : memref<1x8x64xf32, #tpu.memory_space<vmem>> -> memref<8x64xf32, #tpu.memory_space<vmem>>
    %dma_start3A_595 = arith.constant 0 : i32
    %dma_start3A_596 = arith.constant 0 : i32
    %dma_start3A_597 = tpu.memref_slice %arg4[%squeeze3A_589, %dma_start3A_595, %dma_start3A_596] : memref<125000x8x64xf32, #tpu.memory_space<hbm>> -> memref<1x8x64xf32, #tpu.memory_space<hbm>>
    %dma_start3A_598 = tpu.memref_squeeze %dma_start3A_597 : memref<1x8x64xf32, #tpu.memory_space<hbm>> -> memref<8x64xf32, #tpu.memory_space<hbm>>
    %dma_start3A_599 = arith.constant 0 : i32
    %dma_start3A_600 = arith.constant 0 : i32
    %dma_start3A_601 = tpu.memref_slice %arg11[%dma_start3A_590, %dma_start3A_599, %dma_start3A_600] : memref<16x8x64xf32, #tpu.memory_space<vmem>> -> memref<1x8x64xf32, #tpu.memory_space<vmem>>
    %dma_start3A_602 = tpu.memref_squeeze %dma_start3A_601 : memref<1x8x64xf32, #tpu.memory_space<vmem>> -> memref<8x64xf32, #tpu.memory_space<vmem>>
    %dma_start3A_603 = arith.constant 0 : i32
    %dma_start3A_604 = arith.constant 0 : i32
    %dma_start3A_605 = tpu.memref_slice %arg4[%squeeze3A_589, %dma_start3A_603, %dma_start3A_604] : memref<125000x8x64xf32, #tpu.memory_space<hbm>> -> memref<1x8x64xf32, #tpu.memory_space<hbm>>
    %dma_start3A_606 = tpu.memref_squeeze %dma_start3A_605 : memref<1x8x64xf32, #tpu.memory_space<hbm>> -> memref<8x64xf32, #tpu.memory_space<hbm>>
    tpu.enqueue_dma source(%dma_start3A_606 : memref<8x64xf32, #tpu.memory_space<hbm>>) target(%dma_start3A_602 : memref<8x64xf32, #tpu.memory_space<vmem>>) target_semaphore(%arg18 : memref<!tpu.dma_semaphore, #tpu.memory_space<semaphore_mem>>)
    %slice3A_607 = vector.extract_strided_slice %shift_right_logical3A_20 {offsets = [15], sizes = [1], strides = [1]} : vector<16xi32> to vector<1xi32>
    %squeeze3A_608 = vector.extract %slice3A_607[0] : i32 from vector<1xi32>
    %dma_start3A_609 = arith.constant 15 : i32
    %dma_start3A_610 = arith.constant 0 : i32
    %dma_start3A_611 = arith.constant 0 : i32
    %dma_start3A_612 = tpu.memref_slice %arg13[%dma_start3A_609, %dma_start3A_610, %dma_start3A_611] : memref<16x8x64xf32, #tpu.memory_space<vmem>> -> memref<1x8x64xf32, #tpu.memory_space<vmem>>
    %dma_start3A_613 = tpu.memref_squeeze %dma_start3A_612 : memref<1x8x64xf32, #tpu.memory_space<vmem>> -> memref<8x64xf32, #tpu.memory_space<vmem>>
    %dma_start3A_614 = arith.constant 0 : i32
    %dma_start3A_615 = arith.constant 0 : i32
    %dma_start3A_616 = tpu.memref_slice %arg5[%squeeze3A_608, %dma_start3A_614, %dma_start3A_615] : memref<125000x8x64xf32, #tpu.memory_space<hbm>> -> memref<1x8x64xf32, #tpu.memory_space<hbm>>
    %dma_start3A_617 = tpu.memref_squeeze %dma_start3A_616 : memref<1x8x64xf32, #tpu.memory_space<hbm>> -> memref<8x64xf32, #tpu.memory_space<hbm>>
    %dma_start3A_618 = arith.constant 0 : i32
    %dma_start3A_619 = arith.constant 0 : i32
    %dma_start3A_620 = tpu.memref_slice %arg13[%dma_start3A_609, %dma_start3A_618, %dma_start3A_619] : memref<16x8x64xf32, #tpu.memory_space<vmem>> -> memref<1x8x64xf32, #tpu.memory_space<vmem>>
    %dma_start3A_621 = tpu.memref_squeeze %dma_start3A_620 : memref<1x8x64xf32, #tpu.memory_space<vmem>> -> memref<8x64xf32, #tpu.memory_space<vmem>>
    %dma_start3A_622 = arith.constant 0 : i32
    %dma_start3A_623 = arith.constant 0 : i32
    %dma_start3A_624 = tpu.memref_slice %arg5[%squeeze3A_608, %dma_start3A_622, %dma_start3A_623] : memref<125000x8x64xf32, #tpu.memory_space<hbm>> -> memref<1x8x64xf32, #tpu.memory_space<hbm>>
    %dma_start3A_625 = tpu.memref_squeeze %dma_start3A_624 : memref<1x8x64xf32, #tpu.memory_space<hbm>> -> memref<8x64xf32, #tpu.memory_space<hbm>>
    tpu.enqueue_dma source(%dma_start3A_625 : memref<8x64xf32, #tpu.memory_space<hbm>>) target(%dma_start3A_621 : memref<8x64xf32, #tpu.memory_space<vmem>>) target_semaphore(%arg19 : memref<!tpu.dma_semaphore, #tpu.memory_space<semaphore_mem>>)
    %scan3A = arith.constant 0 : i32
    %scan3A_626 = arith.constant 0 : i32
    %scan3A_627 = arith.constant 16 : i32
    %scan3A_628 = arith.addi %scan3A_626, %scan3A_627 : i32
    %scan3A_629 = arith.constant 1 : i32
    scf.for %scan3A_646 = %scan3A_626 to %scan3A_628 step %scan3A_629  : i32 {
      %mul3A_647 = arith.constant 2 : i32
      %mul3A_648 = arith.muli %mul3A_647, %scan3A_646 : i32
      %add3A_649 = arith.constant 1 : i32
      %add3A_650 = arith.addi %mul3A_648, %add3A_649 : i32
      %mul3A_651 = arith.constant 16 : i32
      %mul3A_652 = arith.muli %add3A_650, %mul3A_651 : i32
      %get3A_653 = arith.index_cast %mul3A_652 : i32 to index
      %get3A_654 = tpu.vector_load %arg9[%get3A_653] {strides = array<i32>} : memref<512xi32, #tpu.memory_space<vmem>>, vector<16xi32>,
      %shift_right_logical3A_655 = arith.constant 3 : i32
      %shift_right_logical3A_656 = vector.broadcast %shift_right_logical3A_655 : i32 to vector<16xi32>
      %shift_right_logical3A_657 = arith.shrui %get3A_654, %shift_right_logical3A_656 : vector<16xi32>
      %mul3A_658 = arith.constant 16 : i32
      %mul3A_659 = arith.muli %add3A_650, %mul3A_658 : i32
      %get3A_660 = arith.index_cast %mul3A_659 : i32 to index
      %get3A_661 = tpu.vector_load %arg10[%get3A_660] {strides = array<i32>} : memref<512xi32, #tpu.memory_space<vmem>>, vector<16xi32>,
      %shift_right_logical3A_662 = arith.constant 3 : i32
      %shift_right_logical3A_663 = vector.broadcast %shift_right_logical3A_662 : i32 to vector<16xi32>
      %shift_right_logical3A_664 = arith.shrui %get3A_661, %shift_right_logical3A_663 : vector<16xi32>
      %slice3A_665 = vector.extract_strided_slice %shift_right_logical3A_657 {offsets = [0], sizes = [1], strides = [1]} : vector<16xi32> to vector<1xi32>
      %squeeze3A_666 = vector.extract %slice3A_665[0] : i32 from vector<1xi32>
      %dma_start3A_667 = arith.constant 0 : i32
      %dma_start3A_668 = arith.constant 0 : i32
      %dma_start3A_669 = arith.constant 0 : i32
      %dma_start3A_670 = tpu.memref_slice %arg12[%dma_start3A_667, %dma_start3A_668, %dma_start3A_669] : memref<16x8x64xf32, #tpu.memory_space<vmem>> -> memref<1x8x64xf32, #tpu.memory_space<vmem>>
      %dma_start3A_671 = tpu.memref_squeeze %dma_start3A_670 : memref<1x8x64xf32, #tpu.memory_space<vmem>> -> memref<8x64xf32, #tpu.memory_space<vmem>>
      %dma_start3A_672 = arith.constant 0 : i32
      %dma_start3A_673 = arith.constant 0 : i32
      %dma_start3A_674 = tpu.memref_slice %arg4[%squeeze3A_666, %dma_start3A_672, %dma_start3A_673] : memref<125000x8x64xf32, #tpu.memory_space<hbm>> -> memref<1x8x64xf32, #tpu.memory_space<hbm>>
      %dma_start3A_675 = tpu.memref_squeeze %dma_start3A_674 : memref<1x8x64xf32, #tpu.memory_space<hbm>> -> memref<8x64xf32, #tpu.memory_space<hbm>>
      %dma_start3A_676 = arith.constant 0 : i32
      %dma_start3A_677 = arith.constant 0 : i32
      %dma_start3A_678 = tpu.memref_slice %arg12[%dma_start3A_667, %dma_start3A_676, %dma_start3A_677] : memref<16x8x64xf32, #tpu.memory_space<vmem>> -> memref<1x8x64xf32, #tpu.memory_space<vmem>>
      %dma_start3A_679 = tpu.memref_squeeze %dma_start3A_678 : memref<1x8x64xf32, #tpu.memory_space<vmem>> -> memref<8x64xf32, #tpu.memory_space<vmem>>
      %dma_start3A_680 = arith.constant 0 : i32
      %dma_start3A_681 = arith.constant 0 : i32
      %dma_start3A_682 = tpu.memref_slice %arg4[%squeeze3A_666, %dma_start3A_680, %dma_start3A_681] : memref<125000x8x64xf32, #tpu.memory_space<hbm>> -> memref<1x8x64xf32, #tpu.memory_space<hbm>>
      %dma_start3A_683 = tpu.memref_squeeze %dma_start3A_682 : memref<1x8x64xf32, #tpu.memory_space<hbm>> -> memref<8x64xf32, #tpu.memory_space<hbm>>
      tpu.enqueue_dma source(%dma_start3A_683 : memref<8x64xf32, #tpu.memory_space<hbm>>) target(%dma_start3A_679 : memref<8x64xf32, #tpu.memory_space<vmem>>) target_semaphore(%arg18 : memref<!tpu.dma_semaphore, #tpu.memory_space<semaphore_mem>>)
      %slice3A_684 = vector.extract_strided_slice %shift_right_logical3A_664 {offsets = [0], sizes = [1], strides = [1]} : vector<16xi32> to vector<1xi32>
      %squeeze3A_685 = vector.extract %slice3A_684[0] : i32 from vector<1xi32>
      %dma_start3A_686 = arith.constant 0 : i32
      %dma_start3A_687 = arith.constant 0 : i32
      %dma_start3A_688 = arith.constant 0 : i32
      %dma_start3A_689 = tpu.memref_slice %arg14[%dma_start3A_686, %dma_start3A_687, %dma_start3A_688] : memref<16x8x64xf32, #tpu.memory_space<vmem>> -> memref<1x8x64xf32, #tpu.memory_space<vmem>>
      %dma_start3A_690 = tpu.memref_squeeze %dma_start3A_689 : memref<1x8x64xf32, #tpu.memory_space<vmem>> -> memref<8x64xf32, #tpu.memory_space<vmem>>
      %dma_start3A_691 = arith.constant 0 : i32
      %dma_start3A_692 = arith.constant 0 : i32
      %dma_start3A_693 = tpu.memref_slice %arg5[%squeeze3A_685, %dma_start3A_691, %dma_start3A_692] : memref<125000x8x64xf32, #tpu.memory_space<hbm>> -> memref<1x8x64xf32, #tpu.memory_space<hbm>>
      %dma_start3A_694 = tpu.memref_squeeze %dma_start3A_693 : memref<1x8x64xf32, #tpu.memory_space<hbm>> -> memref<8x64xf32, #tpu.memory_space<hbm>>
      %dma_start3A_695 = arith.constant 0 : i32
      %dma_start3A_696 = arith.constant 0 : i32
      %dma_start3A_697 = tpu.memref_slice %arg14[%dma_start3A_686, %dma_start3A_695, %dma_start3A_696] : memref<16x8x64xf32, #tpu.memory_space<vmem>> -> memref<1x8x64xf32, #tpu.memory_space<vmem>>
      %dma_start3A_698 = tpu.memref_squeeze %dma_start3A_697 : memref<1x8x64xf32, #tpu.memory_space<vmem>> -> memref<8x64xf32, #tpu.memory_space<vmem>>
      %dma_start3A_699 = arith.constant 0 : i32
      %dma_start3A_700 = arith.constant 0 : i32
      %dma_start3A_701 = tpu.memref_slice %arg5[%squeeze3A_685, %dma_start3A_699, %dma_start3A_700] : memref<125000x8x64xf32, #tpu.memory_space<hbm>> -> memref<1x8x64xf32, #tpu.memory_space<hbm>>
      %dma_start3A_702 = tpu.memref_squeeze %dma_start3A_701 : memref<1x8x64xf32, #tpu.memory_space<hbm>> -> memref<8x64xf32, #tpu.memory_space<hbm>>
      tpu.enqueue_dma source(%dma_start3A_702 : memref<8x64xf32, #tpu.memory_space<hbm>>) target(%dma_start3A_698 : memref<8x64xf32, #tpu.memory_space<vmem>>) target_semaphore(%arg19 : memref<!tpu.dma_semaphore, #tpu.memory_space<semaphore_mem>>)
      %slice3A_703 = vector.extract_strided_slice %shift_right_logical3A_657 {offsets = [1], sizes = [1], strides = [1]} : vector<16xi32> to vector<1xi32>
      %squeeze3A_704 = vector.extract %slice3A_703[0] : i32 from vector<1xi32>
      %dma_start3A_705 = arith.constant 1 : i32
      %dma_start3A_706 = arith.constant 0 : i32
      %dma_start3A_707 = arith.constant 0 : i32
      %dma_start3A_708 = tpu.memref_slice %arg12[%dma_start3A_705, %dma_start3A_706, %dma_start3A_707] : memref<16x8x64xf32, #tpu.memory_space<vmem>> -> memref<1x8x64xf32, #tpu.memory_space<vmem>>
      %dma_start3A_709 = tpu.memref_squeeze %dma_start3A_708 : memref<1x8x64xf32, #tpu.memory_space<vmem>> -> memref<8x64xf32, #tpu.memory_space<vmem>>
      %dma_start3A_710 = arith.constant 0 : i32
      %dma_start3A_711 = arith.constant 0 : i32
      %dma_start3A_712 = tpu.memref_slice %arg4[%squeeze3A_704, %dma_start3A_710, %dma_start3A_711] : memref<125000x8x64xf32, #tpu.memory_space<hbm>> -> memref<1x8x64xf32, #tpu.memory_space<hbm>>
      %dma_start3A_713 = tpu.memref_squeeze %dma_start3A_712 : memref<1x8x64xf32, #tpu.memory_space<hbm>> -> memref<8x64xf32, #tpu.memory_space<hbm>>
      %dma_start3A_714 = arith.constant 0 : i32
      %dma_start3A_715 = arith.constant 0 : i32
      %dma_start3A_716 = tpu.memref_slice %arg12[%dma_start3A_705, %dma_start3A_714, %dma_start3A_715] : memref<16x8x64xf32, #tpu.memory_space<vmem>> -> memref<1x8x64xf32, #tpu.memory_space<vmem>>
      %dma_start3A_717 = tpu.memref_squeeze %dma_start3A_716 : memref<1x8x64xf32, #tpu.memory_space<vmem>> -> memref<8x64xf32, #tpu.memory_space<vmem>>
      %dma_start3A_718 = arith.constant 0 : i32
      %dma_start3A_719 = arith.constant 0 : i32
      %dma_start3A_720 = tpu.memref_slice %arg4[%squeeze3A_704, %dma_start3A_718, %dma_start3A_719] : memref<125000x8x64xf32, #tpu.memory_space<hbm>> -> memref<1x8x64xf32, #tpu.memory_space<hbm>>
      %dma_start3A_721 = tpu.memref_squeeze %dma_start3A_720 : memref<1x8x64xf32, #tpu.memory_space<hbm>> -> memref<8x64xf32, #tpu.memory_space<hbm>>
      tpu.enqueue_dma source(%dma_start3A_721 : memref<8x64xf32, #tpu.memory_space<hbm>>) target(%dma_start3A_717 : memref<8x64xf32, #tpu.memory_space<vmem>>) target_semaphore(%arg18 : memref<!tpu.dma_semaphore, #tpu.memory_space<semaphore_mem>>)
      %slice3A_722 = vector.extract_strided_slice %shift_right_logical3A_664 {offsets = [1], sizes = [1], strides = [1]} : vector<16xi32> to vector<1xi32>
      %squeeze3A_723 = vector.extract %slice3A_722[0] : i32 from vector<1xi32>
      %dma_start3A_724 = arith.constant 1 : i32
      %dma_start3A_725 = arith.constant 0 : i32
      %dma_start3A_726 = arith.constant 0 : i32
      %dma_start3A_727 = tpu.memref_slice %arg14[%dma_start3A_724, %dma_start3A_725, %dma_start3A_726] : memref<16x8x64xf32, #tpu.memory_space<vmem>> -> memref<1x8x64xf32, #tpu.memory_space<vmem>>
      %dma_start3A_728 = tpu.memref_squeeze %dma_start3A_727 : memref<1x8x64xf32, #tpu.memory_space<vmem>> -> memref<8x64xf32, #tpu.memory_space<vmem>>
      %dma_start3A_729 = arith.constant 0 : i32
      %dma_start3A_730 = arith.constant 0 : i32
      %dma_start3A_731 = tpu.memref_slice %arg5[%squeeze3A_723, %dma_start3A_729, %dma_start3A_730] : memref<125000x8x64xf32, #tpu.memory_space<hbm>> -> memref<1x8x64xf32, #tpu.memory_space<hbm>>
      %dma_start3A_732 = tpu.memref_squeeze %dma_start3A_731 : memref<1x8x64xf32, #tpu.memory_space<hbm>> -> memref<8x64xf32, #tpu.memory_space<hbm>>
      %dma_start3A_733 = arith.constant 0 : i32
      %dma_start3A_734 = arith.constant 0 : i32
      %dma_start3A_735 = tpu.memref_slice %arg14[%dma_start3A_724, %dma_start3A_733, %dma_start3A_734] : memref<16x8x64xf32, #tpu.memory_space<vmem>> -> memref<1x8x64xf32, #tpu.memory_space<vmem>>
      %dma_start3A_736 = tpu.memref_squeeze %dma_start3A_735 : memref<1x8x64xf32, #tpu.memory_space<vmem>> -> memref<8x64xf32, #tpu.memory_space<vmem>>
      %dma_start3A_737 = arith.constant 0 : i32
      %dma_start3A_738 = arith.constant 0 : i32
      %dma_start3A_739 = tpu.memref_slice %arg5[%squeeze3A_723, %dma_start3A_737, %dma_start3A_738] : memref<125000x8x64xf32, #tpu.memory_space<hbm>> -> memref<1x8x64xf32, #tpu.memory_space<hbm>>
      %dma_start3A_740 = tpu.memref_squeeze %dma_start3A_739 : memref<1x8x64xf32, #tpu.memory_space<hbm>> -> memref<8x64xf32, #tpu.memory_space<hbm>>
      tpu.enqueue_dma source(%dma_start3A_740 : memref<8x64xf32, #tpu.memory_space<hbm>>) target(%dma_start3A_736 : memref<8x64xf32, #tpu.memory_space<vmem>>) target_semaphore(%arg19 : memref<!tpu.dma_semaphore, #tpu.memory_space<semaphore_mem>>)
      %slice3A_741 = vector.extract_strided_slice %shift_right_logical3A_657 {offsets = [2], sizes = [1], strides = [1]} : vector<16xi32> to vector<1xi32>
      %squeeze3A_742 = vector.extract %slice3A_741[0] : i32 from vector<1xi32>
      %dma_start3A_743 = arith.constant 2 : i32
      %dma_start3A_744 = arith.constant 0 : i32
      %dma_start3A_745 = arith.constant 0 : i32
      %dma_start3A_746 = tpu.memref_slice %arg12[%dma_start3A_743, %dma_start3A_744, %dma_start3A_745] : memref<16x8x64xf32, #tpu.memory_space<vmem>> -> memref<1x8x64xf32, #tpu.memory_space<vmem>>
      %dma_start3A_747 = tpu.memref_squeeze %dma_start3A_746 : memref<1x8x64xf32, #tpu.memory_space<vmem>> -> memref<8x64xf32, #tpu.memory_space<vmem>>
      %dma_start3A_748 = arith.constant 0 : i32
      %dma_start3A_749 = arith.constant 0 : i32
      %dma_start3A_750 = tpu.memref_slice %arg4[%squeeze3A_742, %dma_start3A_748, %dma_start3A_749] : memref<125000x8x64xf32, #tpu.memory_space<hbm>> -> memref<1x8x64xf32, #tpu.memory_space<hbm>>
      %dma_start3A_751 = tpu.memref_squeeze %dma_start3A_750 : memref<1x8x64xf32, #tpu.memory_space<hbm>> -> memref<8x64xf32, #tpu.memory_space<hbm>>
      %dma_start3A_752 = arith.constant 0 : i32
      %dma_start3A_753 = arith.constant 0 : i32
      %dma_start3A_754 = tpu.memref_slice %arg12[%dma_start3A_743, %dma_start3A_752, %dma_start3A_753] : memref<16x8x64xf32, #tpu.memory_space<vmem>> -> memref<1x8x64xf32, #tpu.memory_space<vmem>>
      %dma_start3A_755 = tpu.memref_squeeze %dma_start3A_754 : memref<1x8x64xf32, #tpu.memory_space<vmem>> -> memref<8x64xf32, #tpu.memory_space<vmem>>
      %dma_start3A_756 = arith.constant 0 : i32
      %dma_start3A_757 = arith.constant 0 : i32
      %dma_start3A_758 = tpu.memref_slice %arg4[%squeeze3A_742, %dma_start3A_756, %dma_start3A_757] : memref<125000x8x64xf32, #tpu.memory_space<hbm>> -> memref<1x8x64xf32, #tpu.memory_space<hbm>>
      %dma_start3A_759 = tpu.memref_squeeze %dma_start3A_758 : memref<1x8x64xf32, #tpu.memory_space<hbm>> -> memref<8x64xf32, #tpu.memory_space<hbm>>
      tpu.enqueue_dma source(%dma_start3A_759 : memref<8x64xf32, #tpu.memory_space<hbm>>) target(%dma_start3A_755 : memref<8x64xf32, #tpu.memory_space<vmem>>) target_semaphore(%arg18 : memref<!tpu.dma_semaphore, #tpu.memory_space<semaphore_mem>>)
      %slice3A_760 = vector.extract_strided_slice %shift_right_logical3A_664 {offsets = [2], sizes = [1], strides = [1]} : vector<16xi32> to vector<1xi32>
      %squeeze3A_761 = vector.extract %slice3A_760[0] : i32 from vector<1xi32>
      %dma_start3A_762 = arith.constant 2 : i32
      %dma_start3A_763 = arith.constant 0 : i32
      %dma_start3A_764 = arith.constant 0 : i32
      %dma_start3A_765 = tpu.memref_slice %arg14[%dma_start3A_762, %dma_start3A_763, %dma_start3A_764] : memref<16x8x64xf32, #tpu.memory_space<vmem>> -> memref<1x8x64xf32, #tpu.memory_space<vmem>>
      %dma_start3A_766 = tpu.memref_squeeze %dma_start3A_765 : memref<1x8x64xf32, #tpu.memory_space<vmem>> -> memref<8x64xf32, #tpu.memory_space<vmem>>
      %dma_start3A_767 = arith.constant 0 : i32
      %dma_start3A_768 = arith.constant 0 : i32
      %dma_start3A_769 = tpu.memref_slice %arg5[%squeeze3A_761, %dma_start3A_767, %dma_start3A_768] : memref<125000x8x64xf32, #tpu.memory_space<hbm>> -> memref<1x8x64xf32, #tpu.memory_space<hbm>>
      %dma_start3A_770 = tpu.memref_squeeze %dma_start3A_769 : memref<1x8x64xf32, #tpu.memory_space<hbm>> -> memref<8x64xf32, #tpu.memory_space<hbm>>
      %dma_start3A_771 = arith.constant 0 : i32
      %dma_start3A_772 = arith.constant 0 : i32
      %dma_start3A_773 = tpu.memref_slice %arg14[%dma_start3A_762, %dma_start3A_771, %dma_start3A_772] : memref<16x8x64xf32, #tpu.memory_space<vmem>> -> memref<1x8x64xf32, #tpu.memory_space<vmem>>
      %dma_start3A_774 = tpu.memref_squeeze %dma_start3A_773 : memref<1x8x64xf32, #tpu.memory_space<vmem>> -> memref<8x64xf32, #tpu.memory_space<vmem>>
      %dma_start3A_775 = arith.constant 0 : i32
      %dma_start3A_776 = arith.constant 0 : i32
      %dma_start3A_777 = tpu.memref_slice %arg5[%squeeze3A_761, %dma_start3A_775, %dma_start3A_776] : memref<125000x8x64xf32, #tpu.memory_space<hbm>> -> memref<1x8x64xf32, #tpu.memory_space<hbm>>
      %dma_start3A_778 = tpu.memref_squeeze %dma_start3A_777 : memref<1x8x64xf32, #tpu.memory_space<hbm>> -> memref<8x64xf32, #tpu.memory_space<hbm>>
      tpu.enqueue_dma source(%dma_start3A_778 : memref<8x64xf32, #tpu.memory_space<hbm>>) target(%dma_start3A_774 : memref<8x64xf32, #tpu.memory_space<vmem>>) target_semaphore(%arg19 : memref<!tpu.dma_semaphore, #tpu.memory_space<semaphore_mem>>)
      %slice3A_779 = vector.extract_strided_slice %shift_right_logical3A_657 {offsets = [3], sizes = [1], strides = [1]} : vector<16xi32> to vector<1xi32>
      %squeeze3A_780 = vector.extract %slice3A_779[0] : i32 from vector<1xi32>
      %dma_start3A_781 = arith.constant 3 : i32
      %dma_start3A_782 = arith.constant 0 : i32
      %dma_start3A_783 = arith.constant 0 : i32
      %dma_start3A_784 = tpu.memref_slice %arg12[%dma_start3A_781, %dma_start3A_782, %dma_start3A_783] : memref<16x8x64xf32, #tpu.memory_space<vmem>> -> memref<1x8x64xf32, #tpu.memory_space<vmem>>
      %dma_start3A_785 = tpu.memref_squeeze %dma_start3A_784 : memref<1x8x64xf32, #tpu.memory_space<vmem>> -> memref<8x64xf32, #tpu.memory_space<vmem>>
      %dma_start3A_786 = arith.constant 0 : i32
      %dma_start3A_787 = arith.constant 0 : i32
      %dma_start3A_788 = tpu.memref_slice %arg4[%squeeze3A_780, %dma_start3A_786, %dma_start3A_787] : memref<125000x8x64xf32, #tpu.memory_space<hbm>> -> memref<1x8x64xf32, #tpu.memory_space<hbm>>
      %dma_start3A_789 = tpu.memref_squeeze %dma_start3A_788 : memref<1x8x64xf32, #tpu.memory_space<hbm>> -> memref<8x64xf32, #tpu.memory_space<hbm>>
      %dma_start3A_790 = arith.constant 0 : i32
      %dma_start3A_791 = arith.constant 0 : i32
      %dma_start3A_792 = tpu.memref_slice %arg12[%dma_start3A_781, %dma_start3A_790, %dma_start3A_791] : memref<16x8x64xf32, #tpu.memory_space<vmem>> -> memref<1x8x64xf32, #tpu.memory_space<vmem>>
      %dma_start3A_793 = tpu.memref_squeeze %dma_start3A_792 : memref<1x8x64xf32, #tpu.memory_space<vmem>> -> memref<8x64xf32, #tpu.memory_space<vmem>>
      %dma_start3A_794 = arith.constant 0 : i32
      %dma_start3A_795 = arith.constant 0 : i32
      %dma_start3A_796 = tpu.memref_slice %arg4[%squeeze3A_780, %dma_start3A_794, %dma_start3A_795] : memref<125000x8x64xf32, #tpu.memory_space<hbm>> -> memref<1x8x64xf32, #tpu.memory_space<hbm>>
      %dma_start3A_797 = tpu.memref_squeeze %dma_start3A_796 : memref<1x8x64xf32, #tpu.memory_space<hbm>> -> memref<8x64xf32, #tpu.memory_space<hbm>>
      tpu.enqueue_dma source(%dma_start3A_797 : memref<8x64xf32, #tpu.memory_space<hbm>>) target(%dma_start3A_793 : memref<8x64xf32, #tpu.memory_space<vmem>>) target_semaphore(%arg18 : memref<!tpu.dma_semaphore, #tpu.memory_space<semaphore_mem>>)
      %slice3A_798 = vector.extract_strided_slice %shift_right_logical3A_664 {offsets = [3], sizes = [1], strides = [1]} : vector<16xi32> to vector<1xi32>
      %squeeze3A_799 = vector.extract %slice3A_798[0] : i32 from vector<1xi32>
      %dma_start3A_800 = arith.constant 3 : i32
      %dma_start3A_801 = arith.constant 0 : i32
      %dma_start3A_802 = arith.constant 0 : i32
      %dma_start3A_803 = tpu.memref_slice %arg14[%dma_start3A_800, %dma_start3A_801, %dma_start3A_802] : memref<16x8x64xf32, #tpu.memory_space<vmem>> -> memref<1x8x64xf32, #tpu.memory_space<vmem>>
      %dma_start3A_804 = tpu.memref_squeeze %dma_start3A_803 : memref<1x8x64xf32, #tpu.memory_space<vmem>> -> memref<8x64xf32, #tpu.memory_space<vmem>>
      %dma_start3A_805 = arith.constant 0 : i32
      %dma_start3A_806 = arith.constant 0 : i32
      %dma_start3A_807 = tpu.memref_slice %arg5[%squeeze3A_799, %dma_start3A_805, %dma_start3A_806] : memref<125000x8x64xf32, #tpu.memory_space<hbm>> -> memref<1x8x64xf32, #tpu.memory_space<hbm>>
      %dma_start3A_808 = tpu.memref_squeeze %dma_start3A_807 : memref<1x8x64xf32, #tpu.memory_space<hbm>> -> memref<8x64xf32, #tpu.memory_space<hbm>>
      %dma_start3A_809 = arith.constant 0 : i32
      %dma_start3A_810 = arith.constant 0 : i32
      %dma_start3A_811 = tpu.memref_slice %arg14[%dma_start3A_800, %dma_start3A_809, %dma_start3A_810] : memref<16x8x64xf32, #tpu.memory_space<vmem>> -> memref<1x8x64xf32, #tpu.memory_space<vmem>>
      %dma_start3A_812 = tpu.memref_squeeze %dma_start3A_811 : memref<1x8x64xf32, #tpu.memory_space<vmem>> -> memref<8x64xf32, #tpu.memory_space<vmem>>
      %dma_start3A_813 = arith.constant 0 : i32
      %dma_start3A_814 = arith.constant 0 : i32
      %dma_start3A_815 = tpu.memref_slice %arg5[%squeeze3A_799, %dma_start3A_813, %dma_start3A_814] : memref<125000x8x64xf32, #tpu.memory_space<hbm>> -> memref<1x8x64xf32, #tpu.memory_space<hbm>>
      %dma_start3A_816 = tpu.memref_squeeze %dma_start3A_815 : memref<1x8x64xf32, #tpu.memory_space<hbm>> -> memref<8x64xf32, #tpu.memory_space<hbm>>
      tpu.enqueue_dma source(%dma_start3A_816 : memref<8x64xf32, #tpu.memory_space<hbm>>) target(%dma_start3A_812 : memref<8x64xf32, #tpu.memory_space<vmem>>) target_semaphore(%arg19 : memref<!tpu.dma_semaphore, #tpu.memory_space<semaphore_mem>>)
      %slice3A_817 = vector.extract_strided_slice %shift_right_logical3A_657 {offsets = [4], sizes = [1], strides = [1]} : vector<16xi32> to vector<1xi32>
      %squeeze3A_818 = vector.extract %slice3A_817[0] : i32 from vector<1xi32>
      %dma_start3A_819 = arith.constant 4 : i32
      %dma_start3A_820 = arith.constant 0 : i32
      %dma_start3A_821 = arith.constant 0 : i32
      %dma_start3A_822 = tpu.memref_slice %arg12[%dma_start3A_819, %dma_start3A_820, %dma_start3A_821] : memref<16x8x64xf32, #tpu.memory_space<vmem>> -> memref<1x8x64xf32, #tpu.memory_space<vmem>>
      %dma_start3A_823 = tpu.memref_squeeze %dma_start3A_822 : memref<1x8x64xf32, #tpu.memory_space<vmem>> -> memref<8x64xf32, #tpu.memory_space<vmem>>
      %dma_start3A_824 = arith.constant 0 : i32
      %dma_start3A_825 = arith.constant 0 : i32
      %dma_start3A_826 = tpu.memref_slice %arg4[%squeeze3A_818, %dma_start3A_824, %dma_start3A_825] : memref<125000x8x64xf32, #tpu.memory_space<hbm>> -> memref<1x8x64xf32, #tpu.memory_space<hbm>>
      %dma_start3A_827 = tpu.memref_squeeze %dma_start3A_826 : memref<1x8x64xf32, #tpu.memory_space<hbm>> -> memref<8x64xf32, #tpu.memory_space<hbm>>
      %dma_start3A_828 = arith.constant 0 : i32
      %dma_start3A_829 = arith.constant 0 : i32
      %dma_start3A_830 = tpu.memref_slice %arg12[%dma_start3A_819, %dma_start3A_828, %dma_start3A_829] : memref<16x8x64xf32, #tpu.memory_space<vmem>> -> memref<1x8x64xf32, #tpu.memory_space<vmem>>
      %dma_start3A_831 = tpu.memref_squeeze %dma_start3A_830 : memref<1x8x64xf32, #tpu.memory_space<vmem>> -> memref<8x64xf32, #tpu.memory_space<vmem>>
      %dma_start3A_832 = arith.constant 0 : i32
      %dma_start3A_833 = arith.constant 0 : i32
      %dma_start3A_834 = tpu.memref_slice %arg4[%squeeze3A_818, %dma_start3A_832, %dma_start3A_833] : memref<125000x8x64xf32, #tpu.memory_space<hbm>> -> memref<1x8x64xf32, #tpu.memory_space<hbm>>
      %dma_start3A_835 = tpu.memref_squeeze %dma_start3A_834 : memref<1x8x64xf32, #tpu.memory_space<hbm>> -> memref<8x64xf32, #tpu.memory_space<hbm>>
      tpu.enqueue_dma source(%dma_start3A_835 : memref<8x64xf32, #tpu.memory_space<hbm>>) target(%dma_start3A_831 : memref<8x64xf32, #tpu.memory_space<vmem>>) target_semaphore(%arg18 : memref<!tpu.dma_semaphore, #tpu.memory_space<semaphore_mem>>)
      %slice3A_836 = vector.extract_strided_slice %shift_right_logical3A_664 {offsets = [4], sizes = [1], strides = [1]} : vector<16xi32> to vector<1xi32>
      %squeeze3A_837 = vector.extract %slice3A_836[0] : i32 from vector<1xi32>
      %dma_start3A_838 = arith.constant 4 : i32
      %dma_start3A_839 = arith.constant 0 : i32
      %dma_start3A_840 = arith.constant 0 : i32
      %dma_start3A_841 = tpu.memref_slice %arg14[%dma_start3A_838, %dma_start3A_839, %dma_start3A_840] : memref<16x8x64xf32, #tpu.memory_space<vmem>> -> memref<1x8x64xf32, #tpu.memory_space<vmem>>
      %dma_start3A_842 = tpu.memref_squeeze %dma_start3A_841 : memref<1x8x64xf32, #tpu.memory_space<vmem>> -> memref<8x64xf32, #tpu.memory_space<vmem>>
      %dma_start3A_843 = arith.constant 0 : i32
      %dma_start3A_844 = arith.constant 0 : i32
      %dma_start3A_845 = tpu.memref_slice %arg5[%squeeze3A_837, %dma_start3A_843, %dma_start3A_844] : memref<125000x8x64xf32, #tpu.memory_space<hbm>> -> memref<1x8x64xf32, #tpu.memory_space<hbm>>
      %dma_start3A_846 = tpu.memref_squeeze %dma_start3A_845 : memref<1x8x64xf32, #tpu.memory_space<hbm>> -> memref<8x64xf32, #tpu.memory_space<hbm>>
      %dma_start3A_847 = arith.constant 0 : i32
      %dma_start3A_848 = arith.constant 0 : i32
      %dma_start3A_849 = tpu.memref_slice %arg14[%dma_start3A_838, %dma_start3A_847, %dma_start3A_848] : memref<16x8x64xf32, #tpu.memory_space<vmem>> -> memref<1x8x64xf32, #tpu.memory_space<vmem>>
      %dma_start3A_850 = tpu.memref_squeeze %dma_start3A_849 : memref<1x8x64xf32, #tpu.memory_space<vmem>> -> memref<8x64xf32, #tpu.memory_space<vmem>>
      %dma_start3A_851 = arith.constant 0 : i32
      %dma_start3A_852 = arith.constant 0 : i32
      %dma_start3A_853 = tpu.memref_slice %arg5[%squeeze3A_837, %dma_start3A_851, %dma_start3A_852] : memref<125000x8x64xf32, #tpu.memory_space<hbm>> -> memref<1x8x64xf32, #tpu.memory_space<hbm>>
      %dma_start3A_854 = tpu.memref_squeeze %dma_start3A_853 : memref<1x8x64xf32, #tpu.memory_space<hbm>> -> memref<8x64xf32, #tpu.memory_space<hbm>>
      tpu.enqueue_dma source(%dma_start3A_854 : memref<8x64xf32, #tpu.memory_space<hbm>>) target(%dma_start3A_850 : memref<8x64xf32, #tpu.memory_space<vmem>>) target_semaphore(%arg19 : memref<!tpu.dma_semaphore, #tpu.memory_space<semaphore_mem>>)
      %slice3A_855 = vector.extract_strided_slice %shift_right_logical3A_657 {offsets = [5], sizes = [1], strides = [1]} : vector<16xi32> to vector<1xi32>
      %squeeze3A_856 = vector.extract %slice3A_855[0] : i32 from vector<1xi32>
      %dma_start3A_857 = arith.constant 5 : i32
      %dma_start3A_858 = arith.constant 0 : i32
      %dma_start3A_859 = arith.constant 0 : i32
      %dma_start3A_860 = tpu.memref_slice %arg12[%dma_start3A_857, %dma_start3A_858, %dma_start3A_859] : memref<16x8x64xf32, #tpu.memory_space<vmem>> -> memref<1x8x64xf32, #tpu.memory_space<vmem>>
      %dma_start3A_861 = tpu.memref_squeeze %dma_start3A_860 : memref<1x8x64xf32, #tpu.memory_space<vmem>> -> memref<8x64xf32, #tpu.memory_space<vmem>>
      %dma_start3A_862 = arith.constant 0 : i32
      %dma_start3A_863 = arith.constant 0 : i32
      %dma_start3A_864 = tpu.memref_slice %arg4[%squeeze3A_856, %dma_start3A_862, %dma_start3A_863] : memref<125000x8x64xf32, #tpu.memory_space<hbm>> -> memref<1x8x64xf32, #tpu.memory_space<hbm>>
      %dma_start3A_865 = tpu.memref_squeeze %dma_start3A_864 : memref<1x8x64xf32, #tpu.memory_space<hbm>> -> memref<8x64xf32, #tpu.memory_space<hbm>>
      %dma_start3A_866 = arith.constant 0 : i32
      %dma_start3A_867 = arith.constant 0 : i32
      %dma_start3A_868 = tpu.memref_slice %arg12[%dma_start3A_857, %dma_start3A_866, %dma_start3A_867] : memref<16x8x64xf32, #tpu.memory_space<vmem>> -> memref<1x8x64xf32, #tpu.memory_space<vmem>>
      %dma_start3A_869 = tpu.memref_squeeze %dma_start3A_868 : memref<1x8x64xf32, #tpu.memory_space<vmem>> -> memref<8x64xf32, #tpu.memory_space<vmem>>
      %dma_start3A_870 = arith.constant 0 : i32
      %dma_start3A_871 = arith.constant 0 : i32
      %dma_start3A_872 = tpu.memref_slice %arg4[%squeeze3A_856, %dma_start3A_870, %dma_start3A_871] : memref<125000x8x64xf32, #tpu.memory_space<hbm>> -> memref<1x8x64xf32, #tpu.memory_space<hbm>>
      %dma_start3A_873 = tpu.memref_squeeze %dma_start3A_872 : memref<1x8x64xf32, #tpu.memory_space<hbm>> -> memref<8x64xf32, #tpu.memory_space<hbm>>
      tpu.enqueue_dma source(%dma_start3A_873 : memref<8x64xf32, #tpu.memory_space<hbm>>) target(%dma_start3A_869 : memref<8x64xf32, #tpu.memory_space<vmem>>) target_semaphore(%arg18 : memref<!tpu.dma_semaphore, #tpu.memory_space<semaphore_mem>>)
      %slice3A_874 = vector.extract_strided_slice %shift_right_logical3A_664 {offsets = [5], sizes = [1], strides = [1]} : vector<16xi32> to vector<1xi32>
      %squeeze3A_875 = vector.extract %slice3A_874[0] : i32 from vector<1xi32>
      %dma_start3A_876 = arith.constant 5 : i32
      %dma_start3A_877 = arith.constant 0 : i32
      %dma_start3A_878 = arith.constant 0 : i32
      %dma_start3A_879 = tpu.memref_slice %arg14[%dma_start3A_876, %dma_start3A_877, %dma_start3A_878] : memref<16x8x64xf32, #tpu.memory_space<vmem>> -> memref<1x8x64xf32, #tpu.memory_space<vmem>>
      %dma_start3A_880 = tpu.memref_squeeze %dma_start3A_879 : memref<1x8x64xf32, #tpu.memory_space<vmem>> -> memref<8x64xf32, #tpu.memory_space<vmem>>
      %dma_start3A_881 = arith.constant 0 : i32
      %dma_start3A_882 = arith.constant 0 : i32
      %dma_start3A_883 = tpu.memref_slice %arg5[%squeeze3A_875, %dma_start3A_881, %dma_start3A_882] : memref<125000x8x64xf32, #tpu.memory_space<hbm>> -> memref<1x8x64xf32, #tpu.memory_space<hbm>>
      %dma_start3A_884 = tpu.memref_squeeze %dma_start3A_883 : memref<1x8x64xf32, #tpu.memory_space<hbm>> -> memref<8x64xf32, #tpu.memory_space<hbm>>
      %dma_start3A_885 = arith.constant 0 : i32
      %dma_start3A_886 = arith.constant 0 : i32
      %dma_start3A_887 = tpu.memref_slice %arg14[%dma_start3A_876, %dma_start3A_885, %dma_start3A_886] : memref<16x8x64xf32, #tpu.memory_space<vmem>> -> memref<1x8x64xf32, #tpu.memory_space<vmem>>
      %dma_start3A_888 = tpu.memref_squeeze %dma_start3A_887 : memref<1x8x64xf32, #tpu.memory_space<vmem>> -> memref<8x64xf32, #tpu.memory_space<vmem>>
      %dma_start3A_889 = arith.constant 0 : i32
      %dma_start3A_890 = arith.constant 0 : i32
      %dma_start3A_891 = tpu.memref_slice %arg5[%squeeze3A_875, %dma_start3A_889, %dma_start3A_890] : memref<125000x8x64xf32, #tpu.memory_space<hbm>> -> memref<1x8x64xf32, #tpu.memory_space<hbm>>
      %dma_start3A_892 = tpu.memref_squeeze %dma_start3A_891 : memref<1x8x64xf32, #tpu.memory_space<hbm>> -> memref<8x64xf32, #tpu.memory_space<hbm>>
      tpu.enqueue_dma source(%dma_start3A_892 : memref<8x64xf32, #tpu.memory_space<hbm>>) target(%dma_start3A_888 : memref<8x64xf32, #tpu.memory_space<vmem>>) target_semaphore(%arg19 : memref<!tpu.dma_semaphore, #tpu.memory_space<semaphore_mem>>)
      %slice3A_893 = vector.extract_strided_slice %shift_right_logical3A_657 {offsets = [6], sizes = [1], strides = [1]} : vector<16xi32> to vector<1xi32>
      %squeeze3A_894 = vector.extract %slice3A_893[0] : i32 from vector<1xi32>
      %dma_start3A_895 = arith.constant 6 : i32
      %dma_start3A_896 = arith.constant 0 : i32
      %dma_start3A_897 = arith.constant 0 : i32
      %dma_start3A_898 = tpu.memref_slice %arg12[%dma_start3A_895, %dma_start3A_896, %dma_start3A_897] : memref<16x8x64xf32, #tpu.memory_space<vmem>> -> memref<1x8x64xf32, #tpu.memory_space<vmem>>
      %dma_start3A_899 = tpu.memref_squeeze %dma_start3A_898 : memref<1x8x64xf32, #tpu.memory_space<vmem>> -> memref<8x64xf32, #tpu.memory_space<vmem>>
      %dma_start3A_900 = arith.constant 0 : i32
      %dma_start3A_901 = arith.constant 0 : i32
      %dma_start3A_902 = tpu.memref_slice %arg4[%squeeze3A_894, %dma_start3A_900, %dma_start3A_901] : memref<125000x8x64xf32, #tpu.memory_space<hbm>> -> memref<1x8x64xf32, #tpu.memory_space<hbm>>
      %dma_start3A_903 = tpu.memref_squeeze %dma_start3A_902 : memref<1x8x64xf32, #tpu.memory_space<hbm>> -> memref<8x64xf32, #tpu.memory_space<hbm>>
      %dma_start3A_904 = arith.constant 0 : i32
      %dma_start3A_905 = arith.constant 0 : i32
      %dma_start3A_906 = tpu.memref_slice %arg12[%dma_start3A_895, %dma_start3A_904, %dma_start3A_905] : memref<16x8x64xf32, #tpu.memory_space<vmem>> -> memref<1x8x64xf32, #tpu.memory_space<vmem>>
      %dma_start3A_907 = tpu.memref_squeeze %dma_start3A_906 : memref<1x8x64xf32, #tpu.memory_space<vmem>> -> memref<8x64xf32, #tpu.memory_space<vmem>>
      %dma_start3A_908 = arith.constant 0 : i32
      %dma_start3A_909 = arith.constant 0 : i32
      %dma_start3A_910 = tpu.memref_slice %arg4[%squeeze3A_894, %dma_start3A_908, %dma_start3A_909] : memref<125000x8x64xf32, #tpu.memory_space<hbm>> -> memref<1x8x64xf32, #tpu.memory_space<hbm>>
      %dma_start3A_911 = tpu.memref_squeeze %dma_start3A_910 : memref<1x8x64xf32, #tpu.memory_space<hbm>> -> memref<8x64xf32, #tpu.memory_space<hbm>>
      tpu.enqueue_dma source(%dma_start3A_911 : memref<8x64xf32, #tpu.memory_space<hbm>>) target(%dma_start3A_907 : memref<8x64xf32, #tpu.memory_space<vmem>>) target_semaphore(%arg18 : memref<!tpu.dma_semaphore, #tpu.memory_space<semaphore_mem>>)
      %slice3A_912 = vector.extract_strided_slice %shift_right_logical3A_664 {offsets = [6], sizes = [1], strides = [1]} : vector<16xi32> to vector<1xi32>
      %squeeze3A_913 = vector.extract %slice3A_912[0] : i32 from vector<1xi32>
      %dma_start3A_914 = arith.constant 6 : i32
      %dma_start3A_915 = arith.constant 0 : i32
      %dma_start3A_916 = arith.constant 0 : i32
      %dma_start3A_917 = tpu.memref_slice %arg14[%dma_start3A_914, %dma_start3A_915, %dma_start3A_916] : memref<16x8x64xf32, #tpu.memory_space<vmem>> -> memref<1x8x64xf32, #tpu.memory_space<vmem>>
      %dma_start3A_918 = tpu.memref_squeeze %dma_start3A_917 : memref<1x8x64xf32, #tpu.memory_space<vmem>> -> memref<8x64xf32, #tpu.memory_space<vmem>>
      %dma_start3A_919 = arith.constant 0 : i32
      %dma_start3A_920 = arith.constant 0 : i32
      %dma_start3A_921 = tpu.memref_slice %arg5[%squeeze3A_913, %dma_start3A_919, %dma_start3A_920] : memref<125000x8x64xf32, #tpu.memory_space<hbm>> -> memref<1x8x64xf32, #tpu.memory_space<hbm>>
      %dma_start3A_922 = tpu.memref_squeeze %dma_start3A_921 : memref<1x8x64xf32, #tpu.memory_space<hbm>> -> memref<8x64xf32, #tpu.memory_space<hbm>>
      %dma_start3A_923 = arith.constant 0 : i32
      %dma_start3A_924 = arith.constant 0 : i32
      %dma_start3A_925 = tpu.memref_slice %arg14[%dma_start3A_914, %dma_start3A_923, %dma_start3A_924] : memref<16x8x64xf32, #tpu.memory_space<vmem>> -> memref<1x8x64xf32, #tpu.memory_space<vmem>>
      %dma_start3A_926 = tpu.memref_squeeze %dma_start3A_925 : memref<1x8x64xf32, #tpu.memory_space<vmem>> -> memref<8x64xf32, #tpu.memory_space<vmem>>
      %dma_start3A_927 = arith.constant 0 : i32
      %dma_start3A_928 = arith.constant 0 : i32
      %dma_start3A_929 = tpu.memref_slice %arg5[%squeeze3A_913, %dma_start3A_927, %dma_start3A_928] : memref<125000x8x64xf32, #tpu.memory_space<hbm>> -> memref<1x8x64xf32, #tpu.memory_space<hbm>>
      %dma_start3A_930 = tpu.memref_squeeze %dma_start3A_929 : memref<1x8x64xf32, #tpu.memory_space<hbm>> -> memref<8x64xf32, #tpu.memory_space<hbm>>
      tpu.enqueue_dma source(%dma_start3A_930 : memref<8x64xf32, #tpu.memory_space<hbm>>) target(%dma_start3A_926 : memref<8x64xf32, #tpu.memory_space<vmem>>) target_semaphore(%arg19 : memref<!tpu.dma_semaphore, #tpu.memory_space<semaphore_mem>>)
      %slice3A_931 = vector.extract_strided_slice %shift_right_logical3A_657 {offsets = [7], sizes = [1], strides = [1]} : vector<16xi32> to vector<1xi32>
      %squeeze3A_932 = vector.extract %slice3A_931[0] : i32 from vector<1xi32>
      %dma_start3A_933 = arith.constant 7 : i32
      %dma_start3A_934 = arith.constant 0 : i32
      %dma_start3A_935 = arith.constant 0 : i32
      %dma_start3A_936 = tpu.memref_slice %arg12[%dma_start3A_933, %dma_start3A_934, %dma_start3A_935] : memref<16x8x64xf32, #tpu.memory_space<vmem>> -> memref<1x8x64xf32, #tpu.memory_space<vmem>>
      %dma_start3A_937 = tpu.memref_squeeze %dma_start3A_936 : memref<1x8x64xf32, #tpu.memory_space<vmem>> -> memref<8x64xf32, #tpu.memory_space<vmem>>
      %dma_start3A_938 = arith.constant 0 : i32
      %dma_start3A_939 = arith.constant 0 : i32
      %dma_start3A_940 = tpu.memref_slice %arg4[%squeeze3A_932, %dma_start3A_938, %dma_start3A_939] : memref<125000x8x64xf32, #tpu.memory_space<hbm>> -> memref<1x8x64xf32, #tpu.memory_space<hbm>>
      %dma_start3A_941 = tpu.memref_squeeze %dma_start3A_940 : memref<1x8x64xf32, #tpu.memory_space<hbm>> -> memref<8x64xf32, #tpu.memory_space<hbm>>
      %dma_start3A_942 = arith.constant 0 : i32
      %dma_start3A_943 = arith.constant 0 : i32
      %dma_start3A_944 = tpu.memref_slice %arg12[%dma_start3A_933, %dma_start3A_942, %dma_start3A_943] : memref<16x8x64xf32, #tpu.memory_space<vmem>> -> memref<1x8x64xf32, #tpu.memory_space<vmem>>
      %dma_start3A_945 = tpu.memref_squeeze %dma_start3A_944 : memref<1x8x64xf32, #tpu.memory_space<vmem>> -> memref<8x64xf32, #tpu.memory_space<vmem>>
      %dma_start3A_946 = arith.constant 0 : i32
      %dma_start3A_947 = arith.constant 0 : i32
      %dma_start3A_948 = tpu.memref_slice %arg4[%squeeze3A_932, %dma_start3A_946, %dma_start3A_947] : memref<125000x8x64xf32, #tpu.memory_space<hbm>> -> memref<1x8x64xf32, #tpu.memory_space<hbm>>
      %dma_start3A_949 = tpu.memref_squeeze %dma_start3A_948 : memref<1x8x64xf32, #tpu.memory_space<hbm>> -> memref<8x64xf32, #tpu.memory_space<hbm>>
      tpu.enqueue_dma source(%dma_start3A_949 : memref<8x64xf32, #tpu.memory_space<hbm>>) target(%dma_start3A_945 : memref<8x64xf32, #tpu.memory_space<vmem>>) target_semaphore(%arg18 : memref<!tpu.dma_semaphore, #tpu.memory_space<semaphore_mem>>)
      %slice3A_950 = vector.extract_strided_slice %shift_right_logical3A_664 {offsets = [7], sizes = [1], strides = [1]} : vector<16xi32> to vector<1xi32>
      %squeeze3A_951 = vector.extract %slice3A_950[0] : i32 from vector<1xi32>
      %dma_start3A_952 = arith.constant 7 : i32
      %dma_start3A_953 = arith.constant 0 : i32
      %dma_start3A_954 = arith.constant 0 : i32
      %dma_start3A_955 = tpu.memref_slice %arg14[%dma_start3A_952, %dma_start3A_953, %dma_start3A_954] : memref<16x8x64xf32, #tpu.memory_space<vmem>> -> memref<1x8x64xf32, #tpu.memory_space<vmem>>
      %dma_start3A_956 = tpu.memref_squeeze %dma_start3A_955 : memref<1x8x64xf32, #tpu.memory_space<vmem>> -> memref<8x64xf32, #tpu.memory_space<vmem>>
      %dma_start3A_957 = arith.constant 0 : i32
      %dma_start3A_958 = arith.constant 0 : i32
      %dma_start3A_959 = tpu.memref_slice %arg5[%squeeze3A_951, %dma_start3A_957, %dma_start3A_958] : memref<125000x8x64xf32, #tpu.memory_space<hbm>> -> memref<1x8x64xf32, #tpu.memory_space<hbm>>
      %dma_start3A_960 = tpu.memref_squeeze %dma_start3A_959 : memref<1x8x64xf32, #tpu.memory_space<hbm>> -> memref<8x64xf32, #tpu.memory_space<hbm>>
      %dma_start3A_961 = arith.constant 0 : i32
      %dma_start3A_962 = arith.constant 0 : i32
      %dma_start3A_963 = tpu.memref_slice %arg14[%dma_start3A_952, %dma_start3A_961, %dma_start3A_962] : memref<16x8x64xf32, #tpu.memory_space<vmem>> -> memref<1x8x64xf32, #tpu.memory_space<vmem>>
      %dma_start3A_964 = tpu.memref_squeeze %dma_start3A_963 : memref<1x8x64xf32, #tpu.memory_space<vmem>> -> memref<8x64xf32, #tpu.memory_space<vmem>>
      %dma_start3A_965 = arith.constant 0 : i32
      %dma_start3A_966 = arith.constant 0 : i32
      %dma_start3A_967 = tpu.memref_slice %arg5[%squeeze3A_951, %dma_start3A_965, %dma_start3A_966] : memref<125000x8x64xf32, #tpu.memory_space<hbm>> -> memref<1x8x64xf32, #tpu.memory_space<hbm>>
      %dma_start3A_968 = tpu.memref_squeeze %dma_start3A_967 : memref<1x8x64xf32, #tpu.memory_space<hbm>> -> memref<8x64xf32, #tpu.memory_space<hbm>>
      tpu.enqueue_dma source(%dma_start3A_968 : memref<8x64xf32, #tpu.memory_space<hbm>>) target(%dma_start3A_964 : memref<8x64xf32, #tpu.memory_space<vmem>>) target_semaphore(%arg19 : memref<!tpu.dma_semaphore, #tpu.memory_space<semaphore_mem>>)
      %slice3A_969 = vector.extract_strided_slice %shift_right_logical3A_657 {offsets = [8], sizes = [1], strides = [1]} : vector<16xi32> to vector<1xi32>
      %squeeze3A_970 = vector.extract %slice3A_969[0] : i32 from vector<1xi32>
      %dma_start3A_971 = arith.constant 8 : i32
      %dma_start3A_972 = arith.constant 0 : i32
      %dma_start3A_973 = arith.constant 0 : i32
      %dma_start3A_974 = tpu.memref_slice %arg12[%dma_start3A_971, %dma_start3A_972, %dma_start3A_973] : memref<16x8x64xf32, #tpu.memory_space<vmem>> -> memref<1x8x64xf32, #tpu.memory_space<vmem>>
      %dma_start3A_975 = tpu.memref_squeeze %dma_start3A_974 : memref<1x8x64xf32, #tpu.memory_space<vmem>> -> memref<8x64xf32, #tpu.memory_space<vmem>>
      %dma_start3A_976 = arith.constant 0 : i32
      %dma_start3A_977 = arith.constant 0 : i32
      %dma_start3A_978 = tpu.memref_slice %arg4[%squeeze3A_970, %dma_start3A_976, %dma_start3A_977] : memref<125000x8x64xf32, #tpu.memory_space<hbm>> -> memref<1x8x64xf32, #tpu.memory_space<hbm>>
      %dma_start3A_979 = tpu.memref_squeeze %dma_start3A_978 : memref<1x8x64xf32, #tpu.memory_space<hbm>> -> memref<8x64xf32, #tpu.memory_space<hbm>>
      %dma_start3A_980 = arith.constant 0 : i32
      %dma_start3A_981 = arith.constant 0 : i32
      %dma_start3A_982 = tpu.memref_slice %arg12[%dma_start3A_971, %dma_start3A_980, %dma_start3A_981] : memref<16x8x64xf32, #tpu.memory_space<vmem>> -> memref<1x8x64xf32, #tpu.memory_space<vmem>>
      %dma_start3A_983 = tpu.memref_squeeze %dma_start3A_982 : memref<1x8x64xf32, #tpu.memory_space<vmem>> -> memref<8x64xf32, #tpu.memory_space<vmem>>
      %dma_start3A_984 = arith.constant 0 : i32
      %dma_start3A_985 = arith.constant 0 : i32
      %dma_start3A_986 = tpu.memref_slice %arg4[%squeeze3A_970, %dma_start3A_984, %dma_start3A_985] : memref<125000x8x64xf32, #tpu.memory_space<hbm>> -> memref<1x8x64xf32, #tpu.memory_space<hbm>>
      %dma_start3A_987 = tpu.memref_squeeze %dma_start3A_986 : memref<1x8x64xf32, #tpu.memory_space<hbm>> -> memref<8x64xf32, #tpu.memory_space<hbm>>
      tpu.enqueue_dma source(%dma_start3A_987 : memref<8x64xf32, #tpu.memory_space<hbm>>) target(%dma_start3A_983 : memref<8x64xf32, #tpu.memory_space<vmem>>) target_semaphore(%arg18 : memref<!tpu.dma_semaphore, #tpu.memory_space<semaphore_mem>>)
      %slice3A_988 = vector.extract_strided_slice %shift_right_logical3A_664 {offsets = [8], sizes = [1], strides = [1]} : vector<16xi32> to vector<1xi32>
      %squeeze3A_989 = vector.extract %slice3A_988[0] : i32 from vector<1xi32>
      %dma_start3A_990 = arith.constant 8 : i32
      %dma_start3A_991 = arith.constant 0 : i32
      %dma_start3A_992 = arith.constant 0 : i32
      %dma_start3A_993 = tpu.memref_slice %arg14[%dma_start3A_990, %dma_start3A_991, %dma_start3A_992] : memref<16x8x64xf32, #tpu.memory_space<vmem>> -> memref<1x8x64xf32, #tpu.memory_space<vmem>>
      %dma_start3A_994 = tpu.memref_squeeze %dma_start3A_993 : memref<1x8x64xf32, #tpu.memory_space<vmem>> -> memref<8x64xf32, #tpu.memory_space<vmem>>
      %dma_start3A_995 = arith.constant 0 : i32
      %dma_start3A_996 = arith.constant 0 : i32
      %dma_start3A_997 = tpu.memref_slice %arg5[%squeeze3A_989, %dma_start3A_995, %dma_start3A_996] : memref<125000x8x64xf32, #tpu.memory_space<hbm>> -> memref<1x8x64xf32, #tpu.memory_space<hbm>>
      %dma_start3A_998 = tpu.memref_squeeze %dma_start3A_997 : memref<1x8x64xf32, #tpu.memory_space<hbm>> -> memref<8x64xf32, #tpu.memory_space<hbm>>
      %dma_start3A_999 = arith.constant 0 : i32
      %dma_start3A_1000 = arith.constant 0 : i32
      %dma_start3A_1001 = tpu.memref_slice %arg14[%dma_start3A_990, %dma_start3A_999, %dma_start3A_1000] : memref<16x8x64xf32, #tpu.memory_space<vmem>> -> memref<1x8x64xf32, #tpu.memory_space<vmem>>
      %dma_start3A_1002 = tpu.memref_squeeze %dma_start3A_1001 : memref<1x8x64xf32, #tpu.memory_space<vmem>> -> memref<8x64xf32, #tpu.memory_space<vmem>>
      %dma_start3A_1003 = arith.constant 0 : i32
      %dma_start3A_1004 = arith.constant 0 : i32
      %dma_start3A_1005 = tpu.memref_slice %arg5[%squeeze3A_989, %dma_start3A_1003, %dma_start3A_1004] : memref<125000x8x64xf32, #tpu.memory_space<hbm>> -> memref<1x8x64xf32, #tpu.memory_space<hbm>>
      %dma_start3A_1006 = tpu.memref_squeeze %dma_start3A_1005 : memref<1x8x64xf32, #tpu.memory_space<hbm>> -> memref<8x64xf32, #tpu.memory_space<hbm>>
      tpu.enqueue_dma source(%dma_start3A_1006 : memref<8x64xf32, #tpu.memory_space<hbm>>) target(%dma_start3A_1002 : memref<8x64xf32, #tpu.memory_space<vmem>>) target_semaphore(%arg19 : memref<!tpu.dma_semaphore, #tpu.memory_space<semaphore_mem>>)
      %slice3A_1007 = vector.extract_strided_slice %shift_right_logical3A_657 {offsets = [9], sizes = [1], strides = [1]} : vector<16xi32> to vector<1xi32>
      %squeeze3A_1008 = vector.extract %slice3A_1007[0] : i32 from vector<1xi32>
      %dma_start3A_1009 = arith.constant 9 : i32
      %dma_start3A_1010 = arith.constant 0 : i32
      %dma_start3A_1011 = arith.constant 0 : i32
      %dma_start3A_1012 = tpu.memref_slice %arg12[%dma_start3A_1009, %dma_start3A_1010, %dma_start3A_1011] : memref<16x8x64xf32, #tpu.memory_space<vmem>> -> memref<1x8x64xf32, #tpu.memory_space<vmem>>
      %dma_start3A_1013 = tpu.memref_squeeze %dma_start3A_1012 : memref<1x8x64xf32, #tpu.memory_space<vmem>> -> memref<8x64xf32, #tpu.memory_space<vmem>>
      %dma_start3A_1014 = arith.constant 0 : i32
      %dma_start3A_1015 = arith.constant 0 : i32
      %dma_start3A_1016 = tpu.memref_slice %arg4[%squeeze3A_1008, %dma_start3A_1014, %dma_start3A_1015] : memref<125000x8x64xf32, #tpu.memory_space<hbm>> -> memref<1x8x64xf32, #tpu.memory_space<hbm>>
      %dma_start3A_1017 = tpu.memref_squeeze %dma_start3A_1016 : memref<1x8x64xf32, #tpu.memory_space<hbm>> -> memref<8x64xf32, #tpu.memory_space<hbm>>
      %dma_start3A_1018 = arith.constant 0 : i32
      %dma_start3A_1019 = arith.constant 0 : i32
      %dma_start3A_1020 = tpu.memref_slice %arg12[%dma_start3A_1009, %dma_start3A_1018, %dma_start3A_1019] : memref<16x8x64xf32, #tpu.memory_space<vmem>> -> memref<1x8x64xf32, #tpu.memory_space<vmem>>
      %dma_start3A_1021 = tpu.memref_squeeze %dma_start3A_1020 : memref<1x8x64xf32, #tpu.memory_space<vmem>> -> memref<8x64xf32, #tpu.memory_space<vmem>>
      %dma_start3A_1022 = arith.constant 0 : i32
      %dma_start3A_1023 = arith.constant 0 : i32
      %dma_start3A_1024 = tpu.memref_slice %arg4[%squeeze3A_1008, %dma_start3A_1022, %dma_start3A_1023] : memref<125000x8x64xf32, #tpu.memory_space<hbm>> -> memref<1x8x64xf32, #tpu.memory_space<hbm>>
      %dma_start3A_1025 = tpu.memref_squeeze %dma_start3A_1024 : memref<1x8x64xf32, #tpu.memory_space<hbm>> -> memref<8x64xf32, #tpu.memory_space<hbm>>
      tpu.enqueue_dma source(%dma_start3A_1025 : memref<8x64xf32, #tpu.memory_space<hbm>>) target(%dma_start3A_1021 : memref<8x64xf32, #tpu.memory_space<vmem>>) target_semaphore(%arg18 : memref<!tpu.dma_semaphore, #tpu.memory_space<semaphore_mem>>)
      %slice3A_1026 = vector.extract_strided_slice %shift_right_logical3A_664 {offsets = [9], sizes = [1], strides = [1]} : vector<16xi32> to vector<1xi32>
      %squeeze3A_1027 = vector.extract %slice3A_1026[0] : i32 from vector<1xi32>
      %dma_start3A_1028 = arith.constant 9 : i32
      %dma_start3A_1029 = arith.constant 0 : i32
      %dma_start3A_1030 = arith.constant 0 : i32
      %dma_start3A_1031 = tpu.memref_slice %arg14[%dma_start3A_1028, %dma_start3A_1029, %dma_start3A_1030] : memref<16x8x64xf32, #tpu.memory_space<vmem>> -> memref<1x8x64xf32, #tpu.memory_space<vmem>>
      %dma_start3A_1032 = tpu.memref_squeeze %dma_start3A_1031 : memref<1x8x64xf32, #tpu.memory_space<vmem>> -> memref<8x64xf32, #tpu.memory_space<vmem>>
      %dma_start3A_1033 = arith.constant 0 : i32
      %dma_start3A_1034 = arith.constant 0 : i32
      %dma_start3A_1035 = tpu.memref_slice %arg5[%squeeze3A_1027, %dma_start3A_1033, %dma_start3A_1034] : memref<125000x8x64xf32, #tpu.memory_space<hbm>> -> memref<1x8x64xf32, #tpu.memory_space<hbm>>
      %dma_start3A_1036 = tpu.memref_squeeze %dma_start3A_1035 : memref<1x8x64xf32, #tpu.memory_space<hbm>> -> memref<8x64xf32, #tpu.memory_space<hbm>>
      %dma_start3A_1037 = arith.constant 0 : i32
      %dma_start3A_1038 = arith.constant 0 : i32
      %dma_start3A_1039 = tpu.memref_slice %arg14[%dma_start3A_1028, %dma_start3A_1037, %dma_start3A_1038] : memref<16x8x64xf32, #tpu.memory_space<vmem>> -> memref<1x8x64xf32, #tpu.memory_space<vmem>>
      %dma_start3A_1040 = tpu.memref_squeeze %dma_start3A_1039 : memref<1x8x64xf32, #tpu.memory_space<vmem>> -> memref<8x64xf32, #tpu.memory_space<vmem>>
      %dma_start3A_1041 = arith.constant 0 : i32
      %dma_start3A_1042 = arith.constant 0 : i32
      %dma_start3A_1043 = tpu.memref_slice %arg5[%squeeze3A_1027, %dma_start3A_1041, %dma_start3A_1042] : memref<125000x8x64xf32, #tpu.memory_space<hbm>> -> memref<1x8x64xf32, #tpu.memory_space<hbm>>
      %dma_start3A_1044 = tpu.memref_squeeze %dma_start3A_1043 : memref<1x8x64xf32, #tpu.memory_space<hbm>> -> memref<8x64xf32, #tpu.memory_space<hbm>>
      tpu.enqueue_dma source(%dma_start3A_1044 : memref<8x64xf32, #tpu.memory_space<hbm>>) target(%dma_start3A_1040 : memref<8x64xf32, #tpu.memory_space<vmem>>) target_semaphore(%arg19 : memref<!tpu.dma_semaphore, #tpu.memory_space<semaphore_mem>>)
      %slice3A_1045 = vector.extract_strided_slice %shift_right_logical3A_657 {offsets = [10], sizes = [1], strides = [1]} : vector<16xi32> to vector<1xi32>
      %squeeze3A_1046 = vector.extract %slice3A_1045[0] : i32 from vector<1xi32>
      %dma_start3A_1047 = arith.constant 10 : i32
      %dma_start3A_1048 = arith.constant 0 : i32
      %dma_start3A_1049 = arith.constant 0 : i32
      %dma_start3A_1050 = tpu.memref_slice %arg12[%dma_start3A_1047, %dma_start3A_1048, %dma_start3A_1049] : memref<16x8x64xf32, #tpu.memory_space<vmem>> -> memref<1x8x64xf32, #tpu.memory_space<vmem>>
      %dma_start3A_1051 = tpu.memref_squeeze %dma_start3A_1050 : memref<1x8x64xf32, #tpu.memory_space<vmem>> -> memref<8x64xf32, #tpu.memory_space<vmem>>
      %dma_start3A_1052 = arith.constant 0 : i32
      %dma_start3A_1053 = arith.constant 0 : i32
      %dma_start3A_1054 = tpu.memref_slice %arg4[%squeeze3A_1046, %dma_start3A_1052, %dma_start3A_1053] : memref<125000x8x64xf32, #tpu.memory_space<hbm>> -> memref<1x8x64xf32, #tpu.memory_space<hbm>>
      %dma_start3A_1055 = tpu.memref_squeeze %dma_start3A_1054 : memref<1x8x64xf32, #tpu.memory_space<hbm>> -> memref<8x64xf32, #tpu.memory_space<hbm>>
      %dma_start3A_1056 = arith.constant 0 : i32
      %dma_start3A_1057 = arith.constant 0 : i32
      %dma_start3A_1058 = tpu.memref_slice %arg12[%dma_start3A_1047, %dma_start3A_1056, %dma_start3A_1057] : memref<16x8x64xf32, #tpu.memory_space<vmem>> -> memref<1x8x64xf32, #tpu.memory_space<vmem>>
      %dma_start3A_1059 = tpu.memref_squeeze %dma_start3A_1058 : memref<1x8x64xf32, #tpu.memory_space<vmem>> -> memref<8x64xf32, #tpu.memory_space<vmem>>
      %dma_start3A_1060 = arith.constant 0 : i32
      %dma_start3A_1061 = arith.constant 0 : i32
      %dma_start3A_1062 = tpu.memref_slice %arg4[%squeeze3A_1046, %dma_start3A_1060, %dma_start3A_1061] : memref<125000x8x64xf32, #tpu.memory_space<hbm>> -> memref<1x8x64xf32, #tpu.memory_space<hbm>>
      %dma_start3A_1063 = tpu.memref_squeeze %dma_start3A_1062 : memref<1x8x64xf32, #tpu.memory_space<hbm>> -> memref<8x64xf32, #tpu.memory_space<hbm>>
      tpu.enqueue_dma source(%dma_start3A_1063 : memref<8x64xf32, #tpu.memory_space<hbm>>) target(%dma_start3A_1059 : memref<8x64xf32, #tpu.memory_space<vmem>>) target_semaphore(%arg18 : memref<!tpu.dma_semaphore, #tpu.memory_space<semaphore_mem>>)
      %slice3A_1064 = vector.extract_strided_slice %shift_right_logical3A_664 {offsets = [10], sizes = [1], strides = [1]} : vector<16xi32> to vector<1xi32>
      %squeeze3A_1065 = vector.extract %slice3A_1064[0] : i32 from vector<1xi32>
      %dma_start3A_1066 = arith.constant 10 : i32
      %dma_start3A_1067 = arith.constant 0 : i32
      %dma_start3A_1068 = arith.constant 0 : i32
      %dma_start3A_1069 = tpu.memref_slice %arg14[%dma_start3A_1066, %dma_start3A_1067, %dma_start3A_1068] : memref<16x8x64xf32, #tpu.memory_space<vmem>> -> memref<1x8x64xf32, #tpu.memory_space<vmem>>
      %dma_start3A_1070 = tpu.memref_squeeze %dma_start3A_1069 : memref<1x8x64xf32, #tpu.memory_space<vmem>> -> memref<8x64xf32, #tpu.memory_space<vmem>>
      %dma_start3A_1071 = arith.constant 0 : i32
      %dma_start3A_1072 = arith.constant 0 : i32
      %dma_start3A_1073 = tpu.memref_slice %arg5[%squeeze3A_1065, %dma_start3A_1071, %dma_start3A_1072] : memref<125000x8x64xf32, #tpu.memory_space<hbm>> -> memref<1x8x64xf32, #tpu.memory_space<hbm>>
      %dma_start3A_1074 = tpu.memref_squeeze %dma_start3A_1073 : memref<1x8x64xf32, #tpu.memory_space<hbm>> -> memref<8x64xf32, #tpu.memory_space<hbm>>
      %dma_start3A_1075 = arith.constant 0 : i32
      %dma_start3A_1076 = arith.constant 0 : i32
      %dma_start3A_1077 = tpu.memref_slice %arg14[%dma_start3A_1066, %dma_start3A_1075, %dma_start3A_1076] : memref<16x8x64xf32, #tpu.memory_space<vmem>> -> memref<1x8x64xf32, #tpu.memory_space<vmem>>
      %dma_start3A_1078 = tpu.memref_squeeze %dma_start3A_1077 : memref<1x8x64xf32, #tpu.memory_space<vmem>> -> memref<8x64xf32, #tpu.memory_space<vmem>>
      %dma_start3A_1079 = arith.constant 0 : i32
      %dma_start3A_1080 = arith.constant 0 : i32
      %dma_start3A_1081 = tpu.memref_slice %arg5[%squeeze3A_1065, %dma_start3A_1079, %dma_start3A_1080] : memref<125000x8x64xf32, #tpu.memory_space<hbm>> -> memref<1x8x64xf32, #tpu.memory_space<hbm>>
      %dma_start3A_1082 = tpu.memref_squeeze %dma_start3A_1081 : memref<1x8x64xf32, #tpu.memory_space<hbm>> -> memref<8x64xf32, #tpu.memory_space<hbm>>
      tpu.enqueue_dma source(%dma_start3A_1082 : memref<8x64xf32, #tpu.memory_space<hbm>>) target(%dma_start3A_1078 : memref<8x64xf32, #tpu.memory_space<vmem>>) target_semaphore(%arg19 : memref<!tpu.dma_semaphore, #tpu.memory_space<semaphore_mem>>)
      %slice3A_1083 = vector.extract_strided_slice %shift_right_logical3A_657 {offsets = [11], sizes = [1], strides = [1]} : vector<16xi32> to vector<1xi32>
      %squeeze3A_1084 = vector.extract %slice3A_1083[0] : i32 from vector<1xi32>
      %dma_start3A_1085 = arith.constant 11 : i32
      %dma_start3A_1086 = arith.constant 0 : i32
      %dma_start3A_1087 = arith.constant 0 : i32
      %dma_start3A_1088 = tpu.memref_slice %arg12[%dma_start3A_1085, %dma_start3A_1086, %dma_start3A_1087] : memref<16x8x64xf32, #tpu.memory_space<vmem>> -> memref<1x8x64xf32, #tpu.memory_space<vmem>>
      %dma_start3A_1089 = tpu.memref_squeeze %dma_start3A_1088 : memref<1x8x64xf32, #tpu.memory_space<vmem>> -> memref<8x64xf32, #tpu.memory_space<vmem>>
      %dma_start3A_1090 = arith.constant 0 : i32
      %dma_start3A_1091 = arith.constant 0 : i32
      %dma_start3A_1092 = tpu.memref_slice %arg4[%squeeze3A_1084, %dma_start3A_1090, %dma_start3A_1091] : memref<125000x8x64xf32, #tpu.memory_space<hbm>> -> memref<1x8x64xf32, #tpu.memory_space<hbm>>
      %dma_start3A_1093 = tpu.memref_squeeze %dma_start3A_1092 : memref<1x8x64xf32, #tpu.memory_space<hbm>> -> memref<8x64xf32, #tpu.memory_space<hbm>>
      %dma_start3A_1094 = arith.constant 0 : i32
      %dma_start3A_1095 = arith.constant 0 : i32
      %dma_start3A_1096 = tpu.memref_slice %arg12[%dma_start3A_1085, %dma_start3A_1094, %dma_start3A_1095] : memref<16x8x64xf32, #tpu.memory_space<vmem>> -> memref<1x8x64xf32, #tpu.memory_space<vmem>>
      %dma_start3A_1097 = tpu.memref_squeeze %dma_start3A_1096 : memref<1x8x64xf32, #tpu.memory_space<vmem>> -> memref<8x64xf32, #tpu.memory_space<vmem>>
      %dma_start3A_1098 = arith.constant 0 : i32
      %dma_start3A_1099 = arith.constant 0 : i32
      %dma_start3A_1100 = tpu.memref_slice %arg4[%squeeze3A_1084, %dma_start3A_1098, %dma_start3A_1099] : memref<125000x8x64xf32, #tpu.memory_space<hbm>> -> memref<1x8x64xf32, #tpu.memory_space<hbm>>
      %dma_start3A_1101 = tpu.memref_squeeze %dma_start3A_1100 : memref<1x8x64xf32, #tpu.memory_space<hbm>> -> memref<8x64xf32, #tpu.memory_space<hbm>>
      tpu.enqueue_dma source(%dma_start3A_1101 : memref<8x64xf32, #tpu.memory_space<hbm>>) target(%dma_start3A_1097 : memref<8x64xf32, #tpu.memory_space<vmem>>) target_semaphore(%arg18 : memref<!tpu.dma_semaphore, #tpu.memory_space<semaphore_mem>>)
      %slice3A_1102 = vector.extract_strided_slice %shift_right_logical3A_664 {offsets = [11], sizes = [1], strides = [1]} : vector<16xi32> to vector<1xi32>
      %squeeze3A_1103 = vector.extract %slice3A_1102[0] : i32 from vector<1xi32>
      %dma_start3A_1104 = arith.constant 11 : i32
      %dma_start3A_1105 = arith.constant 0 : i32
      %dma_start3A_1106 = arith.constant 0 : i32
      %dma_start3A_1107 = tpu.memref_slice %arg14[%dma_start3A_1104, %dma_start3A_1105, %dma_start3A_1106] : memref<16x8x64xf32, #tpu.memory_space<vmem>> -> memref<1x8x64xf32, #tpu.memory_space<vmem>>
      %dma_start3A_1108 = tpu.memref_squeeze %dma_start3A_1107 : memref<1x8x64xf32, #tpu.memory_space<vmem>> -> memref<8x64xf32, #tpu.memory_space<vmem>>
      %dma_start3A_1109 = arith.constant 0 : i32
      %dma_start3A_1110 = arith.constant 0 : i32
      %dma_start3A_1111 = tpu.memref_slice %arg5[%squeeze3A_1103, %dma_start3A_1109, %dma_start3A_1110] : memref<125000x8x64xf32, #tpu.memory_space<hbm>> -> memref<1x8x64xf32, #tpu.memory_space<hbm>>
      %dma_start3A_1112 = tpu.memref_squeeze %dma_start3A_1111 : memref<1x8x64xf32, #tpu.memory_space<hbm>> -> memref<8x64xf32, #tpu.memory_space<hbm>>
      %dma_start3A_1113 = arith.constant 0 : i32
      %dma_start3A_1114 = arith.constant 0 : i32
      %dma_start3A_1115 = tpu.memref_slice %arg14[%dma_start3A_1104, %dma_start3A_1113, %dma_start3A_1114] : memref<16x8x64xf32, #tpu.memory_space<vmem>> -> memref<1x8x64xf32, #tpu.memory_space<vmem>>
      %dma_start3A_1116 = tpu.memref_squeeze %dma_start3A_1115 : memref<1x8x64xf32, #tpu.memory_space<vmem>> -> memref<8x64xf32, #tpu.memory_space<vmem>>
      %dma_start3A_1117 = arith.constant 0 : i32
      %dma_start3A_1118 = arith.constant 0 : i32
      %dma_start3A_1119 = tpu.memref_slice %arg5[%squeeze3A_1103, %dma_start3A_1117, %dma_start3A_1118] : memref<125000x8x64xf32, #tpu.memory_space<hbm>> -> memref<1x8x64xf32, #tpu.memory_space<hbm>>
      %dma_start3A_1120 = tpu.memref_squeeze %dma_start3A_1119 : memref<1x8x64xf32, #tpu.memory_space<hbm>> -> memref<8x64xf32, #tpu.memory_space<hbm>>
      tpu.enqueue_dma source(%dma_start3A_1120 : memref<8x64xf32, #tpu.memory_space<hbm>>) target(%dma_start3A_1116 : memref<8x64xf32, #tpu.memory_space<vmem>>) target_semaphore(%arg19 : memref<!tpu.dma_semaphore, #tpu.memory_space<semaphore_mem>>)
      %slice3A_1121 = vector.extract_strided_slice %shift_right_logical3A_657 {offsets = [12], sizes = [1], strides = [1]} : vector<16xi32> to vector<1xi32>
      %squeeze3A_1122 = vector.extract %slice3A_1121[0] : i32 from vector<1xi32>
      %dma_start3A_1123 = arith.constant 12 : i32
      %dma_start3A_1124 = arith.constant 0 : i32
      %dma_start3A_1125 = arith.constant 0 : i32
      %dma_start3A_1126 = tpu.memref_slice %arg12[%dma_start3A_1123, %dma_start3A_1124, %dma_start3A_1125] : memref<16x8x64xf32, #tpu.memory_space<vmem>> -> memref<1x8x64xf32, #tpu.memory_space<vmem>>
      %dma_start3A_1127 = tpu.memref_squeeze %dma_start3A_1126 : memref<1x8x64xf32, #tpu.memory_space<vmem>> -> memref<8x64xf32, #tpu.memory_space<vmem>>
      %dma_start3A_1128 = arith.constant 0 : i32
      %dma_start3A_1129 = arith.constant 0 : i32
      %dma_start3A_1130 = tpu.memref_slice %arg4[%squeeze3A_1122, %dma_start3A_1128, %dma_start3A_1129] : memref<125000x8x64xf32, #tpu.memory_space<hbm>> -> memref<1x8x64xf32, #tpu.memory_space<hbm>>
      %dma_start3A_1131 = tpu.memref_squeeze %dma_start3A_1130 : memref<1x8x64xf32, #tpu.memory_space<hbm>> -> memref<8x64xf32, #tpu.memory_space<hbm>>
      %dma_start3A_1132 = arith.constant 0 : i32
      %dma_start3A_1133 = arith.constant 0 : i32
      %dma_start3A_1134 = tpu.memref_slice %arg12[%dma_start3A_1123, %dma_start3A_1132, %dma_start3A_1133] : memref<16x8x64xf32, #tpu.memory_space<vmem>> -> memref<1x8x64xf32, #tpu.memory_space<vmem>>
      %dma_start3A_1135 = tpu.memref_squeeze %dma_start3A_1134 : memref<1x8x64xf32, #tpu.memory_space<vmem>> -> memref<8x64xf32, #tpu.memory_space<vmem>>
      %dma_start3A_1136 = arith.constant 0 : i32
      %dma_start3A_1137 = arith.constant 0 : i32
      %dma_start3A_1138 = tpu.memref_slice %arg4[%squeeze3A_1122, %dma_start3A_1136, %dma_start3A_1137] : memref<125000x8x64xf32, #tpu.memory_space<hbm>> -> memref<1x8x64xf32, #tpu.memory_space<hbm>>
      %dma_start3A_1139 = tpu.memref_squeeze %dma_start3A_1138 : memref<1x8x64xf32, #tpu.memory_space<hbm>> -> memref<8x64xf32, #tpu.memory_space<hbm>>
      tpu.enqueue_dma source(%dma_start3A_1139 : memref<8x64xf32, #tpu.memory_space<hbm>>) target(%dma_start3A_1135 : memref<8x64xf32, #tpu.memory_space<vmem>>) target_semaphore(%arg18 : memref<!tpu.dma_semaphore, #tpu.memory_space<semaphore_mem>>)
      %slice3A_1140 = vector.extract_strided_slice %shift_right_logical3A_664 {offsets = [12], sizes = [1], strides = [1]} : vector<16xi32> to vector<1xi32>
      %squeeze3A_1141 = vector.extract %slice3A_1140[0] : i32 from vector<1xi32>
      %dma_start3A_1142 = arith.constant 12 : i32
      %dma_start3A_1143 = arith.constant 0 : i32
      %dma_start3A_1144 = arith.constant 0 : i32
      %dma_start3A_1145 = tpu.memref_slice %arg14[%dma_start3A_1142, %dma_start3A_1143, %dma_start3A_1144] : memref<16x8x64xf32, #tpu.memory_space<vmem>> -> memref<1x8x64xf32, #tpu.memory_space<vmem>>
      %dma_start3A_1146 = tpu.memref_squeeze %dma_start3A_1145 : memref<1x8x64xf32, #tpu.memory_space<vmem>> -> memref<8x64xf32, #tpu.memory_space<vmem>>
      %dma_start3A_1147 = arith.constant 0 : i32
      %dma_start3A_1148 = arith.constant 0 : i32
      %dma_start3A_1149 = tpu.memref_slice %arg5[%squeeze3A_1141, %dma_start3A_1147, %dma_start3A_1148] : memref<125000x8x64xf32, #tpu.memory_space<hbm>> -> memref<1x8x64xf32, #tpu.memory_space<hbm>>
      %dma_start3A_1150 = tpu.memref_squeeze %dma_start3A_1149 : memref<1x8x64xf32, #tpu.memory_space<hbm>> -> memref<8x64xf32, #tpu.memory_space<hbm>>
      %dma_start3A_1151 = arith.constant 0 : i32
      %dma_start3A_1152 = arith.constant 0 : i32
      %dma_start3A_1153 = tpu.memref_slice %arg14[%dma_start3A_1142, %dma_start3A_1151, %dma_start3A_1152] : memref<16x8x64xf32, #tpu.memory_space<vmem>> -> memref<1x8x64xf32, #tpu.memory_space<vmem>>
      %dma_start3A_1154 = tpu.memref_squeeze %dma_start3A_1153 : memref<1x8x64xf32, #tpu.memory_space<vmem>> -> memref<8x64xf32, #tpu.memory_space<vmem>>
      %dma_start3A_1155 = arith.constant 0 : i32
      %dma_start3A_1156 = arith.constant 0 : i32
      %dma_start3A_1157 = tpu.memref_slice %arg5[%squeeze3A_1141, %dma_start3A_1155, %dma_start3A_1156] : memref<125000x8x64xf32, #tpu.memory_space<hbm>> -> memref<1x8x64xf32, #tpu.memory_space<hbm>>
      %dma_start3A_1158 = tpu.memref_squeeze %dma_start3A_1157 : memref<1x8x64xf32, #tpu.memory_space<hbm>> -> memref<8x64xf32, #tpu.memory_space<hbm>>
      tpu.enqueue_dma source(%dma_start3A_1158 : memref<8x64xf32, #tpu.memory_space<hbm>>) target(%dma_start3A_1154 : memref<8x64xf32, #tpu.memory_space<vmem>>) target_semaphore(%arg19 : memref<!tpu.dma_semaphore, #tpu.memory_space<semaphore_mem>>)
      %slice3A_1159 = vector.extract_strided_slice %shift_right_logical3A_657 {offsets = [13], sizes = [1], strides = [1]} : vector<16xi32> to vector<1xi32>
      %squeeze3A_1160 = vector.extract %slice3A_1159[0] : i32 from vector<1xi32>
      %dma_start3A_1161 = arith.constant 13 : i32
      %dma_start3A_1162 = arith.constant 0 : i32
      %dma_start3A_1163 = arith.constant 0 : i32
      %dma_start3A_1164 = tpu.memref_slice %arg12[%dma_start3A_1161, %dma_start3A_1162, %dma_start3A_1163] : memref<16x8x64xf32, #tpu.memory_space<vmem>> -> memref<1x8x64xf32, #tpu.memory_space<vmem>>
      %dma_start3A_1165 = tpu.memref_squeeze %dma_start3A_1164 : memref<1x8x64xf32, #tpu.memory_space<vmem>> -> memref<8x64xf32, #tpu.memory_space<vmem>>
      %dma_start3A_1166 = arith.constant 0 : i32
      %dma_start3A_1167 = arith.constant 0 : i32
      %dma_start3A_1168 = tpu.memref_slice %arg4[%squeeze3A_1160, %dma_start3A_1166, %dma_start3A_1167] : memref<125000x8x64xf32, #tpu.memory_space<hbm>> -> memref<1x8x64xf32, #tpu.memory_space<hbm>>
      %dma_start3A_1169 = tpu.memref_squeeze %dma_start3A_1168 : memref<1x8x64xf32, #tpu.memory_space<hbm>> -> memref<8x64xf32, #tpu.memory_space<hbm>>
      %dma_start3A_1170 = arith.constant 0 : i32
      %dma_start3A_1171 = arith.constant 0 : i32
      %dma_start3A_1172 = tpu.memref_slice %arg12[%dma_start3A_1161, %dma_start3A_1170, %dma_start3A_1171] : memref<16x8x64xf32, #tpu.memory_space<vmem>> -> memref<1x8x64xf32, #tpu.memory_space<vmem>>
      %dma_start3A_1173 = tpu.memref_squeeze %dma_start3A_1172 : memref<1x8x64xf32, #tpu.memory_space<vmem>> -> memref<8x64xf32, #tpu.memory_space<vmem>>
      %dma_start3A_1174 = arith.constant 0 : i32
      %dma_start3A_1175 = arith.constant 0 : i32
      %dma_start3A_1176 = tpu.memref_slice %arg4[%squeeze3A_1160, %dma_start3A_1174, %dma_start3A_1175] : memref<125000x8x64xf32, #tpu.memory_space<hbm>> -> memref<1x8x64xf32, #tpu.memory_space<hbm>>
      %dma_start3A_1177 = tpu.memref_squeeze %dma_start3A_1176 : memref<1x8x64xf32, #tpu.memory_space<hbm>> -> memref<8x64xf32, #tpu.memory_space<hbm>>
      tpu.enqueue_dma source(%dma_start3A_1177 : memref<8x64xf32, #tpu.memory_space<hbm>>) target(%dma_start3A_1173 : memref<8x64xf32, #tpu.memory_space<vmem>>) target_semaphore(%arg18 : memref<!tpu.dma_semaphore, #tpu.memory_space<semaphore_mem>>)
      %slice3A_1178 = vector.extract_strided_slice %shift_right_logical3A_664 {offsets = [13], sizes = [1], strides = [1]} : vector<16xi32> to vector<1xi32>
      %squeeze3A_1179 = vector.extract %slice3A_1178[0] : i32 from vector<1xi32>
      %dma_start3A_1180 = arith.constant 13 : i32
      %dma_start3A_1181 = arith.constant 0 : i32
      %dma_start3A_1182 = arith.constant 0 : i32
      %dma_start3A_1183 = tpu.memref_slice %arg14[%dma_start3A_1180, %dma_start3A_1181, %dma_start3A_1182] : memref<16x8x64xf32, #tpu.memory_space<vmem>> -> memref<1x8x64xf32, #tpu.memory_space<vmem>>
      %dma_start3A_1184 = tpu.memref_squeeze %dma_start3A_1183 : memref<1x8x64xf32, #tpu.memory_space<vmem>> -> memref<8x64xf32, #tpu.memory_space<vmem>>
      %dma_start3A_1185 = arith.constant 0 : i32
      %dma_start3A_1186 = arith.constant 0 : i32
      %dma_start3A_1187 = tpu.memref_slice %arg5[%squeeze3A_1179, %dma_start3A_1185, %dma_start3A_1186] : memref<125000x8x64xf32, #tpu.memory_space<hbm>> -> memref<1x8x64xf32, #tpu.memory_space<hbm>>
      %dma_start3A_1188 = tpu.memref_squeeze %dma_start3A_1187 : memref<1x8x64xf32, #tpu.memory_space<hbm>> -> memref<8x64xf32, #tpu.memory_space<hbm>>
      %dma_start3A_1189 = arith.constant 0 : i32
      %dma_start3A_1190 = arith.constant 0 : i32
      %dma_start3A_1191 = tpu.memref_slice %arg14[%dma_start3A_1180, %dma_start3A_1189, %dma_start3A_1190] : memref<16x8x64xf32, #tpu.memory_space<vmem>> -> memref<1x8x64xf32, #tpu.memory_space<vmem>>
      %dma_start3A_1192 = tpu.memref_squeeze %dma_start3A_1191 : memref<1x8x64xf32, #tpu.memory_space<vmem>> -> memref<8x64xf32, #tpu.memory_space<vmem>>
      %dma_start3A_1193 = arith.constant 0 : i32
      %dma_start3A_1194 = arith.constant 0 : i32
      %dma_start3A_1195 = tpu.memref_slice %arg5[%squeeze3A_1179, %dma_start3A_1193, %dma_start3A_1194] : memref<125000x8x64xf32, #tpu.memory_space<hbm>> -> memref<1x8x64xf32, #tpu.memory_space<hbm>>
      %dma_start3A_1196 = tpu.memref_squeeze %dma_start3A_1195 : memref<1x8x64xf32, #tpu.memory_space<hbm>> -> memref<8x64xf32, #tpu.memory_space<hbm>>
      tpu.enqueue_dma source(%dma_start3A_1196 : memref<8x64xf32, #tpu.memory_space<hbm>>) target(%dma_start3A_1192 : memref<8x64xf32, #tpu.memory_space<vmem>>) target_semaphore(%arg19 : memref<!tpu.dma_semaphore, #tpu.memory_space<semaphore_mem>>)
      %slice3A_1197 = vector.extract_strided_slice %shift_right_logical3A_657 {offsets = [14], sizes = [1], strides = [1]} : vector<16xi32> to vector<1xi32>
      %squeeze3A_1198 = vector.extract %slice3A_1197[0] : i32 from vector<1xi32>
      %dma_start3A_1199 = arith.constant 14 : i32
      %dma_start3A_1200 = arith.constant 0 : i32
      %dma_start3A_1201 = arith.constant 0 : i32
      %dma_start3A_1202 = tpu.memref_slice %arg12[%dma_start3A_1199, %dma_start3A_1200, %dma_start3A_1201] : memref<16x8x64xf32, #tpu.memory_space<vmem>> -> memref<1x8x64xf32, #tpu.memory_space<vmem>>
      %dma_start3A_1203 = tpu.memref_squeeze %dma_start3A_1202 : memref<1x8x64xf32, #tpu.memory_space<vmem>> -> memref<8x64xf32, #tpu.memory_space<vmem>>
      %dma_start3A_1204 = arith.constant 0 : i32
      %dma_start3A_1205 = arith.constant 0 : i32
      %dma_start3A_1206 = tpu.memref_slice %arg4[%squeeze3A_1198, %dma_start3A_1204, %dma_start3A_1205] : memref<125000x8x64xf32, #tpu.memory_space<hbm>> -> memref<1x8x64xf32, #tpu.memory_space<hbm>>
      %dma_start3A_1207 = tpu.memref_squeeze %dma_start3A_1206 : memref<1x8x64xf32, #tpu.memory_space<hbm>> -> memref<8x64xf32, #tpu.memory_space<hbm>>
      %dma_start3A_1208 = arith.constant 0 : i32
      %dma_start3A_1209 = arith.constant 0 : i32
      %dma_start3A_1210 = tpu.memref_slice %arg12[%dma_start3A_1199, %dma_start3A_1208, %dma_start3A_1209] : memref<16x8x64xf32, #tpu.memory_space<vmem>> -> memref<1x8x64xf32, #tpu.memory_space<vmem>>
      %dma_start3A_1211 = tpu.memref_squeeze %dma_start3A_1210 : memref<1x8x64xf32, #tpu.memory_space<vmem>> -> memref<8x64xf32, #tpu.memory_space<vmem>>
      %dma_start3A_1212 = arith.constant 0 : i32
      %dma_start3A_1213 = arith.constant 0 : i32
      %dma_start3A_1214 = tpu.memref_slice %arg4[%squeeze3A_1198, %dma_start3A_1212, %dma_start3A_1213] : memref<125000x8x64xf32, #tpu.memory_space<hbm>> -> memref<1x8x64xf32, #tpu.memory_space<hbm>>
      %dma_start3A_1215 = tpu.memref_squeeze %dma_start3A_1214 : memref<1x8x64xf32, #tpu.memory_space<hbm>> -> memref<8x64xf32, #tpu.memory_space<hbm>>
      tpu.enqueue_dma source(%dma_start3A_1215 : memref<8x64xf32, #tpu.memory_space<hbm>>) target(%dma_start3A_1211 : memref<8x64xf32, #tpu.memory_space<vmem>>) target_semaphore(%arg18 : memref<!tpu.dma_semaphore, #tpu.memory_space<semaphore_mem>>)
      %slice3A_1216 = vector.extract_strided_slice %shift_right_logical3A_664 {offsets = [14], sizes = [1], strides = [1]} : vector<16xi32> to vector<1xi32>
      %squeeze3A_1217 = vector.extract %slice3A_1216[0] : i32 from vector<1xi32>
      %dma_start3A_1218 = arith.constant 14 : i32
      %dma_start3A_1219 = arith.constant 0 : i32
      %dma_start3A_1220 = arith.constant 0 : i32
      %dma_start3A_1221 = tpu.memref_slice %arg14[%dma_start3A_1218, %dma_start3A_1219, %dma_start3A_1220] : memref<16x8x64xf32, #tpu.memory_space<vmem>> -> memref<1x8x64xf32, #tpu.memory_space<vmem>>
      %dma_start3A_1222 = tpu.memref_squeeze %dma_start3A_1221 : memref<1x8x64xf32, #tpu.memory_space<vmem>> -> memref<8x64xf32, #tpu.memory_space<vmem>>
      %dma_start3A_1223 = arith.constant 0 : i32
      %dma_start3A_1224 = arith.constant 0 : i32
      %dma_start3A_1225 = tpu.memref_slice %arg5[%squeeze3A_1217, %dma_start3A_1223, %dma_start3A_1224] : memref<125000x8x64xf32, #tpu.memory_space<hbm>> -> memref<1x8x64xf32, #tpu.memory_space<hbm>>
      %dma_start3A_1226 = tpu.memref_squeeze %dma_start3A_1225 : memref<1x8x64xf32, #tpu.memory_space<hbm>> -> memref<8x64xf32, #tpu.memory_space<hbm>>
      %dma_start3A_1227 = arith.constant 0 : i32
      %dma_start3A_1228 = arith.constant 0 : i32
      %dma_start3A_1229 = tpu.memref_slice %arg14[%dma_start3A_1218, %dma_start3A_1227, %dma_start3A_1228] : memref<16x8x64xf32, #tpu.memory_space<vmem>> -> memref<1x8x64xf32, #tpu.memory_space<vmem>>
      %dma_start3A_1230 = tpu.memref_squeeze %dma_start3A_1229 : memref<1x8x64xf32, #tpu.memory_space<vmem>> -> memref<8x64xf32, #tpu.memory_space<vmem>>
      %dma_start3A_1231 = arith.constant 0 : i32
      %dma_start3A_1232 = arith.constant 0 : i32
      %dma_start3A_1233 = tpu.memref_slice %arg5[%squeeze3A_1217, %dma_start3A_1231, %dma_start3A_1232] : memref<125000x8x64xf32, #tpu.memory_space<hbm>> -> memref<1x8x64xf32, #tpu.memory_space<hbm>>
      %dma_start3A_1234 = tpu.memref_squeeze %dma_start3A_1233 : memref<1x8x64xf32, #tpu.memory_space<hbm>> -> memref<8x64xf32, #tpu.memory_space<hbm>>
      tpu.enqueue_dma source(%dma_start3A_1234 : memref<8x64xf32, #tpu.memory_space<hbm>>) target(%dma_start3A_1230 : memref<8x64xf32, #tpu.memory_space<vmem>>) target_semaphore(%arg19 : memref<!tpu.dma_semaphore, #tpu.memory_space<semaphore_mem>>)
      %slice3A_1235 = vector.extract_strided_slice %shift_right_logical3A_657 {offsets = [15], sizes = [1], strides = [1]} : vector<16xi32> to vector<1xi32>
      %squeeze3A_1236 = vector.extract %slice3A_1235[0] : i32 from vector<1xi32>
      %dma_start3A_1237 = arith.constant 15 : i32
      %dma_start3A_1238 = arith.constant 0 : i32
      %dma_start3A_1239 = arith.constant 0 : i32
      %dma_start3A_1240 = tpu.memref_slice %arg12[%dma_start3A_1237, %dma_start3A_1238, %dma_start3A_1239] : memref<16x8x64xf32, #tpu.memory_space<vmem>> -> memref<1x8x64xf32, #tpu.memory_space<vmem>>
      %dma_start3A_1241 = tpu.memref_squeeze %dma_start3A_1240 : memref<1x8x64xf32, #tpu.memory_space<vmem>> -> memref<8x64xf32, #tpu.memory_space<vmem>>
      %dma_start3A_1242 = arith.constant 0 : i32
      %dma_start3A_1243 = arith.constant 0 : i32
      %dma_start3A_1244 = tpu.memref_slice %arg4[%squeeze3A_1236, %dma_start3A_1242, %dma_start3A_1243] : memref<125000x8x64xf32, #tpu.memory_space<hbm>> -> memref<1x8x64xf32, #tpu.memory_space<hbm>>
      %dma_start3A_1245 = tpu.memref_squeeze %dma_start3A_1244 : memref<1x8x64xf32, #tpu.memory_space<hbm>> -> memref<8x64xf32, #tpu.memory_space<hbm>>
      %dma_start3A_1246 = arith.constant 0 : i32
      %dma_start3A_1247 = arith.constant 0 : i32
      %dma_start3A_1248 = tpu.memref_slice %arg12[%dma_start3A_1237, %dma_start3A_1246, %dma_start3A_1247] : memref<16x8x64xf32, #tpu.memory_space<vmem>> -> memref<1x8x64xf32, #tpu.memory_space<vmem>>
      %dma_start3A_1249 = tpu.memref_squeeze %dma_start3A_1248 : memref<1x8x64xf32, #tpu.memory_space<vmem>> -> memref<8x64xf32, #tpu.memory_space<vmem>>
      %dma_start3A_1250 = arith.constant 0 : i32
      %dma_start3A_1251 = arith.constant 0 : i32
      %dma_start3A_1252 = tpu.memref_slice %arg4[%squeeze3A_1236, %dma_start3A_1250, %dma_start3A_1251] : memref<125000x8x64xf32, #tpu.memory_space<hbm>> -> memref<1x8x64xf32, #tpu.memory_space<hbm>>
      %dma_start3A_1253 = tpu.memref_squeeze %dma_start3A_1252 : memref<1x8x64xf32, #tpu.memory_space<hbm>> -> memref<8x64xf32, #tpu.memory_space<hbm>>
      tpu.enqueue_dma source(%dma_start3A_1253 : memref<8x64xf32, #tpu.memory_space<hbm>>) target(%dma_start3A_1249 : memref<8x64xf32, #tpu.memory_space<vmem>>) target_semaphore(%arg18 : memref<!tpu.dma_semaphore, #tpu.memory_space<semaphore_mem>>)
      %slice3A_1254 = vector.extract_strided_slice %shift_right_logical3A_664 {offsets = [15], sizes = [1], strides = [1]} : vector<16xi32> to vector<1xi32>
      %squeeze3A_1255 = vector.extract %slice3A_1254[0] : i32 from vector<1xi32>
      %dma_start3A_1256 = arith.constant 15 : i32
      %dma_start3A_1257 = arith.constant 0 : i32
      %dma_start3A_1258 = arith.constant 0 : i32
      %dma_start3A_1259 = tpu.memref_slice %arg14[%dma_start3A_1256, %dma_start3A_1257, %dma_start3A_1258] : memref<16x8x64xf32, #tpu.memory_space<vmem>> -> memref<1x8x64xf32, #tpu.memory_space<vmem>>
      %dma_start3A_1260 = tpu.memref_squeeze %dma_start3A_1259 : memref<1x8x64xf32, #tpu.memory_space<vmem>> -> memref<8x64xf32, #tpu.memory_space<vmem>>
      %dma_start3A_1261 = arith.constant 0 : i32
      %dma_start3A_1262 = arith.constant 0 : i32
      %dma_start3A_1263 = tpu.memref_slice %arg5[%squeeze3A_1255, %dma_start3A_1261, %dma_start3A_1262] : memref<125000x8x64xf32, #tpu.memory_space<hbm>> -> memref<1x8x64xf32, #tpu.memory_space<hbm>>
      %dma_start3A_1264 = tpu.memref_squeeze %dma_start3A_1263 : memref<1x8x64xf32, #tpu.memory_space<hbm>> -> memref<8x64xf32, #tpu.memory_space<hbm>>
      %dma_start3A_1265 = arith.constant 0 : i32
      %dma_start3A_1266 = arith.constant 0 : i32
      %dma_start3A_1267 = tpu.memref_slice %arg14[%dma_start3A_1256, %dma_start3A_1265, %dma_start3A_1266] : memref<16x8x64xf32, #tpu.memory_space<vmem>> -> memref<1x8x64xf32, #tpu.memory_space<vmem>>
      %dma_start3A_1268 = tpu.memref_squeeze %dma_start3A_1267 : memref<1x8x64xf32, #tpu.memory_space<vmem>> -> memref<8x64xf32, #tpu.memory_space<vmem>>
      %dma_start3A_1269 = arith.constant 0 : i32
      %dma_start3A_1270 = arith.constant 0 : i32
      %dma_start3A_1271 = tpu.memref_slice %arg5[%squeeze3A_1255, %dma_start3A_1269, %dma_start3A_1270] : memref<125000x8x64xf32, #tpu.memory_space<hbm>> -> memref<1x8x64xf32, #tpu.memory_space<hbm>>
      %dma_start3A_1272 = tpu.memref_squeeze %dma_start3A_1271 : memref<1x8x64xf32, #tpu.memory_space<hbm>> -> memref<8x64xf32, #tpu.memory_space<hbm>>
      tpu.enqueue_dma source(%dma_start3A_1272 : memref<8x64xf32, #tpu.memory_space<hbm>>) target(%dma_start3A_1268 : memref<8x64xf32, #tpu.memory_space<vmem>>) target_semaphore(%arg19 : memref<!tpu.dma_semaphore, #tpu.memory_space<semaphore_mem>>)
      %dma_wait3A_1273 = arith.constant 0 : i32
      %dma_wait3A_1274 = arith.constant 0 : i32
      %dma_wait3A_1275 = arith.constant 0 : i32
      %dma_wait3A_1276 = tpu.memref_slice %arg4[%dma_wait3A_1273, %dma_wait3A_1274, %dma_wait3A_1275] : memref<125000x8x64xf32, #tpu.memory_space<hbm>> -> memref<16x8x64xf32, #tpu.memory_space<hbm>>
      %dma_wait3A_1277 = arith.constant 0 : i32
      %dma_wait3A_1278 = arith.constant 0 : i32
      %dma_wait3A_1279 = arith.constant 0 : i32
      %dma_wait3A_1280 = tpu.memref_slice %arg4[%dma_wait3A_1277, %dma_wait3A_1278, %dma_wait3A_1279] : memref<125000x8x64xf32, #tpu.memory_space<hbm>> -> memref<16x8x64xf32, #tpu.memory_space<hbm>>
      tpu.wait_dma2 semaphore(%arg18 : memref<!tpu.dma_semaphore, #tpu.memory_space<semaphore_mem>>) src(%dma_wait3A_1280 : memref<16x8x64xf32, #tpu.memory_space<hbm>>) dst(%arg11 : memref<16x8x64xf32, #tpu.memory_space<vmem>>)
      %dma_wait3A_1281 = arith.constant 0 : i32
      %dma_wait3A_1282 = arith.constant 0 : i32
      %dma_wait3A_1283 = arith.constant 0 : i32
      %dma_wait3A_1284 = tpu.memref_slice %arg5[%dma_wait3A_1281, %dma_wait3A_1282, %dma_wait3A_1283] : memref<125000x8x64xf32, #tpu.memory_space<hbm>> -> memref<16x8x64xf32, #tpu.memory_space<hbm>>
      %dma_wait3A_1285 = arith.constant 0 : i32
      %dma_wait3A_1286 = arith.constant 0 : i32
      %dma_wait3A_1287 = arith.constant 0 : i32
      %dma_wait3A_1288 = tpu.memref_slice %arg5[%dma_wait3A_1285, %dma_wait3A_1286, %dma_wait3A_1287] : memref<125000x8x64xf32, #tpu.memory_space<hbm>> -> memref<16x8x64xf32, #tpu.memory_space<hbm>>
      tpu.wait_dma2 semaphore(%arg19 : memref<!tpu.dma_semaphore, #tpu.memory_space<semaphore_mem>>) src(%dma_wait3A_1288 : memref<16x8x64xf32, #tpu.memory_space<hbm>>) dst(%arg13 : memref<16x8x64xf32, #tpu.memory_space<vmem>>)
      %mul3A_1289 = arith.constant 16 : i32
      %mul3A_1290 = arith.muli %mul3A_648, %mul3A_1289 : i32
      %get3A_1291 = arith.index_cast %mul3A_1290 : i32 to index
      %get3A_1292 = tpu.vector_load %arg9[%get3A_1291] {strides = array<i32>} : memref<512xi32, #tpu.memory_space<vmem>>, vector<16xi32>,
      %and3A = arith.constant 7 : i32
      %and3A_1293 = vector.broadcast %and3A : i32 to vector<16xi32>
      %and3A_1294 = arith.andi %get3A_1292, %and3A_1293 : vector<16xi32>
      %mul3A_1295 = arith.constant 16 : i32
      %mul3A_1296 = arith.muli %mul3A_648, %mul3A_1295 : i32
      %get3A_1297 = arith.index_cast %mul3A_1296 : i32 to index
      %get3A_1298 = tpu.vector_load %arg10[%get3A_1297] {strides = array<i32>} : memref<512xi32, #tpu.memory_space<vmem>>, vector<16xi32>,
      %and3A_1299 = arith.constant 7 : i32
      %and3A_1300 = vector.broadcast %and3A_1299 : i32 to vector<16xi32>
      %and3A_1301 = arith.andi %get3A_1298, %and3A_1300 : vector<16xi32>
      %broadcast_in_dim3A = arith.constant 0.000000e+00 : f32
      %broadcast_in_dim3A_1302 = vector.broadcast %broadcast_in_dim3A : f32 to vector<16xf32>
      %slice3A_1303 = vector.extract_strided_slice %and3A_1294 {offsets = [0], sizes = [1], strides = [1]} : vector<16xi32> to vector<1xi32>
      %squeeze3A_1304 = vector.extract %slice3A_1303[0] : i32 from vector<1xi32>
      %slice3A_1305 = vector.extract_strided_slice %and3A_1301 {offsets = [0], sizes = [1], strides = [1]} : vector<16xi32> to vector<1xi32>
      %squeeze3A_1306 = vector.extract %slice3A_1305[0] : i32 from vector<1xi32>
      %get3A_1307 = arith.constant 0 : i32
      %get3A_1308 = arith.index_cast %get3A_1307 : i32 to index
      %get3A_1309 = arith.index_cast %squeeze3A_1304 : i32 to index
      %get3A_1310 = arith.constant 0 : index
      %get3A_1311 = tpu.vector_load %arg11[%get3A_1308, %get3A_1309, %get3A_1310] {strides = array<i32>} : memref<16x8x64xf32, #tpu.memory_space<vmem>>, vector<16xf32>,
      %get3A_1312 = arith.constant 0 : i32
      %get3A_1313 = arith.index_cast %get3A_1312 : i32 to index
      %get3A_1314 = arith.index_cast %squeeze3A_1306 : i32 to index
      %get3A_1315 = arith.constant 0 : index
      %get3A_1316 = tpu.vector_load %arg13[%get3A_1313, %get3A_1314, %get3A_1315] {strides = array<i32>} : memref<16x8x64xf32, #tpu.memory_space<vmem>>, vector<16xf32>,
      %mul3A_1317 = arith.mulf %get3A_1311, %get3A_1316 : vector<16xf32>
      %mul3A_1318 = arith.mulf %mul3A_1317, %get3A_3 : vector<16xf32>
      %get3A_1319 = arith.constant 0 : i32
      %get3A_1320 = arith.index_cast %get3A_1319 : i32 to index
      %get3A_1321 = arith.index_cast %squeeze3A_1304 : i32 to index
      %get3A_1322 = arith.constant 16 : index
      %get3A_1323 = tpu.vector_load %arg11[%get3A_1320, %get3A_1321, %get3A_1322] {strides = array<i32>} : memref<16x8x64xf32, #tpu.memory_space<vmem>>, vector<16xf32>,
      %get3A_1324 = arith.constant 0 : i32
      %get3A_1325 = arith.index_cast %get3A_1324 : i32 to index
      %get3A_1326 = arith.index_cast %squeeze3A_1306 : i32 to index
      %get3A_1327 = arith.constant 16 : index
      %get3A_1328 = tpu.vector_load %arg13[%get3A_1325, %get3A_1326, %get3A_1327] {strides = array<i32>} : memref<16x8x64xf32, #tpu.memory_space<vmem>>, vector<16xf32>,
      %mul3A_1329 = arith.mulf %get3A_1323, %get3A_1328 : vector<16xf32>
      %mul3A_1330 = arith.mulf %mul3A_1329, %get3A_5 : vector<16xf32>
      %add3A_1331 = arith.addf %mul3A_1318, %mul3A_1330 : vector<16xf32>
      %get3A_1332 = arith.constant 0 : i32
      %get3A_1333 = arith.index_cast %get3A_1332 : i32 to index
      %get3A_1334 = arith.index_cast %squeeze3A_1304 : i32 to index
      %get3A_1335 = arith.constant 32 : index
      %get3A_1336 = tpu.vector_load %arg11[%get3A_1333, %get3A_1334, %get3A_1335] {strides = array<i32>} : memref<16x8x64xf32, #tpu.memory_space<vmem>>, vector<16xf32>,
      %get3A_1337 = arith.constant 0 : i32
      %get3A_1338 = arith.index_cast %get3A_1337 : i32 to index
      %get3A_1339 = arith.index_cast %squeeze3A_1306 : i32 to index
      %get3A_1340 = arith.constant 32 : index
      %get3A_1341 = tpu.vector_load %arg13[%get3A_1338, %get3A_1339, %get3A_1340] {strides = array<i32>} : memref<16x8x64xf32, #tpu.memory_space<vmem>>, vector<16xf32>,
      %mul3A_1342 = arith.mulf %get3A_1336, %get3A_1341 : vector<16xf32>
      %mul3A_1343 = arith.mulf %mul3A_1342, %get3A_7 : vector<16xf32>
      %add3A_1344 = arith.addf %add3A_1331, %mul3A_1343 : vector<16xf32>
      %get3A_1345 = arith.constant 0 : i32
      %get3A_1346 = arith.index_cast %get3A_1345 : i32 to index
      %get3A_1347 = arith.index_cast %squeeze3A_1304 : i32 to index
      %get3A_1348 = arith.constant 48 : index
      %get3A_1349 = tpu.vector_load %arg11[%get3A_1346, %get3A_1347, %get3A_1348] {strides = array<i32>} : memref<16x8x64xf32, #tpu.memory_space<vmem>>, vector<16xf32>,
      %get3A_1350 = arith.constant 0 : i32
      %get3A_1351 = arith.index_cast %get3A_1350 : i32 to index
      %get3A_1352 = arith.index_cast %squeeze3A_1306 : i32 to index
      %get3A_1353 = arith.constant 48 : index
      %get3A_1354 = tpu.vector_load %arg13[%get3A_1351, %get3A_1352, %get3A_1353] {strides = array<i32>} : memref<16x8x64xf32, #tpu.memory_space<vmem>>, vector<16xf32>,
      %mul3A_1355 = arith.mulf %get3A_1349, %get3A_1354 : vector<16xf32>
      %mul3A_1356 = arith.mulf %mul3A_1355, %get3A_9 : vector<16xf32>
      %add3A_1357 = arith.addf %add3A_1344, %mul3A_1356 : vector<16xf32>
      %eq3A = arith.constant 0 : i32
      %eq3A_1358 = vector.broadcast %eq3A : i32 to vector<16xi32>
      %eq3A_1359 = arith.cmpi eq, %iota3A, %eq3A_1358 : vector<16xi32>
      %reduce_sum3A = arith.constant true
      %reduce_sum3A_1360 = vector.broadcast %reduce_sum3A : i1 to vector<16xi1>
      %reduce_sum3A_1361 = tpu.scan <sum>, %add3A_1357 masked %reduce_sum3A_1360 : vector<16xf32>, vector<16xi1> -> vector<16xf32>
      %reduce_sum3A_1362 = vector.extract %reduce_sum3A_1361[15] : f32 from vector<16xf32>
      %broadcast_in_dim3A_1363 = vector.broadcast %reduce_sum3A_1362 : f32 to vector<16xf32>
      %select_n3A = arith.select %eq3A_1359, %broadcast_in_dim3A_1363, %broadcast_in_dim3A_1302 : vector<16xi1>, vector<16xf32>
      %slice3A_1364 = vector.extract_strided_slice %and3A_1294 {offsets = [1], sizes = [1], strides = [1]} : vector<16xi32> to vector<1xi32>
      %squeeze3A_1365 = vector.extract %slice3A_1364[0] : i32 from vector<1xi32>
      %slice3A_1366 = vector.extract_strided_slice %and3A_1301 {offsets = [1], sizes = [1], strides = [1]} : vector<16xi32> to vector<1xi32>
      %squeeze3A_1367 = vector.extract %slice3A_1366[0] : i32 from vector<1xi32>
      %get3A_1368 = arith.constant 1 : i32
      %get3A_1369 = arith.index_cast %get3A_1368 : i32 to index
      %get3A_1370 = arith.index_cast %squeeze3A_1365 : i32 to index
      %get3A_1371 = arith.constant 0 : index
      %get3A_1372 = tpu.vector_load %arg11[%get3A_1369, %get3A_1370, %get3A_1371] {strides = array<i32>} : memref<16x8x64xf32, #tpu.memory_space<vmem>>, vector<16xf32>,
      %get3A_1373 = arith.constant 1 : i32
      %get3A_1374 = arith.index_cast %get3A_1373 : i32 to index
      %get3A_1375 = arith.index_cast %squeeze3A_1367 : i32 to index
      %get3A_1376 = arith.constant 0 : index
      %get3A_1377 = tpu.vector_load %arg13[%get3A_1374, %get3A_1375, %get3A_1376] {strides = array<i32>} : memref<16x8x64xf32, #tpu.memory_space<vmem>>, vector<16xf32>,
      %mul3A_1378 = arith.mulf %get3A_1372, %get3A_1377 : vector<16xf32>
      %mul3A_1379 = arith.mulf %mul3A_1378, %get3A_3 : vector<16xf32>
      %get3A_1380 = arith.constant 1 : i32
      %get3A_1381 = arith.index_cast %get3A_1380 : i32 to index
      %get3A_1382 = arith.index_cast %squeeze3A_1365 : i32 to index
      %get3A_1383 = arith.constant 16 : index
      %get3A_1384 = tpu.vector_load %arg11[%get3A_1381, %get3A_1382, %get3A_1383] {strides = array<i32>} : memref<16x8x64xf32, #tpu.memory_space<vmem>>, vector<16xf32>,
      %get3A_1385 = arith.constant 1 : i32
      %get3A_1386 = arith.index_cast %get3A_1385 : i32 to index
      %get3A_1387 = arith.index_cast %squeeze3A_1367 : i32 to index
      %get3A_1388 = arith.constant 16 : index
      %get3A_1389 = tpu.vector_load %arg13[%get3A_1386, %get3A_1387, %get3A_1388] {strides = array<i32>} : memref<16x8x64xf32, #tpu.memory_space<vmem>>, vector<16xf32>,
      %mul3A_1390 = arith.mulf %get3A_1384, %get3A_1389 : vector<16xf32>
      %mul3A_1391 = arith.mulf %mul3A_1390, %get3A_5 : vector<16xf32>
      %add3A_1392 = arith.addf %mul3A_1379, %mul3A_1391 : vector<16xf32>
      %get3A_1393 = arith.constant 1 : i32
      %get3A_1394 = arith.index_cast %get3A_1393 : i32 to index
      %get3A_1395 = arith.index_cast %squeeze3A_1365 : i32 to index
      %get3A_1396 = arith.constant 32 : index
      %get3A_1397 = tpu.vector_load %arg11[%get3A_1394, %get3A_1395, %get3A_1396] {strides = array<i32>} : memref<16x8x64xf32, #tpu.memory_space<vmem>>, vector<16xf32>,
      %get3A_1398 = arith.constant 1 : i32
      %get3A_1399 = arith.index_cast %get3A_1398 : i32 to index
      %get3A_1400 = arith.index_cast %squeeze3A_1367 : i32 to index
      %get3A_1401 = arith.constant 32 : index
      %get3A_1402 = tpu.vector_load %arg13[%get3A_1399, %get3A_1400, %get3A_1401] {strides = array<i32>} : memref<16x8x64xf32, #tpu.memory_space<vmem>>, vector<16xf32>,
      %mul3A_1403 = arith.mulf %get3A_1397, %get3A_1402 : vector<16xf32>
      %mul3A_1404 = arith.mulf %mul3A_1403, %get3A_7 : vector<16xf32>
      %add3A_1405 = arith.addf %add3A_1392, %mul3A_1404 : vector<16xf32>
      %get3A_1406 = arith.constant 1 : i32
      %get3A_1407 = arith.index_cast %get3A_1406 : i32 to index
      %get3A_1408 = arith.index_cast %squeeze3A_1365 : i32 to index
      %get3A_1409 = arith.constant 48 : index
      %get3A_1410 = tpu.vector_load %arg11[%get3A_1407, %get3A_1408, %get3A_1409] {strides = array<i32>} : memref<16x8x64xf32, #tpu.memory_space<vmem>>, vector<16xf32>,
      %get3A_1411 = arith.constant 1 : i32
      %get3A_1412 = arith.index_cast %get3A_1411 : i32 to index
      %get3A_1413 = arith.index_cast %squeeze3A_1367 : i32 to index
      %get3A_1414 = arith.constant 48 : index
      %get3A_1415 = tpu.vector_load %arg13[%get3A_1412, %get3A_1413, %get3A_1414] {strides = array<i32>} : memref<16x8x64xf32, #tpu.memory_space<vmem>>, vector<16xf32>,
      %mul3A_1416 = arith.mulf %get3A_1410, %get3A_1415 : vector<16xf32>
      %mul3A_1417 = arith.mulf %mul3A_1416, %get3A_9 : vector<16xf32>
      %add3A_1418 = arith.addf %add3A_1405, %mul3A_1417 : vector<16xf32>
      %eq3A_1419 = arith.constant 1 : i32
      %eq3A_1420 = vector.broadcast %eq3A_1419 : i32 to vector<16xi32>
      %eq3A_1421 = arith.cmpi eq, %iota3A, %eq3A_1420 : vector<16xi32>
      %reduce_sum3A_1422 = arith.constant true
      %reduce_sum3A_1423 = vector.broadcast %reduce_sum3A_1422 : i1 to vector<16xi1>
      %reduce_sum3A_1424 = tpu.scan <sum>, %add3A_1418 masked %reduce_sum3A_1423 : vector<16xf32>, vector<16xi1> -> vector<16xf32>
      %reduce_sum3A_1425 = vector.extract %reduce_sum3A_1424[15] : f32 from vector<16xf32>
      %broadcast_in_dim3A_1426 = vector.broadcast %reduce_sum3A_1425 : f32 to vector<16xf32>
      %select_n3A_1427 = arith.select %eq3A_1421, %broadcast_in_dim3A_1426, %select_n3A : vector<16xi1>, vector<16xf32>
      %slice3A_1428 = vector.extract_strided_slice %and3A_1294 {offsets = [2], sizes = [1], strides = [1]} : vector<16xi32> to vector<1xi32>
      %squeeze3A_1429 = vector.extract %slice3A_1428[0] : i32 from vector<1xi32>
      %slice3A_1430 = vector.extract_strided_slice %and3A_1301 {offsets = [2], sizes = [1], strides = [1]} : vector<16xi32> to vector<1xi32>
      %squeeze3A_1431 = vector.extract %slice3A_1430[0] : i32 from vector<1xi32>
      %get3A_1432 = arith.constant 2 : i32
      %get3A_1433 = arith.index_cast %get3A_1432 : i32 to index
      %get3A_1434 = arith.index_cast %squeeze3A_1429 : i32 to index
      %get3A_1435 = arith.constant 0 : index
      %get3A_1436 = tpu.vector_load %arg11[%get3A_1433, %get3A_1434, %get3A_1435] {strides = array<i32>} : memref<16x8x64xf32, #tpu.memory_space<vmem>>, vector<16xf32>,
      %get3A_1437 = arith.constant 2 : i32
      %get3A_1438 = arith.index_cast %get3A_1437 : i32 to index
      %get3A_1439 = arith.index_cast %squeeze3A_1431 : i32 to index
      %get3A_1440 = arith.constant 0 : index
      %get3A_1441 = tpu.vector_load %arg13[%get3A_1438, %get3A_1439, %get3A_1440] {strides = array<i32>} : memref<16x8x64xf32, #tpu.memory_space<vmem>>, vector<16xf32>,
      %mul3A_1442 = arith.mulf %get3A_1436, %get3A_1441 : vector<16xf32>
      %mul3A_1443 = arith.mulf %mul3A_1442, %get3A_3 : vector<16xf32>
      %get3A_1444 = arith.constant 2 : i32
      %get3A_1445 = arith.index_cast %get3A_1444 : i32 to index
      %get3A_1446 = arith.index_cast %squeeze3A_1429 : i32 to index
      %get3A_1447 = arith.constant 16 : index
      %get3A_1448 = tpu.vector_load %arg11[%get3A_1445, %get3A_1446, %get3A_1447] {strides = array<i32>} : memref<16x8x64xf32, #tpu.memory_space<vmem>>, vector<16xf32>,
      %get3A_1449 = arith.constant 2 : i32
      %get3A_1450 = arith.index_cast %get3A_1449 : i32 to index
      %get3A_1451 = arith.index_cast %squeeze3A_1431 : i32 to index
      %get3A_1452 = arith.constant 16 : index
      %get3A_1453 = tpu.vector_load %arg13[%get3A_1450, %get3A_1451, %get3A_1452] {strides = array<i32>} : memref<16x8x64xf32, #tpu.memory_space<vmem>>, vector<16xf32>,
      %mul3A_1454 = arith.mulf %get3A_1448, %get3A_1453 : vector<16xf32>
      %mul3A_1455 = arith.mulf %mul3A_1454, %get3A_5 : vector<16xf32>
      %add3A_1456 = arith.addf %mul3A_1443, %mul3A_1455 : vector<16xf32>
      %get3A_1457 = arith.constant 2 : i32
      %get3A_1458 = arith.index_cast %get3A_1457 : i32 to index
      %get3A_1459 = arith.index_cast %squeeze3A_1429 : i32 to index
      %get3A_1460 = arith.constant 32 : index
      %get3A_1461 = tpu.vector_load %arg11[%get3A_1458, %get3A_1459, %get3A_1460] {strides = array<i32>} : memref<16x8x64xf32, #tpu.memory_space<vmem>>, vector<16xf32>,
      %get3A_1462 = arith.constant 2 : i32
      %get3A_1463 = arith.index_cast %get3A_1462 : i32 to index
      %get3A_1464 = arith.index_cast %squeeze3A_1431 : i32 to index
      %get3A_1465 = arith.constant 32 : index
      %get3A_1466 = tpu.vector_load %arg13[%get3A_1463, %get3A_1464, %get3A_1465] {strides = array<i32>} : memref<16x8x64xf32, #tpu.memory_space<vmem>>, vector<16xf32>,
      %mul3A_1467 = arith.mulf %get3A_1461, %get3A_1466 : vector<16xf32>
      %mul3A_1468 = arith.mulf %mul3A_1467, %get3A_7 : vector<16xf32>
      %add3A_1469 = arith.addf %add3A_1456, %mul3A_1468 : vector<16xf32>
      %get3A_1470 = arith.constant 2 : i32
      %get3A_1471 = arith.index_cast %get3A_1470 : i32 to index
      %get3A_1472 = arith.index_cast %squeeze3A_1429 : i32 to index
      %get3A_1473 = arith.constant 48 : index
      %get3A_1474 = tpu.vector_load %arg11[%get3A_1471, %get3A_1472, %get3A_1473] {strides = array<i32>} : memref<16x8x64xf32, #tpu.memory_space<vmem>>, vector<16xf32>,
      %get3A_1475 = arith.constant 2 : i32
      %get3A_1476 = arith.index_cast %get3A_1475 : i32 to index
      %get3A_1477 = arith.index_cast %squeeze3A_1431 : i32 to index
      %get3A_1478 = arith.constant 48 : index
      %get3A_1479 = tpu.vector_load %arg13[%get3A_1476, %get3A_1477, %get3A_1478] {strides = array<i32>} : memref<16x8x64xf32, #tpu.memory_space<vmem>>, vector<16xf32>,
      %mul3A_1480 = arith.mulf %get3A_1474, %get3A_1479 : vector<16xf32>
      %mul3A_1481 = arith.mulf %mul3A_1480, %get3A_9 : vector<16xf32>
      %add3A_1482 = arith.addf %add3A_1469, %mul3A_1481 : vector<16xf32>
      %eq3A_1483 = arith.constant 2 : i32
      %eq3A_1484 = vector.broadcast %eq3A_1483 : i32 to vector<16xi32>
      %eq3A_1485 = arith.cmpi eq, %iota3A, %eq3A_1484 : vector<16xi32>
      %reduce_sum3A_1486 = arith.constant true
      %reduce_sum3A_1487 = vector.broadcast %reduce_sum3A_1486 : i1 to vector<16xi1>
      %reduce_sum3A_1488 = tpu.scan <sum>, %add3A_1482 masked %reduce_sum3A_1487 : vector<16xf32>, vector<16xi1> -> vector<16xf32>
      %reduce_sum3A_1489 = vector.extract %reduce_sum3A_1488[15] : f32 from vector<16xf32>
      %broadcast_in_dim3A_1490 = vector.broadcast %reduce_sum3A_1489 : f32 to vector<16xf32>
      %select_n3A_1491 = arith.select %eq3A_1485, %broadcast_in_dim3A_1490, %select_n3A_1427 : vector<16xi1>, vector<16xf32>
      %slice3A_1492 = vector.extract_strided_slice %and3A_1294 {offsets = [3], sizes = [1], strides = [1]} : vector<16xi32> to vector<1xi32>
      %squeeze3A_1493 = vector.extract %slice3A_1492[0] : i32 from vector<1xi32>
      %slice3A_1494 = vector.extract_strided_slice %and3A_1301 {offsets = [3], sizes = [1], strides = [1]} : vector<16xi32> to vector<1xi32>
      %squeeze3A_1495 = vector.extract %slice3A_1494[0] : i32 from vector<1xi32>
      %get3A_1496 = arith.constant 3 : i32
      %get3A_1497 = arith.index_cast %get3A_1496 : i32 to index
      %get3A_1498 = arith.index_cast %squeeze3A_1493 : i32 to index
      %get3A_1499 = arith.constant 0 : index
      %get3A_1500 = tpu.vector_load %arg11[%get3A_1497, %get3A_1498, %get3A_1499] {strides = array<i32>} : memref<16x8x64xf32, #tpu.memory_space<vmem>>, vector<16xf32>,
      %get3A_1501 = arith.constant 3 : i32
      %get3A_1502 = arith.index_cast %get3A_1501 : i32 to index
      %get3A_1503 = arith.index_cast %squeeze3A_1495 : i32 to index
      %get3A_1504 = arith.constant 0 : index
      %get3A_1505 = tpu.vector_load %arg13[%get3A_1502, %get3A_1503, %get3A_1504] {strides = array<i32>} : memref<16x8x64xf32, #tpu.memory_space<vmem>>, vector<16xf32>,
      %mul3A_1506 = arith.mulf %get3A_1500, %get3A_1505 : vector<16xf32>
      %mul3A_1507 = arith.mulf %mul3A_1506, %get3A_3 : vector<16xf32>
      %get3A_1508 = arith.constant 3 : i32
      %get3A_1509 = arith.index_cast %get3A_1508 : i32 to index
      %get3A_1510 = arith.index_cast %squeeze3A_1493 : i32 to index
      %get3A_1511 = arith.constant 16 : index
      %get3A_1512 = tpu.vector_load %arg11[%get3A_1509, %get3A_1510, %get3A_1511] {strides = array<i32>} : memref<16x8x64xf32, #tpu.memory_space<vmem>>, vector<16xf32>,
      %get3A_1513 = arith.constant 3 : i32
      %get3A_1514 = arith.index_cast %get3A_1513 : i32 to index
      %get3A_1515 = arith.index_cast %squeeze3A_1495 : i32 to index
      %get3A_1516 = arith.constant 16 : index
      %get3A_1517 = tpu.vector_load %arg13[%get3A_1514, %get3A_1515, %get3A_1516] {strides = array<i32>} : memref<16x8x64xf32, #tpu.memory_space<vmem>>, vector<16xf32>,
      %mul3A_1518 = arith.mulf %get3A_1512, %get3A_1517 : vector<16xf32>
      %mul3A_1519 = arith.mulf %mul3A_1518, %get3A_5 : vector<16xf32>
      %add3A_1520 = arith.addf %mul3A_1507, %mul3A_1519 : vector<16xf32>
      %get3A_1521 = arith.constant 3 : i32
      %get3A_1522 = arith.index_cast %get3A_1521 : i32 to index
      %get3A_1523 = arith.index_cast %squeeze3A_1493 : i32 to index
      %get3A_1524 = arith.constant 32 : index
      %get3A_1525 = tpu.vector_load %arg11[%get3A_1522, %get3A_1523, %get3A_1524] {strides = array<i32>} : memref<16x8x64xf32, #tpu.memory_space<vmem>>, vector<16xf32>,
      %get3A_1526 = arith.constant 3 : i32
      %get3A_1527 = arith.index_cast %get3A_1526 : i32 to index
      %get3A_1528 = arith.index_cast %squeeze3A_1495 : i32 to index
      %get3A_1529 = arith.constant 32 : index
      %get3A_1530 = tpu.vector_load %arg13[%get3A_1527, %get3A_1528, %get3A_1529] {strides = array<i32>} : memref<16x8x64xf32, #tpu.memory_space<vmem>>, vector<16xf32>,
      %mul3A_1531 = arith.mulf %get3A_1525, %get3A_1530 : vector<16xf32>
      %mul3A_1532 = arith.mulf %mul3A_1531, %get3A_7 : vector<16xf32>
      %add3A_1533 = arith.addf %add3A_1520, %mul3A_1532 : vector<16xf32>
      %get3A_1534 = arith.constant 3 : i32
      %get3A_1535 = arith.index_cast %get3A_1534 : i32 to index
      %get3A_1536 = arith.index_cast %squeeze3A_1493 : i32 to index
      %get3A_1537 = arith.constant 48 : index
      %get3A_1538 = tpu.vector_load %arg11[%get3A_1535, %get3A_1536, %get3A_1537] {strides = array<i32>} : memref<16x8x64xf32, #tpu.memory_space<vmem>>, vector<16xf32>,
      %get3A_1539 = arith.constant 3 : i32
      %get3A_1540 = arith.index_cast %get3A_1539 : i32 to index
      %get3A_1541 = arith.index_cast %squeeze3A_1495 : i32 to index
      %get3A_1542 = arith.constant 48 : index
      %get3A_1543 = tpu.vector_load %arg13[%get3A_1540, %get3A_1541, %get3A_1542] {strides = array<i32>} : memref<16x8x64xf32, #tpu.memory_space<vmem>>, vector<16xf32>,
      %mul3A_1544 = arith.mulf %get3A_1538, %get3A_1543 : vector<16xf32>
      %mul3A_1545 = arith.mulf %mul3A_1544, %get3A_9 : vector<16xf32>
      %add3A_1546 = arith.addf %add3A_1533, %mul3A_1545 : vector<16xf32>
      %eq3A_1547 = arith.constant 3 : i32
      %eq3A_1548 = vector.broadcast %eq3A_1547 : i32 to vector<16xi32>
      %eq3A_1549 = arith.cmpi eq, %iota3A, %eq3A_1548 : vector<16xi32>
      %reduce_sum3A_1550 = arith.constant true
      %reduce_sum3A_1551 = vector.broadcast %reduce_sum3A_1550 : i1 to vector<16xi1>
      %reduce_sum3A_1552 = tpu.scan <sum>, %add3A_1546 masked %reduce_sum3A_1551 : vector<16xf32>, vector<16xi1> -> vector<16xf32>
      %reduce_sum3A_1553 = vector.extract %reduce_sum3A_1552[15] : f32 from vector<16xf32>
      %broadcast_in_dim3A_1554 = vector.broadcast %reduce_sum3A_1553 : f32 to vector<16xf32>
      %select_n3A_1555 = arith.select %eq3A_1549, %broadcast_in_dim3A_1554, %select_n3A_1491 : vector<16xi1>, vector<16xf32>
      %slice3A_1556 = vector.extract_strided_slice %and3A_1294 {offsets = [4], sizes = [1], strides = [1]} : vector<16xi32> to vector<1xi32>
      %squeeze3A_1557 = vector.extract %slice3A_1556[0] : i32 from vector<1xi32>
      %slice3A_1558 = vector.extract_strided_slice %and3A_1301 {offsets = [4], sizes = [1], strides = [1]} : vector<16xi32> to vector<1xi32>
      %squeeze3A_1559 = vector.extract %slice3A_1558[0] : i32 from vector<1xi32>
      %get3A_1560 = arith.constant 4 : i32
      %get3A_1561 = arith.index_cast %get3A_1560 : i32 to index
      %get3A_1562 = arith.index_cast %squeeze3A_1557 : i32 to index
      %get3A_1563 = arith.constant 0 : index
      %get3A_1564 = tpu.vector_load %arg11[%get3A_1561, %get3A_1562, %get3A_1563] {strides = array<i32>} : memref<16x8x64xf32, #tpu.memory_space<vmem>>, vector<16xf32>,
      %get3A_1565 = arith.constant 4 : i32
      %get3A_1566 = arith.index_cast %get3A_1565 : i32 to index
      %get3A_1567 = arith.index_cast %squeeze3A_1559 : i32 to index
      %get3A_1568 = arith.constant 0 : index
      %get3A_1569 = tpu.vector_load %arg13[%get3A_1566, %get3A_1567, %get3A_1568] {strides = array<i32>} : memref<16x8x64xf32, #tpu.memory_space<vmem>>, vector<16xf32>,
      %mul3A_1570 = arith.mulf %get3A_1564, %get3A_1569 : vector<16xf32>
      %mul3A_1571 = arith.mulf %mul3A_1570, %get3A_3 : vector<16xf32>
      %get3A_1572 = arith.constant 4 : i32
      %get3A_1573 = arith.index_cast %get3A_1572 : i32 to index
      %get3A_1574 = arith.index_cast %squeeze3A_1557 : i32 to index
      %get3A_1575 = arith.constant 16 : index
      %get3A_1576 = tpu.vector_load %arg11[%get3A_1573, %get3A_1574, %get3A_1575] {strides = array<i32>} : memref<16x8x64xf32, #tpu.memory_space<vmem>>, vector<16xf32>,
      %get3A_1577 = arith.constant 4 : i32
      %get3A_1578 = arith.index_cast %get3A_1577 : i32 to index
      %get3A_1579 = arith.index_cast %squeeze3A_1559 : i32 to index
      %get3A_1580 = arith.constant 16 : index
      %get3A_1581 = tpu.vector_load %arg13[%get3A_1578, %get3A_1579, %get3A_1580] {strides = array<i32>} : memref<16x8x64xf32, #tpu.memory_space<vmem>>, vector<16xf32>,
      %mul3A_1582 = arith.mulf %get3A_1576, %get3A_1581 : vector<16xf32>
      %mul3A_1583 = arith.mulf %mul3A_1582, %get3A_5 : vector<16xf32>
      %add3A_1584 = arith.addf %mul3A_1571, %mul3A_1583 : vector<16xf32>
      %get3A_1585 = arith.constant 4 : i32
      %get3A_1586 = arith.index_cast %get3A_1585 : i32 to index
      %get3A_1587 = arith.index_cast %squeeze3A_1557 : i32 to index
      %get3A_1588 = arith.constant 32 : index
      %get3A_1589 = tpu.vector_load %arg11[%get3A_1586, %get3A_1587, %get3A_1588] {strides = array<i32>} : memref<16x8x64xf32, #tpu.memory_space<vmem>>, vector<16xf32>,
      %get3A_1590 = arith.constant 4 : i32
      %get3A_1591 = arith.index_cast %get3A_1590 : i32 to index
      %get3A_1592 = arith.index_cast %squeeze3A_1559 : i32 to index
      %get3A_1593 = arith.constant 32 : index
      %get3A_1594 = tpu.vector_load %arg13[%get3A_1591, %get3A_1592, %get3A_1593] {strides = array<i32>} : memref<16x8x64xf32, #tpu.memory_space<vmem>>, vector<16xf32>,
      %mul3A_1595 = arith.mulf %get3A_1589, %get3A_1594 : vector<16xf32>
      %mul3A_1596 = arith.mulf %mul3A_1595, %get3A_7 : vector<16xf32>
      %add3A_1597 = arith.addf %add3A_1584, %mul3A_1596 : vector<16xf32>
      %get3A_1598 = arith.constant 4 : i32
      %get3A_1599 = arith.index_cast %get3A_1598 : i32 to index
      %get3A_1600 = arith.index_cast %squeeze3A_1557 : i32 to index
      %get3A_1601 = arith.constant 48 : index
      %get3A_1602 = tpu.vector_load %arg11[%get3A_1599, %get3A_1600, %get3A_1601] {strides = array<i32>} : memref<16x8x64xf32, #tpu.memory_space<vmem>>, vector<16xf32>,
      %get3A_1603 = arith.constant 4 : i32
      %get3A_1604 = arith.index_cast %get3A_1603 : i32 to index
      %get3A_1605 = arith.index_cast %squeeze3A_1559 : i32 to index
      %get3A_1606 = arith.constant 48 : index
      %get3A_1607 = tpu.vector_load %arg13[%get3A_1604, %get3A_1605, %get3A_1606] {strides = array<i32>} : memref<16x8x64xf32, #tpu.memory_space<vmem>>, vector<16xf32>,
      %mul3A_1608 = arith.mulf %get3A_1602, %get3A_1607 : vector<16xf32>
      %mul3A_1609 = arith.mulf %mul3A_1608, %get3A_9 : vector<16xf32>
      %add3A_1610 = arith.addf %add3A_1597, %mul3A_1609 : vector<16xf32>
      %eq3A_1611 = arith.constant 4 : i32
      %eq3A_1612 = vector.broadcast %eq3A_1611 : i32 to vector<16xi32>
      %eq3A_1613 = arith.cmpi eq, %iota3A, %eq3A_1612 : vector<16xi32>
      %reduce_sum3A_1614 = arith.constant true
      %reduce_sum3A_1615 = vector.broadcast %reduce_sum3A_1614 : i1 to vector<16xi1>
      %reduce_sum3A_1616 = tpu.scan <sum>, %add3A_1610 masked %reduce_sum3A_1615 : vector<16xf32>, vector<16xi1> -> vector<16xf32>
      %reduce_sum3A_1617 = vector.extract %reduce_sum3A_1616[15] : f32 from vector<16xf32>
      %broadcast_in_dim3A_1618 = vector.broadcast %reduce_sum3A_1617 : f32 to vector<16xf32>
      %select_n3A_1619 = arith.select %eq3A_1613, %broadcast_in_dim3A_1618, %select_n3A_1555 : vector<16xi1>, vector<16xf32>
      %slice3A_1620 = vector.extract_strided_slice %and3A_1294 {offsets = [5], sizes = [1], strides = [1]} : vector<16xi32> to vector<1xi32>
      %squeeze3A_1621 = vector.extract %slice3A_1620[0] : i32 from vector<1xi32>
      %slice3A_1622 = vector.extract_strided_slice %and3A_1301 {offsets = [5], sizes = [1], strides = [1]} : vector<16xi32> to vector<1xi32>
      %squeeze3A_1623 = vector.extract %slice3A_1622[0] : i32 from vector<1xi32>
      %get3A_1624 = arith.constant 5 : i32
      %get3A_1625 = arith.index_cast %get3A_1624 : i32 to index
      %get3A_1626 = arith.index_cast %squeeze3A_1621 : i32 to index
      %get3A_1627 = arith.constant 0 : index
      %get3A_1628 = tpu.vector_load %arg11[%get3A_1625, %get3A_1626, %get3A_1627] {strides = array<i32>} : memref<16x8x64xf32, #tpu.memory_space<vmem>>, vector<16xf32>,
      %get3A_1629 = arith.constant 5 : i32
      %get3A_1630 = arith.index_cast %get3A_1629 : i32 to index
      %get3A_1631 = arith.index_cast %squeeze3A_1623 : i32 to index
      %get3A_1632 = arith.constant 0 : index
      %get3A_1633 = tpu.vector_load %arg13[%get3A_1630, %get3A_1631, %get3A_1632] {strides = array<i32>} : memref<16x8x64xf32, #tpu.memory_space<vmem>>, vector<16xf32>,
      %mul3A_1634 = arith.mulf %get3A_1628, %get3A_1633 : vector<16xf32>
      %mul3A_1635 = arith.mulf %mul3A_1634, %get3A_3 : vector<16xf32>
      %get3A_1636 = arith.constant 5 : i32
      %get3A_1637 = arith.index_cast %get3A_1636 : i32 to index
      %get3A_1638 = arith.index_cast %squeeze3A_1621 : i32 to index
      %get3A_1639 = arith.constant 16 : index
      %get3A_1640 = tpu.vector_load %arg11[%get3A_1637, %get3A_1638, %get3A_1639] {strides = array<i32>} : memref<16x8x64xf32, #tpu.memory_space<vmem>>, vector<16xf32>,
      %get3A_1641 = arith.constant 5 : i32
      %get3A_1642 = arith.index_cast %get3A_1641 : i32 to index
      %get3A_1643 = arith.index_cast %squeeze3A_1623 : i32 to index
      %get3A_1644 = arith.constant 16 : index
      %get3A_1645 = tpu.vector_load %arg13[%get3A_1642, %get3A_1643, %get3A_1644] {strides = array<i32>} : memref<16x8x64xf32, #tpu.memory_space<vmem>>, vector<16xf32>,
      %mul3A_1646 = arith.mulf %get3A_1640, %get3A_1645 : vector<16xf32>
      %mul3A_1647 = arith.mulf %mul3A_1646, %get3A_5 : vector<16xf32>
      %add3A_1648 = arith.addf %mul3A_1635, %mul3A_1647 : vector<16xf32>
      %get3A_1649 = arith.constant 5 : i32
      %get3A_1650 = arith.index_cast %get3A_1649 : i32 to index
      %get3A_1651 = arith.index_cast %squeeze3A_1621 : i32 to index
      %get3A_1652 = arith.constant 32 : index
      %get3A_1653 = tpu.vector_load %arg11[%get3A_1650, %get3A_1651, %get3A_1652] {strides = array<i32>} : memref<16x8x64xf32, #tpu.memory_space<vmem>>, vector<16xf32>,
      %get3A_1654 = arith.constant 5 : i32
      %get3A_1655 = arith.index_cast %get3A_1654 : i32 to index
      %get3A_1656 = arith.index_cast %squeeze3A_1623 : i32 to index
      %get3A_1657 = arith.constant 32 : index
      %get3A_1658 = tpu.vector_load %arg13[%get3A_1655, %get3A_1656, %get3A_1657] {strides = array<i32>} : memref<16x8x64xf32, #tpu.memory_space<vmem>>, vector<16xf32>,
      %mul3A_1659 = arith.mulf %get3A_1653, %get3A_1658 : vector<16xf32>
      %mul3A_1660 = arith.mulf %mul3A_1659, %get3A_7 : vector<16xf32>
      %add3A_1661 = arith.addf %add3A_1648, %mul3A_1660 : vector<16xf32>
      %get3A_1662 = arith.constant 5 : i32
      %get3A_1663 = arith.index_cast %get3A_1662 : i32 to index
      %get3A_1664 = arith.index_cast %squeeze3A_1621 : i32 to index
      %get3A_1665 = arith.constant 48 : index
      %get3A_1666 = tpu.vector_load %arg11[%get3A_1663, %get3A_1664, %get3A_1665] {strides = array<i32>} : memref<16x8x64xf32, #tpu.memory_space<vmem>>, vector<16xf32>,
      %get3A_1667 = arith.constant 5 : i32
      %get3A_1668 = arith.index_cast %get3A_1667 : i32 to index
      %get3A_1669 = arith.index_cast %squeeze3A_1623 : i32 to index
      %get3A_1670 = arith.constant 48 : index
      %get3A_1671 = tpu.vector_load %arg13[%get3A_1668, %get3A_1669, %get3A_1670] {strides = array<i32>} : memref<16x8x64xf32, #tpu.memory_space<vmem>>, vector<16xf32>,
      %mul3A_1672 = arith.mulf %get3A_1666, %get3A_1671 : vector<16xf32>
      %mul3A_1673 = arith.mulf %mul3A_1672, %get3A_9 : vector<16xf32>
      %add3A_1674 = arith.addf %add3A_1661, %mul3A_1673 : vector<16xf32>
      %eq3A_1675 = arith.constant 5 : i32
      %eq3A_1676 = vector.broadcast %eq3A_1675 : i32 to vector<16xi32>
      %eq3A_1677 = arith.cmpi eq, %iota3A, %eq3A_1676 : vector<16xi32>
      %reduce_sum3A_1678 = arith.constant true
      %reduce_sum3A_1679 = vector.broadcast %reduce_sum3A_1678 : i1 to vector<16xi1>
      %reduce_sum3A_1680 = tpu.scan <sum>, %add3A_1674 masked %reduce_sum3A_1679 : vector<16xf32>, vector<16xi1> -> vector<16xf32>
      %reduce_sum3A_1681 = vector.extract %reduce_sum3A_1680[15] : f32 from vector<16xf32>
      %broadcast_in_dim3A_1682 = vector.broadcast %reduce_sum3A_1681 : f32 to vector<16xf32>
      %select_n3A_1683 = arith.select %eq3A_1677, %broadcast_in_dim3A_1682, %select_n3A_1619 : vector<16xi1>, vector<16xf32>
      %slice3A_1684 = vector.extract_strided_slice %and3A_1294 {offsets = [6], sizes = [1], strides = [1]} : vector<16xi32> to vector<1xi32>
      %squeeze3A_1685 = vector.extract %slice3A_1684[0] : i32 from vector<1xi32>
      %slice3A_1686 = vector.extract_strided_slice %and3A_1301 {offsets = [6], sizes = [1], strides = [1]} : vector<16xi32> to vector<1xi32>
      %squeeze3A_1687 = vector.extract %slice3A_1686[0] : i32 from vector<1xi32>
      %get3A_1688 = arith.constant 6 : i32
      %get3A_1689 = arith.index_cast %get3A_1688 : i32 to index
      %get3A_1690 = arith.index_cast %squeeze3A_1685 : i32 to index
      %get3A_1691 = arith.constant 0 : index
      %get3A_1692 = tpu.vector_load %arg11[%get3A_1689, %get3A_1690, %get3A_1691] {strides = array<i32>} : memref<16x8x64xf32, #tpu.memory_space<vmem>>, vector<16xf32>,
      %get3A_1693 = arith.constant 6 : i32
      %get3A_1694 = arith.index_cast %get3A_1693 : i32 to index
      %get3A_1695 = arith.index_cast %squeeze3A_1687 : i32 to index
      %get3A_1696 = arith.constant 0 : index
      %get3A_1697 = tpu.vector_load %arg13[%get3A_1694, %get3A_1695, %get3A_1696] {strides = array<i32>} : memref<16x8x64xf32, #tpu.memory_space<vmem>>, vector<16xf32>,
      %mul3A_1698 = arith.mulf %get3A_1692, %get3A_1697 : vector<16xf32>
      %mul3A_1699 = arith.mulf %mul3A_1698, %get3A_3 : vector<16xf32>
      %get3A_1700 = arith.constant 6 : i32
      %get3A_1701 = arith.index_cast %get3A_1700 : i32 to index
      %get3A_1702 = arith.index_cast %squeeze3A_1685 : i32 to index
      %get3A_1703 = arith.constant 16 : index
      %get3A_1704 = tpu.vector_load %arg11[%get3A_1701, %get3A_1702, %get3A_1703] {strides = array<i32>} : memref<16x8x64xf32, #tpu.memory_space<vmem>>, vector<16xf32>,
      %get3A_1705 = arith.constant 6 : i32
      %get3A_1706 = arith.index_cast %get3A_1705 : i32 to index
      %get3A_1707 = arith.index_cast %squeeze3A_1687 : i32 to index
      %get3A_1708 = arith.constant 16 : index
      %get3A_1709 = tpu.vector_load %arg13[%get3A_1706, %get3A_1707, %get3A_1708] {strides = array<i32>} : memref<16x8x64xf32, #tpu.memory_space<vmem>>, vector<16xf32>,
      %mul3A_1710 = arith.mulf %get3A_1704, %get3A_1709 : vector<16xf32>
      %mul3A_1711 = arith.mulf %mul3A_1710, %get3A_5 : vector<16xf32>
      %add3A_1712 = arith.addf %mul3A_1699, %mul3A_1711 : vector<16xf32>
      %get3A_1713 = arith.constant 6 : i32
      %get3A_1714 = arith.index_cast %get3A_1713 : i32 to index
      %get3A_1715 = arith.index_cast %squeeze3A_1685 : i32 to index
      %get3A_1716 = arith.constant 32 : index
      %get3A_1717 = tpu.vector_load %arg11[%get3A_1714, %get3A_1715, %get3A_1716] {strides = array<i32>} : memref<16x8x64xf32, #tpu.memory_space<vmem>>, vector<16xf32>,
      %get3A_1718 = arith.constant 6 : i32
      %get3A_1719 = arith.index_cast %get3A_1718 : i32 to index
      %get3A_1720 = arith.index_cast %squeeze3A_1687 : i32 to index
      %get3A_1721 = arith.constant 32 : index
      %get3A_1722 = tpu.vector_load %arg13[%get3A_1719, %get3A_1720, %get3A_1721] {strides = array<i32>} : memref<16x8x64xf32, #tpu.memory_space<vmem>>, vector<16xf32>,
      %mul3A_1723 = arith.mulf %get3A_1717, %get3A_1722 : vector<16xf32>
      %mul3A_1724 = arith.mulf %mul3A_1723, %get3A_7 : vector<16xf32>
      %add3A_1725 = arith.addf %add3A_1712, %mul3A_1724 : vector<16xf32>
      %get3A_1726 = arith.constant 6 : i32
      %get3A_1727 = arith.index_cast %get3A_1726 : i32 to index
      %get3A_1728 = arith.index_cast %squeeze3A_1685 : i32 to index
      %get3A_1729 = arith.constant 48 : index
      %get3A_1730 = tpu.vector_load %arg11[%get3A_1727, %get3A_1728, %get3A_1729] {strides = array<i32>} : memref<16x8x64xf32, #tpu.memory_space<vmem>>, vector<16xf32>,
      %get3A_1731 = arith.constant 6 : i32
      %get3A_1732 = arith.index_cast %get3A_1731 : i32 to index
      %get3A_1733 = arith.index_cast %squeeze3A_1687 : i32 to index
      %get3A_1734 = arith.constant 48 : index
      %get3A_1735 = tpu.vector_load %arg13[%get3A_1732, %get3A_1733, %get3A_1734] {strides = array<i32>} : memref<16x8x64xf32, #tpu.memory_space<vmem>>, vector<16xf32>,
      %mul3A_1736 = arith.mulf %get3A_1730, %get3A_1735 : vector<16xf32>
      %mul3A_1737 = arith.mulf %mul3A_1736, %get3A_9 : vector<16xf32>
      %add3A_1738 = arith.addf %add3A_1725, %mul3A_1737 : vector<16xf32>
      %eq3A_1739 = arith.constant 6 : i32
      %eq3A_1740 = vector.broadcast %eq3A_1739 : i32 to vector<16xi32>
      %eq3A_1741 = arith.cmpi eq, %iota3A, %eq3A_1740 : vector<16xi32>
      %reduce_sum3A_1742 = arith.constant true
      %reduce_sum3A_1743 = vector.broadcast %reduce_sum3A_1742 : i1 to vector<16xi1>
      %reduce_sum3A_1744 = tpu.scan <sum>, %add3A_1738 masked %reduce_sum3A_1743 : vector<16xf32>, vector<16xi1> -> vector<16xf32>
      %reduce_sum3A_1745 = vector.extract %reduce_sum3A_1744[15] : f32 from vector<16xf32>
      %broadcast_in_dim3A_1746 = vector.broadcast %reduce_sum3A_1745 : f32 to vector<16xf32>
      %select_n3A_1747 = arith.select %eq3A_1741, %broadcast_in_dim3A_1746, %select_n3A_1683 : vector<16xi1>, vector<16xf32>
      %slice3A_1748 = vector.extract_strided_slice %and3A_1294 {offsets = [7], sizes = [1], strides = [1]} : vector<16xi32> to vector<1xi32>
      %squeeze3A_1749 = vector.extract %slice3A_1748[0] : i32 from vector<1xi32>
      %slice3A_1750 = vector.extract_strided_slice %and3A_1301 {offsets = [7], sizes = [1], strides = [1]} : vector<16xi32> to vector<1xi32>
      %squeeze3A_1751 = vector.extract %slice3A_1750[0] : i32 from vector<1xi32>
      %get3A_1752 = arith.constant 7 : i32
      %get3A_1753 = arith.index_cast %get3A_1752 : i32 to index
      %get3A_1754 = arith.index_cast %squeeze3A_1749 : i32 to index
      %get3A_1755 = arith.constant 0 : index
      %get3A_1756 = tpu.vector_load %arg11[%get3A_1753, %get3A_1754, %get3A_1755] {strides = array<i32>} : memref<16x8x64xf32, #tpu.memory_space<vmem>>, vector<16xf32>,
      %get3A_1757 = arith.constant 7 : i32
      %get3A_1758 = arith.index_cast %get3A_1757 : i32 to index
      %get3A_1759 = arith.index_cast %squeeze3A_1751 : i32 to index
      %get3A_1760 = arith.constant 0 : index
      %get3A_1761 = tpu.vector_load %arg13[%get3A_1758, %get3A_1759, %get3A_1760] {strides = array<i32>} : memref<16x8x64xf32, #tpu.memory_space<vmem>>, vector<16xf32>,
      %mul3A_1762 = arith.mulf %get3A_1756, %get3A_1761 : vector<16xf32>
      %mul3A_1763 = arith.mulf %mul3A_1762, %get3A_3 : vector<16xf32>
      %get3A_1764 = arith.constant 7 : i32
      %get3A_1765 = arith.index_cast %get3A_1764 : i32 to index
      %get3A_1766 = arith.index_cast %squeeze3A_1749 : i32 to index
      %get3A_1767 = arith.constant 16 : index
      %get3A_1768 = tpu.vector_load %arg11[%get3A_1765, %get3A_1766, %get3A_1767] {strides = array<i32>} : memref<16x8x64xf32, #tpu.memory_space<vmem>>, vector<16xf32>,
      %get3A_1769 = arith.constant 7 : i32
      %get3A_1770 = arith.index_cast %get3A_1769 : i32 to index
      %get3A_1771 = arith.index_cast %squeeze3A_1751 : i32 to index
      %get3A_1772 = arith.constant 16 : index
      %get3A_1773 = tpu.vector_load %arg13[%get3A_1770, %get3A_1771, %get3A_1772] {strides = array<i32>} : memref<16x8x64xf32, #tpu.memory_space<vmem>>, vector<16xf32>,
      %mul3A_1774 = arith.mulf %get3A_1768, %get3A_1773 : vector<16xf32>
      %mul3A_1775 = arith.mulf %mul3A_1774, %get3A_5 : vector<16xf32>
      %add3A_1776 = arith.addf %mul3A_1763, %mul3A_1775 : vector<16xf32>
      %get3A_1777 = arith.constant 7 : i32
      %get3A_1778 = arith.index_cast %get3A_1777 : i32 to index
      %get3A_1779 = arith.index_cast %squeeze3A_1749 : i32 to index
      %get3A_1780 = arith.constant 32 : index
      %get3A_1781 = tpu.vector_load %arg11[%get3A_1778, %get3A_1779, %get3A_1780] {strides = array<i32>} : memref<16x8x64xf32, #tpu.memory_space<vmem>>, vector<16xf32>,
      %get3A_1782 = arith.constant 7 : i32
      %get3A_1783 = arith.index_cast %get3A_1782 : i32 to index
      %get3A_1784 = arith.index_cast %squeeze3A_1751 : i32 to index
      %get3A_1785 = arith.constant 32 : index
      %get3A_1786 = tpu.vector_load %arg13[%get3A_1783, %get3A_1784, %get3A_1785] {strides = array<i32>} : memref<16x8x64xf32, #tpu.memory_space<vmem>>, vector<16xf32>,
      %mul3A_1787 = arith.mulf %get3A_1781, %get3A_1786 : vector<16xf32>
      %mul3A_1788 = arith.mulf %mul3A_1787, %get3A_7 : vector<16xf32>
      %add3A_1789 = arith.addf %add3A_1776, %mul3A_1788 : vector<16xf32>
      %get3A_1790 = arith.constant 7 : i32
      %get3A_1791 = arith.index_cast %get3A_1790 : i32 to index
      %get3A_1792 = arith.index_cast %squeeze3A_1749 : i32 to index
      %get3A_1793 = arith.constant 48 : index
      %get3A_1794 = tpu.vector_load %arg11[%get3A_1791, %get3A_1792, %get3A_1793] {strides = array<i32>} : memref<16x8x64xf32, #tpu.memory_space<vmem>>, vector<16xf32>,
      %get3A_1795 = arith.constant 7 : i32
      %get3A_1796 = arith.index_cast %get3A_1795 : i32 to index
      %get3A_1797 = arith.index_cast %squeeze3A_1751 : i32 to index
      %get3A_1798 = arith.constant 48 : index
      %get3A_1799 = tpu.vector_load %arg13[%get3A_1796, %get3A_1797, %get3A_1798] {strides = array<i32>} : memref<16x8x64xf32, #tpu.memory_space<vmem>>, vector<16xf32>,
      %mul3A_1800 = arith.mulf %get3A_1794, %get3A_1799 : vector<16xf32>
      %mul3A_1801 = arith.mulf %mul3A_1800, %get3A_9 : vector<16xf32>
      %add3A_1802 = arith.addf %add3A_1789, %mul3A_1801 : vector<16xf32>
      %eq3A_1803 = arith.constant 7 : i32
      %eq3A_1804 = vector.broadcast %eq3A_1803 : i32 to vector<16xi32>
      %eq3A_1805 = arith.cmpi eq, %iota3A, %eq3A_1804 : vector<16xi32>
      %reduce_sum3A_1806 = arith.constant true
      %reduce_sum3A_1807 = vector.broadcast %reduce_sum3A_1806 : i1 to vector<16xi1>
      %reduce_sum3A_1808 = tpu.scan <sum>, %add3A_1802 masked %reduce_sum3A_1807 : vector<16xf32>, vector<16xi1> -> vector<16xf32>
      %reduce_sum3A_1809 = vector.extract %reduce_sum3A_1808[15] : f32 from vector<16xf32>
      %broadcast_in_dim3A_1810 = vector.broadcast %reduce_sum3A_1809 : f32 to vector<16xf32>
      %select_n3A_1811 = arith.select %eq3A_1805, %broadcast_in_dim3A_1810, %select_n3A_1747 : vector<16xi1>, vector<16xf32>
      %slice3A_1812 = vector.extract_strided_slice %and3A_1294 {offsets = [8], sizes = [1], strides = [1]} : vector<16xi32> to vector<1xi32>
      %squeeze3A_1813 = vector.extract %slice3A_1812[0] : i32 from vector<1xi32>
      %slice3A_1814 = vector.extract_strided_slice %and3A_1301 {offsets = [8], sizes = [1], strides = [1]} : vector<16xi32> to vector<1xi32>
      %squeeze3A_1815 = vector.extract %slice3A_1814[0] : i32 from vector<1xi32>
      %get3A_1816 = arith.constant 8 : i32
      %get3A_1817 = arith.index_cast %get3A_1816 : i32 to index
      %get3A_1818 = arith.index_cast %squeeze3A_1813 : i32 to index
      %get3A_1819 = arith.constant 0 : index
      %get3A_1820 = tpu.vector_load %arg11[%get3A_1817, %get3A_1818, %get3A_1819] {strides = array<i32>} : memref<16x8x64xf32, #tpu.memory_space<vmem>>, vector<16xf32>,
      %get3A_1821 = arith.constant 8 : i32
      %get3A_1822 = arith.index_cast %get3A_1821 : i32 to index
      %get3A_1823 = arith.index_cast %squeeze3A_1815 : i32 to index
      %get3A_1824 = arith.constant 0 : index
      %get3A_1825 = tpu.vector_load %arg13[%get3A_1822, %get3A_1823, %get3A_1824] {strides = array<i32>} : memref<16x8x64xf32, #tpu.memory_space<vmem>>, vector<16xf32>,
      %mul3A_1826 = arith.mulf %get3A_1820, %get3A_1825 : vector<16xf32>
      %mul3A_1827 = arith.mulf %mul3A_1826, %get3A_3 : vector<16xf32>
      %get3A_1828 = arith.constant 8 : i32
      %get3A_1829 = arith.index_cast %get3A_1828 : i32 to index
      %get3A_1830 = arith.index_cast %squeeze3A_1813 : i32 to index
      %get3A_1831 = arith.constant 16 : index
      %get3A_1832 = tpu.vector_load %arg11[%get3A_1829, %get3A_1830, %get3A_1831] {strides = array<i32>} : memref<16x8x64xf32, #tpu.memory_space<vmem>>, vector<16xf32>,
      %get3A_1833 = arith.constant 8 : i32
      %get3A_1834 = arith.index_cast %get3A_1833 : i32 to index
      %get3A_1835 = arith.index_cast %squeeze3A_1815 : i32 to index
      %get3A_1836 = arith.constant 16 : index
      %get3A_1837 = tpu.vector_load %arg13[%get3A_1834, %get3A_1835, %get3A_1836] {strides = array<i32>} : memref<16x8x64xf32, #tpu.memory_space<vmem>>, vector<16xf32>,
      %mul3A_1838 = arith.mulf %get3A_1832, %get3A_1837 : vector<16xf32>
      %mul3A_1839 = arith.mulf %mul3A_1838, %get3A_5 : vector<16xf32>
      %add3A_1840 = arith.addf %mul3A_1827, %mul3A_1839 : vector<16xf32>
      %get3A_1841 = arith.constant 8 : i32
      %get3A_1842 = arith.index_cast %get3A_1841 : i32 to index
      %get3A_1843 = arith.index_cast %squeeze3A_1813 : i32 to index
      %get3A_1844 = arith.constant 32 : index
      %get3A_1845 = tpu.vector_load %arg11[%get3A_1842, %get3A_1843, %get3A_1844] {strides = array<i32>} : memref<16x8x64xf32, #tpu.memory_space<vmem>>, vector<16xf32>,
      %get3A_1846 = arith.constant 8 : i32
      %get3A_1847 = arith.index_cast %get3A_1846 : i32 to index
      %get3A_1848 = arith.index_cast %squeeze3A_1815 : i32 to index
      %get3A_1849 = arith.constant 32 : index
      %get3A_1850 = tpu.vector_load %arg13[%get3A_1847, %get3A_1848, %get3A_1849] {strides = array<i32>} : memref<16x8x64xf32, #tpu.memory_space<vmem>>, vector<16xf32>,
      %mul3A_1851 = arith.mulf %get3A_1845, %get3A_1850 : vector<16xf32>
      %mul3A_1852 = arith.mulf %mul3A_1851, %get3A_7 : vector<16xf32>
      %add3A_1853 = arith.addf %add3A_1840, %mul3A_1852 : vector<16xf32>
      %get3A_1854 = arith.constant 8 : i32
      %get3A_1855 = arith.index_cast %get3A_1854 : i32 to index
      %get3A_1856 = arith.index_cast %squeeze3A_1813 : i32 to index
      %get3A_1857 = arith.constant 48 : index
      %get3A_1858 = tpu.vector_load %arg11[%get3A_1855, %get3A_1856, %get3A_1857] {strides = array<i32>} : memref<16x8x64xf32, #tpu.memory_space<vmem>>, vector<16xf32>,
      %get3A_1859 = arith.constant 8 : i32
      %get3A_1860 = arith.index_cast %get3A_1859 : i32 to index
      %get3A_1861 = arith.index_cast %squeeze3A_1815 : i32 to index
      %get3A_1862 = arith.constant 48 : index
      %get3A_1863 = tpu.vector_load %arg13[%get3A_1860, %get3A_1861, %get3A_1862] {strides = array<i32>} : memref<16x8x64xf32, #tpu.memory_space<vmem>>, vector<16xf32>,
      %mul3A_1864 = arith.mulf %get3A_1858, %get3A_1863 : vector<16xf32>
      %mul3A_1865 = arith.mulf %mul3A_1864, %get3A_9 : vector<16xf32>
      %add3A_1866 = arith.addf %add3A_1853, %mul3A_1865 : vector<16xf32>
      %eq3A_1867 = arith.constant 8 : i32
      %eq3A_1868 = vector.broadcast %eq3A_1867 : i32 to vector<16xi32>
      %eq3A_1869 = arith.cmpi eq, %iota3A, %eq3A_1868 : vector<16xi32>
      %reduce_sum3A_1870 = arith.constant true
      %reduce_sum3A_1871 = vector.broadcast %reduce_sum3A_1870 : i1 to vector<16xi1>
      %reduce_sum3A_1872 = tpu.scan <sum>, %add3A_1866 masked %reduce_sum3A_1871 : vector<16xf32>, vector<16xi1> -> vector<16xf32>
      %reduce_sum3A_1873 = vector.extract %reduce_sum3A_1872[15] : f32 from vector<16xf32>
      %broadcast_in_dim3A_1874 = vector.broadcast %reduce_sum3A_1873 : f32 to vector<16xf32>
      %select_n3A_1875 = arith.select %eq3A_1869, %broadcast_in_dim3A_1874, %select_n3A_1811 : vector<16xi1>, vector<16xf32>
      %slice3A_1876 = vector.extract_strided_slice %and3A_1294 {offsets = [9], sizes = [1], strides = [1]} : vector<16xi32> to vector<1xi32>
      %squeeze3A_1877 = vector.extract %slice3A_1876[0] : i32 from vector<1xi32>
      %slice3A_1878 = vector.extract_strided_slice %and3A_1301 {offsets = [9], sizes = [1], strides = [1]} : vector<16xi32> to vector<1xi32>
      %squeeze3A_1879 = vector.extract %slice3A_1878[0] : i32 from vector<1xi32>
      %get3A_1880 = arith.constant 9 : i32
      %get3A_1881 = arith.index_cast %get3A_1880 : i32 to index
      %get3A_1882 = arith.index_cast %squeeze3A_1877 : i32 to index
      %get3A_1883 = arith.constant 0 : index
      %get3A_1884 = tpu.vector_load %arg11[%get3A_1881, %get3A_1882, %get3A_1883] {strides = array<i32>} : memref<16x8x64xf32, #tpu.memory_space<vmem>>, vector<16xf32>,
      %get3A_1885 = arith.constant 9 : i32
      %get3A_1886 = arith.index_cast %get3A_1885 : i32 to index
      %get3A_1887 = arith.index_cast %squeeze3A_1879 : i32 to index
      %get3A_1888 = arith.constant 0 : index
      %get3A_1889 = tpu.vector_load %arg13[%get3A_1886, %get3A_1887, %get3A_1888] {strides = array<i32>} : memref<16x8x64xf32, #tpu.memory_space<vmem>>, vector<16xf32>,
      %mul3A_1890 = arith.mulf %get3A_1884, %get3A_1889 : vector<16xf32>
      %mul3A_1891 = arith.mulf %mul3A_1890, %get3A_3 : vector<16xf32>
      %get3A_1892 = arith.constant 9 : i32
      %get3A_1893 = arith.index_cast %get3A_1892 : i32 to index
      %get3A_1894 = arith.index_cast %squeeze3A_1877 : i32 to index
      %get3A_1895 = arith.constant 16 : index
      %get3A_1896 = tpu.vector_load %arg11[%get3A_1893, %get3A_1894, %get3A_1895] {strides = array<i32>} : memref<16x8x64xf32, #tpu.memory_space<vmem>>, vector<16xf32>,
      %get3A_1897 = arith.constant 9 : i32
      %get3A_1898 = arith.index_cast %get3A_1897 : i32 to index
      %get3A_1899 = arith.index_cast %squeeze3A_1879 : i32 to index
      %get3A_1900 = arith.constant 16 : index
      %get3A_1901 = tpu.vector_load %arg13[%get3A_1898, %get3A_1899, %get3A_1900] {strides = array<i32>} : memref<16x8x64xf32, #tpu.memory_space<vmem>>, vector<16xf32>,
      %mul3A_1902 = arith.mulf %get3A_1896, %get3A_1901 : vector<16xf32>
      %mul3A_1903 = arith.mulf %mul3A_1902, %get3A_5 : vector<16xf32>
      %add3A_1904 = arith.addf %mul3A_1891, %mul3A_1903 : vector<16xf32>
      %get3A_1905 = arith.constant 9 : i32
      %get3A_1906 = arith.index_cast %get3A_1905 : i32 to index
      %get3A_1907 = arith.index_cast %squeeze3A_1877 : i32 to index
      %get3A_1908 = arith.constant 32 : index
      %get3A_1909 = tpu.vector_load %arg11[%get3A_1906, %get3A_1907, %get3A_1908] {strides = array<i32>} : memref<16x8x64xf32, #tpu.memory_space<vmem>>, vector<16xf32>,
      %get3A_1910 = arith.constant 9 : i32
      %get3A_1911 = arith.index_cast %get3A_1910 : i32 to index
      %get3A_1912 = arith.index_cast %squeeze3A_1879 : i32 to index
      %get3A_1913 = arith.constant 32 : index
      %get3A_1914 = tpu.vector_load %arg13[%get3A_1911, %get3A_1912, %get3A_1913] {strides = array<i32>} : memref<16x8x64xf32, #tpu.memory_space<vmem>>, vector<16xf32>,
      %mul3A_1915 = arith.mulf %get3A_1909, %get3A_1914 : vector<16xf32>
      %mul3A_1916 = arith.mulf %mul3A_1915, %get3A_7 : vector<16xf32>
      %add3A_1917 = arith.addf %add3A_1904, %mul3A_1916 : vector<16xf32>
      %get3A_1918 = arith.constant 9 : i32
      %get3A_1919 = arith.index_cast %get3A_1918 : i32 to index
      %get3A_1920 = arith.index_cast %squeeze3A_1877 : i32 to index
      %get3A_1921 = arith.constant 48 : index
      %get3A_1922 = tpu.vector_load %arg11[%get3A_1919, %get3A_1920, %get3A_1921] {strides = array<i32>} : memref<16x8x64xf32, #tpu.memory_space<vmem>>, vector<16xf32>,
      %get3A_1923 = arith.constant 9 : i32
      %get3A_1924 = arith.index_cast %get3A_1923 : i32 to index
      %get3A_1925 = arith.index_cast %squeeze3A_1879 : i32 to index
      %get3A_1926 = arith.constant 48 : index
      %get3A_1927 = tpu.vector_load %arg13[%get3A_1924, %get3A_1925, %get3A_1926] {strides = array<i32>} : memref<16x8x64xf32, #tpu.memory_space<vmem>>, vector<16xf32>,
      %mul3A_1928 = arith.mulf %get3A_1922, %get3A_1927 : vector<16xf32>
      %mul3A_1929 = arith.mulf %mul3A_1928, %get3A_9 : vector<16xf32>
      %add3A_1930 = arith.addf %add3A_1917, %mul3A_1929 : vector<16xf32>
      %eq3A_1931 = arith.constant 9 : i32
      %eq3A_1932 = vector.broadcast %eq3A_1931 : i32 to vector<16xi32>
      %eq3A_1933 = arith.cmpi eq, %iota3A, %eq3A_1932 : vector<16xi32>
      %reduce_sum3A_1934 = arith.constant true
      %reduce_sum3A_1935 = vector.broadcast %reduce_sum3A_1934 : i1 to vector<16xi1>
      %reduce_sum3A_1936 = tpu.scan <sum>, %add3A_1930 masked %reduce_sum3A_1935 : vector<16xf32>, vector<16xi1> -> vector<16xf32>
      %reduce_sum3A_1937 = vector.extract %reduce_sum3A_1936[15] : f32 from vector<16xf32>
      %broadcast_in_dim3A_1938 = vector.broadcast %reduce_sum3A_1937 : f32 to vector<16xf32>
      %select_n3A_1939 = arith.select %eq3A_1933, %broadcast_in_dim3A_1938, %select_n3A_1875 : vector<16xi1>, vector<16xf32>
      %slice3A_1940 = vector.extract_strided_slice %and3A_1294 {offsets = [10], sizes = [1], strides = [1]} : vector<16xi32> to vector<1xi32>
      %squeeze3A_1941 = vector.extract %slice3A_1940[0] : i32 from vector<1xi32>
      %slice3A_1942 = vector.extract_strided_slice %and3A_1301 {offsets = [10], sizes = [1], strides = [1]} : vector<16xi32> to vector<1xi32>
      %squeeze3A_1943 = vector.extract %slice3A_1942[0] : i32 from vector<1xi32>
      %get3A_1944 = arith.constant 10 : i32
      %get3A_1945 = arith.index_cast %get3A_1944 : i32 to index
      %get3A_1946 = arith.index_cast %squeeze3A_1941 : i32 to index
      %get3A_1947 = arith.constant 0 : index
      %get3A_1948 = tpu.vector_load %arg11[%get3A_1945, %get3A_1946, %get3A_1947] {strides = array<i32>} : memref<16x8x64xf32, #tpu.memory_space<vmem>>, vector<16xf32>,
      %get3A_1949 = arith.constant 10 : i32
      %get3A_1950 = arith.index_cast %get3A_1949 : i32 to index
      %get3A_1951 = arith.index_cast %squeeze3A_1943 : i32 to index
      %get3A_1952 = arith.constant 0 : index
      %get3A_1953 = tpu.vector_load %arg13[%get3A_1950, %get3A_1951, %get3A_1952] {strides = array<i32>} : memref<16x8x64xf32, #tpu.memory_space<vmem>>, vector<16xf32>,
      %mul3A_1954 = arith.mulf %get3A_1948, %get3A_1953 : vector<16xf32>
      %mul3A_1955 = arith.mulf %mul3A_1954, %get3A_3 : vector<16xf32>
      %get3A_1956 = arith.constant 10 : i32
      %get3A_1957 = arith.index_cast %get3A_1956 : i32 to index
      %get3A_1958 = arith.index_cast %squeeze3A_1941 : i32 to index
      %get3A_1959 = arith.constant 16 : index
      %get3A_1960 = tpu.vector_load %arg11[%get3A_1957, %get3A_1958, %get3A_1959] {strides = array<i32>} : memref<16x8x64xf32, #tpu.memory_space<vmem>>, vector<16xf32>,
      %get3A_1961 = arith.constant 10 : i32
      %get3A_1962 = arith.index_cast %get3A_1961 : i32 to index
      %get3A_1963 = arith.index_cast %squeeze3A_1943 : i32 to index
      %get3A_1964 = arith.constant 16 : index
      %get3A_1965 = tpu.vector_load %arg13[%get3A_1962, %get3A_1963, %get3A_1964] {strides = array<i32>} : memref<16x8x64xf32, #tpu.memory_space<vmem>>, vector<16xf32>,
      %mul3A_1966 = arith.mulf %get3A_1960, %get3A_1965 : vector<16xf32>
      %mul3A_1967 = arith.mulf %mul3A_1966, %get3A_5 : vector<16xf32>
      %add3A_1968 = arith.addf %mul3A_1955, %mul3A_1967 : vector<16xf32>
      %get3A_1969 = arith.constant 10 : i32
      %get3A_1970 = arith.index_cast %get3A_1969 : i32 to index
      %get3A_1971 = arith.index_cast %squeeze3A_1941 : i32 to index
      %get3A_1972 = arith.constant 32 : index
      %get3A_1973 = tpu.vector_load %arg11[%get3A_1970, %get3A_1971, %get3A_1972] {strides = array<i32>} : memref<16x8x64xf32, #tpu.memory_space<vmem>>, vector<16xf32>,
      %get3A_1974 = arith.constant 10 : i32
      %get3A_1975 = arith.index_cast %get3A_1974 : i32 to index
      %get3A_1976 = arith.index_cast %squeeze3A_1943 : i32 to index
      %get3A_1977 = arith.constant 32 : index
      %get3A_1978 = tpu.vector_load %arg13[%get3A_1975, %get3A_1976, %get3A_1977] {strides = array<i32>} : memref<16x8x64xf32, #tpu.memory_space<vmem>>, vector<16xf32>,
      %mul3A_1979 = arith.mulf %get3A_1973, %get3A_1978 : vector<16xf32>
      %mul3A_1980 = arith.mulf %mul3A_1979, %get3A_7 : vector<16xf32>
      %add3A_1981 = arith.addf %add3A_1968, %mul3A_1980 : vector<16xf32>
      %get3A_1982 = arith.constant 10 : i32
      %get3A_1983 = arith.index_cast %get3A_1982 : i32 to index
      %get3A_1984 = arith.index_cast %squeeze3A_1941 : i32 to index
      %get3A_1985 = arith.constant 48 : index
      %get3A_1986 = tpu.vector_load %arg11[%get3A_1983, %get3A_1984, %get3A_1985] {strides = array<i32>} : memref<16x8x64xf32, #tpu.memory_space<vmem>>, vector<16xf32>,
      %get3A_1987 = arith.constant 10 : i32
      %get3A_1988 = arith.index_cast %get3A_1987 : i32 to index
      %get3A_1989 = arith.index_cast %squeeze3A_1943 : i32 to index
      %get3A_1990 = arith.constant 48 : index
      %get3A_1991 = tpu.vector_load %arg13[%get3A_1988, %get3A_1989, %get3A_1990] {strides = array<i32>} : memref<16x8x64xf32, #tpu.memory_space<vmem>>, vector<16xf32>,
      %mul3A_1992 = arith.mulf %get3A_1986, %get3A_1991 : vector<16xf32>
      %mul3A_1993 = arith.mulf %mul3A_1992, %get3A_9 : vector<16xf32>
      %add3A_1994 = arith.addf %add3A_1981, %mul3A_1993 : vector<16xf32>
      %eq3A_1995 = arith.constant 10 : i32
      %eq3A_1996 = vector.broadcast %eq3A_1995 : i32 to vector<16xi32>
      %eq3A_1997 = arith.cmpi eq, %iota3A, %eq3A_1996 : vector<16xi32>
      %reduce_sum3A_1998 = arith.constant true
      %reduce_sum3A_1999 = vector.broadcast %reduce_sum3A_1998 : i1 to vector<16xi1>
      %reduce_sum3A_2000 = tpu.scan <sum>, %add3A_1994 masked %reduce_sum3A_1999 : vector<16xf32>, vector<16xi1> -> vector<16xf32>
      %reduce_sum3A_2001 = vector.extract %reduce_sum3A_2000[15] : f32 from vector<16xf32>
      %broadcast_in_dim3A_2002 = vector.broadcast %reduce_sum3A_2001 : f32 to vector<16xf32>
      %select_n3A_2003 = arith.select %eq3A_1997, %broadcast_in_dim3A_2002, %select_n3A_1939 : vector<16xi1>, vector<16xf32>
      %slice3A_2004 = vector.extract_strided_slice %and3A_1294 {offsets = [11], sizes = [1], strides = [1]} : vector<16xi32> to vector<1xi32>
      %squeeze3A_2005 = vector.extract %slice3A_2004[0] : i32 from vector<1xi32>
      %slice3A_2006 = vector.extract_strided_slice %and3A_1301 {offsets = [11], sizes = [1], strides = [1]} : vector<16xi32> to vector<1xi32>
      %squeeze3A_2007 = vector.extract %slice3A_2006[0] : i32 from vector<1xi32>
      %get3A_2008 = arith.constant 11 : i32
      %get3A_2009 = arith.index_cast %get3A_2008 : i32 to index
      %get3A_2010 = arith.index_cast %squeeze3A_2005 : i32 to index
      %get3A_2011 = arith.constant 0 : index
      %get3A_2012 = tpu.vector_load %arg11[%get3A_2009, %get3A_2010, %get3A_2011] {strides = array<i32>} : memref<16x8x64xf32, #tpu.memory_space<vmem>>, vector<16xf32>,
      %get3A_2013 = arith.constant 11 : i32
      %get3A_2014 = arith.index_cast %get3A_2013 : i32 to index
      %get3A_2015 = arith.index_cast %squeeze3A_2007 : i32 to index
      %get3A_2016 = arith.constant 0 : index
      %get3A_2017 = tpu.vector_load %arg13[%get3A_2014, %get3A_2015, %get3A_2016] {strides = array<i32>} : memref<16x8x64xf32, #tpu.memory_space<vmem>>, vector<16xf32>,
      %mul3A_2018 = arith.mulf %get3A_2012, %get3A_2017 : vector<16xf32>
      %mul3A_2019 = arith.mulf %mul3A_2018, %get3A_3 : vector<16xf32>
      %get3A_2020 = arith.constant 11 : i32
      %get3A_2021 = arith.index_cast %get3A_2020 : i32 to index
      %get3A_2022 = arith.index_cast %squeeze3A_2005 : i32 to index
      %get3A_2023 = arith.constant 16 : index
      %get3A_2024 = tpu.vector_load %arg11[%get3A_2021, %get3A_2022, %get3A_2023] {strides = array<i32>} : memref<16x8x64xf32, #tpu.memory_space<vmem>>, vector<16xf32>,
      %get3A_2025 = arith.constant 11 : i32
      %get3A_2026 = arith.index_cast %get3A_2025 : i32 to index
      %get3A_2027 = arith.index_cast %squeeze3A_2007 : i32 to index
      %get3A_2028 = arith.constant 16 : index
      %get3A_2029 = tpu.vector_load %arg13[%get3A_2026, %get3A_2027, %get3A_2028] {strides = array<i32>} : memref<16x8x64xf32, #tpu.memory_space<vmem>>, vector<16xf32>,
      %mul3A_2030 = arith.mulf %get3A_2024, %get3A_2029 : vector<16xf32>
      %mul3A_2031 = arith.mulf %mul3A_2030, %get3A_5 : vector<16xf32>
      %add3A_2032 = arith.addf %mul3A_2019, %mul3A_2031 : vector<16xf32>
      %get3A_2033 = arith.constant 11 : i32
      %get3A_2034 = arith.index_cast %get3A_2033 : i32 to index
      %get3A_2035 = arith.index_cast %squeeze3A_2005 : i32 to index
      %get3A_2036 = arith.constant 32 : index
      %get3A_2037 = tpu.vector_load %arg11[%get3A_2034, %get3A_2035, %get3A_2036] {strides = array<i32>} : memref<16x8x64xf32, #tpu.memory_space<vmem>>, vector<16xf32>,
      %get3A_2038 = arith.constant 11 : i32
      %get3A_2039 = arith.index_cast %get3A_2038 : i32 to index
      %get3A_2040 = arith.index_cast %squeeze3A_2007 : i32 to index
      %get3A_2041 = arith.constant 32 : index
      %get3A_2042 = tpu.vector_load %arg13[%get3A_2039, %get3A_2040, %get3A_2041] {strides = array<i32>} : memref<16x8x64xf32, #tpu.memory_space<vmem>>, vector<16xf32>,
      %mul3A_2043 = arith.mulf %get3A_2037, %get3A_2042 : vector<16xf32>
      %mul3A_2044 = arith.mulf %mul3A_2043, %get3A_7 : vector<16xf32>
      %add3A_2045 = arith.addf %add3A_2032, %mul3A_2044 : vector<16xf32>
      %get3A_2046 = arith.constant 11 : i32
      %get3A_2047 = arith.index_cast %get3A_2046 : i32 to index
      %get3A_2048 = arith.index_cast %squeeze3A_2005 : i32 to index
      %get3A_2049 = arith.constant 48 : index
      %get3A_2050 = tpu.vector_load %arg11[%get3A_2047, %get3A_2048, %get3A_2049] {strides = array<i32>} : memref<16x8x64xf32, #tpu.memory_space<vmem>>, vector<16xf32>,
      %get3A_2051 = arith.constant 11 : i32
      %get3A_2052 = arith.index_cast %get3A_2051 : i32 to index
      %get3A_2053 = arith.index_cast %squeeze3A_2007 : i32 to index
      %get3A_2054 = arith.constant 48 : index
      %get3A_2055 = tpu.vector_load %arg13[%get3A_2052, %get3A_2053, %get3A_2054] {strides = array<i32>} : memref<16x8x64xf32, #tpu.memory_space<vmem>>, vector<16xf32>,
      %mul3A_2056 = arith.mulf %get3A_2050, %get3A_2055 : vector<16xf32>
      %mul3A_2057 = arith.mulf %mul3A_2056, %get3A_9 : vector<16xf32>
      %add3A_2058 = arith.addf %add3A_2045, %mul3A_2057 : vector<16xf32>
      %eq3A_2059 = arith.constant 11 : i32
      %eq3A_2060 = vector.broadcast %eq3A_2059 : i32 to vector<16xi32>
      %eq3A_2061 = arith.cmpi eq, %iota3A, %eq3A_2060 : vector<16xi32>
      %reduce_sum3A_2062 = arith.constant true
      %reduce_sum3A_2063 = vector.broadcast %reduce_sum3A_2062 : i1 to vector<16xi1>
      %reduce_sum3A_2064 = tpu.scan <sum>, %add3A_2058 masked %reduce_sum3A_2063 : vector<16xf32>, vector<16xi1> -> vector<16xf32>
      %reduce_sum3A_2065 = vector.extract %reduce_sum3A_2064[15] : f32 from vector<16xf32>
      %broadcast_in_dim3A_2066 = vector.broadcast %reduce_sum3A_2065 : f32 to vector<16xf32>
      %select_n3A_2067 = arith.select %eq3A_2061, %broadcast_in_dim3A_2066, %select_n3A_2003 : vector<16xi1>, vector<16xf32>
      %slice3A_2068 = vector.extract_strided_slice %and3A_1294 {offsets = [12], sizes = [1], strides = [1]} : vector<16xi32> to vector<1xi32>
      %squeeze3A_2069 = vector.extract %slice3A_2068[0] : i32 from vector<1xi32>
      %slice3A_2070 = vector.extract_strided_slice %and3A_1301 {offsets = [12], sizes = [1], strides = [1]} : vector<16xi32> to vector<1xi32>
      %squeeze3A_2071 = vector.extract %slice3A_2070[0] : i32 from vector<1xi32>
      %get3A_2072 = arith.constant 12 : i32
      %get3A_2073 = arith.index_cast %get3A_2072 : i32 to index
      %get3A_2074 = arith.index_cast %squeeze3A_2069 : i32 to index
      %get3A_2075 = arith.constant 0 : index
      %get3A_2076 = tpu.vector_load %arg11[%get3A_2073, %get3A_2074, %get3A_2075] {strides = array<i32>} : memref<16x8x64xf32, #tpu.memory_space<vmem>>, vector<16xf32>,
      %get3A_2077 = arith.constant 12 : i32
      %get3A_2078 = arith.index_cast %get3A_2077 : i32 to index
      %get3A_2079 = arith.index_cast %squeeze3A_2071 : i32 to index
      %get3A_2080 = arith.constant 0 : index
      %get3A_2081 = tpu.vector_load %arg13[%get3A_2078, %get3A_2079, %get3A_2080] {strides = array<i32>} : memref<16x8x64xf32, #tpu.memory_space<vmem>>, vector<16xf32>,
      %mul3A_2082 = arith.mulf %get3A_2076, %get3A_2081 : vector<16xf32>
      %mul3A_2083 = arith.mulf %mul3A_2082, %get3A_3 : vector<16xf32>
      %get3A_2084 = arith.constant 12 : i32
      %get3A_2085 = arith.index_cast %get3A_2084 : i32 to index
      %get3A_2086 = arith.index_cast %squeeze3A_2069 : i32 to index
      %get3A_2087 = arith.constant 16 : index
      %get3A_2088 = tpu.vector_load %arg11[%get3A_2085, %get3A_2086, %get3A_2087] {strides = array<i32>} : memref<16x8x64xf32, #tpu.memory_space<vmem>>, vector<16xf32>,
      %get3A_2089 = arith.constant 12 : i32
      %get3A_2090 = arith.index_cast %get3A_2089 : i32 to index
      %get3A_2091 = arith.index_cast %squeeze3A_2071 : i32 to index
      %get3A_2092 = arith.constant 16 : index
      %get3A_2093 = tpu.vector_load %arg13[%get3A_2090, %get3A_2091, %get3A_2092] {strides = array<i32>} : memref<16x8x64xf32, #tpu.memory_space<vmem>>, vector<16xf32>,
      %mul3A_2094 = arith.mulf %get3A_2088, %get3A_2093 : vector<16xf32>
      %mul3A_2095 = arith.mulf %mul3A_2094, %get3A_5 : vector<16xf32>
      %add3A_2096 = arith.addf %mul3A_2083, %mul3A_2095 : vector<16xf32>
      %get3A_2097 = arith.constant 12 : i32
      %get3A_2098 = arith.index_cast %get3A_2097 : i32 to index
      %get3A_2099 = arith.index_cast %squeeze3A_2069 : i32 to index
      %get3A_2100 = arith.constant 32 : index
      %get3A_2101 = tpu.vector_load %arg11[%get3A_2098, %get3A_2099, %get3A_2100] {strides = array<i32>} : memref<16x8x64xf32, #tpu.memory_space<vmem>>, vector<16xf32>,
      %get3A_2102 = arith.constant 12 : i32
      %get3A_2103 = arith.index_cast %get3A_2102 : i32 to index
      %get3A_2104 = arith.index_cast %squeeze3A_2071 : i32 to index
      %get3A_2105 = arith.constant 32 : index
      %get3A_2106 = tpu.vector_load %arg13[%get3A_2103, %get3A_2104, %get3A_2105] {strides = array<i32>} : memref<16x8x64xf32, #tpu.memory_space<vmem>>, vector<16xf32>,
      %mul3A_2107 = arith.mulf %get3A_2101, %get3A_2106 : vector<16xf32>
      %mul3A_2108 = arith.mulf %mul3A_2107, %get3A_7 : vector<16xf32>
      %add3A_2109 = arith.addf %add3A_2096, %mul3A_2108 : vector<16xf32>
      %get3A_2110 = arith.constant 12 : i32
      %get3A_2111 = arith.index_cast %get3A_2110 : i32 to index
      %get3A_2112 = arith.index_cast %squeeze3A_2069 : i32 to index
      %get3A_2113 = arith.constant 48 : index
      %get3A_2114 = tpu.vector_load %arg11[%get3A_2111, %get3A_2112, %get3A_2113] {strides = array<i32>} : memref<16x8x64xf32, #tpu.memory_space<vmem>>, vector<16xf32>,
      %get3A_2115 = arith.constant 12 : i32
      %get3A_2116 = arith.index_cast %get3A_2115 : i32 to index
      %get3A_2117 = arith.index_cast %squeeze3A_2071 : i32 to index
      %get3A_2118 = arith.constant 48 : index
      %get3A_2119 = tpu.vector_load %arg13[%get3A_2116, %get3A_2117, %get3A_2118] {strides = array<i32>} : memref<16x8x64xf32, #tpu.memory_space<vmem>>, vector<16xf32>,
      %mul3A_2120 = arith.mulf %get3A_2114, %get3A_2119 : vector<16xf32>
      %mul3A_2121 = arith.mulf %mul3A_2120, %get3A_9 : vector<16xf32>
      %add3A_2122 = arith.addf %add3A_2109, %mul3A_2121 : vector<16xf32>
      %eq3A_2123 = arith.constant 12 : i32
      %eq3A_2124 = vector.broadcast %eq3A_2123 : i32 to vector<16xi32>
      %eq3A_2125 = arith.cmpi eq, %iota3A, %eq3A_2124 : vector<16xi32>
      %reduce_sum3A_2126 = arith.constant true
      %reduce_sum3A_2127 = vector.broadcast %reduce_sum3A_2126 : i1 to vector<16xi1>
      %reduce_sum3A_2128 = tpu.scan <sum>, %add3A_2122 masked %reduce_sum3A_2127 : vector<16xf32>, vector<16xi1> -> vector<16xf32>
      %reduce_sum3A_2129 = vector.extract %reduce_sum3A_2128[15] : f32 from vector<16xf32>
      %broadcast_in_dim3A_2130 = vector.broadcast %reduce_sum3A_2129 : f32 to vector<16xf32>
      %select_n3A_2131 = arith.select %eq3A_2125, %broadcast_in_dim3A_2130, %select_n3A_2067 : vector<16xi1>, vector<16xf32>
      %slice3A_2132 = vector.extract_strided_slice %and3A_1294 {offsets = [13], sizes = [1], strides = [1]} : vector<16xi32> to vector<1xi32>
      %squeeze3A_2133 = vector.extract %slice3A_2132[0] : i32 from vector<1xi32>
      %slice3A_2134 = vector.extract_strided_slice %and3A_1301 {offsets = [13], sizes = [1], strides = [1]} : vector<16xi32> to vector<1xi32>
      %squeeze3A_2135 = vector.extract %slice3A_2134[0] : i32 from vector<1xi32>
      %get3A_2136 = arith.constant 13 : i32
      %get3A_2137 = arith.index_cast %get3A_2136 : i32 to index
      %get3A_2138 = arith.index_cast %squeeze3A_2133 : i32 to index
      %get3A_2139 = arith.constant 0 : index
      %get3A_2140 = tpu.vector_load %arg11[%get3A_2137, %get3A_2138, %get3A_2139] {strides = array<i32>} : memref<16x8x64xf32, #tpu.memory_space<vmem>>, vector<16xf32>,
      %get3A_2141 = arith.constant 13 : i32
      %get3A_2142 = arith.index_cast %get3A_2141 : i32 to index
      %get3A_2143 = arith.index_cast %squeeze3A_2135 : i32 to index
      %get3A_2144 = arith.constant 0 : index
      %get3A_2145 = tpu.vector_load %arg13[%get3A_2142, %get3A_2143, %get3A_2144] {strides = array<i32>} : memref<16x8x64xf32, #tpu.memory_space<vmem>>, vector<16xf32>,
      %mul3A_2146 = arith.mulf %get3A_2140, %get3A_2145 : vector<16xf32>
      %mul3A_2147 = arith.mulf %mul3A_2146, %get3A_3 : vector<16xf32>
      %get3A_2148 = arith.constant 13 : i32
      %get3A_2149 = arith.index_cast %get3A_2148 : i32 to index
      %get3A_2150 = arith.index_cast %squeeze3A_2133 : i32 to index
      %get3A_2151 = arith.constant 16 : index
      %get3A_2152 = tpu.vector_load %arg11[%get3A_2149, %get3A_2150, %get3A_2151] {strides = array<i32>} : memref<16x8x64xf32, #tpu.memory_space<vmem>>, vector<16xf32>,
      %get3A_2153 = arith.constant 13 : i32
      %get3A_2154 = arith.index_cast %get3A_2153 : i32 to index
      %get3A_2155 = arith.index_cast %squeeze3A_2135 : i32 to index
      %get3A_2156 = arith.constant 16 : index
      %get3A_2157 = tpu.vector_load %arg13[%get3A_2154, %get3A_2155, %get3A_2156] {strides = array<i32>} : memref<16x8x64xf32, #tpu.memory_space<vmem>>, vector<16xf32>,
      %mul3A_2158 = arith.mulf %get3A_2152, %get3A_2157 : vector<16xf32>
      %mul3A_2159 = arith.mulf %mul3A_2158, %get3A_5 : vector<16xf32>
      %add3A_2160 = arith.addf %mul3A_2147, %mul3A_2159 : vector<16xf32>
      %get3A_2161 = arith.constant 13 : i32
      %get3A_2162 = arith.index_cast %get3A_2161 : i32 to index
      %get3A_2163 = arith.index_cast %squeeze3A_2133 : i32 to index
      %get3A_2164 = arith.constant 32 : index
      %get3A_2165 = tpu.vector_load %arg11[%get3A_2162, %get3A_2163, %get3A_2164] {strides = array<i32>} : memref<16x8x64xf32, #tpu.memory_space<vmem>>, vector<16xf32>,
      %get3A_2166 = arith.constant 13 : i32
      %get3A_2167 = arith.index_cast %get3A_2166 : i32 to index
      %get3A_2168 = arith.index_cast %squeeze3A_2135 : i32 to index
      %get3A_2169 = arith.constant 32 : index
      %get3A_2170 = tpu.vector_load %arg13[%get3A_2167, %get3A_2168, %get3A_2169] {strides = array<i32>} : memref<16x8x64xf32, #tpu.memory_space<vmem>>, vector<16xf32>,
      %mul3A_2171 = arith.mulf %get3A_2165, %get3A_2170 : vector<16xf32>
      %mul3A_2172 = arith.mulf %mul3A_2171, %get3A_7 : vector<16xf32>
      %add3A_2173 = arith.addf %add3A_2160, %mul3A_2172 : vector<16xf32>
      %get3A_2174 = arith.constant 13 : i32
      %get3A_2175 = arith.index_cast %get3A_2174 : i32 to index
      %get3A_2176 = arith.index_cast %squeeze3A_2133 : i32 to index
      %get3A_2177 = arith.constant 48 : index
      %get3A_2178 = tpu.vector_load %arg11[%get3A_2175, %get3A_2176, %get3A_2177] {strides = array<i32>} : memref<16x8x64xf32, #tpu.memory_space<vmem>>, vector<16xf32>,
      %get3A_2179 = arith.constant 13 : i32
      %get3A_2180 = arith.index_cast %get3A_2179 : i32 to index
      %get3A_2181 = arith.index_cast %squeeze3A_2135 : i32 to index
      %get3A_2182 = arith.constant 48 : index
      %get3A_2183 = tpu.vector_load %arg13[%get3A_2180, %get3A_2181, %get3A_2182] {strides = array<i32>} : memref<16x8x64xf32, #tpu.memory_space<vmem>>, vector<16xf32>,
      %mul3A_2184 = arith.mulf %get3A_2178, %get3A_2183 : vector<16xf32>
      %mul3A_2185 = arith.mulf %mul3A_2184, %get3A_9 : vector<16xf32>
      %add3A_2186 = arith.addf %add3A_2173, %mul3A_2185 : vector<16xf32>
      %eq3A_2187 = arith.constant 13 : i32
      %eq3A_2188 = vector.broadcast %eq3A_2187 : i32 to vector<16xi32>
      %eq3A_2189 = arith.cmpi eq, %iota3A, %eq3A_2188 : vector<16xi32>
      %reduce_sum3A_2190 = arith.constant true
      %reduce_sum3A_2191 = vector.broadcast %reduce_sum3A_2190 : i1 to vector<16xi1>
      %reduce_sum3A_2192 = tpu.scan <sum>, %add3A_2186 masked %reduce_sum3A_2191 : vector<16xf32>, vector<16xi1> -> vector<16xf32>
      %reduce_sum3A_2193 = vector.extract %reduce_sum3A_2192[15] : f32 from vector<16xf32>
      %broadcast_in_dim3A_2194 = vector.broadcast %reduce_sum3A_2193 : f32 to vector<16xf32>
      %select_n3A_2195 = arith.select %eq3A_2189, %broadcast_in_dim3A_2194, %select_n3A_2131 : vector<16xi1>, vector<16xf32>
      %slice3A_2196 = vector.extract_strided_slice %and3A_1294 {offsets = [14], sizes = [1], strides = [1]} : vector<16xi32> to vector<1xi32>
      %squeeze3A_2197 = vector.extract %slice3A_2196[0] : i32 from vector<1xi32>
      %slice3A_2198 = vector.extract_strided_slice %and3A_1301 {offsets = [14], sizes = [1], strides = [1]} : vector<16xi32> to vector<1xi32>
      %squeeze3A_2199 = vector.extract %slice3A_2198[0] : i32 from vector<1xi32>
      %get3A_2200 = arith.constant 14 : i32
      %get3A_2201 = arith.index_cast %get3A_2200 : i32 to index
      %get3A_2202 = arith.index_cast %squeeze3A_2197 : i32 to index
      %get3A_2203 = arith.constant 0 : index
      %get3A_2204 = tpu.vector_load %arg11[%get3A_2201, %get3A_2202, %get3A_2203] {strides = array<i32>} : memref<16x8x64xf32, #tpu.memory_space<vmem>>, vector<16xf32>,
      %get3A_2205 = arith.constant 14 : i32
      %get3A_2206 = arith.index_cast %get3A_2205 : i32 to index
      %get3A_2207 = arith.index_cast %squeeze3A_2199 : i32 to index
      %get3A_2208 = arith.constant 0 : index
      %get3A_2209 = tpu.vector_load %arg13[%get3A_2206, %get3A_2207, %get3A_2208] {strides = array<i32>} : memref<16x8x64xf32, #tpu.memory_space<vmem>>, vector<16xf32>,
      %mul3A_2210 = arith.mulf %get3A_2204, %get3A_2209 : vector<16xf32>
      %mul3A_2211 = arith.mulf %mul3A_2210, %get3A_3 : vector<16xf32>
      %get3A_2212 = arith.constant 14 : i32
      %get3A_2213 = arith.index_cast %get3A_2212 : i32 to index
      %get3A_2214 = arith.index_cast %squeeze3A_2197 : i32 to index
      %get3A_2215 = arith.constant 16 : index
      %get3A_2216 = tpu.vector_load %arg11[%get3A_2213, %get3A_2214, %get3A_2215] {strides = array<i32>} : memref<16x8x64xf32, #tpu.memory_space<vmem>>, vector<16xf32>,
      %get3A_2217 = arith.constant 14 : i32
      %get3A_2218 = arith.index_cast %get3A_2217 : i32 to index
      %get3A_2219 = arith.index_cast %squeeze3A_2199 : i32 to index
      %get3A_2220 = arith.constant 16 : index
      %get3A_2221 = tpu.vector_load %arg13[%get3A_2218, %get3A_2219, %get3A_2220] {strides = array<i32>} : memref<16x8x64xf32, #tpu.memory_space<vmem>>, vector<16xf32>,
      %mul3A_2222 = arith.mulf %get3A_2216, %get3A_2221 : vector<16xf32>
      %mul3A_2223 = arith.mulf %mul3A_2222, %get3A_5 : vector<16xf32>
      %add3A_2224 = arith.addf %mul3A_2211, %mul3A_2223 : vector<16xf32>
      %get3A_2225 = arith.constant 14 : i32
      %get3A_2226 = arith.index_cast %get3A_2225 : i32 to index
      %get3A_2227 = arith.index_cast %squeeze3A_2197 : i32 to index
      %get3A_2228 = arith.constant 32 : index
      %get3A_2229 = tpu.vector_load %arg11[%get3A_2226, %get3A_2227, %get3A_2228] {strides = array<i32>} : memref<16x8x64xf32, #tpu.memory_space<vmem>>, vector<16xf32>,
      %get3A_2230 = arith.constant 14 : i32
      %get3A_2231 = arith.index_cast %get3A_2230 : i32 to index
      %get3A_2232 = arith.index_cast %squeeze3A_2199 : i32 to index
      %get3A_2233 = arith.constant 32 : index
      %get3A_2234 = tpu.vector_load %arg13[%get3A_2231, %get3A_2232, %get3A_2233] {strides = array<i32>} : memref<16x8x64xf32, #tpu.memory_space<vmem>>, vector<16xf32>,
      %mul3A_2235 = arith.mulf %get3A_2229, %get3A_2234 : vector<16xf32>
      %mul3A_2236 = arith.mulf %mul3A_2235, %get3A_7 : vector<16xf32>
      %add3A_2237 = arith.addf %add3A_2224, %mul3A_2236 : vector<16xf32>
      %get3A_2238 = arith.constant 14 : i32
      %get3A_2239 = arith.index_cast %get3A_2238 : i32 to index
      %get3A_2240 = arith.index_cast %squeeze3A_2197 : i32 to index
      %get3A_2241 = arith.constant 48 : index
      %get3A_2242 = tpu.vector_load %arg11[%get3A_2239, %get3A_2240, %get3A_2241] {strides = array<i32>} : memref<16x8x64xf32, #tpu.memory_space<vmem>>, vector<16xf32>,
      %get3A_2243 = arith.constant 14 : i32
      %get3A_2244 = arith.index_cast %get3A_2243 : i32 to index
      %get3A_2245 = arith.index_cast %squeeze3A_2199 : i32 to index
      %get3A_2246 = arith.constant 48 : index
      %get3A_2247 = tpu.vector_load %arg13[%get3A_2244, %get3A_2245, %get3A_2246] {strides = array<i32>} : memref<16x8x64xf32, #tpu.memory_space<vmem>>, vector<16xf32>,
      %mul3A_2248 = arith.mulf %get3A_2242, %get3A_2247 : vector<16xf32>
      %mul3A_2249 = arith.mulf %mul3A_2248, %get3A_9 : vector<16xf32>
      %add3A_2250 = arith.addf %add3A_2237, %mul3A_2249 : vector<16xf32>
      %eq3A_2251 = arith.constant 14 : i32
      %eq3A_2252 = vector.broadcast %eq3A_2251 : i32 to vector<16xi32>
      %eq3A_2253 = arith.cmpi eq, %iota3A, %eq3A_2252 : vector<16xi32>
      %reduce_sum3A_2254 = arith.constant true
      %reduce_sum3A_2255 = vector.broadcast %reduce_sum3A_2254 : i1 to vector<16xi1>
      %reduce_sum3A_2256 = tpu.scan <sum>, %add3A_2250 masked %reduce_sum3A_2255 : vector<16xf32>, vector<16xi1> -> vector<16xf32>
      %reduce_sum3A_2257 = vector.extract %reduce_sum3A_2256[15] : f32 from vector<16xf32>
      %broadcast_in_dim3A_2258 = vector.broadcast %reduce_sum3A_2257 : f32 to vector<16xf32>
      %select_n3A_2259 = arith.select %eq3A_2253, %broadcast_in_dim3A_2258, %select_n3A_2195 : vector<16xi1>, vector<16xf32>
      %slice3A_2260 = vector.extract_strided_slice %and3A_1294 {offsets = [15], sizes = [1], strides = [1]} : vector<16xi32> to vector<1xi32>
      %squeeze3A_2261 = vector.extract %slice3A_2260[0] : i32 from vector<1xi32>
      %slice3A_2262 = vector.extract_strided_slice %and3A_1301 {offsets = [15], sizes = [1], strides = [1]} : vector<16xi32> to vector<1xi32>
      %squeeze3A_2263 = vector.extract %slice3A_2262[0] : i32 from vector<1xi32>
      %get3A_2264 = arith.constant 15 : i32
      %get3A_2265 = arith.index_cast %get3A_2264 : i32 to index
      %get3A_2266 = arith.index_cast %squeeze3A_2261 : i32 to index
      %get3A_2267 = arith.constant 0 : index
      %get3A_2268 = tpu.vector_load %arg11[%get3A_2265, %get3A_2266, %get3A_2267] {strides = array<i32>} : memref<16x8x64xf32, #tpu.memory_space<vmem>>, vector<16xf32>,
      %get3A_2269 = arith.constant 15 : i32
      %get3A_2270 = arith.index_cast %get3A_2269 : i32 to index
      %get3A_2271 = arith.index_cast %squeeze3A_2263 : i32 to index
      %get3A_2272 = arith.constant 0 : index
      %get3A_2273 = tpu.vector_load %arg13[%get3A_2270, %get3A_2271, %get3A_2272] {strides = array<i32>} : memref<16x8x64xf32, #tpu.memory_space<vmem>>, vector<16xf32>,
      %mul3A_2274 = arith.mulf %get3A_2268, %get3A_2273 : vector<16xf32>
      %mul3A_2275 = arith.mulf %mul3A_2274, %get3A_3 : vector<16xf32>
      %get3A_2276 = arith.constant 15 : i32
      %get3A_2277 = arith.index_cast %get3A_2276 : i32 to index
      %get3A_2278 = arith.index_cast %squeeze3A_2261 : i32 to index
      %get3A_2279 = arith.constant 16 : index
      %get3A_2280 = tpu.vector_load %arg11[%get3A_2277, %get3A_2278, %get3A_2279] {strides = array<i32>} : memref<16x8x64xf32, #tpu.memory_space<vmem>>, vector<16xf32>,
      %get3A_2281 = arith.constant 15 : i32
      %get3A_2282 = arith.index_cast %get3A_2281 : i32 to index
      %get3A_2283 = arith.index_cast %squeeze3A_2263 : i32 to index
      %get3A_2284 = arith.constant 16 : index
      %get3A_2285 = tpu.vector_load %arg13[%get3A_2282, %get3A_2283, %get3A_2284] {strides = array<i32>} : memref<16x8x64xf32, #tpu.memory_space<vmem>>, vector<16xf32>,
      %mul3A_2286 = arith.mulf %get3A_2280, %get3A_2285 : vector<16xf32>
      %mul3A_2287 = arith.mulf %mul3A_2286, %get3A_5 : vector<16xf32>
      %add3A_2288 = arith.addf %mul3A_2275, %mul3A_2287 : vector<16xf32>
      %get3A_2289 = arith.constant 15 : i32
      %get3A_2290 = arith.index_cast %get3A_2289 : i32 to index
      %get3A_2291 = arith.index_cast %squeeze3A_2261 : i32 to index
      %get3A_2292 = arith.constant 32 : index
      %get3A_2293 = tpu.vector_load %arg11[%get3A_2290, %get3A_2291, %get3A_2292] {strides = array<i32>} : memref<16x8x64xf32, #tpu.memory_space<vmem>>, vector<16xf32>,
      %get3A_2294 = arith.constant 15 : i32
      %get3A_2295 = arith.index_cast %get3A_2294 : i32 to index
      %get3A_2296 = arith.index_cast %squeeze3A_2263 : i32 to index
      %get3A_2297 = arith.constant 32 : index
      %get3A_2298 = tpu.vector_load %arg13[%get3A_2295, %get3A_2296, %get3A_2297] {strides = array<i32>} : memref<16x8x64xf32, #tpu.memory_space<vmem>>, vector<16xf32>,
      %mul3A_2299 = arith.mulf %get3A_2293, %get3A_2298 : vector<16xf32>
      %mul3A_2300 = arith.mulf %mul3A_2299, %get3A_7 : vector<16xf32>
      %add3A_2301 = arith.addf %add3A_2288, %mul3A_2300 : vector<16xf32>
      %get3A_2302 = arith.constant 15 : i32
      %get3A_2303 = arith.index_cast %get3A_2302 : i32 to index
      %get3A_2304 = arith.index_cast %squeeze3A_2261 : i32 to index
      %get3A_2305 = arith.constant 48 : index
      %get3A_2306 = tpu.vector_load %arg11[%get3A_2303, %get3A_2304, %get3A_2305] {strides = array<i32>} : memref<16x8x64xf32, #tpu.memory_space<vmem>>, vector<16xf32>,
      %get3A_2307 = arith.constant 15 : i32
      %get3A_2308 = arith.index_cast %get3A_2307 : i32 to index
      %get3A_2309 = arith.index_cast %squeeze3A_2263 : i32 to index
      %get3A_2310 = arith.constant 48 : index
      %get3A_2311 = tpu.vector_load %arg13[%get3A_2308, %get3A_2309, %get3A_2310] {strides = array<i32>} : memref<16x8x64xf32, #tpu.memory_space<vmem>>, vector<16xf32>,
      %mul3A_2312 = arith.mulf %get3A_2306, %get3A_2311 : vector<16xf32>
      %mul3A_2313 = arith.mulf %mul3A_2312, %get3A_9 : vector<16xf32>
      %add3A_2314 = arith.addf %add3A_2301, %mul3A_2313 : vector<16xf32>
      %eq3A_2315 = arith.constant 15 : i32
      %eq3A_2316 = vector.broadcast %eq3A_2315 : i32 to vector<16xi32>
      %eq3A_2317 = arith.cmpi eq, %iota3A, %eq3A_2316 : vector<16xi32>
      %reduce_sum3A_2318 = arith.constant true
      %reduce_sum3A_2319 = vector.broadcast %reduce_sum3A_2318 : i1 to vector<16xi1>
      %reduce_sum3A_2320 = tpu.scan <sum>, %add3A_2314 masked %reduce_sum3A_2319 : vector<16xf32>, vector<16xi1> -> vector<16xf32>
      %reduce_sum3A_2321 = vector.extract %reduce_sum3A_2320[15] : f32 from vector<16xf32>
      %broadcast_in_dim3A_2322 = vector.broadcast %reduce_sum3A_2321 : f32 to vector<16xf32>
      %select_n3A_2323 = arith.select %eq3A_2317, %broadcast_in_dim3A_2322, %select_n3A_2259 : vector<16xi1>, vector<16xf32>
      %add3A_2324 = arith.addf %select_n3A_2323, %get3A_11 : vector<16xf32>
      %mul3A_2325 = arith.constant 16 : i32
      %mul3A_2326 = arith.muli %mul3A_648, %mul3A_2325 : i32
      %swap3A = arith.index_cast %mul3A_2326 : i32 to index
      %swap3A_2327 = tpu.vector_load %arg17[%swap3A] {strides = array<i32>} : memref<512xf32, #tpu.memory_space<vmem>>, vector<16xf32>,
      tpu.vector_store %arg17[%swap3A], %add3A_2324 {strides = array<i32>} : memref<512xf32, #tpu.memory_space<vmem>>, vector<16xf32>,
      %add3A_2328 = arith.constant 2 : i32
      %add3A_2329 = arith.addi %mul3A_648, %add3A_2328 : i32
      %jit3A = arith.constant 32 : i32
      %eq3A_2330 = arith.constant 0 : i32
      %eq3A_2331 = arith.cmpi eq, %jit3A, %eq3A_2330 : i32
      %jit3A_2332 = arith.constant 1 : i32
      %select_n3A_2333 = arith.select %eq3A_2331, %jit3A_2332, %jit3A : i32
      %rem3A = arith.remsi %add3A_2329, %select_n3A_2333 : i32
      %ne3A = arith.constant 0 : i32
      %ne3A_2334 = arith.cmpi ne, %rem3A, %ne3A : i32
      %lt3A = arith.constant 0 : i32
      %lt3A_2335 = arith.cmpi slt, %rem3A, %lt3A : i32
      %lt3A_2336 = arith.constant 0 : i32
      %lt3A_2337 = arith.cmpi slt, %select_n3A_2333, %lt3A_2336 : i32
      %ne3A_2338 = arith.xori %lt3A_2335, %lt3A_2337 : i1
      %and3A_2339 = arith.andi %ne3A_2338, %ne3A_2334 : i1
      %add3A_2340 = arith.addi %rem3A, %select_n3A_2333 : i32
      %select_n3A_2341 = arith.select %and3A_2339, %add3A_2340, %rem3A : i32
      %mul3A_2342 = arith.constant 16 : i32
      %mul3A_2343 = arith.muli %select_n3A_2341, %mul3A_2342 : i32
      %get3A_2344 = arith.index_cast %mul3A_2343 : i32 to index
      %get3A_2345 = tpu.vector_load %arg9[%get3A_2344] {strides = array<i32>} : memref<512xi32, #tpu.memory_space<vmem>>, vector<16xi32>,
      %shift_right_logical3A_2346 = arith.constant 3 : i32
      %shift_right_logical3A_2347 = vector.broadcast %shift_right_logical3A_2346 : i32 to vector<16xi32>
      %shift_right_logical3A_2348 = arith.shrui %get3A_2345, %shift_right_logical3A_2347 : vector<16xi32>
      %mul3A_2349 = arith.constant 16 : i32
      %mul3A_2350 = arith.muli %select_n3A_2341, %mul3A_2349 : i32
      %get3A_2351 = arith.index_cast %mul3A_2350 : i32 to index
      %get3A_2352 = tpu.vector_load %arg10[%get3A_2351] {strides = array<i32>} : memref<512xi32, #tpu.memory_space<vmem>>, vector<16xi32>,
      %shift_right_logical3A_2353 = arith.constant 3 : i32
      %shift_right_logical3A_2354 = vector.broadcast %shift_right_logical3A_2353 : i32 to vector<16xi32>
      %shift_right_logical3A_2355 = arith.shrui %get3A_2352, %shift_right_logical3A_2354 : vector<16xi32>
      %slice3A_2356 = vector.extract_strided_slice %shift_right_logical3A_2348 {offsets = [0], sizes = [1], strides = [1]} : vector<16xi32> to vector<1xi32>
      %squeeze3A_2357 = vector.extract %slice3A_2356[0] : i32 from vector<1xi32>
      %dma_start3A_2358 = arith.constant 0 : i32
      %dma_start3A_2359 = arith.constant 0 : i32
      %dma_start3A_2360 = arith.constant 0 : i32
      %dma_start3A_2361 = tpu.memref_slice %arg11[%dma_start3A_2358, %dma_start3A_2359, %dma_start3A_2360] : memref<16x8x64xf32, #tpu.memory_space<vmem>> -> memref<1x8x64xf32, #tpu.memory_space<vmem>>
      %dma_start3A_2362 = tpu.memref_squeeze %dma_start3A_2361 : memref<1x8x64xf32, #tpu.memory_space<vmem>> -> memref<8x64xf32, #tpu.memory_space<vmem>>
      %dma_start3A_2363 = arith.constant 0 : i32
      %dma_start3A_2364 = arith.constant 0 : i32
      %dma_start3A_2365 = tpu.memref_slice %arg4[%squeeze3A_2357, %dma_start3A_2363, %dma_start3A_2364] : memref<125000x8x64xf32, #tpu.memory_space<hbm>> -> memref<1x8x64xf32, #tpu.memory_space<hbm>>
      %dma_start3A_2366 = tpu.memref_squeeze %dma_start3A_2365 : memref<1x8x64xf32, #tpu.memory_space<hbm>> -> memref<8x64xf32, #tpu.memory_space<hbm>>
      %dma_start3A_2367 = arith.constant 0 : i32
      %dma_start3A_2368 = arith.constant 0 : i32
      %dma_start3A_2369 = tpu.memref_slice %arg11[%dma_start3A_2358, %dma_start3A_2367, %dma_start3A_2368] : memref<16x8x64xf32, #tpu.memory_space<vmem>> -> memref<1x8x64xf32, #tpu.memory_space<vmem>>
      %dma_start3A_2370 = tpu.memref_squeeze %dma_start3A_2369 : memref<1x8x64xf32, #tpu.memory_space<vmem>> -> memref<8x64xf32, #tpu.memory_space<vmem>>
      %dma_start3A_2371 = arith.constant 0 : i32
      %dma_start3A_2372 = arith.constant 0 : i32
      %dma_start3A_2373 = tpu.memref_slice %arg4[%squeeze3A_2357, %dma_start3A_2371, %dma_start3A_2372] : memref<125000x8x64xf32, #tpu.memory_space<hbm>> -> memref<1x8x64xf32, #tpu.memory_space<hbm>>
      %dma_start3A_2374 = tpu.memref_squeeze %dma_start3A_2373 : memref<1x8x64xf32, #tpu.memory_space<hbm>> -> memref<8x64xf32, #tpu.memory_space<hbm>>
      tpu.enqueue_dma source(%dma_start3A_2374 : memref<8x64xf32, #tpu.memory_space<hbm>>) target(%dma_start3A_2370 : memref<8x64xf32, #tpu.memory_space<vmem>>) target_semaphore(%arg18 : memref<!tpu.dma_semaphore, #tpu.memory_space<semaphore_mem>>)
      %slice3A_2375 = vector.extract_strided_slice %shift_right_logical3A_2355 {offsets = [0], sizes = [1], strides = [1]} : vector<16xi32> to vector<1xi32>
      %squeeze3A_2376 = vector.extract %slice3A_2375[0] : i32 from vector<1xi32>
      %dma_start3A_2377 = arith.constant 0 : i32
      %dma_start3A_2378 = arith.constant 0 : i32
      %dma_start3A_2379 = arith.constant 0 : i32
      %dma_start3A_2380 = tpu.memref_slice %arg13[%dma_start3A_2377, %dma_start3A_2378, %dma_start3A_2379] : memref<16x8x64xf32, #tpu.memory_space<vmem>> -> memref<1x8x64xf32, #tpu.memory_space<vmem>>
      %dma_start3A_2381 = tpu.memref_squeeze %dma_start3A_2380 : memref<1x8x64xf32, #tpu.memory_space<vmem>> -> memref<8x64xf32, #tpu.memory_space<vmem>>
      %dma_start3A_2382 = arith.constant 0 : i32
      %dma_start3A_2383 = arith.constant 0 : i32
      %dma_start3A_2384 = tpu.memref_slice %arg5[%squeeze3A_2376, %dma_start3A_2382, %dma_start3A_2383] : memref<125000x8x64xf32, #tpu.memory_space<hbm>> -> memref<1x8x64xf32, #tpu.memory_space<hbm>>
      %dma_start3A_2385 = tpu.memref_squeeze %dma_start3A_2384 : memref<1x8x64xf32, #tpu.memory_space<hbm>> -> memref<8x64xf32, #tpu.memory_space<hbm>>
      %dma_start3A_2386 = arith.constant 0 : i32
      %dma_start3A_2387 = arith.constant 0 : i32
      %dma_start3A_2388 = tpu.memref_slice %arg13[%dma_start3A_2377, %dma_start3A_2386, %dma_start3A_2387] : memref<16x8x64xf32, #tpu.memory_space<vmem>> -> memref<1x8x64xf32, #tpu.memory_space<vmem>>
      %dma_start3A_2389 = tpu.memref_squeeze %dma_start3A_2388 : memref<1x8x64xf32, #tpu.memory_space<vmem>> -> memref<8x64xf32, #tpu.memory_space<vmem>>
      %dma_start3A_2390 = arith.constant 0 : i32
      %dma_start3A_2391 = arith.constant 0 : i32
      %dma_start3A_2392 = tpu.memref_slice %arg5[%squeeze3A_2376, %dma_start3A_2390, %dma_start3A_2391] : memref<125000x8x64xf32, #tpu.memory_space<hbm>> -> memref<1x8x64xf32, #tpu.memory_space<hbm>>
      %dma_start3A_2393 = tpu.memref_squeeze %dma_start3A_2392 : memref<1x8x64xf32, #tpu.memory_space<hbm>> -> memref<8x64xf32, #tpu.memory_space<hbm>>
      tpu.enqueue_dma source(%dma_start3A_2393 : memref<8x64xf32, #tpu.memory_space<hbm>>) target(%dma_start3A_2389 : memref<8x64xf32, #tpu.memory_space<vmem>>) target_semaphore(%arg19 : memref<!tpu.dma_semaphore, #tpu.memory_space<semaphore_mem>>)
      %slice3A_2394 = vector.extract_strided_slice %shift_right_logical3A_2348 {offsets = [1], sizes = [1], strides = [1]} : vector<16xi32> to vector<1xi32>
      %squeeze3A_2395 = vector.extract %slice3A_2394[0] : i32 from vector<1xi32>
      %dma_start3A_2396 = arith.constant 1 : i32
      %dma_start3A_2397 = arith.constant 0 : i32
      %dma_start3A_2398 = arith.constant 0 : i32
      %dma_start3A_2399 = tpu.memref_slice %arg11[%dma_start3A_2396, %dma_start3A_2397, %dma_start3A_2398] : memref<16x8x64xf32, #tpu.memory_space<vmem>> -> memref<1x8x64xf32, #tpu.memory_space<vmem>>
      %dma_start3A_2400 = tpu.memref_squeeze %dma_start3A_2399 : memref<1x8x64xf32, #tpu.memory_space<vmem>> -> memref<8x64xf32, #tpu.memory_space<vmem>>
      %dma_start3A_2401 = arith.constant 0 : i32
      %dma_start3A_2402 = arith.constant 0 : i32
      %dma_start3A_2403 = tpu.memref_slice %arg4[%squeeze3A_2395, %dma_start3A_2401, %dma_start3A_2402] : memref<125000x8x64xf32, #tpu.memory_space<hbm>> -> memref<1x8x64xf32, #tpu.memory_space<hbm>>
      %dma_start3A_2404 = tpu.memref_squeeze %dma_start3A_2403 : memref<1x8x64xf32, #tpu.memory_space<hbm>> -> memref<8x64xf32, #tpu.memory_space<hbm>>
      %dma_start3A_2405 = arith.constant 0 : i32
      %dma_start3A_2406 = arith.constant 0 : i32
      %dma_start3A_2407 = tpu.memref_slice %arg11[%dma_start3A_2396, %dma_start3A_2405, %dma_start3A_2406] : memref<16x8x64xf32, #tpu.memory_space<vmem>> -> memref<1x8x64xf32, #tpu.memory_space<vmem>>
      %dma_start3A_2408 = tpu.memref_squeeze %dma_start3A_2407 : memref<1x8x64xf32, #tpu.memory_space<vmem>> -> memref<8x64xf32, #tpu.memory_space<vmem>>
      %dma_start3A_2409 = arith.constant 0 : i32
      %dma_start3A_2410 = arith.constant 0 : i32
      %dma_start3A_2411 = tpu.memref_slice %arg4[%squeeze3A_2395, %dma_start3A_2409, %dma_start3A_2410] : memref<125000x8x64xf32, #tpu.memory_space<hbm>> -> memref<1x8x64xf32, #tpu.memory_space<hbm>>
      %dma_start3A_2412 = tpu.memref_squeeze %dma_start3A_2411 : memref<1x8x64xf32, #tpu.memory_space<hbm>> -> memref<8x64xf32, #tpu.memory_space<hbm>>
      tpu.enqueue_dma source(%dma_start3A_2412 : memref<8x64xf32, #tpu.memory_space<hbm>>) target(%dma_start3A_2408 : memref<8x64xf32, #tpu.memory_space<vmem>>) target_semaphore(%arg18 : memref<!tpu.dma_semaphore, #tpu.memory_space<semaphore_mem>>)
      %slice3A_2413 = vector.extract_strided_slice %shift_right_logical3A_2355 {offsets = [1], sizes = [1], strides = [1]} : vector<16xi32> to vector<1xi32>
      %squeeze3A_2414 = vector.extract %slice3A_2413[0] : i32 from vector<1xi32>
      %dma_start3A_2415 = arith.constant 1 : i32
      %dma_start3A_2416 = arith.constant 0 : i32
      %dma_start3A_2417 = arith.constant 0 : i32
      %dma_start3A_2418 = tpu.memref_slice %arg13[%dma_start3A_2415, %dma_start3A_2416, %dma_start3A_2417] : memref<16x8x64xf32, #tpu.memory_space<vmem>> -> memref<1x8x64xf32, #tpu.memory_space<vmem>>
      %dma_start3A_2419 = tpu.memref_squeeze %dma_start3A_2418 : memref<1x8x64xf32, #tpu.memory_space<vmem>> -> memref<8x64xf32, #tpu.memory_space<vmem>>
      %dma_start3A_2420 = arith.constant 0 : i32
      %dma_start3A_2421 = arith.constant 0 : i32
      %dma_start3A_2422 = tpu.memref_slice %arg5[%squeeze3A_2414, %dma_start3A_2420, %dma_start3A_2421] : memref<125000x8x64xf32, #tpu.memory_space<hbm>> -> memref<1x8x64xf32, #tpu.memory_space<hbm>>
      %dma_start3A_2423 = tpu.memref_squeeze %dma_start3A_2422 : memref<1x8x64xf32, #tpu.memory_space<hbm>> -> memref<8x64xf32, #tpu.memory_space<hbm>>
      %dma_start3A_2424 = arith.constant 0 : i32
      %dma_start3A_2425 = arith.constant 0 : i32
      %dma_start3A_2426 = tpu.memref_slice %arg13[%dma_start3A_2415, %dma_start3A_2424, %dma_start3A_2425] : memref<16x8x64xf32, #tpu.memory_space<vmem>> -> memref<1x8x64xf32, #tpu.memory_space<vmem>>
      %dma_start3A_2427 = tpu.memref_squeeze %dma_start3A_2426 : memref<1x8x64xf32, #tpu.memory_space<vmem>> -> memref<8x64xf32, #tpu.memory_space<vmem>>
      %dma_start3A_2428 = arith.constant 0 : i32
      %dma_start3A_2429 = arith.constant 0 : i32
      %dma_start3A_2430 = tpu.memref_slice %arg5[%squeeze3A_2414, %dma_start3A_2428, %dma_start3A_2429] : memref<125000x8x64xf32, #tpu.memory_space<hbm>> -> memref<1x8x64xf32, #tpu.memory_space<hbm>>
      %dma_start3A_2431 = tpu.memref_squeeze %dma_start3A_2430 : memref<1x8x64xf32, #tpu.memory_space<hbm>> -> memref<8x64xf32, #tpu.memory_space<hbm>>
      tpu.enqueue_dma source(%dma_start3A_2431 : memref<8x64xf32, #tpu.memory_space<hbm>>) target(%dma_start3A_2427 : memref<8x64xf32, #tpu.memory_space<vmem>>) target_semaphore(%arg19 : memref<!tpu.dma_semaphore, #tpu.memory_space<semaphore_mem>>)
      %slice3A_2432 = vector.extract_strided_slice %shift_right_logical3A_2348 {offsets = [2], sizes = [1], strides = [1]} : vector<16xi32> to vector<1xi32>
      %squeeze3A_2433 = vector.extract %slice3A_2432[0] : i32 from vector<1xi32>
      %dma_start3A_2434 = arith.constant 2 : i32
      %dma_start3A_2435 = arith.constant 0 : i32
      %dma_start3A_2436 = arith.constant 0 : i32
      %dma_start3A_2437 = tpu.memref_slice %arg11[%dma_start3A_2434, %dma_start3A_2435, %dma_start3A_2436] : memref<16x8x64xf32, #tpu.memory_space<vmem>> -> memref<1x8x64xf32, #tpu.memory_space<vmem>>
      %dma_start3A_2438 = tpu.memref_squeeze %dma_start3A_2437 : memref<1x8x64xf32, #tpu.memory_space<vmem>> -> memref<8x64xf32, #tpu.memory_space<vmem>>
      %dma_start3A_2439 = arith.constant 0 : i32
      %dma_start3A_2440 = arith.constant 0 : i32
      %dma_start3A_2441 = tpu.memref_slice %arg4[%squeeze3A_2433, %dma_start3A_2439, %dma_start3A_2440] : memref<125000x8x64xf32, #tpu.memory_space<hbm>> -> memref<1x8x64xf32, #tpu.memory_space<hbm>>
      %dma_start3A_2442 = tpu.memref_squeeze %dma_start3A_2441 : memref<1x8x64xf32, #tpu.memory_space<hbm>> -> memref<8x64xf32, #tpu.memory_space<hbm>>
      %dma_start3A_2443 = arith.constant 0 : i32
      %dma_start3A_2444 = arith.constant 0 : i32
      %dma_start3A_2445 = tpu.memref_slice %arg11[%dma_start3A_2434, %dma_start3A_2443, %dma_start3A_2444] : memref<16x8x64xf32, #tpu.memory_space<vmem>> -> memref<1x8x64xf32, #tpu.memory_space<vmem>>
      %dma_start3A_2446 = tpu.memref_squeeze %dma_start3A_2445 : memref<1x8x64xf32, #tpu.memory_space<vmem>> -> memref<8x64xf32, #tpu.memory_space<vmem>>
      %dma_start3A_2447 = arith.constant 0 : i32
      %dma_start3A_2448 = arith.constant 0 : i32
      %dma_start3A_2449 = tpu.memref_slice %arg4[%squeeze3A_2433, %dma_start3A_2447, %dma_start3A_2448] : memref<125000x8x64xf32, #tpu.memory_space<hbm>> -> memref<1x8x64xf32, #tpu.memory_space<hbm>>
      %dma_start3A_2450 = tpu.memref_squeeze %dma_start3A_2449 : memref<1x8x64xf32, #tpu.memory_space<hbm>> -> memref<8x64xf32, #tpu.memory_space<hbm>>
      tpu.enqueue_dma source(%dma_start3A_2450 : memref<8x64xf32, #tpu.memory_space<hbm>>) target(%dma_start3A_2446 : memref<8x64xf32, #tpu.memory_space<vmem>>) target_semaphore(%arg18 : memref<!tpu.dma_semaphore, #tpu.memory_space<semaphore_mem>>)
      %slice3A_2451 = vector.extract_strided_slice %shift_right_logical3A_2355 {offsets = [2], sizes = [1], strides = [1]} : vector<16xi32> to vector<1xi32>
      %squeeze3A_2452 = vector.extract %slice3A_2451[0] : i32 from vector<1xi32>
      %dma_start3A_2453 = arith.constant 2 : i32
      %dma_start3A_2454 = arith.constant 0 : i32
      %dma_start3A_2455 = arith.constant 0 : i32
      %dma_start3A_2456 = tpu.memref_slice %arg13[%dma_start3A_2453, %dma_start3A_2454, %dma_start3A_2455] : memref<16x8x64xf32, #tpu.memory_space<vmem>> -> memref<1x8x64xf32, #tpu.memory_space<vmem>>
      %dma_start3A_2457 = tpu.memref_squeeze %dma_start3A_2456 : memref<1x8x64xf32, #tpu.memory_space<vmem>> -> memref<8x64xf32, #tpu.memory_space<vmem>>
      %dma_start3A_2458 = arith.constant 0 : i32
      %dma_start3A_2459 = arith.constant 0 : i32
      %dma_start3A_2460 = tpu.memref_slice %arg5[%squeeze3A_2452, %dma_start3A_2458, %dma_start3A_2459] : memref<125000x8x64xf32, #tpu.memory_space<hbm>> -> memref<1x8x64xf32, #tpu.memory_space<hbm>>
      %dma_start3A_2461 = tpu.memref_squeeze %dma_start3A_2460 : memref<1x8x64xf32, #tpu.memory_space<hbm>> -> memref<8x64xf32, #tpu.memory_space<hbm>>
      %dma_start3A_2462 = arith.constant 0 : i32
      %dma_start3A_2463 = arith.constant 0 : i32
      %dma_start3A_2464 = tpu.memref_slice %arg13[%dma_start3A_2453, %dma_start3A_2462, %dma_start3A_2463] : memref<16x8x64xf32, #tpu.memory_space<vmem>> -> memref<1x8x64xf32, #tpu.memory_space<vmem>>
      %dma_start3A_2465 = tpu.memref_squeeze %dma_start3A_2464 : memref<1x8x64xf32, #tpu.memory_space<vmem>> -> memref<8x64xf32, #tpu.memory_space<vmem>>
      %dma_start3A_2466 = arith.constant 0 : i32
      %dma_start3A_2467 = arith.constant 0 : i32
      %dma_start3A_2468 = tpu.memref_slice %arg5[%squeeze3A_2452, %dma_start3A_2466, %dma_start3A_2467] : memref<125000x8x64xf32, #tpu.memory_space<hbm>> -> memref<1x8x64xf32, #tpu.memory_space<hbm>>
      %dma_start3A_2469 = tpu.memref_squeeze %dma_start3A_2468 : memref<1x8x64xf32, #tpu.memory_space<hbm>> -> memref<8x64xf32, #tpu.memory_space<hbm>>
      tpu.enqueue_dma source(%dma_start3A_2469 : memref<8x64xf32, #tpu.memory_space<hbm>>) target(%dma_start3A_2465 : memref<8x64xf32, #tpu.memory_space<vmem>>) target_semaphore(%arg19 : memref<!tpu.dma_semaphore, #tpu.memory_space<semaphore_mem>>)
      %slice3A_2470 = vector.extract_strided_slice %shift_right_logical3A_2348 {offsets = [3], sizes = [1], strides = [1]} : vector<16xi32> to vector<1xi32>
      %squeeze3A_2471 = vector.extract %slice3A_2470[0] : i32 from vector<1xi32>
      %dma_start3A_2472 = arith.constant 3 : i32
      %dma_start3A_2473 = arith.constant 0 : i32
      %dma_start3A_2474 = arith.constant 0 : i32
      %dma_start3A_2475 = tpu.memref_slice %arg11[%dma_start3A_2472, %dma_start3A_2473, %dma_start3A_2474] : memref<16x8x64xf32, #tpu.memory_space<vmem>> -> memref<1x8x64xf32, #tpu.memory_space<vmem>>
      %dma_start3A_2476 = tpu.memref_squeeze %dma_start3A_2475 : memref<1x8x64xf32, #tpu.memory_space<vmem>> -> memref<8x64xf32, #tpu.memory_space<vmem>>
      %dma_start3A_2477 = arith.constant 0 : i32
      %dma_start3A_2478 = arith.constant 0 : i32
      %dma_start3A_2479 = tpu.memref_slice %arg4[%squeeze3A_2471, %dma_start3A_2477, %dma_start3A_2478] : memref<125000x8x64xf32, #tpu.memory_space<hbm>> -> memref<1x8x64xf32, #tpu.memory_space<hbm>>
      %dma_start3A_2480 = tpu.memref_squeeze %dma_start3A_2479 : memref<1x8x64xf32, #tpu.memory_space<hbm>> -> memref<8x64xf32, #tpu.memory_space<hbm>>
      %dma_start3A_2481 = arith.constant 0 : i32
      %dma_start3A_2482 = arith.constant 0 : i32
      %dma_start3A_2483 = tpu.memref_slice %arg11[%dma_start3A_2472, %dma_start3A_2481, %dma_start3A_2482] : memref<16x8x64xf32, #tpu.memory_space<vmem>> -> memref<1x8x64xf32, #tpu.memory_space<vmem>>
      %dma_start3A_2484 = tpu.memref_squeeze %dma_start3A_2483 : memref<1x8x64xf32, #tpu.memory_space<vmem>> -> memref<8x64xf32, #tpu.memory_space<vmem>>
      %dma_start3A_2485 = arith.constant 0 : i32
      %dma_start3A_2486 = arith.constant 0 : i32
      %dma_start3A_2487 = tpu.memref_slice %arg4[%squeeze3A_2471, %dma_start3A_2485, %dma_start3A_2486] : memref<125000x8x64xf32, #tpu.memory_space<hbm>> -> memref<1x8x64xf32, #tpu.memory_space<hbm>>
      %dma_start3A_2488 = tpu.memref_squeeze %dma_start3A_2487 : memref<1x8x64xf32, #tpu.memory_space<hbm>> -> memref<8x64xf32, #tpu.memory_space<hbm>>
      tpu.enqueue_dma source(%dma_start3A_2488 : memref<8x64xf32, #tpu.memory_space<hbm>>) target(%dma_start3A_2484 : memref<8x64xf32, #tpu.memory_space<vmem>>) target_semaphore(%arg18 : memref<!tpu.dma_semaphore, #tpu.memory_space<semaphore_mem>>)
      %slice3A_2489 = vector.extract_strided_slice %shift_right_logical3A_2355 {offsets = [3], sizes = [1], strides = [1]} : vector<16xi32> to vector<1xi32>
      %squeeze3A_2490 = vector.extract %slice3A_2489[0] : i32 from vector<1xi32>
      %dma_start3A_2491 = arith.constant 3 : i32
      %dma_start3A_2492 = arith.constant 0 : i32
      %dma_start3A_2493 = arith.constant 0 : i32
      %dma_start3A_2494 = tpu.memref_slice %arg13[%dma_start3A_2491, %dma_start3A_2492, %dma_start3A_2493] : memref<16x8x64xf32, #tpu.memory_space<vmem>> -> memref<1x8x64xf32, #tpu.memory_space<vmem>>
      %dma_start3A_2495 = tpu.memref_squeeze %dma_start3A_2494 : memref<1x8x64xf32, #tpu.memory_space<vmem>> -> memref<8x64xf32, #tpu.memory_space<vmem>>
      %dma_start3A_2496 = arith.constant 0 : i32
      %dma_start3A_2497 = arith.constant 0 : i32
      %dma_start3A_2498 = tpu.memref_slice %arg5[%squeeze3A_2490, %dma_start3A_2496, %dma_start3A_2497] : memref<125000x8x64xf32, #tpu.memory_space<hbm>> -> memref<1x8x64xf32, #tpu.memory_space<hbm>>
      %dma_start3A_2499 = tpu.memref_squeeze %dma_start3A_2498 : memref<1x8x64xf32, #tpu.memory_space<hbm>> -> memref<8x64xf32, #tpu.memory_space<hbm>>
      %dma_start3A_2500 = arith.constant 0 : i32
      %dma_start3A_2501 = arith.constant 0 : i32
      %dma_start3A_2502 = tpu.memref_slice %arg13[%dma_start3A_2491, %dma_start3A_2500, %dma_start3A_2501] : memref<16x8x64xf32, #tpu.memory_space<vmem>> -> memref<1x8x64xf32, #tpu.memory_space<vmem>>
      %dma_start3A_2503 = tpu.memref_squeeze %dma_start3A_2502 : memref<1x8x64xf32, #tpu.memory_space<vmem>> -> memref<8x64xf32, #tpu.memory_space<vmem>>
      %dma_start3A_2504 = arith.constant 0 : i32
      %dma_start3A_2505 = arith.constant 0 : i32
      %dma_start3A_2506 = tpu.memref_slice %arg5[%squeeze3A_2490, %dma_start3A_2504, %dma_start3A_2505] : memref<125000x8x64xf32, #tpu.memory_space<hbm>> -> memref<1x8x64xf32, #tpu.memory_space<hbm>>
      %dma_start3A_2507 = tpu.memref_squeeze %dma_start3A_2506 : memref<1x8x64xf32, #tpu.memory_space<hbm>> -> memref<8x64xf32, #tpu.memory_space<hbm>>
      tpu.enqueue_dma source(%dma_start3A_2507 : memref<8x64xf32, #tpu.memory_space<hbm>>) target(%dma_start3A_2503 : memref<8x64xf32, #tpu.memory_space<vmem>>) target_semaphore(%arg19 : memref<!tpu.dma_semaphore, #tpu.memory_space<semaphore_mem>>)
      %slice3A_2508 = vector.extract_strided_slice %shift_right_logical3A_2348 {offsets = [4], sizes = [1], strides = [1]} : vector<16xi32> to vector<1xi32>
      %squeeze3A_2509 = vector.extract %slice3A_2508[0] : i32 from vector<1xi32>
      %dma_start3A_2510 = arith.constant 4 : i32
      %dma_start3A_2511 = arith.constant 0 : i32
      %dma_start3A_2512 = arith.constant 0 : i32
      %dma_start3A_2513 = tpu.memref_slice %arg11[%dma_start3A_2510, %dma_start3A_2511, %dma_start3A_2512] : memref<16x8x64xf32, #tpu.memory_space<vmem>> -> memref<1x8x64xf32, #tpu.memory_space<vmem>>
      %dma_start3A_2514 = tpu.memref_squeeze %dma_start3A_2513 : memref<1x8x64xf32, #tpu.memory_space<vmem>> -> memref<8x64xf32, #tpu.memory_space<vmem>>
      %dma_start3A_2515 = arith.constant 0 : i32
      %dma_start3A_2516 = arith.constant 0 : i32
      %dma_start3A_2517 = tpu.memref_slice %arg4[%squeeze3A_2509, %dma_start3A_2515, %dma_start3A_2516] : memref<125000x8x64xf32, #tpu.memory_space<hbm>> -> memref<1x8x64xf32, #tpu.memory_space<hbm>>
      %dma_start3A_2518 = tpu.memref_squeeze %dma_start3A_2517 : memref<1x8x64xf32, #tpu.memory_space<hbm>> -> memref<8x64xf32, #tpu.memory_space<hbm>>
      %dma_start3A_2519 = arith.constant 0 : i32
      %dma_start3A_2520 = arith.constant 0 : i32
      %dma_start3A_2521 = tpu.memref_slice %arg11[%dma_start3A_2510, %dma_start3A_2519, %dma_start3A_2520] : memref<16x8x64xf32, #tpu.memory_space<vmem>> -> memref<1x8x64xf32, #tpu.memory_space<vmem>>
      %dma_start3A_2522 = tpu.memref_squeeze %dma_start3A_2521 : memref<1x8x64xf32, #tpu.memory_space<vmem>> -> memref<8x64xf32, #tpu.memory_space<vmem>>
      %dma_start3A_2523 = arith.constant 0 : i32
      %dma_start3A_2524 = arith.constant 0 : i32
      %dma_start3A_2525 = tpu.memref_slice %arg4[%squeeze3A_2509, %dma_start3A_2523, %dma_start3A_2524] : memref<125000x8x64xf32, #tpu.memory_space<hbm>> -> memref<1x8x64xf32, #tpu.memory_space<hbm>>
      %dma_start3A_2526 = tpu.memref_squeeze %dma_start3A_2525 : memref<1x8x64xf32, #tpu.memory_space<hbm>> -> memref<8x64xf32, #tpu.memory_space<hbm>>
      tpu.enqueue_dma source(%dma_start3A_2526 : memref<8x64xf32, #tpu.memory_space<hbm>>) target(%dma_start3A_2522 : memref<8x64xf32, #tpu.memory_space<vmem>>) target_semaphore(%arg18 : memref<!tpu.dma_semaphore, #tpu.memory_space<semaphore_mem>>)
      %slice3A_2527 = vector.extract_strided_slice %shift_right_logical3A_2355 {offsets = [4], sizes = [1], strides = [1]} : vector<16xi32> to vector<1xi32>
      %squeeze3A_2528 = vector.extract %slice3A_2527[0] : i32 from vector<1xi32>
      %dma_start3A_2529 = arith.constant 4 : i32
      %dma_start3A_2530 = arith.constant 0 : i32
      %dma_start3A_2531 = arith.constant 0 : i32
      %dma_start3A_2532 = tpu.memref_slice %arg13[%dma_start3A_2529, %dma_start3A_2530, %dma_start3A_2531] : memref<16x8x64xf32, #tpu.memory_space<vmem>> -> memref<1x8x64xf32, #tpu.memory_space<vmem>>
      %dma_start3A_2533 = tpu.memref_squeeze %dma_start3A_2532 : memref<1x8x64xf32, #tpu.memory_space<vmem>> -> memref<8x64xf32, #tpu.memory_space<vmem>>
      %dma_start3A_2534 = arith.constant 0 : i32
      %dma_start3A_2535 = arith.constant 0 : i32
      %dma_start3A_2536 = tpu.memref_slice %arg5[%squeeze3A_2528, %dma_start3A_2534, %dma_start3A_2535] : memref<125000x8x64xf32, #tpu.memory_space<hbm>> -> memref<1x8x64xf32, #tpu.memory_space<hbm>>
      %dma_start3A_2537 = tpu.memref_squeeze %dma_start3A_2536 : memref<1x8x64xf32, #tpu.memory_space<hbm>> -> memref<8x64xf32, #tpu.memory_space<hbm>>
      %dma_start3A_2538 = arith.constant 0 : i32
      %dma_start3A_2539 = arith.constant 0 : i32
      %dma_start3A_2540 = tpu.memref_slice %arg13[%dma_start3A_2529, %dma_start3A_2538, %dma_start3A_2539] : memref<16x8x64xf32, #tpu.memory_space<vmem>> -> memref<1x8x64xf32, #tpu.memory_space<vmem>>
      %dma_start3A_2541 = tpu.memref_squeeze %dma_start3A_2540 : memref<1x8x64xf32, #tpu.memory_space<vmem>> -> memref<8x64xf32, #tpu.memory_space<vmem>>
      %dma_start3A_2542 = arith.constant 0 : i32
      %dma_start3A_2543 = arith.constant 0 : i32
      %dma_start3A_2544 = tpu.memref_slice %arg5[%squeeze3A_2528, %dma_start3A_2542, %dma_start3A_2543] : memref<125000x8x64xf32, #tpu.memory_space<hbm>> -> memref<1x8x64xf32, #tpu.memory_space<hbm>>
      %dma_start3A_2545 = tpu.memref_squeeze %dma_start3A_2544 : memref<1x8x64xf32, #tpu.memory_space<hbm>> -> memref<8x64xf32, #tpu.memory_space<hbm>>
      tpu.enqueue_dma source(%dma_start3A_2545 : memref<8x64xf32, #tpu.memory_space<hbm>>) target(%dma_start3A_2541 : memref<8x64xf32, #tpu.memory_space<vmem>>) target_semaphore(%arg19 : memref<!tpu.dma_semaphore, #tpu.memory_space<semaphore_mem>>)
      %slice3A_2546 = vector.extract_strided_slice %shift_right_logical3A_2348 {offsets = [5], sizes = [1], strides = [1]} : vector<16xi32> to vector<1xi32>
      %squeeze3A_2547 = vector.extract %slice3A_2546[0] : i32 from vector<1xi32>
      %dma_start3A_2548 = arith.constant 5 : i32
      %dma_start3A_2549 = arith.constant 0 : i32
      %dma_start3A_2550 = arith.constant 0 : i32
      %dma_start3A_2551 = tpu.memref_slice %arg11[%dma_start3A_2548, %dma_start3A_2549, %dma_start3A_2550] : memref<16x8x64xf32, #tpu.memory_space<vmem>> -> memref<1x8x64xf32, #tpu.memory_space<vmem>>
      %dma_start3A_2552 = tpu.memref_squeeze %dma_start3A_2551 : memref<1x8x64xf32, #tpu.memory_space<vmem>> -> memref<8x64xf32, #tpu.memory_space<vmem>>
      %dma_start3A_2553 = arith.constant 0 : i32
      %dma_start3A_2554 = arith.constant 0 : i32
      %dma_start3A_2555 = tpu.memref_slice %arg4[%squeeze3A_2547, %dma_start3A_2553, %dma_start3A_2554] : memref<125000x8x64xf32, #tpu.memory_space<hbm>> -> memref<1x8x64xf32, #tpu.memory_space<hbm>>
      %dma_start3A_2556 = tpu.memref_squeeze %dma_start3A_2555 : memref<1x8x64xf32, #tpu.memory_space<hbm>> -> memref<8x64xf32, #tpu.memory_space<hbm>>
      %dma_start3A_2557 = arith.constant 0 : i32
      %dma_start3A_2558 = arith.constant 0 : i32
      %dma_start3A_2559 = tpu.memref_slice %arg11[%dma_start3A_2548, %dma_start3A_2557, %dma_start3A_2558] : memref<16x8x64xf32, #tpu.memory_space<vmem>> -> memref<1x8x64xf32, #tpu.memory_space<vmem>>
      %dma_start3A_2560 = tpu.memref_squeeze %dma_start3A_2559 : memref<1x8x64xf32, #tpu.memory_space<vmem>> -> memref<8x64xf32, #tpu.memory_space<vmem>>
      %dma_start3A_2561 = arith.constant 0 : i32
      %dma_start3A_2562 = arith.constant 0 : i32
      %dma_start3A_2563 = tpu.memref_slice %arg4[%squeeze3A_2547, %dma_start3A_2561, %dma_start3A_2562] : memref<125000x8x64xf32, #tpu.memory_space<hbm>> -> memref<1x8x64xf32, #tpu.memory_space<hbm>>
      %dma_start3A_2564 = tpu.memref_squeeze %dma_start3A_2563 : memref<1x8x64xf32, #tpu.memory_space<hbm>> -> memref<8x64xf32, #tpu.memory_space<hbm>>
      tpu.enqueue_dma source(%dma_start3A_2564 : memref<8x64xf32, #tpu.memory_space<hbm>>) target(%dma_start3A_2560 : memref<8x64xf32, #tpu.memory_space<vmem>>) target_semaphore(%arg18 : memref<!tpu.dma_semaphore, #tpu.memory_space<semaphore_mem>>)
      %slice3A_2565 = vector.extract_strided_slice %shift_right_logical3A_2355 {offsets = [5], sizes = [1], strides = [1]} : vector<16xi32> to vector<1xi32>
      %squeeze3A_2566 = vector.extract %slice3A_2565[0] : i32 from vector<1xi32>
      %dma_start3A_2567 = arith.constant 5 : i32
      %dma_start3A_2568 = arith.constant 0 : i32
      %dma_start3A_2569 = arith.constant 0 : i32
      %dma_start3A_2570 = tpu.memref_slice %arg13[%dma_start3A_2567, %dma_start3A_2568, %dma_start3A_2569] : memref<16x8x64xf32, #tpu.memory_space<vmem>> -> memref<1x8x64xf32, #tpu.memory_space<vmem>>
      %dma_start3A_2571 = tpu.memref_squeeze %dma_start3A_2570 : memref<1x8x64xf32, #tpu.memory_space<vmem>> -> memref<8x64xf32, #tpu.memory_space<vmem>>
      %dma_start3A_2572 = arith.constant 0 : i32
      %dma_start3A_2573 = arith.constant 0 : i32
      %dma_start3A_2574 = tpu.memref_slice %arg5[%squeeze3A_2566, %dma_start3A_2572, %dma_start3A_2573] : memref<125000x8x64xf32, #tpu.memory_space<hbm>> -> memref<1x8x64xf32, #tpu.memory_space<hbm>>
      %dma_start3A_2575 = tpu.memref_squeeze %dma_start3A_2574 : memref<1x8x64xf32, #tpu.memory_space<hbm>> -> memref<8x64xf32, #tpu.memory_space<hbm>>
      %dma_start3A_2576 = arith.constant 0 : i32
      %dma_start3A_2577 = arith.constant 0 : i32
      %dma_start3A_2578 = tpu.memref_slice %arg13[%dma_start3A_2567, %dma_start3A_2576, %dma_start3A_2577] : memref<16x8x64xf32, #tpu.memory_space<vmem>> -> memref<1x8x64xf32, #tpu.memory_space<vmem>>
      %dma_start3A_2579 = tpu.memref_squeeze %dma_start3A_2578 : memref<1x8x64xf32, #tpu.memory_space<vmem>> -> memref<8x64xf32, #tpu.memory_space<vmem>>
      %dma_start3A_2580 = arith.constant 0 : i32
      %dma_start3A_2581 = arith.constant 0 : i32
      %dma_start3A_2582 = tpu.memref_slice %arg5[%squeeze3A_2566, %dma_start3A_2580, %dma_start3A_2581] : memref<125000x8x64xf32, #tpu.memory_space<hbm>> -> memref<1x8x64xf32, #tpu.memory_space<hbm>>
      %dma_start3A_2583 = tpu.memref_squeeze %dma_start3A_2582 : memref<1x8x64xf32, #tpu.memory_space<hbm>> -> memref<8x64xf32, #tpu.memory_space<hbm>>
      tpu.enqueue_dma source(%dma_start3A_2583 : memref<8x64xf32, #tpu.memory_space<hbm>>) target(%dma_start3A_2579 : memref<8x64xf32, #tpu.memory_space<vmem>>) target_semaphore(%arg19 : memref<!tpu.dma_semaphore, #tpu.memory_space<semaphore_mem>>)
      %slice3A_2584 = vector.extract_strided_slice %shift_right_logical3A_2348 {offsets = [6], sizes = [1], strides = [1]} : vector<16xi32> to vector<1xi32>
      %squeeze3A_2585 = vector.extract %slice3A_2584[0] : i32 from vector<1xi32>
      %dma_start3A_2586 = arith.constant 6 : i32
      %dma_start3A_2587 = arith.constant 0 : i32
      %dma_start3A_2588 = arith.constant 0 : i32
      %dma_start3A_2589 = tpu.memref_slice %arg11[%dma_start3A_2586, %dma_start3A_2587, %dma_start3A_2588] : memref<16x8x64xf32, #tpu.memory_space<vmem>> -> memref<1x8x64xf32, #tpu.memory_space<vmem>>
      %dma_start3A_2590 = tpu.memref_squeeze %dma_start3A_2589 : memref<1x8x64xf32, #tpu.memory_space<vmem>> -> memref<8x64xf32, #tpu.memory_space<vmem>>
      %dma_start3A_2591 = arith.constant 0 : i32
      %dma_start3A_2592 = arith.constant 0 : i32
      %dma_start3A_2593 = tpu.memref_slice %arg4[%squeeze3A_2585, %dma_start3A_2591, %dma_start3A_2592] : memref<125000x8x64xf32, #tpu.memory_space<hbm>> -> memref<1x8x64xf32, #tpu.memory_space<hbm>>
      %dma_start3A_2594 = tpu.memref_squeeze %dma_start3A_2593 : memref<1x8x64xf32, #tpu.memory_space<hbm>> -> memref<8x64xf32, #tpu.memory_space<hbm>>
      %dma_start3A_2595 = arith.constant 0 : i32
      %dma_start3A_2596 = arith.constant 0 : i32
      %dma_start3A_2597 = tpu.memref_slice %arg11[%dma_start3A_2586, %dma_start3A_2595, %dma_start3A_2596] : memref<16x8x64xf32, #tpu.memory_space<vmem>> -> memref<1x8x64xf32, #tpu.memory_space<vmem>>
      %dma_start3A_2598 = tpu.memref_squeeze %dma_start3A_2597 : memref<1x8x64xf32, #tpu.memory_space<vmem>> -> memref<8x64xf32, #tpu.memory_space<vmem>>
      %dma_start3A_2599 = arith.constant 0 : i32
      %dma_start3A_2600 = arith.constant 0 : i32
      %dma_start3A_2601 = tpu.memref_slice %arg4[%squeeze3A_2585, %dma_start3A_2599, %dma_start3A_2600] : memref<125000x8x64xf32, #tpu.memory_space<hbm>> -> memref<1x8x64xf32, #tpu.memory_space<hbm>>
      %dma_start3A_2602 = tpu.memref_squeeze %dma_start3A_2601 : memref<1x8x64xf32, #tpu.memory_space<hbm>> -> memref<8x64xf32, #tpu.memory_space<hbm>>
      tpu.enqueue_dma source(%dma_start3A_2602 : memref<8x64xf32, #tpu.memory_space<hbm>>) target(%dma_start3A_2598 : memref<8x64xf32, #tpu.memory_space<vmem>>) target_semaphore(%arg18 : memref<!tpu.dma_semaphore, #tpu.memory_space<semaphore_mem>>)
      %slice3A_2603 = vector.extract_strided_slice %shift_right_logical3A_2355 {offsets = [6], sizes = [1], strides = [1]} : vector<16xi32> to vector<1xi32>
      %squeeze3A_2604 = vector.extract %slice3A_2603[0] : i32 from vector<1xi32>
      %dma_start3A_2605 = arith.constant 6 : i32
      %dma_start3A_2606 = arith.constant 0 : i32
      %dma_start3A_2607 = arith.constant 0 : i32
      %dma_start3A_2608 = tpu.memref_slice %arg13[%dma_start3A_2605, %dma_start3A_2606, %dma_start3A_2607] : memref<16x8x64xf32, #tpu.memory_space<vmem>> -> memref<1x8x64xf32, #tpu.memory_space<vmem>>
      %dma_start3A_2609 = tpu.memref_squeeze %dma_start3A_2608 : memref<1x8x64xf32, #tpu.memory_space<vmem>> -> memref<8x64xf32, #tpu.memory_space<vmem>>
      %dma_start3A_2610 = arith.constant 0 : i32
      %dma_start3A_2611 = arith.constant 0 : i32
      %dma_start3A_2612 = tpu.memref_slice %arg5[%squeeze3A_2604, %dma_start3A_2610, %dma_start3A_2611] : memref<125000x8x64xf32, #tpu.memory_space<hbm>> -> memref<1x8x64xf32, #tpu.memory_space<hbm>>
      %dma_start3A_2613 = tpu.memref_squeeze %dma_start3A_2612 : memref<1x8x64xf32, #tpu.memory_space<hbm>> -> memref<8x64xf32, #tpu.memory_space<hbm>>
      %dma_start3A_2614 = arith.constant 0 : i32
      %dma_start3A_2615 = arith.constant 0 : i32
      %dma_start3A_2616 = tpu.memref_slice %arg13[%dma_start3A_2605, %dma_start3A_2614, %dma_start3A_2615] : memref<16x8x64xf32, #tpu.memory_space<vmem>> -> memref<1x8x64xf32, #tpu.memory_space<vmem>>
      %dma_start3A_2617 = tpu.memref_squeeze %dma_start3A_2616 : memref<1x8x64xf32, #tpu.memory_space<vmem>> -> memref<8x64xf32, #tpu.memory_space<vmem>>
      %dma_start3A_2618 = arith.constant 0 : i32
      %dma_start3A_2619 = arith.constant 0 : i32
      %dma_start3A_2620 = tpu.memref_slice %arg5[%squeeze3A_2604, %dma_start3A_2618, %dma_start3A_2619] : memref<125000x8x64xf32, #tpu.memory_space<hbm>> -> memref<1x8x64xf32, #tpu.memory_space<hbm>>
      %dma_start3A_2621 = tpu.memref_squeeze %dma_start3A_2620 : memref<1x8x64xf32, #tpu.memory_space<hbm>> -> memref<8x64xf32, #tpu.memory_space<hbm>>
      tpu.enqueue_dma source(%dma_start3A_2621 : memref<8x64xf32, #tpu.memory_space<hbm>>) target(%dma_start3A_2617 : memref<8x64xf32, #tpu.memory_space<vmem>>) target_semaphore(%arg19 : memref<!tpu.dma_semaphore, #tpu.memory_space<semaphore_mem>>)
      %slice3A_2622 = vector.extract_strided_slice %shift_right_logical3A_2348 {offsets = [7], sizes = [1], strides = [1]} : vector<16xi32> to vector<1xi32>
      %squeeze3A_2623 = vector.extract %slice3A_2622[0] : i32 from vector<1xi32>
      %dma_start3A_2624 = arith.constant 7 : i32
      %dma_start3A_2625 = arith.constant 0 : i32
      %dma_start3A_2626 = arith.constant 0 : i32
      %dma_start3A_2627 = tpu.memref_slice %arg11[%dma_start3A_2624, %dma_start3A_2625, %dma_start3A_2626] : memref<16x8x64xf32, #tpu.memory_space<vmem>> -> memref<1x8x64xf32, #tpu.memory_space<vmem>>
      %dma_start3A_2628 = tpu.memref_squeeze %dma_start3A_2627 : memref<1x8x64xf32, #tpu.memory_space<vmem>> -> memref<8x64xf32, #tpu.memory_space<vmem>>
      %dma_start3A_2629 = arith.constant 0 : i32
      %dma_start3A_2630 = arith.constant 0 : i32
      %dma_start3A_2631 = tpu.memref_slice %arg4[%squeeze3A_2623, %dma_start3A_2629, %dma_start3A_2630] : memref<125000x8x64xf32, #tpu.memory_space<hbm>> -> memref<1x8x64xf32, #tpu.memory_space<hbm>>
      %dma_start3A_2632 = tpu.memref_squeeze %dma_start3A_2631 : memref<1x8x64xf32, #tpu.memory_space<hbm>> -> memref<8x64xf32, #tpu.memory_space<hbm>>
      %dma_start3A_2633 = arith.constant 0 : i32
      %dma_start3A_2634 = arith.constant 0 : i32
      %dma_start3A_2635 = tpu.memref_slice %arg11[%dma_start3A_2624, %dma_start3A_2633, %dma_start3A_2634] : memref<16x8x64xf32, #tpu.memory_space<vmem>> -> memref<1x8x64xf32, #tpu.memory_space<vmem>>
      %dma_start3A_2636 = tpu.memref_squeeze %dma_start3A_2635 : memref<1x8x64xf32, #tpu.memory_space<vmem>> -> memref<8x64xf32, #tpu.memory_space<vmem>>
      %dma_start3A_2637 = arith.constant 0 : i32
      %dma_start3A_2638 = arith.constant 0 : i32
      %dma_start3A_2639 = tpu.memref_slice %arg4[%squeeze3A_2623, %dma_start3A_2637, %dma_start3A_2638] : memref<125000x8x64xf32, #tpu.memory_space<hbm>> -> memref<1x8x64xf32, #tpu.memory_space<hbm>>
      %dma_start3A_2640 = tpu.memref_squeeze %dma_start3A_2639 : memref<1x8x64xf32, #tpu.memory_space<hbm>> -> memref<8x64xf32, #tpu.memory_space<hbm>>
      tpu.enqueue_dma source(%dma_start3A_2640 : memref<8x64xf32, #tpu.memory_space<hbm>>) target(%dma_start3A_2636 : memref<8x64xf32, #tpu.memory_space<vmem>>) target_semaphore(%arg18 : memref<!tpu.dma_semaphore, #tpu.memory_space<semaphore_mem>>)
      %slice3A_2641 = vector.extract_strided_slice %shift_right_logical3A_2355 {offsets = [7], sizes = [1], strides = [1]} : vector<16xi32> to vector<1xi32>
      %squeeze3A_2642 = vector.extract %slice3A_2641[0] : i32 from vector<1xi32>
      %dma_start3A_2643 = arith.constant 7 : i32
      %dma_start3A_2644 = arith.constant 0 : i32
      %dma_start3A_2645 = arith.constant 0 : i32
      %dma_start3A_2646 = tpu.memref_slice %arg13[%dma_start3A_2643, %dma_start3A_2644, %dma_start3A_2645] : memref<16x8x64xf32, #tpu.memory_space<vmem>> -> memref<1x8x64xf32, #tpu.memory_space<vmem>>
      %dma_start3A_2647 = tpu.memref_squeeze %dma_start3A_2646 : memref<1x8x64xf32, #tpu.memory_space<vmem>> -> memref<8x64xf32, #tpu.memory_space<vmem>>
      %dma_start3A_2648 = arith.constant 0 : i32
      %dma_start3A_2649 = arith.constant 0 : i32
      %dma_start3A_2650 = tpu.memref_slice %arg5[%squeeze3A_2642, %dma_start3A_2648, %dma_start3A_2649] : memref<125000x8x64xf32, #tpu.memory_space<hbm>> -> memref<1x8x64xf32, #tpu.memory_space<hbm>>
      %dma_start3A_2651 = tpu.memref_squeeze %dma_start3A_2650 : memref<1x8x64xf32, #tpu.memory_space<hbm>> -> memref<8x64xf32, #tpu.memory_space<hbm>>
      %dma_start3A_2652 = arith.constant 0 : i32
      %dma_start3A_2653 = arith.constant 0 : i32
      %dma_start3A_2654 = tpu.memref_slice %arg13[%dma_start3A_2643, %dma_start3A_2652, %dma_start3A_2653] : memref<16x8x64xf32, #tpu.memory_space<vmem>> -> memref<1x8x64xf32, #tpu.memory_space<vmem>>
      %dma_start3A_2655 = tpu.memref_squeeze %dma_start3A_2654 : memref<1x8x64xf32, #tpu.memory_space<vmem>> -> memref<8x64xf32, #tpu.memory_space<vmem>>
      %dma_start3A_2656 = arith.constant 0 : i32
      %dma_start3A_2657 = arith.constant 0 : i32
      %dma_start3A_2658 = tpu.memref_slice %arg5[%squeeze3A_2642, %dma_start3A_2656, %dma_start3A_2657] : memref<125000x8x64xf32, #tpu.memory_space<hbm>> -> memref<1x8x64xf32, #tpu.memory_space<hbm>>
      %dma_start3A_2659 = tpu.memref_squeeze %dma_start3A_2658 : memref<1x8x64xf32, #tpu.memory_space<hbm>> -> memref<8x64xf32, #tpu.memory_space<hbm>>
      tpu.enqueue_dma source(%dma_start3A_2659 : memref<8x64xf32, #tpu.memory_space<hbm>>) target(%dma_start3A_2655 : memref<8x64xf32, #tpu.memory_space<vmem>>) target_semaphore(%arg19 : memref<!tpu.dma_semaphore, #tpu.memory_space<semaphore_mem>>)
      %slice3A_2660 = vector.extract_strided_slice %shift_right_logical3A_2348 {offsets = [8], sizes = [1], strides = [1]} : vector<16xi32> to vector<1xi32>
      %squeeze3A_2661 = vector.extract %slice3A_2660[0] : i32 from vector<1xi32>
      %dma_start3A_2662 = arith.constant 8 : i32
      %dma_start3A_2663 = arith.constant 0 : i32
      %dma_start3A_2664 = arith.constant 0 : i32
      %dma_start3A_2665 = tpu.memref_slice %arg11[%dma_start3A_2662, %dma_start3A_2663, %dma_start3A_2664] : memref<16x8x64xf32, #tpu.memory_space<vmem>> -> memref<1x8x64xf32, #tpu.memory_space<vmem>>
      %dma_start3A_2666 = tpu.memref_squeeze %dma_start3A_2665 : memref<1x8x64xf32, #tpu.memory_space<vmem>> -> memref<8x64xf32, #tpu.memory_space<vmem>>
      %dma_start3A_2667 = arith.constant 0 : i32
      %dma_start3A_2668 = arith.constant 0 : i32
      %dma_start3A_2669 = tpu.memref_slice %arg4[%squeeze3A_2661, %dma_start3A_2667, %dma_start3A_2668] : memref<125000x8x64xf32, #tpu.memory_space<hbm>> -> memref<1x8x64xf32, #tpu.memory_space<hbm>>
      %dma_start3A_2670 = tpu.memref_squeeze %dma_start3A_2669 : memref<1x8x64xf32, #tpu.memory_space<hbm>> -> memref<8x64xf32, #tpu.memory_space<hbm>>
      %dma_start3A_2671 = arith.constant 0 : i32
      %dma_start3A_2672 = arith.constant 0 : i32
      %dma_start3A_2673 = tpu.memref_slice %arg11[%dma_start3A_2662, %dma_start3A_2671, %dma_start3A_2672] : memref<16x8x64xf32, #tpu.memory_space<vmem>> -> memref<1x8x64xf32, #tpu.memory_space<vmem>>
      %dma_start3A_2674 = tpu.memref_squeeze %dma_start3A_2673 : memref<1x8x64xf32, #tpu.memory_space<vmem>> -> memref<8x64xf32, #tpu.memory_space<vmem>>
      %dma_start3A_2675 = arith.constant 0 : i32
      %dma_start3A_2676 = arith.constant 0 : i32
      %dma_start3A_2677 = tpu.memref_slice %arg4[%squeeze3A_2661, %dma_start3A_2675, %dma_start3A_2676] : memref<125000x8x64xf32, #tpu.memory_space<hbm>> -> memref<1x8x64xf32, #tpu.memory_space<hbm>>
      %dma_start3A_2678 = tpu.memref_squeeze %dma_start3A_2677 : memref<1x8x64xf32, #tpu.memory_space<hbm>> -> memref<8x64xf32, #tpu.memory_space<hbm>>
      tpu.enqueue_dma source(%dma_start3A_2678 : memref<8x64xf32, #tpu.memory_space<hbm>>) target(%dma_start3A_2674 : memref<8x64xf32, #tpu.memory_space<vmem>>) target_semaphore(%arg18 : memref<!tpu.dma_semaphore, #tpu.memory_space<semaphore_mem>>)
      %slice3A_2679 = vector.extract_strided_slice %shift_right_logical3A_2355 {offsets = [8], sizes = [1], strides = [1]} : vector<16xi32> to vector<1xi32>
      %squeeze3A_2680 = vector.extract %slice3A_2679[0] : i32 from vector<1xi32>
      %dma_start3A_2681 = arith.constant 8 : i32
      %dma_start3A_2682 = arith.constant 0 : i32
      %dma_start3A_2683 = arith.constant 0 : i32
      %dma_start3A_2684 = tpu.memref_slice %arg13[%dma_start3A_2681, %dma_start3A_2682, %dma_start3A_2683] : memref<16x8x64xf32, #tpu.memory_space<vmem>> -> memref<1x8x64xf32, #tpu.memory_space<vmem>>
      %dma_start3A_2685 = tpu.memref_squeeze %dma_start3A_2684 : memref<1x8x64xf32, #tpu.memory_space<vmem>> -> memref<8x64xf32, #tpu.memory_space<vmem>>
      %dma_start3A_2686 = arith.constant 0 : i32
      %dma_start3A_2687 = arith.constant 0 : i32
      %dma_start3A_2688 = tpu.memref_slice %arg5[%squeeze3A_2680, %dma_start3A_2686, %dma_start3A_2687] : memref<125000x8x64xf32, #tpu.memory_space<hbm>> -> memref<1x8x64xf32, #tpu.memory_space<hbm>>
      %dma_start3A_2689 = tpu.memref_squeeze %dma_start3A_2688 : memref<1x8x64xf32, #tpu.memory_space<hbm>> -> memref<8x64xf32, #tpu.memory_space<hbm>>
      %dma_start3A_2690 = arith.constant 0 : i32
      %dma_start3A_2691 = arith.constant 0 : i32
      %dma_start3A_2692 = tpu.memref_slice %arg13[%dma_start3A_2681, %dma_start3A_2690, %dma_start3A_2691] : memref<16x8x64xf32, #tpu.memory_space<vmem>> -> memref<1x8x64xf32, #tpu.memory_space<vmem>>
      %dma_start3A_2693 = tpu.memref_squeeze %dma_start3A_2692 : memref<1x8x64xf32, #tpu.memory_space<vmem>> -> memref<8x64xf32, #tpu.memory_space<vmem>>
      %dma_start3A_2694 = arith.constant 0 : i32
      %dma_start3A_2695 = arith.constant 0 : i32
      %dma_start3A_2696 = tpu.memref_slice %arg5[%squeeze3A_2680, %dma_start3A_2694, %dma_start3A_2695] : memref<125000x8x64xf32, #tpu.memory_space<hbm>> -> memref<1x8x64xf32, #tpu.memory_space<hbm>>
      %dma_start3A_2697 = tpu.memref_squeeze %dma_start3A_2696 : memref<1x8x64xf32, #tpu.memory_space<hbm>> -> memref<8x64xf32, #tpu.memory_space<hbm>>
      tpu.enqueue_dma source(%dma_start3A_2697 : memref<8x64xf32, #tpu.memory_space<hbm>>) target(%dma_start3A_2693 : memref<8x64xf32, #tpu.memory_space<vmem>>) target_semaphore(%arg19 : memref<!tpu.dma_semaphore, #tpu.memory_space<semaphore_mem>>)
      %slice3A_2698 = vector.extract_strided_slice %shift_right_logical3A_2348 {offsets = [9], sizes = [1], strides = [1]} : vector<16xi32> to vector<1xi32>
      %squeeze3A_2699 = vector.extract %slice3A_2698[0] : i32 from vector<1xi32>
      %dma_start3A_2700 = arith.constant 9 : i32
      %dma_start3A_2701 = arith.constant 0 : i32
      %dma_start3A_2702 = arith.constant 0 : i32
      %dma_start3A_2703 = tpu.memref_slice %arg11[%dma_start3A_2700, %dma_start3A_2701, %dma_start3A_2702] : memref<16x8x64xf32, #tpu.memory_space<vmem>> -> memref<1x8x64xf32, #tpu.memory_space<vmem>>
      %dma_start3A_2704 = tpu.memref_squeeze %dma_start3A_2703 : memref<1x8x64xf32, #tpu.memory_space<vmem>> -> memref<8x64xf32, #tpu.memory_space<vmem>>
      %dma_start3A_2705 = arith.constant 0 : i32
      %dma_start3A_2706 = arith.constant 0 : i32
      %dma_start3A_2707 = tpu.memref_slice %arg4[%squeeze3A_2699, %dma_start3A_2705, %dma_start3A_2706] : memref<125000x8x64xf32, #tpu.memory_space<hbm>> -> memref<1x8x64xf32, #tpu.memory_space<hbm>>
      %dma_start3A_2708 = tpu.memref_squeeze %dma_start3A_2707 : memref<1x8x64xf32, #tpu.memory_space<hbm>> -> memref<8x64xf32, #tpu.memory_space<hbm>>
      %dma_start3A_2709 = arith.constant 0 : i32
      %dma_start3A_2710 = arith.constant 0 : i32
      %dma_start3A_2711 = tpu.memref_slice %arg11[%dma_start3A_2700, %dma_start3A_2709, %dma_start3A_2710] : memref<16x8x64xf32, #tpu.memory_space<vmem>> -> memref<1x8x64xf32, #tpu.memory_space<vmem>>
      %dma_start3A_2712 = tpu.memref_squeeze %dma_start3A_2711 : memref<1x8x64xf32, #tpu.memory_space<vmem>> -> memref<8x64xf32, #tpu.memory_space<vmem>>
      %dma_start3A_2713 = arith.constant 0 : i32
      %dma_start3A_2714 = arith.constant 0 : i32
      %dma_start3A_2715 = tpu.memref_slice %arg4[%squeeze3A_2699, %dma_start3A_2713, %dma_start3A_2714] : memref<125000x8x64xf32, #tpu.memory_space<hbm>> -> memref<1x8x64xf32, #tpu.memory_space<hbm>>
      %dma_start3A_2716 = tpu.memref_squeeze %dma_start3A_2715 : memref<1x8x64xf32, #tpu.memory_space<hbm>> -> memref<8x64xf32, #tpu.memory_space<hbm>>
      tpu.enqueue_dma source(%dma_start3A_2716 : memref<8x64xf32, #tpu.memory_space<hbm>>) target(%dma_start3A_2712 : memref<8x64xf32, #tpu.memory_space<vmem>>) target_semaphore(%arg18 : memref<!tpu.dma_semaphore, #tpu.memory_space<semaphore_mem>>)
      %slice3A_2717 = vector.extract_strided_slice %shift_right_logical3A_2355 {offsets = [9], sizes = [1], strides = [1]} : vector<16xi32> to vector<1xi32>
      %squeeze3A_2718 = vector.extract %slice3A_2717[0] : i32 from vector<1xi32>
      %dma_start3A_2719 = arith.constant 9 : i32
      %dma_start3A_2720 = arith.constant 0 : i32
      %dma_start3A_2721 = arith.constant 0 : i32
      %dma_start3A_2722 = tpu.memref_slice %arg13[%dma_start3A_2719, %dma_start3A_2720, %dma_start3A_2721] : memref<16x8x64xf32, #tpu.memory_space<vmem>> -> memref<1x8x64xf32, #tpu.memory_space<vmem>>
      %dma_start3A_2723 = tpu.memref_squeeze %dma_start3A_2722 : memref<1x8x64xf32, #tpu.memory_space<vmem>> -> memref<8x64xf32, #tpu.memory_space<vmem>>
      %dma_start3A_2724 = arith.constant 0 : i32
      %dma_start3A_2725 = arith.constant 0 : i32
      %dma_start3A_2726 = tpu.memref_slice %arg5[%squeeze3A_2718, %dma_start3A_2724, %dma_start3A_2725] : memref<125000x8x64xf32, #tpu.memory_space<hbm>> -> memref<1x8x64xf32, #tpu.memory_space<hbm>>
      %dma_start3A_2727 = tpu.memref_squeeze %dma_start3A_2726 : memref<1x8x64xf32, #tpu.memory_space<hbm>> -> memref<8x64xf32, #tpu.memory_space<hbm>>
      %dma_start3A_2728 = arith.constant 0 : i32
      %dma_start3A_2729 = arith.constant 0 : i32
      %dma_start3A_2730 = tpu.memref_slice %arg13[%dma_start3A_2719, %dma_start3A_2728, %dma_start3A_2729] : memref<16x8x64xf32, #tpu.memory_space<vmem>> -> memref<1x8x64xf32, #tpu.memory_space<vmem>>
      %dma_start3A_2731 = tpu.memref_squeeze %dma_start3A_2730 : memref<1x8x64xf32, #tpu.memory_space<vmem>> -> memref<8x64xf32, #tpu.memory_space<vmem>>
      %dma_start3A_2732 = arith.constant 0 : i32
      %dma_start3A_2733 = arith.constant 0 : i32
      %dma_start3A_2734 = tpu.memref_slice %arg5[%squeeze3A_2718, %dma_start3A_2732, %dma_start3A_2733] : memref<125000x8x64xf32, #tpu.memory_space<hbm>> -> memref<1x8x64xf32, #tpu.memory_space<hbm>>
      %dma_start3A_2735 = tpu.memref_squeeze %dma_start3A_2734 : memref<1x8x64xf32, #tpu.memory_space<hbm>> -> memref<8x64xf32, #tpu.memory_space<hbm>>
      tpu.enqueue_dma source(%dma_start3A_2735 : memref<8x64xf32, #tpu.memory_space<hbm>>) target(%dma_start3A_2731 : memref<8x64xf32, #tpu.memory_space<vmem>>) target_semaphore(%arg19 : memref<!tpu.dma_semaphore, #tpu.memory_space<semaphore_mem>>)
      %slice3A_2736 = vector.extract_strided_slice %shift_right_logical3A_2348 {offsets = [10], sizes = [1], strides = [1]} : vector<16xi32> to vector<1xi32>
      %squeeze3A_2737 = vector.extract %slice3A_2736[0] : i32 from vector<1xi32>
      %dma_start3A_2738 = arith.constant 10 : i32
      %dma_start3A_2739 = arith.constant 0 : i32
      %dma_start3A_2740 = arith.constant 0 : i32
      %dma_start3A_2741 = tpu.memref_slice %arg11[%dma_start3A_2738, %dma_start3A_2739, %dma_start3A_2740] : memref<16x8x64xf32, #tpu.memory_space<vmem>> -> memref<1x8x64xf32, #tpu.memory_space<vmem>>
      %dma_start3A_2742 = tpu.memref_squeeze %dma_start3A_2741 : memref<1x8x64xf32, #tpu.memory_space<vmem>> -> memref<8x64xf32, #tpu.memory_space<vmem>>
      %dma_start3A_2743 = arith.constant 0 : i32
      %dma_start3A_2744 = arith.constant 0 : i32
      %dma_start3A_2745 = tpu.memref_slice %arg4[%squeeze3A_2737, %dma_start3A_2743, %dma_start3A_2744] : memref<125000x8x64xf32, #tpu.memory_space<hbm>> -> memref<1x8x64xf32, #tpu.memory_space<hbm>>
      %dma_start3A_2746 = tpu.memref_squeeze %dma_start3A_2745 : memref<1x8x64xf32, #tpu.memory_space<hbm>> -> memref<8x64xf32, #tpu.memory_space<hbm>>
      %dma_start3A_2747 = arith.constant 0 : i32
      %dma_start3A_2748 = arith.constant 0 : i32
      %dma_start3A_2749 = tpu.memref_slice %arg11[%dma_start3A_2738, %dma_start3A_2747, %dma_start3A_2748] : memref<16x8x64xf32, #tpu.memory_space<vmem>> -> memref<1x8x64xf32, #tpu.memory_space<vmem>>
      %dma_start3A_2750 = tpu.memref_squeeze %dma_start3A_2749 : memref<1x8x64xf32, #tpu.memory_space<vmem>> -> memref<8x64xf32, #tpu.memory_space<vmem>>
      %dma_start3A_2751 = arith.constant 0 : i32
      %dma_start3A_2752 = arith.constant 0 : i32
      %dma_start3A_2753 = tpu.memref_slice %arg4[%squeeze3A_2737, %dma_start3A_2751, %dma_start3A_2752] : memref<125000x8x64xf32, #tpu.memory_space<hbm>> -> memref<1x8x64xf32, #tpu.memory_space<hbm>>
      %dma_start3A_2754 = tpu.memref_squeeze %dma_start3A_2753 : memref<1x8x64xf32, #tpu.memory_space<hbm>> -> memref<8x64xf32, #tpu.memory_space<hbm>>
      tpu.enqueue_dma source(%dma_start3A_2754 : memref<8x64xf32, #tpu.memory_space<hbm>>) target(%dma_start3A_2750 : memref<8x64xf32, #tpu.memory_space<vmem>>) target_semaphore(%arg18 : memref<!tpu.dma_semaphore, #tpu.memory_space<semaphore_mem>>)
      %slice3A_2755 = vector.extract_strided_slice %shift_right_logical3A_2355 {offsets = [10], sizes = [1], strides = [1]} : vector<16xi32> to vector<1xi32>
      %squeeze3A_2756 = vector.extract %slice3A_2755[0] : i32 from vector<1xi32>
      %dma_start3A_2757 = arith.constant 10 : i32
      %dma_start3A_2758 = arith.constant 0 : i32
      %dma_start3A_2759 = arith.constant 0 : i32
      %dma_start3A_2760 = tpu.memref_slice %arg13[%dma_start3A_2757, %dma_start3A_2758, %dma_start3A_2759] : memref<16x8x64xf32, #tpu.memory_space<vmem>> -> memref<1x8x64xf32, #tpu.memory_space<vmem>>
      %dma_start3A_2761 = tpu.memref_squeeze %dma_start3A_2760 : memref<1x8x64xf32, #tpu.memory_space<vmem>> -> memref<8x64xf32, #tpu.memory_space<vmem>>
      %dma_start3A_2762 = arith.constant 0 : i32
      %dma_start3A_2763 = arith.constant 0 : i32
      %dma_start3A_2764 = tpu.memref_slice %arg5[%squeeze3A_2756, %dma_start3A_2762, %dma_start3A_2763] : memref<125000x8x64xf32, #tpu.memory_space<hbm>> -> memref<1x8x64xf32, #tpu.memory_space<hbm>>
      %dma_start3A_2765 = tpu.memref_squeeze %dma_start3A_2764 : memref<1x8x64xf32, #tpu.memory_space<hbm>> -> memref<8x64xf32, #tpu.memory_space<hbm>>
      %dma_start3A_2766 = arith.constant 0 : i32
      %dma_start3A_2767 = arith.constant 0 : i32
      %dma_start3A_2768 = tpu.memref_slice %arg13[%dma_start3A_2757, %dma_start3A_2766, %dma_start3A_2767] : memref<16x8x64xf32, #tpu.memory_space<vmem>> -> memref<1x8x64xf32, #tpu.memory_space<vmem>>
      %dma_start3A_2769 = tpu.memref_squeeze %dma_start3A_2768 : memref<1x8x64xf32, #tpu.memory_space<vmem>> -> memref<8x64xf32, #tpu.memory_space<vmem>>
      %dma_start3A_2770 = arith.constant 0 : i32
      %dma_start3A_2771 = arith.constant 0 : i32
      %dma_start3A_2772 = tpu.memref_slice %arg5[%squeeze3A_2756, %dma_start3A_2770, %dma_start3A_2771] : memref<125000x8x64xf32, #tpu.memory_space<hbm>> -> memref<1x8x64xf32, #tpu.memory_space<hbm>>
      %dma_start3A_2773 = tpu.memref_squeeze %dma_start3A_2772 : memref<1x8x64xf32, #tpu.memory_space<hbm>> -> memref<8x64xf32, #tpu.memory_space<hbm>>
      tpu.enqueue_dma source(%dma_start3A_2773 : memref<8x64xf32, #tpu.memory_space<hbm>>) target(%dma_start3A_2769 : memref<8x64xf32, #tpu.memory_space<vmem>>) target_semaphore(%arg19 : memref<!tpu.dma_semaphore, #tpu.memory_space<semaphore_mem>>)
      %slice3A_2774 = vector.extract_strided_slice %shift_right_logical3A_2348 {offsets = [11], sizes = [1], strides = [1]} : vector<16xi32> to vector<1xi32>
      %squeeze3A_2775 = vector.extract %slice3A_2774[0] : i32 from vector<1xi32>
      %dma_start3A_2776 = arith.constant 11 : i32
      %dma_start3A_2777 = arith.constant 0 : i32
      %dma_start3A_2778 = arith.constant 0 : i32
      %dma_start3A_2779 = tpu.memref_slice %arg11[%dma_start3A_2776, %dma_start3A_2777, %dma_start3A_2778] : memref<16x8x64xf32, #tpu.memory_space<vmem>> -> memref<1x8x64xf32, #tpu.memory_space<vmem>>
      %dma_start3A_2780 = tpu.memref_squeeze %dma_start3A_2779 : memref<1x8x64xf32, #tpu.memory_space<vmem>> -> memref<8x64xf32, #tpu.memory_space<vmem>>
      %dma_start3A_2781 = arith.constant 0 : i32
      %dma_start3A_2782 = arith.constant 0 : i32
      %dma_start3A_2783 = tpu.memref_slice %arg4[%squeeze3A_2775, %dma_start3A_2781, %dma_start3A_2782] : memref<125000x8x64xf32, #tpu.memory_space<hbm>> -> memref<1x8x64xf32, #tpu.memory_space<hbm>>
      %dma_start3A_2784 = tpu.memref_squeeze %dma_start3A_2783 : memref<1x8x64xf32, #tpu.memory_space<hbm>> -> memref<8x64xf32, #tpu.memory_space<hbm>>
      %dma_start3A_2785 = arith.constant 0 : i32
      %dma_start3A_2786 = arith.constant 0 : i32
      %dma_start3A_2787 = tpu.memref_slice %arg11[%dma_start3A_2776, %dma_start3A_2785, %dma_start3A_2786] : memref<16x8x64xf32, #tpu.memory_space<vmem>> -> memref<1x8x64xf32, #tpu.memory_space<vmem>>
      %dma_start3A_2788 = tpu.memref_squeeze %dma_start3A_2787 : memref<1x8x64xf32, #tpu.memory_space<vmem>> -> memref<8x64xf32, #tpu.memory_space<vmem>>
      %dma_start3A_2789 = arith.constant 0 : i32
      %dma_start3A_2790 = arith.constant 0 : i32
      %dma_start3A_2791 = tpu.memref_slice %arg4[%squeeze3A_2775, %dma_start3A_2789, %dma_start3A_2790] : memref<125000x8x64xf32, #tpu.memory_space<hbm>> -> memref<1x8x64xf32, #tpu.memory_space<hbm>>
      %dma_start3A_2792 = tpu.memref_squeeze %dma_start3A_2791 : memref<1x8x64xf32, #tpu.memory_space<hbm>> -> memref<8x64xf32, #tpu.memory_space<hbm>>
      tpu.enqueue_dma source(%dma_start3A_2792 : memref<8x64xf32, #tpu.memory_space<hbm>>) target(%dma_start3A_2788 : memref<8x64xf32, #tpu.memory_space<vmem>>) target_semaphore(%arg18 : memref<!tpu.dma_semaphore, #tpu.memory_space<semaphore_mem>>)
      %slice3A_2793 = vector.extract_strided_slice %shift_right_logical3A_2355 {offsets = [11], sizes = [1], strides = [1]} : vector<16xi32> to vector<1xi32>
      %squeeze3A_2794 = vector.extract %slice3A_2793[0] : i32 from vector<1xi32>
      %dma_start3A_2795 = arith.constant 11 : i32
      %dma_start3A_2796 = arith.constant 0 : i32
      %dma_start3A_2797 = arith.constant 0 : i32
      %dma_start3A_2798 = tpu.memref_slice %arg13[%dma_start3A_2795, %dma_start3A_2796, %dma_start3A_2797] : memref<16x8x64xf32, #tpu.memory_space<vmem>> -> memref<1x8x64xf32, #tpu.memory_space<vmem>>
      %dma_start3A_2799 = tpu.memref_squeeze %dma_start3A_2798 : memref<1x8x64xf32, #tpu.memory_space<vmem>> -> memref<8x64xf32, #tpu.memory_space<vmem>>
      %dma_start3A_2800 = arith.constant 0 : i32
      %dma_start3A_2801 = arith.constant 0 : i32
      %dma_start3A_2802 = tpu.memref_slice %arg5[%squeeze3A_2794, %dma_start3A_2800, %dma_start3A_2801] : memref<125000x8x64xf32, #tpu.memory_space<hbm>> -> memref<1x8x64xf32, #tpu.memory_space<hbm>>
      %dma_start3A_2803 = tpu.memref_squeeze %dma_start3A_2802 : memref<1x8x64xf32, #tpu.memory_space<hbm>> -> memref<8x64xf32, #tpu.memory_space<hbm>>
      %dma_start3A_2804 = arith.constant 0 : i32
      %dma_start3A_2805 = arith.constant 0 : i32
      %dma_start3A_2806 = tpu.memref_slice %arg13[%dma_start3A_2795, %dma_start3A_2804, %dma_start3A_2805] : memref<16x8x64xf32, #tpu.memory_space<vmem>> -> memref<1x8x64xf32, #tpu.memory_space<vmem>>
      %dma_start3A_2807 = tpu.memref_squeeze %dma_start3A_2806 : memref<1x8x64xf32, #tpu.memory_space<vmem>> -> memref<8x64xf32, #tpu.memory_space<vmem>>
      %dma_start3A_2808 = arith.constant 0 : i32
      %dma_start3A_2809 = arith.constant 0 : i32
      %dma_start3A_2810 = tpu.memref_slice %arg5[%squeeze3A_2794, %dma_start3A_2808, %dma_start3A_2809] : memref<125000x8x64xf32, #tpu.memory_space<hbm>> -> memref<1x8x64xf32, #tpu.memory_space<hbm>>
      %dma_start3A_2811 = tpu.memref_squeeze %dma_start3A_2810 : memref<1x8x64xf32, #tpu.memory_space<hbm>> -> memref<8x64xf32, #tpu.memory_space<hbm>>
      tpu.enqueue_dma source(%dma_start3A_2811 : memref<8x64xf32, #tpu.memory_space<hbm>>) target(%dma_start3A_2807 : memref<8x64xf32, #tpu.memory_space<vmem>>) target_semaphore(%arg19 : memref<!tpu.dma_semaphore, #tpu.memory_space<semaphore_mem>>)
      %slice3A_2812 = vector.extract_strided_slice %shift_right_logical3A_2348 {offsets = [12], sizes = [1], strides = [1]} : vector<16xi32> to vector<1xi32>
      %squeeze3A_2813 = vector.extract %slice3A_2812[0] : i32 from vector<1xi32>
      %dma_start3A_2814 = arith.constant 12 : i32
      %dma_start3A_2815 = arith.constant 0 : i32
      %dma_start3A_2816 = arith.constant 0 : i32
      %dma_start3A_2817 = tpu.memref_slice %arg11[%dma_start3A_2814, %dma_start3A_2815, %dma_start3A_2816] : memref<16x8x64xf32, #tpu.memory_space<vmem>> -> memref<1x8x64xf32, #tpu.memory_space<vmem>>
      %dma_start3A_2818 = tpu.memref_squeeze %dma_start3A_2817 : memref<1x8x64xf32, #tpu.memory_space<vmem>> -> memref<8x64xf32, #tpu.memory_space<vmem>>
      %dma_start3A_2819 = arith.constant 0 : i32
      %dma_start3A_2820 = arith.constant 0 : i32
      %dma_start3A_2821 = tpu.memref_slice %arg4[%squeeze3A_2813, %dma_start3A_2819, %dma_start3A_2820] : memref<125000x8x64xf32, #tpu.memory_space<hbm>> -> memref<1x8x64xf32, #tpu.memory_space<hbm>>
      %dma_start3A_2822 = tpu.memref_squeeze %dma_start3A_2821 : memref<1x8x64xf32, #tpu.memory_space<hbm>> -> memref<8x64xf32, #tpu.memory_space<hbm>>
      %dma_start3A_2823 = arith.constant 0 : i32
      %dma_start3A_2824 = arith.constant 0 : i32
      %dma_start3A_2825 = tpu.memref_slice %arg11[%dma_start3A_2814, %dma_start3A_2823, %dma_start3A_2824] : memref<16x8x64xf32, #tpu.memory_space<vmem>> -> memref<1x8x64xf32, #tpu.memory_space<vmem>>
      %dma_start3A_2826 = tpu.memref_squeeze %dma_start3A_2825 : memref<1x8x64xf32, #tpu.memory_space<vmem>> -> memref<8x64xf32, #tpu.memory_space<vmem>>
      %dma_start3A_2827 = arith.constant 0 : i32
      %dma_start3A_2828 = arith.constant 0 : i32
      %dma_start3A_2829 = tpu.memref_slice %arg4[%squeeze3A_2813, %dma_start3A_2827, %dma_start3A_2828] : memref<125000x8x64xf32, #tpu.memory_space<hbm>> -> memref<1x8x64xf32, #tpu.memory_space<hbm>>
      %dma_start3A_2830 = tpu.memref_squeeze %dma_start3A_2829 : memref<1x8x64xf32, #tpu.memory_space<hbm>> -> memref<8x64xf32, #tpu.memory_space<hbm>>
      tpu.enqueue_dma source(%dma_start3A_2830 : memref<8x64xf32, #tpu.memory_space<hbm>>) target(%dma_start3A_2826 : memref<8x64xf32, #tpu.memory_space<vmem>>) target_semaphore(%arg18 : memref<!tpu.dma_semaphore, #tpu.memory_space<semaphore_mem>>)
      %slice3A_2831 = vector.extract_strided_slice %shift_right_logical3A_2355 {offsets = [12], sizes = [1], strides = [1]} : vector<16xi32> to vector<1xi32>
      %squeeze3A_2832 = vector.extract %slice3A_2831[0] : i32 from vector<1xi32>
      %dma_start3A_2833 = arith.constant 12 : i32
      %dma_start3A_2834 = arith.constant 0 : i32
      %dma_start3A_2835 = arith.constant 0 : i32
      %dma_start3A_2836 = tpu.memref_slice %arg13[%dma_start3A_2833, %dma_start3A_2834, %dma_start3A_2835] : memref<16x8x64xf32, #tpu.memory_space<vmem>> -> memref<1x8x64xf32, #tpu.memory_space<vmem>>
      %dma_start3A_2837 = tpu.memref_squeeze %dma_start3A_2836 : memref<1x8x64xf32, #tpu.memory_space<vmem>> -> memref<8x64xf32, #tpu.memory_space<vmem>>
      %dma_start3A_2838 = arith.constant 0 : i32
      %dma_start3A_2839 = arith.constant 0 : i32
      %dma_start3A_2840 = tpu.memref_slice %arg5[%squeeze3A_2832, %dma_start3A_2838, %dma_start3A_2839] : memref<125000x8x64xf32, #tpu.memory_space<hbm>> -> memref<1x8x64xf32, #tpu.memory_space<hbm>>
      %dma_start3A_2841 = tpu.memref_squeeze %dma_start3A_2840 : memref<1x8x64xf32, #tpu.memory_space<hbm>> -> memref<8x64xf32, #tpu.memory_space<hbm>>
      %dma_start3A_2842 = arith.constant 0 : i32
      %dma_start3A_2843 = arith.constant 0 : i32
      %dma_start3A_2844 = tpu.memref_slice %arg13[%dma_start3A_2833, %dma_start3A_2842, %dma_start3A_2843] : memref<16x8x64xf32, #tpu.memory_space<vmem>> -> memref<1x8x64xf32, #tpu.memory_space<vmem>>
      %dma_start3A_2845 = tpu.memref_squeeze %dma_start3A_2844 : memref<1x8x64xf32, #tpu.memory_space<vmem>> -> memref<8x64xf32, #tpu.memory_space<vmem>>
      %dma_start3A_2846 = arith.constant 0 : i32
      %dma_start3A_2847 = arith.constant 0 : i32
      %dma_start3A_2848 = tpu.memref_slice %arg5[%squeeze3A_2832, %dma_start3A_2846, %dma_start3A_2847] : memref<125000x8x64xf32, #tpu.memory_space<hbm>> -> memref<1x8x64xf32, #tpu.memory_space<hbm>>
      %dma_start3A_2849 = tpu.memref_squeeze %dma_start3A_2848 : memref<1x8x64xf32, #tpu.memory_space<hbm>> -> memref<8x64xf32, #tpu.memory_space<hbm>>
      tpu.enqueue_dma source(%dma_start3A_2849 : memref<8x64xf32, #tpu.memory_space<hbm>>) target(%dma_start3A_2845 : memref<8x64xf32, #tpu.memory_space<vmem>>) target_semaphore(%arg19 : memref<!tpu.dma_semaphore, #tpu.memory_space<semaphore_mem>>)
      %slice3A_2850 = vector.extract_strided_slice %shift_right_logical3A_2348 {offsets = [13], sizes = [1], strides = [1]} : vector<16xi32> to vector<1xi32>
      %squeeze3A_2851 = vector.extract %slice3A_2850[0] : i32 from vector<1xi32>
      %dma_start3A_2852 = arith.constant 13 : i32
      %dma_start3A_2853 = arith.constant 0 : i32
      %dma_start3A_2854 = arith.constant 0 : i32
      %dma_start3A_2855 = tpu.memref_slice %arg11[%dma_start3A_2852, %dma_start3A_2853, %dma_start3A_2854] : memref<16x8x64xf32, #tpu.memory_space<vmem>> -> memref<1x8x64xf32, #tpu.memory_space<vmem>>
      %dma_start3A_2856 = tpu.memref_squeeze %dma_start3A_2855 : memref<1x8x64xf32, #tpu.memory_space<vmem>> -> memref<8x64xf32, #tpu.memory_space<vmem>>
      %dma_start3A_2857 = arith.constant 0 : i32
      %dma_start3A_2858 = arith.constant 0 : i32
      %dma_start3A_2859 = tpu.memref_slice %arg4[%squeeze3A_2851, %dma_start3A_2857, %dma_start3A_2858] : memref<125000x8x64xf32, #tpu.memory_space<hbm>> -> memref<1x8x64xf32, #tpu.memory_space<hbm>>
      %dma_start3A_2860 = tpu.memref_squeeze %dma_start3A_2859 : memref<1x8x64xf32, #tpu.memory_space<hbm>> -> memref<8x64xf32, #tpu.memory_space<hbm>>
      %dma_start3A_2861 = arith.constant 0 : i32
      %dma_start3A_2862 = arith.constant 0 : i32
      %dma_start3A_2863 = tpu.memref_slice %arg11[%dma_start3A_2852, %dma_start3A_2861, %dma_start3A_2862] : memref<16x8x64xf32, #tpu.memory_space<vmem>> -> memref<1x8x64xf32, #tpu.memory_space<vmem>>
      %dma_start3A_2864 = tpu.memref_squeeze %dma_start3A_2863 : memref<1x8x64xf32, #tpu.memory_space<vmem>> -> memref<8x64xf32, #tpu.memory_space<vmem>>
      %dma_start3A_2865 = arith.constant 0 : i32
      %dma_start3A_2866 = arith.constant 0 : i32
      %dma_start3A_2867 = tpu.memref_slice %arg4[%squeeze3A_2851, %dma_start3A_2865, %dma_start3A_2866] : memref<125000x8x64xf32, #tpu.memory_space<hbm>> -> memref<1x8x64xf32, #tpu.memory_space<hbm>>
      %dma_start3A_2868 = tpu.memref_squeeze %dma_start3A_2867 : memref<1x8x64xf32, #tpu.memory_space<hbm>> -> memref<8x64xf32, #tpu.memory_space<hbm>>
      tpu.enqueue_dma source(%dma_start3A_2868 : memref<8x64xf32, #tpu.memory_space<hbm>>) target(%dma_start3A_2864 : memref<8x64xf32, #tpu.memory_space<vmem>>) target_semaphore(%arg18 : memref<!tpu.dma_semaphore, #tpu.memory_space<semaphore_mem>>)
      %slice3A_2869 = vector.extract_strided_slice %shift_right_logical3A_2355 {offsets = [13], sizes = [1], strides = [1]} : vector<16xi32> to vector<1xi32>
      %squeeze3A_2870 = vector.extract %slice3A_2869[0] : i32 from vector<1xi32>
      %dma_start3A_2871 = arith.constant 13 : i32
      %dma_start3A_2872 = arith.constant 0 : i32
      %dma_start3A_2873 = arith.constant 0 : i32
      %dma_start3A_2874 = tpu.memref_slice %arg13[%dma_start3A_2871, %dma_start3A_2872, %dma_start3A_2873] : memref<16x8x64xf32, #tpu.memory_space<vmem>> -> memref<1x8x64xf32, #tpu.memory_space<vmem>>
      %dma_start3A_2875 = tpu.memref_squeeze %dma_start3A_2874 : memref<1x8x64xf32, #tpu.memory_space<vmem>> -> memref<8x64xf32, #tpu.memory_space<vmem>>
      %dma_start3A_2876 = arith.constant 0 : i32
      %dma_start3A_2877 = arith.constant 0 : i32
      %dma_start3A_2878 = tpu.memref_slice %arg5[%squeeze3A_2870, %dma_start3A_2876, %dma_start3A_2877] : memref<125000x8x64xf32, #tpu.memory_space<hbm>> -> memref<1x8x64xf32, #tpu.memory_space<hbm>>
      %dma_start3A_2879 = tpu.memref_squeeze %dma_start3A_2878 : memref<1x8x64xf32, #tpu.memory_space<hbm>> -> memref<8x64xf32, #tpu.memory_space<hbm>>
      %dma_start3A_2880 = arith.constant 0 : i32
      %dma_start3A_2881 = arith.constant 0 : i32
      %dma_start3A_2882 = tpu.memref_slice %arg13[%dma_start3A_2871, %dma_start3A_2880, %dma_start3A_2881] : memref<16x8x64xf32, #tpu.memory_space<vmem>> -> memref<1x8x64xf32, #tpu.memory_space<vmem>>
      %dma_start3A_2883 = tpu.memref_squeeze %dma_start3A_2882 : memref<1x8x64xf32, #tpu.memory_space<vmem>> -> memref<8x64xf32, #tpu.memory_space<vmem>>
      %dma_start3A_2884 = arith.constant 0 : i32
      %dma_start3A_2885 = arith.constant 0 : i32
      %dma_start3A_2886 = tpu.memref_slice %arg5[%squeeze3A_2870, %dma_start3A_2884, %dma_start3A_2885] : memref<125000x8x64xf32, #tpu.memory_space<hbm>> -> memref<1x8x64xf32, #tpu.memory_space<hbm>>
      %dma_start3A_2887 = tpu.memref_squeeze %dma_start3A_2886 : memref<1x8x64xf32, #tpu.memory_space<hbm>> -> memref<8x64xf32, #tpu.memory_space<hbm>>
      tpu.enqueue_dma source(%dma_start3A_2887 : memref<8x64xf32, #tpu.memory_space<hbm>>) target(%dma_start3A_2883 : memref<8x64xf32, #tpu.memory_space<vmem>>) target_semaphore(%arg19 : memref<!tpu.dma_semaphore, #tpu.memory_space<semaphore_mem>>)
      %slice3A_2888 = vector.extract_strided_slice %shift_right_logical3A_2348 {offsets = [14], sizes = [1], strides = [1]} : vector<16xi32> to vector<1xi32>
      %squeeze3A_2889 = vector.extract %slice3A_2888[0] : i32 from vector<1xi32>
      %dma_start3A_2890 = arith.constant 14 : i32
      %dma_start3A_2891 = arith.constant 0 : i32
      %dma_start3A_2892 = arith.constant 0 : i32
      %dma_start3A_2893 = tpu.memref_slice %arg11[%dma_start3A_2890, %dma_start3A_2891, %dma_start3A_2892] : memref<16x8x64xf32, #tpu.memory_space<vmem>> -> memref<1x8x64xf32, #tpu.memory_space<vmem>>
      %dma_start3A_2894 = tpu.memref_squeeze %dma_start3A_2893 : memref<1x8x64xf32, #tpu.memory_space<vmem>> -> memref<8x64xf32, #tpu.memory_space<vmem>>
      %dma_start3A_2895 = arith.constant 0 : i32
      %dma_start3A_2896 = arith.constant 0 : i32
      %dma_start3A_2897 = tpu.memref_slice %arg4[%squeeze3A_2889, %dma_start3A_2895, %dma_start3A_2896] : memref<125000x8x64xf32, #tpu.memory_space<hbm>> -> memref<1x8x64xf32, #tpu.memory_space<hbm>>
      %dma_start3A_2898 = tpu.memref_squeeze %dma_start3A_2897 : memref<1x8x64xf32, #tpu.memory_space<hbm>> -> memref<8x64xf32, #tpu.memory_space<hbm>>
      %dma_start3A_2899 = arith.constant 0 : i32
      %dma_start3A_2900 = arith.constant 0 : i32
      %dma_start3A_2901 = tpu.memref_slice %arg11[%dma_start3A_2890, %dma_start3A_2899, %dma_start3A_2900] : memref<16x8x64xf32, #tpu.memory_space<vmem>> -> memref<1x8x64xf32, #tpu.memory_space<vmem>>
      %dma_start3A_2902 = tpu.memref_squeeze %dma_start3A_2901 : memref<1x8x64xf32, #tpu.memory_space<vmem>> -> memref<8x64xf32, #tpu.memory_space<vmem>>
      %dma_start3A_2903 = arith.constant 0 : i32
      %dma_start3A_2904 = arith.constant 0 : i32
      %dma_start3A_2905 = tpu.memref_slice %arg4[%squeeze3A_2889, %dma_start3A_2903, %dma_start3A_2904] : memref<125000x8x64xf32, #tpu.memory_space<hbm>> -> memref<1x8x64xf32, #tpu.memory_space<hbm>>
      %dma_start3A_2906 = tpu.memref_squeeze %dma_start3A_2905 : memref<1x8x64xf32, #tpu.memory_space<hbm>> -> memref<8x64xf32, #tpu.memory_space<hbm>>
      tpu.enqueue_dma source(%dma_start3A_2906 : memref<8x64xf32, #tpu.memory_space<hbm>>) target(%dma_start3A_2902 : memref<8x64xf32, #tpu.memory_space<vmem>>) target_semaphore(%arg18 : memref<!tpu.dma_semaphore, #tpu.memory_space<semaphore_mem>>)
      %slice3A_2907 = vector.extract_strided_slice %shift_right_logical3A_2355 {offsets = [14], sizes = [1], strides = [1]} : vector<16xi32> to vector<1xi32>
      %squeeze3A_2908 = vector.extract %slice3A_2907[0] : i32 from vector<1xi32>
      %dma_start3A_2909 = arith.constant 14 : i32
      %dma_start3A_2910 = arith.constant 0 : i32
      %dma_start3A_2911 = arith.constant 0 : i32
      %dma_start3A_2912 = tpu.memref_slice %arg13[%dma_start3A_2909, %dma_start3A_2910, %dma_start3A_2911] : memref<16x8x64xf32, #tpu.memory_space<vmem>> -> memref<1x8x64xf32, #tpu.memory_space<vmem>>
      %dma_start3A_2913 = tpu.memref_squeeze %dma_start3A_2912 : memref<1x8x64xf32, #tpu.memory_space<vmem>> -> memref<8x64xf32, #tpu.memory_space<vmem>>
      %dma_start3A_2914 = arith.constant 0 : i32
      %dma_start3A_2915 = arith.constant 0 : i32
      %dma_start3A_2916 = tpu.memref_slice %arg5[%squeeze3A_2908, %dma_start3A_2914, %dma_start3A_2915] : memref<125000x8x64xf32, #tpu.memory_space<hbm>> -> memref<1x8x64xf32, #tpu.memory_space<hbm>>
      %dma_start3A_2917 = tpu.memref_squeeze %dma_start3A_2916 : memref<1x8x64xf32, #tpu.memory_space<hbm>> -> memref<8x64xf32, #tpu.memory_space<hbm>>
      %dma_start3A_2918 = arith.constant 0 : i32
      %dma_start3A_2919 = arith.constant 0 : i32
      %dma_start3A_2920 = tpu.memref_slice %arg13[%dma_start3A_2909, %dma_start3A_2918, %dma_start3A_2919] : memref<16x8x64xf32, #tpu.memory_space<vmem>> -> memref<1x8x64xf32, #tpu.memory_space<vmem>>
      %dma_start3A_2921 = tpu.memref_squeeze %dma_start3A_2920 : memref<1x8x64xf32, #tpu.memory_space<vmem>> -> memref<8x64xf32, #tpu.memory_space<vmem>>
      %dma_start3A_2922 = arith.constant 0 : i32
      %dma_start3A_2923 = arith.constant 0 : i32
      %dma_start3A_2924 = tpu.memref_slice %arg5[%squeeze3A_2908, %dma_start3A_2922, %dma_start3A_2923] : memref<125000x8x64xf32, #tpu.memory_space<hbm>> -> memref<1x8x64xf32, #tpu.memory_space<hbm>>
      %dma_start3A_2925 = tpu.memref_squeeze %dma_start3A_2924 : memref<1x8x64xf32, #tpu.memory_space<hbm>> -> memref<8x64xf32, #tpu.memory_space<hbm>>
      tpu.enqueue_dma source(%dma_start3A_2925 : memref<8x64xf32, #tpu.memory_space<hbm>>) target(%dma_start3A_2921 : memref<8x64xf32, #tpu.memory_space<vmem>>) target_semaphore(%arg19 : memref<!tpu.dma_semaphore, #tpu.memory_space<semaphore_mem>>)
      %slice3A_2926 = vector.extract_strided_slice %shift_right_logical3A_2348 {offsets = [15], sizes = [1], strides = [1]} : vector<16xi32> to vector<1xi32>
      %squeeze3A_2927 = vector.extract %slice3A_2926[0] : i32 from vector<1xi32>
      %dma_start3A_2928 = arith.constant 15 : i32
      %dma_start3A_2929 = arith.constant 0 : i32
      %dma_start3A_2930 = arith.constant 0 : i32
      %dma_start3A_2931 = tpu.memref_slice %arg11[%dma_start3A_2928, %dma_start3A_2929, %dma_start3A_2930] : memref<16x8x64xf32, #tpu.memory_space<vmem>> -> memref<1x8x64xf32, #tpu.memory_space<vmem>>
      %dma_start3A_2932 = tpu.memref_squeeze %dma_start3A_2931 : memref<1x8x64xf32, #tpu.memory_space<vmem>> -> memref<8x64xf32, #tpu.memory_space<vmem>>
      %dma_start3A_2933 = arith.constant 0 : i32
      %dma_start3A_2934 = arith.constant 0 : i32
      %dma_start3A_2935 = tpu.memref_slice %arg4[%squeeze3A_2927, %dma_start3A_2933, %dma_start3A_2934] : memref<125000x8x64xf32, #tpu.memory_space<hbm>> -> memref<1x8x64xf32, #tpu.memory_space<hbm>>
      %dma_start3A_2936 = tpu.memref_squeeze %dma_start3A_2935 : memref<1x8x64xf32, #tpu.memory_space<hbm>> -> memref<8x64xf32, #tpu.memory_space<hbm>>
      %dma_start3A_2937 = arith.constant 0 : i32
      %dma_start3A_2938 = arith.constant 0 : i32
      %dma_start3A_2939 = tpu.memref_slice %arg11[%dma_start3A_2928, %dma_start3A_2937, %dma_start3A_2938] : memref<16x8x64xf32, #tpu.memory_space<vmem>> -> memref<1x8x64xf32, #tpu.memory_space<vmem>>
      %dma_start3A_2940 = tpu.memref_squeeze %dma_start3A_2939 : memref<1x8x64xf32, #tpu.memory_space<vmem>> -> memref<8x64xf32, #tpu.memory_space<vmem>>
      %dma_start3A_2941 = arith.constant 0 : i32
      %dma_start3A_2942 = arith.constant 0 : i32
      %dma_start3A_2943 = tpu.memref_slice %arg4[%squeeze3A_2927, %dma_start3A_2941, %dma_start3A_2942] : memref<125000x8x64xf32, #tpu.memory_space<hbm>> -> memref<1x8x64xf32, #tpu.memory_space<hbm>>
      %dma_start3A_2944 = tpu.memref_squeeze %dma_start3A_2943 : memref<1x8x64xf32, #tpu.memory_space<hbm>> -> memref<8x64xf32, #tpu.memory_space<hbm>>
      tpu.enqueue_dma source(%dma_start3A_2944 : memref<8x64xf32, #tpu.memory_space<hbm>>) target(%dma_start3A_2940 : memref<8x64xf32, #tpu.memory_space<vmem>>) target_semaphore(%arg18 : memref<!tpu.dma_semaphore, #tpu.memory_space<semaphore_mem>>)
      %slice3A_2945 = vector.extract_strided_slice %shift_right_logical3A_2355 {offsets = [15], sizes = [1], strides = [1]} : vector<16xi32> to vector<1xi32>
      %squeeze3A_2946 = vector.extract %slice3A_2945[0] : i32 from vector<1xi32>
      %dma_start3A_2947 = arith.constant 15 : i32
      %dma_start3A_2948 = arith.constant 0 : i32
      %dma_start3A_2949 = arith.constant 0 : i32
      %dma_start3A_2950 = tpu.memref_slice %arg13[%dma_start3A_2947, %dma_start3A_2948, %dma_start3A_2949] : memref<16x8x64xf32, #tpu.memory_space<vmem>> -> memref<1x8x64xf32, #tpu.memory_space<vmem>>
      %dma_start3A_2951 = tpu.memref_squeeze %dma_start3A_2950 : memref<1x8x64xf32, #tpu.memory_space<vmem>> -> memref<8x64xf32, #tpu.memory_space<vmem>>
      %dma_start3A_2952 = arith.constant 0 : i32
      %dma_start3A_2953 = arith.constant 0 : i32
      %dma_start3A_2954 = tpu.memref_slice %arg5[%squeeze3A_2946, %dma_start3A_2952, %dma_start3A_2953] : memref<125000x8x64xf32, #tpu.memory_space<hbm>> -> memref<1x8x64xf32, #tpu.memory_space<hbm>>
      %dma_start3A_2955 = tpu.memref_squeeze %dma_start3A_2954 : memref<1x8x64xf32, #tpu.memory_space<hbm>> -> memref<8x64xf32, #tpu.memory_space<hbm>>
      %dma_start3A_2956 = arith.constant 0 : i32
      %dma_start3A_2957 = arith.constant 0 : i32
      %dma_start3A_2958 = tpu.memref_slice %arg13[%dma_start3A_2947, %dma_start3A_2956, %dma_start3A_2957] : memref<16x8x64xf32, #tpu.memory_space<vmem>> -> memref<1x8x64xf32, #tpu.memory_space<vmem>>
      %dma_start3A_2959 = tpu.memref_squeeze %dma_start3A_2958 : memref<1x8x64xf32, #tpu.memory_space<vmem>> -> memref<8x64xf32, #tpu.memory_space<vmem>>
      %dma_start3A_2960 = arith.constant 0 : i32
      %dma_start3A_2961 = arith.constant 0 : i32
      %dma_start3A_2962 = tpu.memref_slice %arg5[%squeeze3A_2946, %dma_start3A_2960, %dma_start3A_2961] : memref<125000x8x64xf32, #tpu.memory_space<hbm>> -> memref<1x8x64xf32, #tpu.memory_space<hbm>>
      %dma_start3A_2963 = tpu.memref_squeeze %dma_start3A_2962 : memref<1x8x64xf32, #tpu.memory_space<hbm>> -> memref<8x64xf32, #tpu.memory_space<hbm>>
      tpu.enqueue_dma source(%dma_start3A_2963 : memref<8x64xf32, #tpu.memory_space<hbm>>) target(%dma_start3A_2959 : memref<8x64xf32, #tpu.memory_space<vmem>>) target_semaphore(%arg19 : memref<!tpu.dma_semaphore, #tpu.memory_space<semaphore_mem>>)
      %dma_wait3A_2964 = arith.constant 0 : i32
      %dma_wait3A_2965 = arith.constant 0 : i32
      %dma_wait3A_2966 = arith.constant 0 : i32
      %dma_wait3A_2967 = tpu.memref_slice %arg4[%dma_wait3A_2964, %dma_wait3A_2965, %dma_wait3A_2966] : memref<125000x8x64xf32, #tpu.memory_space<hbm>> -> memref<16x8x64xf32, #tpu.memory_space<hbm>>
      %dma_wait3A_2968 = arith.constant 0 : i32
      %dma_wait3A_2969 = arith.constant 0 : i32
      %dma_wait3A_2970 = arith.constant 0 : i32
      %dma_wait3A_2971 = tpu.memref_slice %arg4[%dma_wait3A_2968, %dma_wait3A_2969, %dma_wait3A_2970] : memref<125000x8x64xf32, #tpu.memory_space<hbm>> -> memref<16x8x64xf32, #tpu.memory_space<hbm>>
      tpu.wait_dma2 semaphore(%arg18 : memref<!tpu.dma_semaphore, #tpu.memory_space<semaphore_mem>>) src(%dma_wait3A_2971 : memref<16x8x64xf32, #tpu.memory_space<hbm>>) dst(%arg11 : memref<16x8x64xf32, #tpu.memory_space<vmem>>)
      %dma_wait3A_2972 = arith.constant 0 : i32
      %dma_wait3A_2973 = arith.constant 0 : i32
      %dma_wait3A_2974 = arith.constant 0 : i32
      %dma_wait3A_2975 = tpu.memref_slice %arg5[%dma_wait3A_2972, %dma_wait3A_2973, %dma_wait3A_2974] : memref<125000x8x64xf32, #tpu.memory_space<hbm>> -> memref<16x8x64xf32, #tpu.memory_space<hbm>>
      %dma_wait3A_2976 = arith.constant 0 : i32
      %dma_wait3A_2977 = arith.constant 0 : i32
      %dma_wait3A_2978 = arith.constant 0 : i32
      %dma_wait3A_2979 = tpu.memref_slice %arg5[%dma_wait3A_2976, %dma_wait3A_2977, %dma_wait3A_2978] : memref<125000x8x64xf32, #tpu.memory_space<hbm>> -> memref<16x8x64xf32, #tpu.memory_space<hbm>>
      tpu.wait_dma2 semaphore(%arg19 : memref<!tpu.dma_semaphore, #tpu.memory_space<semaphore_mem>>) src(%dma_wait3A_2979 : memref<16x8x64xf32, #tpu.memory_space<hbm>>) dst(%arg13 : memref<16x8x64xf32, #tpu.memory_space<vmem>>)
      %add3A_2980 = arith.constant 1 : i32
      %add3A_2981 = arith.addi %mul3A_648, %add3A_2980 : i32
      %mul3A_2982 = arith.constant 16 : i32
      %mul3A_2983 = arith.muli %add3A_2981, %mul3A_2982 : i32
      %get3A_2984 = arith.index_cast %mul3A_2983 : i32 to index
      %get3A_2985 = tpu.vector_load %arg9[%get3A_2984] {strides = array<i32>} : memref<512xi32, #tpu.memory_space<vmem>>, vector<16xi32>,
      %and3A_2986 = arith.constant 7 : i32
      %and3A_2987 = vector.broadcast %and3A_2986 : i32 to vector<16xi32>
      %and3A_2988 = arith.andi %get3A_2985, %and3A_2987 : vector<16xi32>
      %mul3A_2989 = arith.constant 16 : i32
      %mul3A_2990 = arith.muli %add3A_2981, %mul3A_2989 : i32
      %get3A_2991 = arith.index_cast %mul3A_2990 : i32 to index
      %get3A_2992 = tpu.vector_load %arg10[%get3A_2991] {strides = array<i32>} : memref<512xi32, #tpu.memory_space<vmem>>, vector<16xi32>,
      %and3A_2993 = arith.constant 7 : i32
      %and3A_2994 = vector.broadcast %and3A_2993 : i32 to vector<16xi32>
      %and3A_2995 = arith.andi %get3A_2992, %and3A_2994 : vector<16xi32>
      %broadcast_in_dim3A_2996 = arith.constant 0.000000e+00 : f32
      %broadcast_in_dim3A_2997 = vector.broadcast %broadcast_in_dim3A_2996 : f32 to vector<16xf32>
      %slice3A_2998 = vector.extract_strided_slice %and3A_2988 {offsets = [0], sizes = [1], strides = [1]} : vector<16xi32> to vector<1xi32>
      %squeeze3A_2999 = vector.extract %slice3A_2998[0] : i32 from vector<1xi32>
      %slice3A_3000 = vector.extract_strided_slice %and3A_2995 {offsets = [0], sizes = [1], strides = [1]} : vector<16xi32> to vector<1xi32>
      %squeeze3A_3001 = vector.extract %slice3A_3000[0] : i32 from vector<1xi32>
      %get3A_3002 = arith.constant 0 : i32
      %get3A_3003 = arith.index_cast %get3A_3002 : i32 to index
      %get3A_3004 = arith.index_cast %squeeze3A_2999 : i32 to index
      %get3A_3005 = arith.constant 0 : index
      %get3A_3006 = tpu.vector_load %arg12[%get3A_3003, %get3A_3004, %get3A_3005] {strides = array<i32>} : memref<16x8x64xf32, #tpu.memory_space<vmem>>, vector<16xf32>,
      %get3A_3007 = arith.constant 0 : i32
      %get3A_3008 = arith.index_cast %get3A_3007 : i32 to index
      %get3A_3009 = arith.index_cast %squeeze3A_3001 : i32 to index
      %get3A_3010 = arith.constant 0 : index
      %get3A_3011 = tpu.vector_load %arg14[%get3A_3008, %get3A_3009, %get3A_3010] {strides = array<i32>} : memref<16x8x64xf32, #tpu.memory_space<vmem>>, vector<16xf32>,
      %mul3A_3012 = arith.mulf %get3A_3006, %get3A_3011 : vector<16xf32>
      %mul3A_3013 = arith.mulf %mul3A_3012, %get3A_3 : vector<16xf32>
      %get3A_3014 = arith.constant 0 : i32
      %get3A_3015 = arith.index_cast %get3A_3014 : i32 to index
      %get3A_3016 = arith.index_cast %squeeze3A_2999 : i32 to index
      %get3A_3017 = arith.constant 16 : index
      %get3A_3018 = tpu.vector_load %arg12[%get3A_3015, %get3A_3016, %get3A_3017] {strides = array<i32>} : memref<16x8x64xf32, #tpu.memory_space<vmem>>, vector<16xf32>,
      %get3A_3019 = arith.constant 0 : i32
      %get3A_3020 = arith.index_cast %get3A_3019 : i32 to index
      %get3A_3021 = arith.index_cast %squeeze3A_3001 : i32 to index
      %get3A_3022 = arith.constant 16 : index
      %get3A_3023 = tpu.vector_load %arg14[%get3A_3020, %get3A_3021, %get3A_3022] {strides = array<i32>} : memref<16x8x64xf32, #tpu.memory_space<vmem>>, vector<16xf32>,
      %mul3A_3024 = arith.mulf %get3A_3018, %get3A_3023 : vector<16xf32>
      %mul3A_3025 = arith.mulf %mul3A_3024, %get3A_5 : vector<16xf32>
      %add3A_3026 = arith.addf %mul3A_3013, %mul3A_3025 : vector<16xf32>
      %get3A_3027 = arith.constant 0 : i32
      %get3A_3028 = arith.index_cast %get3A_3027 : i32 to index
      %get3A_3029 = arith.index_cast %squeeze3A_2999 : i32 to index
      %get3A_3030 = arith.constant 32 : index
      %get3A_3031 = tpu.vector_load %arg12[%get3A_3028, %get3A_3029, %get3A_3030] {strides = array<i32>} : memref<16x8x64xf32, #tpu.memory_space<vmem>>, vector<16xf32>,
      %get3A_3032 = arith.constant 0 : i32
      %get3A_3033 = arith.index_cast %get3A_3032 : i32 to index
      %get3A_3034 = arith.index_cast %squeeze3A_3001 : i32 to index
      %get3A_3035 = arith.constant 32 : index
      %get3A_3036 = tpu.vector_load %arg14[%get3A_3033, %get3A_3034, %get3A_3035] {strides = array<i32>} : memref<16x8x64xf32, #tpu.memory_space<vmem>>, vector<16xf32>,
      %mul3A_3037 = arith.mulf %get3A_3031, %get3A_3036 : vector<16xf32>
      %mul3A_3038 = arith.mulf %mul3A_3037, %get3A_7 : vector<16xf32>
      %add3A_3039 = arith.addf %add3A_3026, %mul3A_3038 : vector<16xf32>
      %get3A_3040 = arith.constant 0 : i32
      %get3A_3041 = arith.index_cast %get3A_3040 : i32 to index
      %get3A_3042 = arith.index_cast %squeeze3A_2999 : i32 to index
      %get3A_3043 = arith.constant 48 : index
      %get3A_3044 = tpu.vector_load %arg12[%get3A_3041, %get3A_3042, %get3A_3043] {strides = array<i32>} : memref<16x8x64xf32, #tpu.memory_space<vmem>>, vector<16xf32>,
      %get3A_3045 = arith.constant 0 : i32
      %get3A_3046 = arith.index_cast %get3A_3045 : i32 to index
      %get3A_3047 = arith.index_cast %squeeze3A_3001 : i32 to index
      %get3A_3048 = arith.constant 48 : index
      %get3A_3049 = tpu.vector_load %arg14[%get3A_3046, %get3A_3047, %get3A_3048] {strides = array<i32>} : memref<16x8x64xf32, #tpu.memory_space<vmem>>, vector<16xf32>,
      %mul3A_3050 = arith.mulf %get3A_3044, %get3A_3049 : vector<16xf32>
      %mul3A_3051 = arith.mulf %mul3A_3050, %get3A_9 : vector<16xf32>
      %add3A_3052 = arith.addf %add3A_3039, %mul3A_3051 : vector<16xf32>
      %eq3A_3053 = arith.constant 0 : i32
      %eq3A_3054 = vector.broadcast %eq3A_3053 : i32 to vector<16xi32>
      %eq3A_3055 = arith.cmpi eq, %iota3A, %eq3A_3054 : vector<16xi32>
      %reduce_sum3A_3056 = arith.constant true
      %reduce_sum3A_3057 = vector.broadcast %reduce_sum3A_3056 : i1 to vector<16xi1>
      %reduce_sum3A_3058 = tpu.scan <sum>, %add3A_3052 masked %reduce_sum3A_3057 : vector<16xf32>, vector<16xi1> -> vector<16xf32>
      %reduce_sum3A_3059 = vector.extract %reduce_sum3A_3058[15] : f32 from vector<16xf32>
      %broadcast_in_dim3A_3060 = vector.broadcast %reduce_sum3A_3059 : f32 to vector<16xf32>
      %select_n3A_3061 = arith.select %eq3A_3055, %broadcast_in_dim3A_3060, %broadcast_in_dim3A_2997 : vector<16xi1>, vector<16xf32>
      %slice3A_3062 = vector.extract_strided_slice %and3A_2988 {offsets = [1], sizes = [1], strides = [1]} : vector<16xi32> to vector<1xi32>
      %squeeze3A_3063 = vector.extract %slice3A_3062[0] : i32 from vector<1xi32>
      %slice3A_3064 = vector.extract_strided_slice %and3A_2995 {offsets = [1], sizes = [1], strides = [1]} : vector<16xi32> to vector<1xi32>
      %squeeze3A_3065 = vector.extract %slice3A_3064[0] : i32 from vector<1xi32>
      %get3A_3066 = arith.constant 1 : i32
      %get3A_3067 = arith.index_cast %get3A_3066 : i32 to index
      %get3A_3068 = arith.index_cast %squeeze3A_3063 : i32 to index
      %get3A_3069 = arith.constant 0 : index
      %get3A_3070 = tpu.vector_load %arg12[%get3A_3067, %get3A_3068, %get3A_3069] {strides = array<i32>} : memref<16x8x64xf32, #tpu.memory_space<vmem>>, vector<16xf32>,
      %get3A_3071 = arith.constant 1 : i32
      %get3A_3072 = arith.index_cast %get3A_3071 : i32 to index
      %get3A_3073 = arith.index_cast %squeeze3A_3065 : i32 to index
      %get3A_3074 = arith.constant 0 : index
      %get3A_3075 = tpu.vector_load %arg14[%get3A_3072, %get3A_3073, %get3A_3074] {strides = array<i32>} : memref<16x8x64xf32, #tpu.memory_space<vmem>>, vector<16xf32>,
      %mul3A_3076 = arith.mulf %get3A_3070, %get3A_3075 : vector<16xf32>
      %mul3A_3077 = arith.mulf %mul3A_3076, %get3A_3 : vector<16xf32>
      %get3A_3078 = arith.constant 1 : i32
      %get3A_3079 = arith.index_cast %get3A_3078 : i32 to index
      %get3A_3080 = arith.index_cast %squeeze3A_3063 : i32 to index
      %get3A_3081 = arith.constant 16 : index
      %get3A_3082 = tpu.vector_load %arg12[%get3A_3079, %get3A_3080, %get3A_3081] {strides = array<i32>} : memref<16x8x64xf32, #tpu.memory_space<vmem>>, vector<16xf32>,
      %get3A_3083 = arith.constant 1 : i32
      %get3A_3084 = arith.index_cast %get3A_3083 : i32 to index
      %get3A_3085 = arith.index_cast %squeeze3A_3065 : i32 to index
      %get3A_3086 = arith.constant 16 : index
      %get3A_3087 = tpu.vector_load %arg14[%get3A_3084, %get3A_3085, %get3A_3086] {strides = array<i32>} : memref<16x8x64xf32, #tpu.memory_space<vmem>>, vector<16xf32>,
      %mul3A_3088 = arith.mulf %get3A_3082, %get3A_3087 : vector<16xf32>
      %mul3A_3089 = arith.mulf %mul3A_3088, %get3A_5 : vector<16xf32>
      %add3A_3090 = arith.addf %mul3A_3077, %mul3A_3089 : vector<16xf32>
      %get3A_3091 = arith.constant 1 : i32
      %get3A_3092 = arith.index_cast %get3A_3091 : i32 to index
      %get3A_3093 = arith.index_cast %squeeze3A_3063 : i32 to index
      %get3A_3094 = arith.constant 32 : index
      %get3A_3095 = tpu.vector_load %arg12[%get3A_3092, %get3A_3093, %get3A_3094] {strides = array<i32>} : memref<16x8x64xf32, #tpu.memory_space<vmem>>, vector<16xf32>,
      %get3A_3096 = arith.constant 1 : i32
      %get3A_3097 = arith.index_cast %get3A_3096 : i32 to index
      %get3A_3098 = arith.index_cast %squeeze3A_3065 : i32 to index
      %get3A_3099 = arith.constant 32 : index
      %get3A_3100 = tpu.vector_load %arg14[%get3A_3097, %get3A_3098, %get3A_3099] {strides = array<i32>} : memref<16x8x64xf32, #tpu.memory_space<vmem>>, vector<16xf32>,
      %mul3A_3101 = arith.mulf %get3A_3095, %get3A_3100 : vector<16xf32>
      %mul3A_3102 = arith.mulf %mul3A_3101, %get3A_7 : vector<16xf32>
      %add3A_3103 = arith.addf %add3A_3090, %mul3A_3102 : vector<16xf32>
      %get3A_3104 = arith.constant 1 : i32
      %get3A_3105 = arith.index_cast %get3A_3104 : i32 to index
      %get3A_3106 = arith.index_cast %squeeze3A_3063 : i32 to index
      %get3A_3107 = arith.constant 48 : index
      %get3A_3108 = tpu.vector_load %arg12[%get3A_3105, %get3A_3106, %get3A_3107] {strides = array<i32>} : memref<16x8x64xf32, #tpu.memory_space<vmem>>, vector<16xf32>,
      %get3A_3109 = arith.constant 1 : i32
      %get3A_3110 = arith.index_cast %get3A_3109 : i32 to index
      %get3A_3111 = arith.index_cast %squeeze3A_3065 : i32 to index
      %get3A_3112 = arith.constant 48 : index
      %get3A_3113 = tpu.vector_load %arg14[%get3A_3110, %get3A_3111, %get3A_3112] {strides = array<i32>} : memref<16x8x64xf32, #tpu.memory_space<vmem>>, vector<16xf32>,
      %mul3A_3114 = arith.mulf %get3A_3108, %get3A_3113 : vector<16xf32>
      %mul3A_3115 = arith.mulf %mul3A_3114, %get3A_9 : vector<16xf32>
      %add3A_3116 = arith.addf %add3A_3103, %mul3A_3115 : vector<16xf32>
      %eq3A_3117 = arith.constant 1 : i32
      %eq3A_3118 = vector.broadcast %eq3A_3117 : i32 to vector<16xi32>
      %eq3A_3119 = arith.cmpi eq, %iota3A, %eq3A_3118 : vector<16xi32>
      %reduce_sum3A_3120 = arith.constant true
      %reduce_sum3A_3121 = vector.broadcast %reduce_sum3A_3120 : i1 to vector<16xi1>
      %reduce_sum3A_3122 = tpu.scan <sum>, %add3A_3116 masked %reduce_sum3A_3121 : vector<16xf32>, vector<16xi1> -> vector<16xf32>
      %reduce_sum3A_3123 = vector.extract %reduce_sum3A_3122[15] : f32 from vector<16xf32>
      %broadcast_in_dim3A_3124 = vector.broadcast %reduce_sum3A_3123 : f32 to vector<16xf32>
      %select_n3A_3125 = arith.select %eq3A_3119, %broadcast_in_dim3A_3124, %select_n3A_3061 : vector<16xi1>, vector<16xf32>
      %slice3A_3126 = vector.extract_strided_slice %and3A_2988 {offsets = [2], sizes = [1], strides = [1]} : vector<16xi32> to vector<1xi32>
      %squeeze3A_3127 = vector.extract %slice3A_3126[0] : i32 from vector<1xi32>
      %slice3A_3128 = vector.extract_strided_slice %and3A_2995 {offsets = [2], sizes = [1], strides = [1]} : vector<16xi32> to vector<1xi32>
      %squeeze3A_3129 = vector.extract %slice3A_3128[0] : i32 from vector<1xi32>
      %get3A_3130 = arith.constant 2 : i32
      %get3A_3131 = arith.index_cast %get3A_3130 : i32 to index
      %get3A_3132 = arith.index_cast %squeeze3A_3127 : i32 to index
      %get3A_3133 = arith.constant 0 : index
      %get3A_3134 = tpu.vector_load %arg12[%get3A_3131, %get3A_3132, %get3A_3133] {strides = array<i32>} : memref<16x8x64xf32, #tpu.memory_space<vmem>>, vector<16xf32>,
      %get3A_3135 = arith.constant 2 : i32
      %get3A_3136 = arith.index_cast %get3A_3135 : i32 to index
      %get3A_3137 = arith.index_cast %squeeze3A_3129 : i32 to index
      %get3A_3138 = arith.constant 0 : index
      %get3A_3139 = tpu.vector_load %arg14[%get3A_3136, %get3A_3137, %get3A_3138] {strides = array<i32>} : memref<16x8x64xf32, #tpu.memory_space<vmem>>, vector<16xf32>,
      %mul3A_3140 = arith.mulf %get3A_3134, %get3A_3139 : vector<16xf32>
      %mul3A_3141 = arith.mulf %mul3A_3140, %get3A_3 : vector<16xf32>
      %get3A_3142 = arith.constant 2 : i32
      %get3A_3143 = arith.index_cast %get3A_3142 : i32 to index
      %get3A_3144 = arith.index_cast %squeeze3A_3127 : i32 to index
      %get3A_3145 = arith.constant 16 : index
      %get3A_3146 = tpu.vector_load %arg12[%get3A_3143, %get3A_3144, %get3A_3145] {strides = array<i32>} : memref<16x8x64xf32, #tpu.memory_space<vmem>>, vector<16xf32>,
      %get3A_3147 = arith.constant 2 : i32
      %get3A_3148 = arith.index_cast %get3A_3147 : i32 to index
      %get3A_3149 = arith.index_cast %squeeze3A_3129 : i32 to index
      %get3A_3150 = arith.constant 16 : index
      %get3A_3151 = tpu.vector_load %arg14[%get3A_3148, %get3A_3149, %get3A_3150] {strides = array<i32>} : memref<16x8x64xf32, #tpu.memory_space<vmem>>, vector<16xf32>,
      %mul3A_3152 = arith.mulf %get3A_3146, %get3A_3151 : vector<16xf32>
      %mul3A_3153 = arith.mulf %mul3A_3152, %get3A_5 : vector<16xf32>
      %add3A_3154 = arith.addf %mul3A_3141, %mul3A_3153 : vector<16xf32>
      %get3A_3155 = arith.constant 2 : i32
      %get3A_3156 = arith.index_cast %get3A_3155 : i32 to index
      %get3A_3157 = arith.index_cast %squeeze3A_3127 : i32 to index
      %get3A_3158 = arith.constant 32 : index
      %get3A_3159 = tpu.vector_load %arg12[%get3A_3156, %get3A_3157, %get3A_3158] {strides = array<i32>} : memref<16x8x64xf32, #tpu.memory_space<vmem>>, vector<16xf32>,
      %get3A_3160 = arith.constant 2 : i32
      %get3A_3161 = arith.index_cast %get3A_3160 : i32 to index
      %get3A_3162 = arith.index_cast %squeeze3A_3129 : i32 to index
      %get3A_3163 = arith.constant 32 : index
      %get3A_3164 = tpu.vector_load %arg14[%get3A_3161, %get3A_3162, %get3A_3163] {strides = array<i32>} : memref<16x8x64xf32, #tpu.memory_space<vmem>>, vector<16xf32>,
      %mul3A_3165 = arith.mulf %get3A_3159, %get3A_3164 : vector<16xf32>
      %mul3A_3166 = arith.mulf %mul3A_3165, %get3A_7 : vector<16xf32>
      %add3A_3167 = arith.addf %add3A_3154, %mul3A_3166 : vector<16xf32>
      %get3A_3168 = arith.constant 2 : i32
      %get3A_3169 = arith.index_cast %get3A_3168 : i32 to index
      %get3A_3170 = arith.index_cast %squeeze3A_3127 : i32 to index
      %get3A_3171 = arith.constant 48 : index
      %get3A_3172 = tpu.vector_load %arg12[%get3A_3169, %get3A_3170, %get3A_3171] {strides = array<i32>} : memref<16x8x64xf32, #tpu.memory_space<vmem>>, vector<16xf32>,
      %get3A_3173 = arith.constant 2 : i32
      %get3A_3174 = arith.index_cast %get3A_3173 : i32 to index
      %get3A_3175 = arith.index_cast %squeeze3A_3129 : i32 to index
      %get3A_3176 = arith.constant 48 : index
      %get3A_3177 = tpu.vector_load %arg14[%get3A_3174, %get3A_3175, %get3A_3176] {strides = array<i32>} : memref<16x8x64xf32, #tpu.memory_space<vmem>>, vector<16xf32>,
      %mul3A_3178 = arith.mulf %get3A_3172, %get3A_3177 : vector<16xf32>
      %mul3A_3179 = arith.mulf %mul3A_3178, %get3A_9 : vector<16xf32>
      %add3A_3180 = arith.addf %add3A_3167, %mul3A_3179 : vector<16xf32>
      %eq3A_3181 = arith.constant 2 : i32
      %eq3A_3182 = vector.broadcast %eq3A_3181 : i32 to vector<16xi32>
      %eq3A_3183 = arith.cmpi eq, %iota3A, %eq3A_3182 : vector<16xi32>
      %reduce_sum3A_3184 = arith.constant true
      %reduce_sum3A_3185 = vector.broadcast %reduce_sum3A_3184 : i1 to vector<16xi1>
      %reduce_sum3A_3186 = tpu.scan <sum>, %add3A_3180 masked %reduce_sum3A_3185 : vector<16xf32>, vector<16xi1> -> vector<16xf32>
      %reduce_sum3A_3187 = vector.extract %reduce_sum3A_3186[15] : f32 from vector<16xf32>
      %broadcast_in_dim3A_3188 = vector.broadcast %reduce_sum3A_3187 : f32 to vector<16xf32>
      %select_n3A_3189 = arith.select %eq3A_3183, %broadcast_in_dim3A_3188, %select_n3A_3125 : vector<16xi1>, vector<16xf32>
      %slice3A_3190 = vector.extract_strided_slice %and3A_2988 {offsets = [3], sizes = [1], strides = [1]} : vector<16xi32> to vector<1xi32>
      %squeeze3A_3191 = vector.extract %slice3A_3190[0] : i32 from vector<1xi32>
      %slice3A_3192 = vector.extract_strided_slice %and3A_2995 {offsets = [3], sizes = [1], strides = [1]} : vector<16xi32> to vector<1xi32>
      %squeeze3A_3193 = vector.extract %slice3A_3192[0] : i32 from vector<1xi32>
      %get3A_3194 = arith.constant 3 : i32
      %get3A_3195 = arith.index_cast %get3A_3194 : i32 to index
      %get3A_3196 = arith.index_cast %squeeze3A_3191 : i32 to index
      %get3A_3197 = arith.constant 0 : index
      %get3A_3198 = tpu.vector_load %arg12[%get3A_3195, %get3A_3196, %get3A_3197] {strides = array<i32>} : memref<16x8x64xf32, #tpu.memory_space<vmem>>, vector<16xf32>,
      %get3A_3199 = arith.constant 3 : i32
      %get3A_3200 = arith.index_cast %get3A_3199 : i32 to index
      %get3A_3201 = arith.index_cast %squeeze3A_3193 : i32 to index
      %get3A_3202 = arith.constant 0 : index
      %get3A_3203 = tpu.vector_load %arg14[%get3A_3200, %get3A_3201, %get3A_3202] {strides = array<i32>} : memref<16x8x64xf32, #tpu.memory_space<vmem>>, vector<16xf32>,
      %mul3A_3204 = arith.mulf %get3A_3198, %get3A_3203 : vector<16xf32>
      %mul3A_3205 = arith.mulf %mul3A_3204, %get3A_3 : vector<16xf32>
      %get3A_3206 = arith.constant 3 : i32
      %get3A_3207 = arith.index_cast %get3A_3206 : i32 to index
      %get3A_3208 = arith.index_cast %squeeze3A_3191 : i32 to index
      %get3A_3209 = arith.constant 16 : index
      %get3A_3210 = tpu.vector_load %arg12[%get3A_3207, %get3A_3208, %get3A_3209] {strides = array<i32>} : memref<16x8x64xf32, #tpu.memory_space<vmem>>, vector<16xf32>,
      %get3A_3211 = arith.constant 3 : i32
      %get3A_3212 = arith.index_cast %get3A_3211 : i32 to index
      %get3A_3213 = arith.index_cast %squeeze3A_3193 : i32 to index
      %get3A_3214 = arith.constant 16 : index
      %get3A_3215 = tpu.vector_load %arg14[%get3A_3212, %get3A_3213, %get3A_3214] {strides = array<i32>} : memref<16x8x64xf32, #tpu.memory_space<vmem>>, vector<16xf32>,
      %mul3A_3216 = arith.mulf %get3A_3210, %get3A_3215 : vector<16xf32>
      %mul3A_3217 = arith.mulf %mul3A_3216, %get3A_5 : vector<16xf32>
      %add3A_3218 = arith.addf %mul3A_3205, %mul3A_3217 : vector<16xf32>
      %get3A_3219 = arith.constant 3 : i32
      %get3A_3220 = arith.index_cast %get3A_3219 : i32 to index
      %get3A_3221 = arith.index_cast %squeeze3A_3191 : i32 to index
      %get3A_3222 = arith.constant 32 : index
      %get3A_3223 = tpu.vector_load %arg12[%get3A_3220, %get3A_3221, %get3A_3222] {strides = array<i32>} : memref<16x8x64xf32, #tpu.memory_space<vmem>>, vector<16xf32>,
      %get3A_3224 = arith.constant 3 : i32
      %get3A_3225 = arith.index_cast %get3A_3224 : i32 to index
      %get3A_3226 = arith.index_cast %squeeze3A_3193 : i32 to index
      %get3A_3227 = arith.constant 32 : index
      %get3A_3228 = tpu.vector_load %arg14[%get3A_3225, %get3A_3226, %get3A_3227] {strides = array<i32>} : memref<16x8x64xf32, #tpu.memory_space<vmem>>, vector<16xf32>,
      %mul3A_3229 = arith.mulf %get3A_3223, %get3A_3228 : vector<16xf32>
      %mul3A_3230 = arith.mulf %mul3A_3229, %get3A_7 : vector<16xf32>
      %add3A_3231 = arith.addf %add3A_3218, %mul3A_3230 : vector<16xf32>
      %get3A_3232 = arith.constant 3 : i32
      %get3A_3233 = arith.index_cast %get3A_3232 : i32 to index
      %get3A_3234 = arith.index_cast %squeeze3A_3191 : i32 to index
      %get3A_3235 = arith.constant 48 : index
      %get3A_3236 = tpu.vector_load %arg12[%get3A_3233, %get3A_3234, %get3A_3235] {strides = array<i32>} : memref<16x8x64xf32, #tpu.memory_space<vmem>>, vector<16xf32>,
      %get3A_3237 = arith.constant 3 : i32
      %get3A_3238 = arith.index_cast %get3A_3237 : i32 to index
      %get3A_3239 = arith.index_cast %squeeze3A_3193 : i32 to index
      %get3A_3240 = arith.constant 48 : index
      %get3A_3241 = tpu.vector_load %arg14[%get3A_3238, %get3A_3239, %get3A_3240] {strides = array<i32>} : memref<16x8x64xf32, #tpu.memory_space<vmem>>, vector<16xf32>,
      %mul3A_3242 = arith.mulf %get3A_3236, %get3A_3241 : vector<16xf32>
      %mul3A_3243 = arith.mulf %mul3A_3242, %get3A_9 : vector<16xf32>
      %add3A_3244 = arith.addf %add3A_3231, %mul3A_3243 : vector<16xf32>
      %eq3A_3245 = arith.constant 3 : i32
      %eq3A_3246 = vector.broadcast %eq3A_3245 : i32 to vector<16xi32>
      %eq3A_3247 = arith.cmpi eq, %iota3A, %eq3A_3246 : vector<16xi32>
      %reduce_sum3A_3248 = arith.constant true
      %reduce_sum3A_3249 = vector.broadcast %reduce_sum3A_3248 : i1 to vector<16xi1>
      %reduce_sum3A_3250 = tpu.scan <sum>, %add3A_3244 masked %reduce_sum3A_3249 : vector<16xf32>, vector<16xi1> -> vector<16xf32>
      %reduce_sum3A_3251 = vector.extract %reduce_sum3A_3250[15] : f32 from vector<16xf32>
      %broadcast_in_dim3A_3252 = vector.broadcast %reduce_sum3A_3251 : f32 to vector<16xf32>
      %select_n3A_3253 = arith.select %eq3A_3247, %broadcast_in_dim3A_3252, %select_n3A_3189 : vector<16xi1>, vector<16xf32>
      %slice3A_3254 = vector.extract_strided_slice %and3A_2988 {offsets = [4], sizes = [1], strides = [1]} : vector<16xi32> to vector<1xi32>
      %squeeze3A_3255 = vector.extract %slice3A_3254[0] : i32 from vector<1xi32>
      %slice3A_3256 = vector.extract_strided_slice %and3A_2995 {offsets = [4], sizes = [1], strides = [1]} : vector<16xi32> to vector<1xi32>
      %squeeze3A_3257 = vector.extract %slice3A_3256[0] : i32 from vector<1xi32>
      %get3A_3258 = arith.constant 4 : i32
      %get3A_3259 = arith.index_cast %get3A_3258 : i32 to index
      %get3A_3260 = arith.index_cast %squeeze3A_3255 : i32 to index
      %get3A_3261 = arith.constant 0 : index
      %get3A_3262 = tpu.vector_load %arg12[%get3A_3259, %get3A_3260, %get3A_3261] {strides = array<i32>} : memref<16x8x64xf32, #tpu.memory_space<vmem>>, vector<16xf32>,
      %get3A_3263 = arith.constant 4 : i32
      %get3A_3264 = arith.index_cast %get3A_3263 : i32 to index
      %get3A_3265 = arith.index_cast %squeeze3A_3257 : i32 to index
      %get3A_3266 = arith.constant 0 : index
      %get3A_3267 = tpu.vector_load %arg14[%get3A_3264, %get3A_3265, %get3A_3266] {strides = array<i32>} : memref<16x8x64xf32, #tpu.memory_space<vmem>>, vector<16xf32>,
      %mul3A_3268 = arith.mulf %get3A_3262, %get3A_3267 : vector<16xf32>
      %mul3A_3269 = arith.mulf %mul3A_3268, %get3A_3 : vector<16xf32>
      %get3A_3270 = arith.constant 4 : i32
      %get3A_3271 = arith.index_cast %get3A_3270 : i32 to index
      %get3A_3272 = arith.index_cast %squeeze3A_3255 : i32 to index
      %get3A_3273 = arith.constant 16 : index
      %get3A_3274 = tpu.vector_load %arg12[%get3A_3271, %get3A_3272, %get3A_3273] {strides = array<i32>} : memref<16x8x64xf32, #tpu.memory_space<vmem>>, vector<16xf32>,
      %get3A_3275 = arith.constant 4 : i32
      %get3A_3276 = arith.index_cast %get3A_3275 : i32 to index
      %get3A_3277 = arith.index_cast %squeeze3A_3257 : i32 to index
      %get3A_3278 = arith.constant 16 : index
      %get3A_3279 = tpu.vector_load %arg14[%get3A_3276, %get3A_3277, %get3A_3278] {strides = array<i32>} : memref<16x8x64xf32, #tpu.memory_space<vmem>>, vector<16xf32>,
      %mul3A_3280 = arith.mulf %get3A_3274, %get3A_3279 : vector<16xf32>
      %mul3A_3281 = arith.mulf %mul3A_3280, %get3A_5 : vector<16xf32>
      %add3A_3282 = arith.addf %mul3A_3269, %mul3A_3281 : vector<16xf32>
      %get3A_3283 = arith.constant 4 : i32
      %get3A_3284 = arith.index_cast %get3A_3283 : i32 to index
      %get3A_3285 = arith.index_cast %squeeze3A_3255 : i32 to index
      %get3A_3286 = arith.constant 32 : index
      %get3A_3287 = tpu.vector_load %arg12[%get3A_3284, %get3A_3285, %get3A_3286] {strides = array<i32>} : memref<16x8x64xf32, #tpu.memory_space<vmem>>, vector<16xf32>,
      %get3A_3288 = arith.constant 4 : i32
      %get3A_3289 = arith.index_cast %get3A_3288 : i32 to index
      %get3A_3290 = arith.index_cast %squeeze3A_3257 : i32 to index
      %get3A_3291 = arith.constant 32 : index
      %get3A_3292 = tpu.vector_load %arg14[%get3A_3289, %get3A_3290, %get3A_3291] {strides = array<i32>} : memref<16x8x64xf32, #tpu.memory_space<vmem>>, vector<16xf32>,
      %mul3A_3293 = arith.mulf %get3A_3287, %get3A_3292 : vector<16xf32>
      %mul3A_3294 = arith.mulf %mul3A_3293, %get3A_7 : vector<16xf32>
      %add3A_3295 = arith.addf %add3A_3282, %mul3A_3294 : vector<16xf32>
      %get3A_3296 = arith.constant 4 : i32
      %get3A_3297 = arith.index_cast %get3A_3296 : i32 to index
      %get3A_3298 = arith.index_cast %squeeze3A_3255 : i32 to index
      %get3A_3299 = arith.constant 48 : index
      %get3A_3300 = tpu.vector_load %arg12[%get3A_3297, %get3A_3298, %get3A_3299] {strides = array<i32>} : memref<16x8x64xf32, #tpu.memory_space<vmem>>, vector<16xf32>,
      %get3A_3301 = arith.constant 4 : i32
      %get3A_3302 = arith.index_cast %get3A_3301 : i32 to index
      %get3A_3303 = arith.index_cast %squeeze3A_3257 : i32 to index
      %get3A_3304 = arith.constant 48 : index
      %get3A_3305 = tpu.vector_load %arg14[%get3A_3302, %get3A_3303, %get3A_3304] {strides = array<i32>} : memref<16x8x64xf32, #tpu.memory_space<vmem>>, vector<16xf32>,
      %mul3A_3306 = arith.mulf %get3A_3300, %get3A_3305 : vector<16xf32>
      %mul3A_3307 = arith.mulf %mul3A_3306, %get3A_9 : vector<16xf32>
      %add3A_3308 = arith.addf %add3A_3295, %mul3A_3307 : vector<16xf32>
      %eq3A_3309 = arith.constant 4 : i32
      %eq3A_3310 = vector.broadcast %eq3A_3309 : i32 to vector<16xi32>
      %eq3A_3311 = arith.cmpi eq, %iota3A, %eq3A_3310 : vector<16xi32>
      %reduce_sum3A_3312 = arith.constant true
      %reduce_sum3A_3313 = vector.broadcast %reduce_sum3A_3312 : i1 to vector<16xi1>
      %reduce_sum3A_3314 = tpu.scan <sum>, %add3A_3308 masked %reduce_sum3A_3313 : vector<16xf32>, vector<16xi1> -> vector<16xf32>
      %reduce_sum3A_3315 = vector.extract %reduce_sum3A_3314[15] : f32 from vector<16xf32>
      %broadcast_in_dim3A_3316 = vector.broadcast %reduce_sum3A_3315 : f32 to vector<16xf32>
      %select_n3A_3317 = arith.select %eq3A_3311, %broadcast_in_dim3A_3316, %select_n3A_3253 : vector<16xi1>, vector<16xf32>
      %slice3A_3318 = vector.extract_strided_slice %and3A_2988 {offsets = [5], sizes = [1], strides = [1]} : vector<16xi32> to vector<1xi32>
      %squeeze3A_3319 = vector.extract %slice3A_3318[0] : i32 from vector<1xi32>
      %slice3A_3320 = vector.extract_strided_slice %and3A_2995 {offsets = [5], sizes = [1], strides = [1]} : vector<16xi32> to vector<1xi32>
      %squeeze3A_3321 = vector.extract %slice3A_3320[0] : i32 from vector<1xi32>
      %get3A_3322 = arith.constant 5 : i32
      %get3A_3323 = arith.index_cast %get3A_3322 : i32 to index
      %get3A_3324 = arith.index_cast %squeeze3A_3319 : i32 to index
      %get3A_3325 = arith.constant 0 : index
      %get3A_3326 = tpu.vector_load %arg12[%get3A_3323, %get3A_3324, %get3A_3325] {strides = array<i32>} : memref<16x8x64xf32, #tpu.memory_space<vmem>>, vector<16xf32>,
      %get3A_3327 = arith.constant 5 : i32
      %get3A_3328 = arith.index_cast %get3A_3327 : i32 to index
      %get3A_3329 = arith.index_cast %squeeze3A_3321 : i32 to index
      %get3A_3330 = arith.constant 0 : index
      %get3A_3331 = tpu.vector_load %arg14[%get3A_3328, %get3A_3329, %get3A_3330] {strides = array<i32>} : memref<16x8x64xf32, #tpu.memory_space<vmem>>, vector<16xf32>,
      %mul3A_3332 = arith.mulf %get3A_3326, %get3A_3331 : vector<16xf32>
      %mul3A_3333 = arith.mulf %mul3A_3332, %get3A_3 : vector<16xf32>
      %get3A_3334 = arith.constant 5 : i32
      %get3A_3335 = arith.index_cast %get3A_3334 : i32 to index
      %get3A_3336 = arith.index_cast %squeeze3A_3319 : i32 to index
      %get3A_3337 = arith.constant 16 : index
      %get3A_3338 = tpu.vector_load %arg12[%get3A_3335, %get3A_3336, %get3A_3337] {strides = array<i32>} : memref<16x8x64xf32, #tpu.memory_space<vmem>>, vector<16xf32>,
      %get3A_3339 = arith.constant 5 : i32
      %get3A_3340 = arith.index_cast %get3A_3339 : i32 to index
      %get3A_3341 = arith.index_cast %squeeze3A_3321 : i32 to index
      %get3A_3342 = arith.constant 16 : index
      %get3A_3343 = tpu.vector_load %arg14[%get3A_3340, %get3A_3341, %get3A_3342] {strides = array<i32>} : memref<16x8x64xf32, #tpu.memory_space<vmem>>, vector<16xf32>,
      %mul3A_3344 = arith.mulf %get3A_3338, %get3A_3343 : vector<16xf32>
      %mul3A_3345 = arith.mulf %mul3A_3344, %get3A_5 : vector<16xf32>
      %add3A_3346 = arith.addf %mul3A_3333, %mul3A_3345 : vector<16xf32>
      %get3A_3347 = arith.constant 5 : i32
      %get3A_3348 = arith.index_cast %get3A_3347 : i32 to index
      %get3A_3349 = arith.index_cast %squeeze3A_3319 : i32 to index
      %get3A_3350 = arith.constant 32 : index
      %get3A_3351 = tpu.vector_load %arg12[%get3A_3348, %get3A_3349, %get3A_3350] {strides = array<i32>} : memref<16x8x64xf32, #tpu.memory_space<vmem>>, vector<16xf32>,
      %get3A_3352 = arith.constant 5 : i32
      %get3A_3353 = arith.index_cast %get3A_3352 : i32 to index
      %get3A_3354 = arith.index_cast %squeeze3A_3321 : i32 to index
      %get3A_3355 = arith.constant 32 : index
      %get3A_3356 = tpu.vector_load %arg14[%get3A_3353, %get3A_3354, %get3A_3355] {strides = array<i32>} : memref<16x8x64xf32, #tpu.memory_space<vmem>>, vector<16xf32>,
      %mul3A_3357 = arith.mulf %get3A_3351, %get3A_3356 : vector<16xf32>
      %mul3A_3358 = arith.mulf %mul3A_3357, %get3A_7 : vector<16xf32>
      %add3A_3359 = arith.addf %add3A_3346, %mul3A_3358 : vector<16xf32>
      %get3A_3360 = arith.constant 5 : i32
      %get3A_3361 = arith.index_cast %get3A_3360 : i32 to index
      %get3A_3362 = arith.index_cast %squeeze3A_3319 : i32 to index
      %get3A_3363 = arith.constant 48 : index
      %get3A_3364 = tpu.vector_load %arg12[%get3A_3361, %get3A_3362, %get3A_3363] {strides = array<i32>} : memref<16x8x64xf32, #tpu.memory_space<vmem>>, vector<16xf32>,
      %get3A_3365 = arith.constant 5 : i32
      %get3A_3366 = arith.index_cast %get3A_3365 : i32 to index
      %get3A_3367 = arith.index_cast %squeeze3A_3321 : i32 to index
      %get3A_3368 = arith.constant 48 : index
      %get3A_3369 = tpu.vector_load %arg14[%get3A_3366, %get3A_3367, %get3A_3368] {strides = array<i32>} : memref<16x8x64xf32, #tpu.memory_space<vmem>>, vector<16xf32>,
      %mul3A_3370 = arith.mulf %get3A_3364, %get3A_3369 : vector<16xf32>
      %mul3A_3371 = arith.mulf %mul3A_3370, %get3A_9 : vector<16xf32>
      %add3A_3372 = arith.addf %add3A_3359, %mul3A_3371 : vector<16xf32>
      %eq3A_3373 = arith.constant 5 : i32
      %eq3A_3374 = vector.broadcast %eq3A_3373 : i32 to vector<16xi32>
      %eq3A_3375 = arith.cmpi eq, %iota3A, %eq3A_3374 : vector<16xi32>
      %reduce_sum3A_3376 = arith.constant true
      %reduce_sum3A_3377 = vector.broadcast %reduce_sum3A_3376 : i1 to vector<16xi1>
      %reduce_sum3A_3378 = tpu.scan <sum>, %add3A_3372 masked %reduce_sum3A_3377 : vector<16xf32>, vector<16xi1> -> vector<16xf32>
      %reduce_sum3A_3379 = vector.extract %reduce_sum3A_3378[15] : f32 from vector<16xf32>
      %broadcast_in_dim3A_3380 = vector.broadcast %reduce_sum3A_3379 : f32 to vector<16xf32>
      %select_n3A_3381 = arith.select %eq3A_3375, %broadcast_in_dim3A_3380, %select_n3A_3317 : vector<16xi1>, vector<16xf32>
      %slice3A_3382 = vector.extract_strided_slice %and3A_2988 {offsets = [6], sizes = [1], strides = [1]} : vector<16xi32> to vector<1xi32>
      %squeeze3A_3383 = vector.extract %slice3A_3382[0] : i32 from vector<1xi32>
      %slice3A_3384 = vector.extract_strided_slice %and3A_2995 {offsets = [6], sizes = [1], strides = [1]} : vector<16xi32> to vector<1xi32>
      %squeeze3A_3385 = vector.extract %slice3A_3384[0] : i32 from vector<1xi32>
      %get3A_3386 = arith.constant 6 : i32
      %get3A_3387 = arith.index_cast %get3A_3386 : i32 to index
      %get3A_3388 = arith.index_cast %squeeze3A_3383 : i32 to index
      %get3A_3389 = arith.constant 0 : index
      %get3A_3390 = tpu.vector_load %arg12[%get3A_3387, %get3A_3388, %get3A_3389] {strides = array<i32>} : memref<16x8x64xf32, #tpu.memory_space<vmem>>, vector<16xf32>,
      %get3A_3391 = arith.constant 6 : i32
      %get3A_3392 = arith.index_cast %get3A_3391 : i32 to index
      %get3A_3393 = arith.index_cast %squeeze3A_3385 : i32 to index
      %get3A_3394 = arith.constant 0 : index
      %get3A_3395 = tpu.vector_load %arg14[%get3A_3392, %get3A_3393, %get3A_3394] {strides = array<i32>} : memref<16x8x64xf32, #tpu.memory_space<vmem>>, vector<16xf32>,
      %mul3A_3396 = arith.mulf %get3A_3390, %get3A_3395 : vector<16xf32>
      %mul3A_3397 = arith.mulf %mul3A_3396, %get3A_3 : vector<16xf32>
      %get3A_3398 = arith.constant 6 : i32
      %get3A_3399 = arith.index_cast %get3A_3398 : i32 to index
      %get3A_3400 = arith.index_cast %squeeze3A_3383 : i32 to index
      %get3A_3401 = arith.constant 16 : index
      %get3A_3402 = tpu.vector_load %arg12[%get3A_3399, %get3A_3400, %get3A_3401] {strides = array<i32>} : memref<16x8x64xf32, #tpu.memory_space<vmem>>, vector<16xf32>,
      %get3A_3403 = arith.constant 6 : i32
      %get3A_3404 = arith.index_cast %get3A_3403 : i32 to index
      %get3A_3405 = arith.index_cast %squeeze3A_3385 : i32 to index
      %get3A_3406 = arith.constant 16 : index
      %get3A_3407 = tpu.vector_load %arg14[%get3A_3404, %get3A_3405, %get3A_3406] {strides = array<i32>} : memref<16x8x64xf32, #tpu.memory_space<vmem>>, vector<16xf32>,
      %mul3A_3408 = arith.mulf %get3A_3402, %get3A_3407 : vector<16xf32>
      %mul3A_3409 = arith.mulf %mul3A_3408, %get3A_5 : vector<16xf32>
      %add3A_3410 = arith.addf %mul3A_3397, %mul3A_3409 : vector<16xf32>
      %get3A_3411 = arith.constant 6 : i32
      %get3A_3412 = arith.index_cast %get3A_3411 : i32 to index
      %get3A_3413 = arith.index_cast %squeeze3A_3383 : i32 to index
      %get3A_3414 = arith.constant 32 : index
      %get3A_3415 = tpu.vector_load %arg12[%get3A_3412, %get3A_3413, %get3A_3414] {strides = array<i32>} : memref<16x8x64xf32, #tpu.memory_space<vmem>>, vector<16xf32>,
      %get3A_3416 = arith.constant 6 : i32
      %get3A_3417 = arith.index_cast %get3A_3416 : i32 to index
      %get3A_3418 = arith.index_cast %squeeze3A_3385 : i32 to index
      %get3A_3419 = arith.constant 32 : index
      %get3A_3420 = tpu.vector_load %arg14[%get3A_3417, %get3A_3418, %get3A_3419] {strides = array<i32>} : memref<16x8x64xf32, #tpu.memory_space<vmem>>, vector<16xf32>,
      %mul3A_3421 = arith.mulf %get3A_3415, %get3A_3420 : vector<16xf32>
      %mul3A_3422 = arith.mulf %mul3A_3421, %get3A_7 : vector<16xf32>
      %add3A_3423 = arith.addf %add3A_3410, %mul3A_3422 : vector<16xf32>
      %get3A_3424 = arith.constant 6 : i32
      %get3A_3425 = arith.index_cast %get3A_3424 : i32 to index
      %get3A_3426 = arith.index_cast %squeeze3A_3383 : i32 to index
      %get3A_3427 = arith.constant 48 : index
      %get3A_3428 = tpu.vector_load %arg12[%get3A_3425, %get3A_3426, %get3A_3427] {strides = array<i32>} : memref<16x8x64xf32, #tpu.memory_space<vmem>>, vector<16xf32>,
      %get3A_3429 = arith.constant 6 : i32
      %get3A_3430 = arith.index_cast %get3A_3429 : i32 to index
      %get3A_3431 = arith.index_cast %squeeze3A_3385 : i32 to index
      %get3A_3432 = arith.constant 48 : index
      %get3A_3433 = tpu.vector_load %arg14[%get3A_3430, %get3A_3431, %get3A_3432] {strides = array<i32>} : memref<16x8x64xf32, #tpu.memory_space<vmem>>, vector<16xf32>,
      %mul3A_3434 = arith.mulf %get3A_3428, %get3A_3433 : vector<16xf32>
      %mul3A_3435 = arith.mulf %mul3A_3434, %get3A_9 : vector<16xf32>
      %add3A_3436 = arith.addf %add3A_3423, %mul3A_3435 : vector<16xf32>
      %eq3A_3437 = arith.constant 6 : i32
      %eq3A_3438 = vector.broadcast %eq3A_3437 : i32 to vector<16xi32>
      %eq3A_3439 = arith.cmpi eq, %iota3A, %eq3A_3438 : vector<16xi32>
      %reduce_sum3A_3440 = arith.constant true
      %reduce_sum3A_3441 = vector.broadcast %reduce_sum3A_3440 : i1 to vector<16xi1>
      %reduce_sum3A_3442 = tpu.scan <sum>, %add3A_3436 masked %reduce_sum3A_3441 : vector<16xf32>, vector<16xi1> -> vector<16xf32>
      %reduce_sum3A_3443 = vector.extract %reduce_sum3A_3442[15] : f32 from vector<16xf32>
      %broadcast_in_dim3A_3444 = vector.broadcast %reduce_sum3A_3443 : f32 to vector<16xf32>
      %select_n3A_3445 = arith.select %eq3A_3439, %broadcast_in_dim3A_3444, %select_n3A_3381 : vector<16xi1>, vector<16xf32>
      %slice3A_3446 = vector.extract_strided_slice %and3A_2988 {offsets = [7], sizes = [1], strides = [1]} : vector<16xi32> to vector<1xi32>
      %squeeze3A_3447 = vector.extract %slice3A_3446[0] : i32 from vector<1xi32>
      %slice3A_3448 = vector.extract_strided_slice %and3A_2995 {offsets = [7], sizes = [1], strides = [1]} : vector<16xi32> to vector<1xi32>
      %squeeze3A_3449 = vector.extract %slice3A_3448[0] : i32 from vector<1xi32>
      %get3A_3450 = arith.constant 7 : i32
      %get3A_3451 = arith.index_cast %get3A_3450 : i32 to index
      %get3A_3452 = arith.index_cast %squeeze3A_3447 : i32 to index
      %get3A_3453 = arith.constant 0 : index
      %get3A_3454 = tpu.vector_load %arg12[%get3A_3451, %get3A_3452, %get3A_3453] {strides = array<i32>} : memref<16x8x64xf32, #tpu.memory_space<vmem>>, vector<16xf32>,
      %get3A_3455 = arith.constant 7 : i32
      %get3A_3456 = arith.index_cast %get3A_3455 : i32 to index
      %get3A_3457 = arith.index_cast %squeeze3A_3449 : i32 to index
      %get3A_3458 = arith.constant 0 : index
      %get3A_3459 = tpu.vector_load %arg14[%get3A_3456, %get3A_3457, %get3A_3458] {strides = array<i32>} : memref<16x8x64xf32, #tpu.memory_space<vmem>>, vector<16xf32>,
      %mul3A_3460 = arith.mulf %get3A_3454, %get3A_3459 : vector<16xf32>
      %mul3A_3461 = arith.mulf %mul3A_3460, %get3A_3 : vector<16xf32>
      %get3A_3462 = arith.constant 7 : i32
      %get3A_3463 = arith.index_cast %get3A_3462 : i32 to index
      %get3A_3464 = arith.index_cast %squeeze3A_3447 : i32 to index
      %get3A_3465 = arith.constant 16 : index
      %get3A_3466 = tpu.vector_load %arg12[%get3A_3463, %get3A_3464, %get3A_3465] {strides = array<i32>} : memref<16x8x64xf32, #tpu.memory_space<vmem>>, vector<16xf32>,
      %get3A_3467 = arith.constant 7 : i32
      %get3A_3468 = arith.index_cast %get3A_3467 : i32 to index
      %get3A_3469 = arith.index_cast %squeeze3A_3449 : i32 to index
      %get3A_3470 = arith.constant 16 : index
      %get3A_3471 = tpu.vector_load %arg14[%get3A_3468, %get3A_3469, %get3A_3470] {strides = array<i32>} : memref<16x8x64xf32, #tpu.memory_space<vmem>>, vector<16xf32>,
      %mul3A_3472 = arith.mulf %get3A_3466, %get3A_3471 : vector<16xf32>
      %mul3A_3473 = arith.mulf %mul3A_3472, %get3A_5 : vector<16xf32>
      %add3A_3474 = arith.addf %mul3A_3461, %mul3A_3473 : vector<16xf32>
      %get3A_3475 = arith.constant 7 : i32
      %get3A_3476 = arith.index_cast %get3A_3475 : i32 to index
      %get3A_3477 = arith.index_cast %squeeze3A_3447 : i32 to index
      %get3A_3478 = arith.constant 32 : index
      %get3A_3479 = tpu.vector_load %arg12[%get3A_3476, %get3A_3477, %get3A_3478] {strides = array<i32>} : memref<16x8x64xf32, #tpu.memory_space<vmem>>, vector<16xf32>,
      %get3A_3480 = arith.constant 7 : i32
      %get3A_3481 = arith.index_cast %get3A_3480 : i32 to index
      %get3A_3482 = arith.index_cast %squeeze3A_3449 : i32 to index
      %get3A_3483 = arith.constant 32 : index
      %get3A_3484 = tpu.vector_load %arg14[%get3A_3481, %get3A_3482, %get3A_3483] {strides = array<i32>} : memref<16x8x64xf32, #tpu.memory_space<vmem>>, vector<16xf32>,
      %mul3A_3485 = arith.mulf %get3A_3479, %get3A_3484 : vector<16xf32>
      %mul3A_3486 = arith.mulf %mul3A_3485, %get3A_7 : vector<16xf32>
      %add3A_3487 = arith.addf %add3A_3474, %mul3A_3486 : vector<16xf32>
      %get3A_3488 = arith.constant 7 : i32
      %get3A_3489 = arith.index_cast %get3A_3488 : i32 to index
      %get3A_3490 = arith.index_cast %squeeze3A_3447 : i32 to index
      %get3A_3491 = arith.constant 48 : index
      %get3A_3492 = tpu.vector_load %arg12[%get3A_3489, %get3A_3490, %get3A_3491] {strides = array<i32>} : memref<16x8x64xf32, #tpu.memory_space<vmem>>, vector<16xf32>,
      %get3A_3493 = arith.constant 7 : i32
      %get3A_3494 = arith.index_cast %get3A_3493 : i32 to index
      %get3A_3495 = arith.index_cast %squeeze3A_3449 : i32 to index
      %get3A_3496 = arith.constant 48 : index
      %get3A_3497 = tpu.vector_load %arg14[%get3A_3494, %get3A_3495, %get3A_3496] {strides = array<i32>} : memref<16x8x64xf32, #tpu.memory_space<vmem>>, vector<16xf32>,
      %mul3A_3498 = arith.mulf %get3A_3492, %get3A_3497 : vector<16xf32>
      %mul3A_3499 = arith.mulf %mul3A_3498, %get3A_9 : vector<16xf32>
      %add3A_3500 = arith.addf %add3A_3487, %mul3A_3499 : vector<16xf32>
      %eq3A_3501 = arith.constant 7 : i32
      %eq3A_3502 = vector.broadcast %eq3A_3501 : i32 to vector<16xi32>
      %eq3A_3503 = arith.cmpi eq, %iota3A, %eq3A_3502 : vector<16xi32>
      %reduce_sum3A_3504 = arith.constant true
      %reduce_sum3A_3505 = vector.broadcast %reduce_sum3A_3504 : i1 to vector<16xi1>
      %reduce_sum3A_3506 = tpu.scan <sum>, %add3A_3500 masked %reduce_sum3A_3505 : vector<16xf32>, vector<16xi1> -> vector<16xf32>
      %reduce_sum3A_3507 = vector.extract %reduce_sum3A_3506[15] : f32 from vector<16xf32>
      %broadcast_in_dim3A_3508 = vector.broadcast %reduce_sum3A_3507 : f32 to vector<16xf32>
      %select_n3A_3509 = arith.select %eq3A_3503, %broadcast_in_dim3A_3508, %select_n3A_3445 : vector<16xi1>, vector<16xf32>
      %slice3A_3510 = vector.extract_strided_slice %and3A_2988 {offsets = [8], sizes = [1], strides = [1]} : vector<16xi32> to vector<1xi32>
      %squeeze3A_3511 = vector.extract %slice3A_3510[0] : i32 from vector<1xi32>
      %slice3A_3512 = vector.extract_strided_slice %and3A_2995 {offsets = [8], sizes = [1], strides = [1]} : vector<16xi32> to vector<1xi32>
      %squeeze3A_3513 = vector.extract %slice3A_3512[0] : i32 from vector<1xi32>
      %get3A_3514 = arith.constant 8 : i32
      %get3A_3515 = arith.index_cast %get3A_3514 : i32 to index
      %get3A_3516 = arith.index_cast %squeeze3A_3511 : i32 to index
      %get3A_3517 = arith.constant 0 : index
      %get3A_3518 = tpu.vector_load %arg12[%get3A_3515, %get3A_3516, %get3A_3517] {strides = array<i32>} : memref<16x8x64xf32, #tpu.memory_space<vmem>>, vector<16xf32>,
      %get3A_3519 = arith.constant 8 : i32
      %get3A_3520 = arith.index_cast %get3A_3519 : i32 to index
      %get3A_3521 = arith.index_cast %squeeze3A_3513 : i32 to index
      %get3A_3522 = arith.constant 0 : index
      %get3A_3523 = tpu.vector_load %arg14[%get3A_3520, %get3A_3521, %get3A_3522] {strides = array<i32>} : memref<16x8x64xf32, #tpu.memory_space<vmem>>, vector<16xf32>,
      %mul3A_3524 = arith.mulf %get3A_3518, %get3A_3523 : vector<16xf32>
      %mul3A_3525 = arith.mulf %mul3A_3524, %get3A_3 : vector<16xf32>
      %get3A_3526 = arith.constant 8 : i32
      %get3A_3527 = arith.index_cast %get3A_3526 : i32 to index
      %get3A_3528 = arith.index_cast %squeeze3A_3511 : i32 to index
      %get3A_3529 = arith.constant 16 : index
      %get3A_3530 = tpu.vector_load %arg12[%get3A_3527, %get3A_3528, %get3A_3529] {strides = array<i32>} : memref<16x8x64xf32, #tpu.memory_space<vmem>>, vector<16xf32>,
      %get3A_3531 = arith.constant 8 : i32
      %get3A_3532 = arith.index_cast %get3A_3531 : i32 to index
      %get3A_3533 = arith.index_cast %squeeze3A_3513 : i32 to index
      %get3A_3534 = arith.constant 16 : index
      %get3A_3535 = tpu.vector_load %arg14[%get3A_3532, %get3A_3533, %get3A_3534] {strides = array<i32>} : memref<16x8x64xf32, #tpu.memory_space<vmem>>, vector<16xf32>,
      %mul3A_3536 = arith.mulf %get3A_3530, %get3A_3535 : vector<16xf32>
      %mul3A_3537 = arith.mulf %mul3A_3536, %get3A_5 : vector<16xf32>
      %add3A_3538 = arith.addf %mul3A_3525, %mul3A_3537 : vector<16xf32>
      %get3A_3539 = arith.constant 8 : i32
      %get3A_3540 = arith.index_cast %get3A_3539 : i32 to index
      %get3A_3541 = arith.index_cast %squeeze3A_3511 : i32 to index
      %get3A_3542 = arith.constant 32 : index
      %get3A_3543 = tpu.vector_load %arg12[%get3A_3540, %get3A_3541, %get3A_3542] {strides = array<i32>} : memref<16x8x64xf32, #tpu.memory_space<vmem>>, vector<16xf32>,
      %get3A_3544 = arith.constant 8 : i32
      %get3A_3545 = arith.index_cast %get3A_3544 : i32 to index
      %get3A_3546 = arith.index_cast %squeeze3A_3513 : i32 to index
      %get3A_3547 = arith.constant 32 : index
      %get3A_3548 = tpu.vector_load %arg14[%get3A_3545, %get3A_3546, %get3A_3547] {strides = array<i32>} : memref<16x8x64xf32, #tpu.memory_space<vmem>>, vector<16xf32>,
      %mul3A_3549 = arith.mulf %get3A_3543, %get3A_3548 : vector<16xf32>
      %mul3A_3550 = arith.mulf %mul3A_3549, %get3A_7 : vector<16xf32>
      %add3A_3551 = arith.addf %add3A_3538, %mul3A_3550 : vector<16xf32>
      %get3A_3552 = arith.constant 8 : i32
      %get3A_3553 = arith.index_cast %get3A_3552 : i32 to index
      %get3A_3554 = arith.index_cast %squeeze3A_3511 : i32 to index
      %get3A_3555 = arith.constant 48 : index
      %get3A_3556 = tpu.vector_load %arg12[%get3A_3553, %get3A_3554, %get3A_3555] {strides = array<i32>} : memref<16x8x64xf32, #tpu.memory_space<vmem>>, vector<16xf32>,
      %get3A_3557 = arith.constant 8 : i32
      %get3A_3558 = arith.index_cast %get3A_3557 : i32 to index
      %get3A_3559 = arith.index_cast %squeeze3A_3513 : i32 to index
      %get3A_3560 = arith.constant 48 : index
      %get3A_3561 = tpu.vector_load %arg14[%get3A_3558, %get3A_3559, %get3A_3560] {strides = array<i32>} : memref<16x8x64xf32, #tpu.memory_space<vmem>>, vector<16xf32>,
      %mul3A_3562 = arith.mulf %get3A_3556, %get3A_3561 : vector<16xf32>
      %mul3A_3563 = arith.mulf %mul3A_3562, %get3A_9 : vector<16xf32>
      %add3A_3564 = arith.addf %add3A_3551, %mul3A_3563 : vector<16xf32>
      %eq3A_3565 = arith.constant 8 : i32
      %eq3A_3566 = vector.broadcast %eq3A_3565 : i32 to vector<16xi32>
      %eq3A_3567 = arith.cmpi eq, %iota3A, %eq3A_3566 : vector<16xi32>
      %reduce_sum3A_3568 = arith.constant true
      %reduce_sum3A_3569 = vector.broadcast %reduce_sum3A_3568 : i1 to vector<16xi1>
      %reduce_sum3A_3570 = tpu.scan <sum>, %add3A_3564 masked %reduce_sum3A_3569 : vector<16xf32>, vector<16xi1> -> vector<16xf32>
      %reduce_sum3A_3571 = vector.extract %reduce_sum3A_3570[15] : f32 from vector<16xf32>
      %broadcast_in_dim3A_3572 = vector.broadcast %reduce_sum3A_3571 : f32 to vector<16xf32>
      %select_n3A_3573 = arith.select %eq3A_3567, %broadcast_in_dim3A_3572, %select_n3A_3509 : vector<16xi1>, vector<16xf32>
      %slice3A_3574 = vector.extract_strided_slice %and3A_2988 {offsets = [9], sizes = [1], strides = [1]} : vector<16xi32> to vector<1xi32>
      %squeeze3A_3575 = vector.extract %slice3A_3574[0] : i32 from vector<1xi32>
      %slice3A_3576 = vector.extract_strided_slice %and3A_2995 {offsets = [9], sizes = [1], strides = [1]} : vector<16xi32> to vector<1xi32>
      %squeeze3A_3577 = vector.extract %slice3A_3576[0] : i32 from vector<1xi32>
      %get3A_3578 = arith.constant 9 : i32
      %get3A_3579 = arith.index_cast %get3A_3578 : i32 to index
      %get3A_3580 = arith.index_cast %squeeze3A_3575 : i32 to index
      %get3A_3581 = arith.constant 0 : index
      %get3A_3582 = tpu.vector_load %arg12[%get3A_3579, %get3A_3580, %get3A_3581] {strides = array<i32>} : memref<16x8x64xf32, #tpu.memory_space<vmem>>, vector<16xf32>,
      %get3A_3583 = arith.constant 9 : i32
      %get3A_3584 = arith.index_cast %get3A_3583 : i32 to index
      %get3A_3585 = arith.index_cast %squeeze3A_3577 : i32 to index
      %get3A_3586 = arith.constant 0 : index
      %get3A_3587 = tpu.vector_load %arg14[%get3A_3584, %get3A_3585, %get3A_3586] {strides = array<i32>} : memref<16x8x64xf32, #tpu.memory_space<vmem>>, vector<16xf32>,
      %mul3A_3588 = arith.mulf %get3A_3582, %get3A_3587 : vector<16xf32>
      %mul3A_3589 = arith.mulf %mul3A_3588, %get3A_3 : vector<16xf32>
      %get3A_3590 = arith.constant 9 : i32
      %get3A_3591 = arith.index_cast %get3A_3590 : i32 to index
      %get3A_3592 = arith.index_cast %squeeze3A_3575 : i32 to index
      %get3A_3593 = arith.constant 16 : index
      %get3A_3594 = tpu.vector_load %arg12[%get3A_3591, %get3A_3592, %get3A_3593] {strides = array<i32>} : memref<16x8x64xf32, #tpu.memory_space<vmem>>, vector<16xf32>,
      %get3A_3595 = arith.constant 9 : i32
      %get3A_3596 = arith.index_cast %get3A_3595 : i32 to index
      %get3A_3597 = arith.index_cast %squeeze3A_3577 : i32 to index
      %get3A_3598 = arith.constant 16 : index
      %get3A_3599 = tpu.vector_load %arg14[%get3A_3596, %get3A_3597, %get3A_3598] {strides = array<i32>} : memref<16x8x64xf32, #tpu.memory_space<vmem>>, vector<16xf32>,
      %mul3A_3600 = arith.mulf %get3A_3594, %get3A_3599 : vector<16xf32>
      %mul3A_3601 = arith.mulf %mul3A_3600, %get3A_5 : vector<16xf32>
      %add3A_3602 = arith.addf %mul3A_3589, %mul3A_3601 : vector<16xf32>
      %get3A_3603 = arith.constant 9 : i32
      %get3A_3604 = arith.index_cast %get3A_3603 : i32 to index
      %get3A_3605 = arith.index_cast %squeeze3A_3575 : i32 to index
      %get3A_3606 = arith.constant 32 : index
      %get3A_3607 = tpu.vector_load %arg12[%get3A_3604, %get3A_3605, %get3A_3606] {strides = array<i32>} : memref<16x8x64xf32, #tpu.memory_space<vmem>>, vector<16xf32>,
      %get3A_3608 = arith.constant 9 : i32
      %get3A_3609 = arith.index_cast %get3A_3608 : i32 to index
      %get3A_3610 = arith.index_cast %squeeze3A_3577 : i32 to index
      %get3A_3611 = arith.constant 32 : index
      %get3A_3612 = tpu.vector_load %arg14[%get3A_3609, %get3A_3610, %get3A_3611] {strides = array<i32>} : memref<16x8x64xf32, #tpu.memory_space<vmem>>, vector<16xf32>,
      %mul3A_3613 = arith.mulf %get3A_3607, %get3A_3612 : vector<16xf32>
      %mul3A_3614 = arith.mulf %mul3A_3613, %get3A_7 : vector<16xf32>
      %add3A_3615 = arith.addf %add3A_3602, %mul3A_3614 : vector<16xf32>
      %get3A_3616 = arith.constant 9 : i32
      %get3A_3617 = arith.index_cast %get3A_3616 : i32 to index
      %get3A_3618 = arith.index_cast %squeeze3A_3575 : i32 to index
      %get3A_3619 = arith.constant 48 : index
      %get3A_3620 = tpu.vector_load %arg12[%get3A_3617, %get3A_3618, %get3A_3619] {strides = array<i32>} : memref<16x8x64xf32, #tpu.memory_space<vmem>>, vector<16xf32>,
      %get3A_3621 = arith.constant 9 : i32
      %get3A_3622 = arith.index_cast %get3A_3621 : i32 to index
      %get3A_3623 = arith.index_cast %squeeze3A_3577 : i32 to index
      %get3A_3624 = arith.constant 48 : index
      %get3A_3625 = tpu.vector_load %arg14[%get3A_3622, %get3A_3623, %get3A_3624] {strides = array<i32>} : memref<16x8x64xf32, #tpu.memory_space<vmem>>, vector<16xf32>,
      %mul3A_3626 = arith.mulf %get3A_3620, %get3A_3625 : vector<16xf32>
      %mul3A_3627 = arith.mulf %mul3A_3626, %get3A_9 : vector<16xf32>
      %add3A_3628 = arith.addf %add3A_3615, %mul3A_3627 : vector<16xf32>
      %eq3A_3629 = arith.constant 9 : i32
      %eq3A_3630 = vector.broadcast %eq3A_3629 : i32 to vector<16xi32>
      %eq3A_3631 = arith.cmpi eq, %iota3A, %eq3A_3630 : vector<16xi32>
      %reduce_sum3A_3632 = arith.constant true
      %reduce_sum3A_3633 = vector.broadcast %reduce_sum3A_3632 : i1 to vector<16xi1>
      %reduce_sum3A_3634 = tpu.scan <sum>, %add3A_3628 masked %reduce_sum3A_3633 : vector<16xf32>, vector<16xi1> -> vector<16xf32>
      %reduce_sum3A_3635 = vector.extract %reduce_sum3A_3634[15] : f32 from vector<16xf32>
      %broadcast_in_dim3A_3636 = vector.broadcast %reduce_sum3A_3635 : f32 to vector<16xf32>
      %select_n3A_3637 = arith.select %eq3A_3631, %broadcast_in_dim3A_3636, %select_n3A_3573 : vector<16xi1>, vector<16xf32>
      %slice3A_3638 = vector.extract_strided_slice %and3A_2988 {offsets = [10], sizes = [1], strides = [1]} : vector<16xi32> to vector<1xi32>
      %squeeze3A_3639 = vector.extract %slice3A_3638[0] : i32 from vector<1xi32>
      %slice3A_3640 = vector.extract_strided_slice %and3A_2995 {offsets = [10], sizes = [1], strides = [1]} : vector<16xi32> to vector<1xi32>
      %squeeze3A_3641 = vector.extract %slice3A_3640[0] : i32 from vector<1xi32>
      %get3A_3642 = arith.constant 10 : i32
      %get3A_3643 = arith.index_cast %get3A_3642 : i32 to index
      %get3A_3644 = arith.index_cast %squeeze3A_3639 : i32 to index
      %get3A_3645 = arith.constant 0 : index
      %get3A_3646 = tpu.vector_load %arg12[%get3A_3643, %get3A_3644, %get3A_3645] {strides = array<i32>} : memref<16x8x64xf32, #tpu.memory_space<vmem>>, vector<16xf32>,
      %get3A_3647 = arith.constant 10 : i32
      %get3A_3648 = arith.index_cast %get3A_3647 : i32 to index
      %get3A_3649 = arith.index_cast %squeeze3A_3641 : i32 to index
      %get3A_3650 = arith.constant 0 : index
      %get3A_3651 = tpu.vector_load %arg14[%get3A_3648, %get3A_3649, %get3A_3650] {strides = array<i32>} : memref<16x8x64xf32, #tpu.memory_space<vmem>>, vector<16xf32>,
      %mul3A_3652 = arith.mulf %get3A_3646, %get3A_3651 : vector<16xf32>
      %mul3A_3653 = arith.mulf %mul3A_3652, %get3A_3 : vector<16xf32>
      %get3A_3654 = arith.constant 10 : i32
      %get3A_3655 = arith.index_cast %get3A_3654 : i32 to index
      %get3A_3656 = arith.index_cast %squeeze3A_3639 : i32 to index
      %get3A_3657 = arith.constant 16 : index
      %get3A_3658 = tpu.vector_load %arg12[%get3A_3655, %get3A_3656, %get3A_3657] {strides = array<i32>} : memref<16x8x64xf32, #tpu.memory_space<vmem>>, vector<16xf32>,
      %get3A_3659 = arith.constant 10 : i32
      %get3A_3660 = arith.index_cast %get3A_3659 : i32 to index
      %get3A_3661 = arith.index_cast %squeeze3A_3641 : i32 to index
      %get3A_3662 = arith.constant 16 : index
      %get3A_3663 = tpu.vector_load %arg14[%get3A_3660, %get3A_3661, %get3A_3662] {strides = array<i32>} : memref<16x8x64xf32, #tpu.memory_space<vmem>>, vector<16xf32>,
      %mul3A_3664 = arith.mulf %get3A_3658, %get3A_3663 : vector<16xf32>
      %mul3A_3665 = arith.mulf %mul3A_3664, %get3A_5 : vector<16xf32>
      %add3A_3666 = arith.addf %mul3A_3653, %mul3A_3665 : vector<16xf32>
      %get3A_3667 = arith.constant 10 : i32
      %get3A_3668 = arith.index_cast %get3A_3667 : i32 to index
      %get3A_3669 = arith.index_cast %squeeze3A_3639 : i32 to index
      %get3A_3670 = arith.constant 32 : index
      %get3A_3671 = tpu.vector_load %arg12[%get3A_3668, %get3A_3669, %get3A_3670] {strides = array<i32>} : memref<16x8x64xf32, #tpu.memory_space<vmem>>, vector<16xf32>,
      %get3A_3672 = arith.constant 10 : i32
      %get3A_3673 = arith.index_cast %get3A_3672 : i32 to index
      %get3A_3674 = arith.index_cast %squeeze3A_3641 : i32 to index
      %get3A_3675 = arith.constant 32 : index
      %get3A_3676 = tpu.vector_load %arg14[%get3A_3673, %get3A_3674, %get3A_3675] {strides = array<i32>} : memref<16x8x64xf32, #tpu.memory_space<vmem>>, vector<16xf32>,
      %mul3A_3677 = arith.mulf %get3A_3671, %get3A_3676 : vector<16xf32>
      %mul3A_3678 = arith.mulf %mul3A_3677, %get3A_7 : vector<16xf32>
      %add3A_3679 = arith.addf %add3A_3666, %mul3A_3678 : vector<16xf32>
      %get3A_3680 = arith.constant 10 : i32
      %get3A_3681 = arith.index_cast %get3A_3680 : i32 to index
      %get3A_3682 = arith.index_cast %squeeze3A_3639 : i32 to index
      %get3A_3683 = arith.constant 48 : index
      %get3A_3684 = tpu.vector_load %arg12[%get3A_3681, %get3A_3682, %get3A_3683] {strides = array<i32>} : memref<16x8x64xf32, #tpu.memory_space<vmem>>, vector<16xf32>,
      %get3A_3685 = arith.constant 10 : i32
      %get3A_3686 = arith.index_cast %get3A_3685 : i32 to index
      %get3A_3687 = arith.index_cast %squeeze3A_3641 : i32 to index
      %get3A_3688 = arith.constant 48 : index
      %get3A_3689 = tpu.vector_load %arg14[%get3A_3686, %get3A_3687, %get3A_3688] {strides = array<i32>} : memref<16x8x64xf32, #tpu.memory_space<vmem>>, vector<16xf32>,
      %mul3A_3690 = arith.mulf %get3A_3684, %get3A_3689 : vector<16xf32>
      %mul3A_3691 = arith.mulf %mul3A_3690, %get3A_9 : vector<16xf32>
      %add3A_3692 = arith.addf %add3A_3679, %mul3A_3691 : vector<16xf32>
      %eq3A_3693 = arith.constant 10 : i32
      %eq3A_3694 = vector.broadcast %eq3A_3693 : i32 to vector<16xi32>
      %eq3A_3695 = arith.cmpi eq, %iota3A, %eq3A_3694 : vector<16xi32>
      %reduce_sum3A_3696 = arith.constant true
      %reduce_sum3A_3697 = vector.broadcast %reduce_sum3A_3696 : i1 to vector<16xi1>
      %reduce_sum3A_3698 = tpu.scan <sum>, %add3A_3692 masked %reduce_sum3A_3697 : vector<16xf32>, vector<16xi1> -> vector<16xf32>
      %reduce_sum3A_3699 = vector.extract %reduce_sum3A_3698[15] : f32 from vector<16xf32>
      %broadcast_in_dim3A_3700 = vector.broadcast %reduce_sum3A_3699 : f32 to vector<16xf32>
      %select_n3A_3701 = arith.select %eq3A_3695, %broadcast_in_dim3A_3700, %select_n3A_3637 : vector<16xi1>, vector<16xf32>
      %slice3A_3702 = vector.extract_strided_slice %and3A_2988 {offsets = [11], sizes = [1], strides = [1]} : vector<16xi32> to vector<1xi32>
      %squeeze3A_3703 = vector.extract %slice3A_3702[0] : i32 from vector<1xi32>
      %slice3A_3704 = vector.extract_strided_slice %and3A_2995 {offsets = [11], sizes = [1], strides = [1]} : vector<16xi32> to vector<1xi32>
      %squeeze3A_3705 = vector.extract %slice3A_3704[0] : i32 from vector<1xi32>
      %get3A_3706 = arith.constant 11 : i32
      %get3A_3707 = arith.index_cast %get3A_3706 : i32 to index
      %get3A_3708 = arith.index_cast %squeeze3A_3703 : i32 to index
      %get3A_3709 = arith.constant 0 : index
      %get3A_3710 = tpu.vector_load %arg12[%get3A_3707, %get3A_3708, %get3A_3709] {strides = array<i32>} : memref<16x8x64xf32, #tpu.memory_space<vmem>>, vector<16xf32>,
      %get3A_3711 = arith.constant 11 : i32
      %get3A_3712 = arith.index_cast %get3A_3711 : i32 to index
      %get3A_3713 = arith.index_cast %squeeze3A_3705 : i32 to index
      %get3A_3714 = arith.constant 0 : index
      %get3A_3715 = tpu.vector_load %arg14[%get3A_3712, %get3A_3713, %get3A_3714] {strides = array<i32>} : memref<16x8x64xf32, #tpu.memory_space<vmem>>, vector<16xf32>,
      %mul3A_3716 = arith.mulf %get3A_3710, %get3A_3715 : vector<16xf32>
      %mul3A_3717 = arith.mulf %mul3A_3716, %get3A_3 : vector<16xf32>
      %get3A_3718 = arith.constant 11 : i32
      %get3A_3719 = arith.index_cast %get3A_3718 : i32 to index
      %get3A_3720 = arith.index_cast %squeeze3A_3703 : i32 to index
      %get3A_3721 = arith.constant 16 : index
      %get3A_3722 = tpu.vector_load %arg12[%get3A_3719, %get3A_3720, %get3A_3721] {strides = array<i32>} : memref<16x8x64xf32, #tpu.memory_space<vmem>>, vector<16xf32>,
      %get3A_3723 = arith.constant 11 : i32
      %get3A_3724 = arith.index_cast %get3A_3723 : i32 to index
      %get3A_3725 = arith.index_cast %squeeze3A_3705 : i32 to index
      %get3A_3726 = arith.constant 16 : index
      %get3A_3727 = tpu.vector_load %arg14[%get3A_3724, %get3A_3725, %get3A_3726] {strides = array<i32>} : memref<16x8x64xf32, #tpu.memory_space<vmem>>, vector<16xf32>,
      %mul3A_3728 = arith.mulf %get3A_3722, %get3A_3727 : vector<16xf32>
      %mul3A_3729 = arith.mulf %mul3A_3728, %get3A_5 : vector<16xf32>
      %add3A_3730 = arith.addf %mul3A_3717, %mul3A_3729 : vector<16xf32>
      %get3A_3731 = arith.constant 11 : i32
      %get3A_3732 = arith.index_cast %get3A_3731 : i32 to index
      %get3A_3733 = arith.index_cast %squeeze3A_3703 : i32 to index
      %get3A_3734 = arith.constant 32 : index
      %get3A_3735 = tpu.vector_load %arg12[%get3A_3732, %get3A_3733, %get3A_3734] {strides = array<i32>} : memref<16x8x64xf32, #tpu.memory_space<vmem>>, vector<16xf32>,
      %get3A_3736 = arith.constant 11 : i32
      %get3A_3737 = arith.index_cast %get3A_3736 : i32 to index
      %get3A_3738 = arith.index_cast %squeeze3A_3705 : i32 to index
      %get3A_3739 = arith.constant 32 : index
      %get3A_3740 = tpu.vector_load %arg14[%get3A_3737, %get3A_3738, %get3A_3739] {strides = array<i32>} : memref<16x8x64xf32, #tpu.memory_space<vmem>>, vector<16xf32>,
      %mul3A_3741 = arith.mulf %get3A_3735, %get3A_3740 : vector<16xf32>
      %mul3A_3742 = arith.mulf %mul3A_3741, %get3A_7 : vector<16xf32>
      %add3A_3743 = arith.addf %add3A_3730, %mul3A_3742 : vector<16xf32>
      %get3A_3744 = arith.constant 11 : i32
      %get3A_3745 = arith.index_cast %get3A_3744 : i32 to index
      %get3A_3746 = arith.index_cast %squeeze3A_3703 : i32 to index
      %get3A_3747 = arith.constant 48 : index
      %get3A_3748 = tpu.vector_load %arg12[%get3A_3745, %get3A_3746, %get3A_3747] {strides = array<i32>} : memref<16x8x64xf32, #tpu.memory_space<vmem>>, vector<16xf32>,
      %get3A_3749 = arith.constant 11 : i32
      %get3A_3750 = arith.index_cast %get3A_3749 : i32 to index
      %get3A_3751 = arith.index_cast %squeeze3A_3705 : i32 to index
      %get3A_3752 = arith.constant 48 : index
      %get3A_3753 = tpu.vector_load %arg14[%get3A_3750, %get3A_3751, %get3A_3752] {strides = array<i32>} : memref<16x8x64xf32, #tpu.memory_space<vmem>>, vector<16xf32>,
      %mul3A_3754 = arith.mulf %get3A_3748, %get3A_3753 : vector<16xf32>
      %mul3A_3755 = arith.mulf %mul3A_3754, %get3A_9 : vector<16xf32>
      %add3A_3756 = arith.addf %add3A_3743, %mul3A_3755 : vector<16xf32>
      %eq3A_3757 = arith.constant 11 : i32
      %eq3A_3758 = vector.broadcast %eq3A_3757 : i32 to vector<16xi32>
      %eq3A_3759 = arith.cmpi eq, %iota3A, %eq3A_3758 : vector<16xi32>
      %reduce_sum3A_3760 = arith.constant true
      %reduce_sum3A_3761 = vector.broadcast %reduce_sum3A_3760 : i1 to vector<16xi1>
      %reduce_sum3A_3762 = tpu.scan <sum>, %add3A_3756 masked %reduce_sum3A_3761 : vector<16xf32>, vector<16xi1> -> vector<16xf32>
      %reduce_sum3A_3763 = vector.extract %reduce_sum3A_3762[15] : f32 from vector<16xf32>
      %broadcast_in_dim3A_3764 = vector.broadcast %reduce_sum3A_3763 : f32 to vector<16xf32>
      %select_n3A_3765 = arith.select %eq3A_3759, %broadcast_in_dim3A_3764, %select_n3A_3701 : vector<16xi1>, vector<16xf32>
      %slice3A_3766 = vector.extract_strided_slice %and3A_2988 {offsets = [12], sizes = [1], strides = [1]} : vector<16xi32> to vector<1xi32>
      %squeeze3A_3767 = vector.extract %slice3A_3766[0] : i32 from vector<1xi32>
      %slice3A_3768 = vector.extract_strided_slice %and3A_2995 {offsets = [12], sizes = [1], strides = [1]} : vector<16xi32> to vector<1xi32>
      %squeeze3A_3769 = vector.extract %slice3A_3768[0] : i32 from vector<1xi32>
      %get3A_3770 = arith.constant 12 : i32
      %get3A_3771 = arith.index_cast %get3A_3770 : i32 to index
      %get3A_3772 = arith.index_cast %squeeze3A_3767 : i32 to index
      %get3A_3773 = arith.constant 0 : index
      %get3A_3774 = tpu.vector_load %arg12[%get3A_3771, %get3A_3772, %get3A_3773] {strides = array<i32>} : memref<16x8x64xf32, #tpu.memory_space<vmem>>, vector<16xf32>,
      %get3A_3775 = arith.constant 12 : i32
      %get3A_3776 = arith.index_cast %get3A_3775 : i32 to index
      %get3A_3777 = arith.index_cast %squeeze3A_3769 : i32 to index
      %get3A_3778 = arith.constant 0 : index
      %get3A_3779 = tpu.vector_load %arg14[%get3A_3776, %get3A_3777, %get3A_3778] {strides = array<i32>} : memref<16x8x64xf32, #tpu.memory_space<vmem>>, vector<16xf32>,
      %mul3A_3780 = arith.mulf %get3A_3774, %get3A_3779 : vector<16xf32>
      %mul3A_3781 = arith.mulf %mul3A_3780, %get3A_3 : vector<16xf32>
      %get3A_3782 = arith.constant 12 : i32
      %get3A_3783 = arith.index_cast %get3A_3782 : i32 to index
      %get3A_3784 = arith.index_cast %squeeze3A_3767 : i32 to index
      %get3A_3785 = arith.constant 16 : index
      %get3A_3786 = tpu.vector_load %arg12[%get3A_3783, %get3A_3784, %get3A_3785] {strides = array<i32>} : memref<16x8x64xf32, #tpu.memory_space<vmem>>, vector<16xf32>,
      %get3A_3787 = arith.constant 12 : i32
      %get3A_3788 = arith.index_cast %get3A_3787 : i32 to index
      %get3A_3789 = arith.index_cast %squeeze3A_3769 : i32 to index
      %get3A_3790 = arith.constant 16 : index
      %get3A_3791 = tpu.vector_load %arg14[%get3A_3788, %get3A_3789, %get3A_3790] {strides = array<i32>} : memref<16x8x64xf32, #tpu.memory_space<vmem>>, vector<16xf32>,
      %mul3A_3792 = arith.mulf %get3A_3786, %get3A_3791 : vector<16xf32>
      %mul3A_3793 = arith.mulf %mul3A_3792, %get3A_5 : vector<16xf32>
      %add3A_3794 = arith.addf %mul3A_3781, %mul3A_3793 : vector<16xf32>
      %get3A_3795 = arith.constant 12 : i32
      %get3A_3796 = arith.index_cast %get3A_3795 : i32 to index
      %get3A_3797 = arith.index_cast %squeeze3A_3767 : i32 to index
      %get3A_3798 = arith.constant 32 : index
      %get3A_3799 = tpu.vector_load %arg12[%get3A_3796, %get3A_3797, %get3A_3798] {strides = array<i32>} : memref<16x8x64xf32, #tpu.memory_space<vmem>>, vector<16xf32>,
      %get3A_3800 = arith.constant 12 : i32
      %get3A_3801 = arith.index_cast %get3A_3800 : i32 to index
      %get3A_3802 = arith.index_cast %squeeze3A_3769 : i32 to index
      %get3A_3803 = arith.constant 32 : index
      %get3A_3804 = tpu.vector_load %arg14[%get3A_3801, %get3A_3802, %get3A_3803] {strides = array<i32>} : memref<16x8x64xf32, #tpu.memory_space<vmem>>, vector<16xf32>,
      %mul3A_3805 = arith.mulf %get3A_3799, %get3A_3804 : vector<16xf32>
      %mul3A_3806 = arith.mulf %mul3A_3805, %get3A_7 : vector<16xf32>
      %add3A_3807 = arith.addf %add3A_3794, %mul3A_3806 : vector<16xf32>
      %get3A_3808 = arith.constant 12 : i32
      %get3A_3809 = arith.index_cast %get3A_3808 : i32 to index
      %get3A_3810 = arith.index_cast %squeeze3A_3767 : i32 to index
      %get3A_3811 = arith.constant 48 : index
      %get3A_3812 = tpu.vector_load %arg12[%get3A_3809, %get3A_3810, %get3A_3811] {strides = array<i32>} : memref<16x8x64xf32, #tpu.memory_space<vmem>>, vector<16xf32>,
      %get3A_3813 = arith.constant 12 : i32
      %get3A_3814 = arith.index_cast %get3A_3813 : i32 to index
      %get3A_3815 = arith.index_cast %squeeze3A_3769 : i32 to index
      %get3A_3816 = arith.constant 48 : index
      %get3A_3817 = tpu.vector_load %arg14[%get3A_3814, %get3A_3815, %get3A_3816] {strides = array<i32>} : memref<16x8x64xf32, #tpu.memory_space<vmem>>, vector<16xf32>,
      %mul3A_3818 = arith.mulf %get3A_3812, %get3A_3817 : vector<16xf32>
      %mul3A_3819 = arith.mulf %mul3A_3818, %get3A_9 : vector<16xf32>
      %add3A_3820 = arith.addf %add3A_3807, %mul3A_3819 : vector<16xf32>
      %eq3A_3821 = arith.constant 12 : i32
      %eq3A_3822 = vector.broadcast %eq3A_3821 : i32 to vector<16xi32>
      %eq3A_3823 = arith.cmpi eq, %iota3A, %eq3A_3822 : vector<16xi32>
      %reduce_sum3A_3824 = arith.constant true
      %reduce_sum3A_3825 = vector.broadcast %reduce_sum3A_3824 : i1 to vector<16xi1>
      %reduce_sum3A_3826 = tpu.scan <sum>, %add3A_3820 masked %reduce_sum3A_3825 : vector<16xf32>, vector<16xi1> -> vector<16xf32>
      %reduce_sum3A_3827 = vector.extract %reduce_sum3A_3826[15] : f32 from vector<16xf32>
      %broadcast_in_dim3A_3828 = vector.broadcast %reduce_sum3A_3827 : f32 to vector<16xf32>
      %select_n3A_3829 = arith.select %eq3A_3823, %broadcast_in_dim3A_3828, %select_n3A_3765 : vector<16xi1>, vector<16xf32>
      %slice3A_3830 = vector.extract_strided_slice %and3A_2988 {offsets = [13], sizes = [1], strides = [1]} : vector<16xi32> to vector<1xi32>
      %squeeze3A_3831 = vector.extract %slice3A_3830[0] : i32 from vector<1xi32>
      %slice3A_3832 = vector.extract_strided_slice %and3A_2995 {offsets = [13], sizes = [1], strides = [1]} : vector<16xi32> to vector<1xi32>
      %squeeze3A_3833 = vector.extract %slice3A_3832[0] : i32 from vector<1xi32>
      %get3A_3834 = arith.constant 13 : i32
      %get3A_3835 = arith.index_cast %get3A_3834 : i32 to index
      %get3A_3836 = arith.index_cast %squeeze3A_3831 : i32 to index
      %get3A_3837 = arith.constant 0 : index
      %get3A_3838 = tpu.vector_load %arg12[%get3A_3835, %get3A_3836, %get3A_3837] {strides = array<i32>} : memref<16x8x64xf32, #tpu.memory_space<vmem>>, vector<16xf32>,
      %get3A_3839 = arith.constant 13 : i32
      %get3A_3840 = arith.index_cast %get3A_3839 : i32 to index
      %get3A_3841 = arith.index_cast %squeeze3A_3833 : i32 to index
      %get3A_3842 = arith.constant 0 : index
      %get3A_3843 = tpu.vector_load %arg14[%get3A_3840, %get3A_3841, %get3A_3842] {strides = array<i32>} : memref<16x8x64xf32, #tpu.memory_space<vmem>>, vector<16xf32>,
      %mul3A_3844 = arith.mulf %get3A_3838, %get3A_3843 : vector<16xf32>
      %mul3A_3845 = arith.mulf %mul3A_3844, %get3A_3 : vector<16xf32>
      %get3A_3846 = arith.constant 13 : i32
      %get3A_3847 = arith.index_cast %get3A_3846 : i32 to index
      %get3A_3848 = arith.index_cast %squeeze3A_3831 : i32 to index
      %get3A_3849 = arith.constant 16 : index
      %get3A_3850 = tpu.vector_load %arg12[%get3A_3847, %get3A_3848, %get3A_3849] {strides = array<i32>} : memref<16x8x64xf32, #tpu.memory_space<vmem>>, vector<16xf32>,
      %get3A_3851 = arith.constant 13 : i32
      %get3A_3852 = arith.index_cast %get3A_3851 : i32 to index
      %get3A_3853 = arith.index_cast %squeeze3A_3833 : i32 to index
      %get3A_3854 = arith.constant 16 : index
      %get3A_3855 = tpu.vector_load %arg14[%get3A_3852, %get3A_3853, %get3A_3854] {strides = array<i32>} : memref<16x8x64xf32, #tpu.memory_space<vmem>>, vector<16xf32>,
      %mul3A_3856 = arith.mulf %get3A_3850, %get3A_3855 : vector<16xf32>
      %mul3A_3857 = arith.mulf %mul3A_3856, %get3A_5 : vector<16xf32>
      %add3A_3858 = arith.addf %mul3A_3845, %mul3A_3857 : vector<16xf32>
      %get3A_3859 = arith.constant 13 : i32
      %get3A_3860 = arith.index_cast %get3A_3859 : i32 to index
      %get3A_3861 = arith.index_cast %squeeze3A_3831 : i32 to index
      %get3A_3862 = arith.constant 32 : index
      %get3A_3863 = tpu.vector_load %arg12[%get3A_3860, %get3A_3861, %get3A_3862] {strides = array<i32>} : memref<16x8x64xf32, #tpu.memory_space<vmem>>, vector<16xf32>,
      %get3A_3864 = arith.constant 13 : i32
      %get3A_3865 = arith.index_cast %get3A_3864 : i32 to index
      %get3A_3866 = arith.index_cast %squeeze3A_3833 : i32 to index
      %get3A_3867 = arith.constant 32 : index
      %get3A_3868 = tpu.vector_load %arg14[%get3A_3865, %get3A_3866, %get3A_3867] {strides = array<i32>} : memref<16x8x64xf32, #tpu.memory_space<vmem>>, vector<16xf32>,
      %mul3A_3869 = arith.mulf %get3A_3863, %get3A_3868 : vector<16xf32>
      %mul3A_3870 = arith.mulf %mul3A_3869, %get3A_7 : vector<16xf32>
      %add3A_3871 = arith.addf %add3A_3858, %mul3A_3870 : vector<16xf32>
      %get3A_3872 = arith.constant 13 : i32
      %get3A_3873 = arith.index_cast %get3A_3872 : i32 to index
      %get3A_3874 = arith.index_cast %squeeze3A_3831 : i32 to index
      %get3A_3875 = arith.constant 48 : index
      %get3A_3876 = tpu.vector_load %arg12[%get3A_3873, %get3A_3874, %get3A_3875] {strides = array<i32>} : memref<16x8x64xf32, #tpu.memory_space<vmem>>, vector<16xf32>,
      %get3A_3877 = arith.constant 13 : i32
      %get3A_3878 = arith.index_cast %get3A_3877 : i32 to index
      %get3A_3879 = arith.index_cast %squeeze3A_3833 : i32 to index
      %get3A_3880 = arith.constant 48 : index
      %get3A_3881 = tpu.vector_load %arg14[%get3A_3878, %get3A_3879, %get3A_3880] {strides = array<i32>} : memref<16x8x64xf32, #tpu.memory_space<vmem>>, vector<16xf32>,
      %mul3A_3882 = arith.mulf %get3A_3876, %get3A_3881 : vector<16xf32>
      %mul3A_3883 = arith.mulf %mul3A_3882, %get3A_9 : vector<16xf32>
      %add3A_3884 = arith.addf %add3A_3871, %mul3A_3883 : vector<16xf32>
      %eq3A_3885 = arith.constant 13 : i32
      %eq3A_3886 = vector.broadcast %eq3A_3885 : i32 to vector<16xi32>
      %eq3A_3887 = arith.cmpi eq, %iota3A, %eq3A_3886 : vector<16xi32>
      %reduce_sum3A_3888 = arith.constant true
      %reduce_sum3A_3889 = vector.broadcast %reduce_sum3A_3888 : i1 to vector<16xi1>
      %reduce_sum3A_3890 = tpu.scan <sum>, %add3A_3884 masked %reduce_sum3A_3889 : vector<16xf32>, vector<16xi1> -> vector<16xf32>
      %reduce_sum3A_3891 = vector.extract %reduce_sum3A_3890[15] : f32 from vector<16xf32>
      %broadcast_in_dim3A_3892 = vector.broadcast %reduce_sum3A_3891 : f32 to vector<16xf32>
      %select_n3A_3893 = arith.select %eq3A_3887, %broadcast_in_dim3A_3892, %select_n3A_3829 : vector<16xi1>, vector<16xf32>
      %slice3A_3894 = vector.extract_strided_slice %and3A_2988 {offsets = [14], sizes = [1], strides = [1]} : vector<16xi32> to vector<1xi32>
      %squeeze3A_3895 = vector.extract %slice3A_3894[0] : i32 from vector<1xi32>
      %slice3A_3896 = vector.extract_strided_slice %and3A_2995 {offsets = [14], sizes = [1], strides = [1]} : vector<16xi32> to vector<1xi32>
      %squeeze3A_3897 = vector.extract %slice3A_3896[0] : i32 from vector<1xi32>
      %get3A_3898 = arith.constant 14 : i32
      %get3A_3899 = arith.index_cast %get3A_3898 : i32 to index
      %get3A_3900 = arith.index_cast %squeeze3A_3895 : i32 to index
      %get3A_3901 = arith.constant 0 : index
      %get3A_3902 = tpu.vector_load %arg12[%get3A_3899, %get3A_3900, %get3A_3901] {strides = array<i32>} : memref<16x8x64xf32, #tpu.memory_space<vmem>>, vector<16xf32>,
      %get3A_3903 = arith.constant 14 : i32
      %get3A_3904 = arith.index_cast %get3A_3903 : i32 to index
      %get3A_3905 = arith.index_cast %squeeze3A_3897 : i32 to index
      %get3A_3906 = arith.constant 0 : index
      %get3A_3907 = tpu.vector_load %arg14[%get3A_3904, %get3A_3905, %get3A_3906] {strides = array<i32>} : memref<16x8x64xf32, #tpu.memory_space<vmem>>, vector<16xf32>,
      %mul3A_3908 = arith.mulf %get3A_3902, %get3A_3907 : vector<16xf32>
      %mul3A_3909 = arith.mulf %mul3A_3908, %get3A_3 : vector<16xf32>
      %get3A_3910 = arith.constant 14 : i32
      %get3A_3911 = arith.index_cast %get3A_3910 : i32 to index
      %get3A_3912 = arith.index_cast %squeeze3A_3895 : i32 to index
      %get3A_3913 = arith.constant 16 : index
      %get3A_3914 = tpu.vector_load %arg12[%get3A_3911, %get3A_3912, %get3A_3913] {strides = array<i32>} : memref<16x8x64xf32, #tpu.memory_space<vmem>>, vector<16xf32>,
      %get3A_3915 = arith.constant 14 : i32
      %get3A_3916 = arith.index_cast %get3A_3915 : i32 to index
      %get3A_3917 = arith.index_cast %squeeze3A_3897 : i32 to index
      %get3A_3918 = arith.constant 16 : index
      %get3A_3919 = tpu.vector_load %arg14[%get3A_3916, %get3A_3917, %get3A_3918] {strides = array<i32>} : memref<16x8x64xf32, #tpu.memory_space<vmem>>, vector<16xf32>,
      %mul3A_3920 = arith.mulf %get3A_3914, %get3A_3919 : vector<16xf32>
      %mul3A_3921 = arith.mulf %mul3A_3920, %get3A_5 : vector<16xf32>
      %add3A_3922 = arith.addf %mul3A_3909, %mul3A_3921 : vector<16xf32>
      %get3A_3923 = arith.constant 14 : i32
      %get3A_3924 = arith.index_cast %get3A_3923 : i32 to index
      %get3A_3925 = arith.index_cast %squeeze3A_3895 : i32 to index
      %get3A_3926 = arith.constant 32 : index
      %get3A_3927 = tpu.vector_load %arg12[%get3A_3924, %get3A_3925, %get3A_3926] {strides = array<i32>} : memref<16x8x64xf32, #tpu.memory_space<vmem>>, vector<16xf32>,
      %get3A_3928 = arith.constant 14 : i32
      %get3A_3929 = arith.index_cast %get3A_3928 : i32 to index
      %get3A_3930 = arith.index_cast %squeeze3A_3897 : i32 to index
      %get3A_3931 = arith.constant 32 : index
      %get3A_3932 = tpu.vector_load %arg14[%get3A_3929, %get3A_3930, %get3A_3931] {strides = array<i32>} : memref<16x8x64xf32, #tpu.memory_space<vmem>>, vector<16xf32>,
      %mul3A_3933 = arith.mulf %get3A_3927, %get3A_3932 : vector<16xf32>
      %mul3A_3934 = arith.mulf %mul3A_3933, %get3A_7 : vector<16xf32>
      %add3A_3935 = arith.addf %add3A_3922, %mul3A_3934 : vector<16xf32>
      %get3A_3936 = arith.constant 14 : i32
      %get3A_3937 = arith.index_cast %get3A_3936 : i32 to index
      %get3A_3938 = arith.index_cast %squeeze3A_3895 : i32 to index
      %get3A_3939 = arith.constant 48 : index
      %get3A_3940 = tpu.vector_load %arg12[%get3A_3937, %get3A_3938, %get3A_3939] {strides = array<i32>} : memref<16x8x64xf32, #tpu.memory_space<vmem>>, vector<16xf32>,
      %get3A_3941 = arith.constant 14 : i32
      %get3A_3942 = arith.index_cast %get3A_3941 : i32 to index
      %get3A_3943 = arith.index_cast %squeeze3A_3897 : i32 to index
      %get3A_3944 = arith.constant 48 : index
      %get3A_3945 = tpu.vector_load %arg14[%get3A_3942, %get3A_3943, %get3A_3944] {strides = array<i32>} : memref<16x8x64xf32, #tpu.memory_space<vmem>>, vector<16xf32>,
      %mul3A_3946 = arith.mulf %get3A_3940, %get3A_3945 : vector<16xf32>
      %mul3A_3947 = arith.mulf %mul3A_3946, %get3A_9 : vector<16xf32>
      %add3A_3948 = arith.addf %add3A_3935, %mul3A_3947 : vector<16xf32>
      %eq3A_3949 = arith.constant 14 : i32
      %eq3A_3950 = vector.broadcast %eq3A_3949 : i32 to vector<16xi32>
      %eq3A_3951 = arith.cmpi eq, %iota3A, %eq3A_3950 : vector<16xi32>
      %reduce_sum3A_3952 = arith.constant true
      %reduce_sum3A_3953 = vector.broadcast %reduce_sum3A_3952 : i1 to vector<16xi1>
      %reduce_sum3A_3954 = tpu.scan <sum>, %add3A_3948 masked %reduce_sum3A_3953 : vector<16xf32>, vector<16xi1> -> vector<16xf32>
      %reduce_sum3A_3955 = vector.extract %reduce_sum3A_3954[15] : f32 from vector<16xf32>
      %broadcast_in_dim3A_3956 = vector.broadcast %reduce_sum3A_3955 : f32 to vector<16xf32>
      %select_n3A_3957 = arith.select %eq3A_3951, %broadcast_in_dim3A_3956, %select_n3A_3893 : vector<16xi1>, vector<16xf32>
      %slice3A_3958 = vector.extract_strided_slice %and3A_2988 {offsets = [15], sizes = [1], strides = [1]} : vector<16xi32> to vector<1xi32>
      %squeeze3A_3959 = vector.extract %slice3A_3958[0] : i32 from vector<1xi32>
      %slice3A_3960 = vector.extract_strided_slice %and3A_2995 {offsets = [15], sizes = [1], strides = [1]} : vector<16xi32> to vector<1xi32>
      %squeeze3A_3961 = vector.extract %slice3A_3960[0] : i32 from vector<1xi32>
      %get3A_3962 = arith.constant 15 : i32
      %get3A_3963 = arith.index_cast %get3A_3962 : i32 to index
      %get3A_3964 = arith.index_cast %squeeze3A_3959 : i32 to index
      %get3A_3965 = arith.constant 0 : index
      %get3A_3966 = tpu.vector_load %arg12[%get3A_3963, %get3A_3964, %get3A_3965] {strides = array<i32>} : memref<16x8x64xf32, #tpu.memory_space<vmem>>, vector<16xf32>,
      %get3A_3967 = arith.constant 15 : i32
      %get3A_3968 = arith.index_cast %get3A_3967 : i32 to index
      %get3A_3969 = arith.index_cast %squeeze3A_3961 : i32 to index
      %get3A_3970 = arith.constant 0 : index
      %get3A_3971 = tpu.vector_load %arg14[%get3A_3968, %get3A_3969, %get3A_3970] {strides = array<i32>} : memref<16x8x64xf32, #tpu.memory_space<vmem>>, vector<16xf32>,
      %mul3A_3972 = arith.mulf %get3A_3966, %get3A_3971 : vector<16xf32>
      %mul3A_3973 = arith.mulf %mul3A_3972, %get3A_3 : vector<16xf32>
      %get3A_3974 = arith.constant 15 : i32
      %get3A_3975 = arith.index_cast %get3A_3974 : i32 to index
      %get3A_3976 = arith.index_cast %squeeze3A_3959 : i32 to index
      %get3A_3977 = arith.constant 16 : index
      %get3A_3978 = tpu.vector_load %arg12[%get3A_3975, %get3A_3976, %get3A_3977] {strides = array<i32>} : memref<16x8x64xf32, #tpu.memory_space<vmem>>, vector<16xf32>,
      %get3A_3979 = arith.constant 15 : i32
      %get3A_3980 = arith.index_cast %get3A_3979 : i32 to index
      %get3A_3981 = arith.index_cast %squeeze3A_3961 : i32 to index
      %get3A_3982 = arith.constant 16 : index
      %get3A_3983 = tpu.vector_load %arg14[%get3A_3980, %get3A_3981, %get3A_3982] {strides = array<i32>} : memref<16x8x64xf32, #tpu.memory_space<vmem>>, vector<16xf32>,
      %mul3A_3984 = arith.mulf %get3A_3978, %get3A_3983 : vector<16xf32>
      %mul3A_3985 = arith.mulf %mul3A_3984, %get3A_5 : vector<16xf32>
      %add3A_3986 = arith.addf %mul3A_3973, %mul3A_3985 : vector<16xf32>
      %get3A_3987 = arith.constant 15 : i32
      %get3A_3988 = arith.index_cast %get3A_3987 : i32 to index
      %get3A_3989 = arith.index_cast %squeeze3A_3959 : i32 to index
      %get3A_3990 = arith.constant 32 : index
      %get3A_3991 = tpu.vector_load %arg12[%get3A_3988, %get3A_3989, %get3A_3990] {strides = array<i32>} : memref<16x8x64xf32, #tpu.memory_space<vmem>>, vector<16xf32>,
      %get3A_3992 = arith.constant 15 : i32
      %get3A_3993 = arith.index_cast %get3A_3992 : i32 to index
      %get3A_3994 = arith.index_cast %squeeze3A_3961 : i32 to index
      %get3A_3995 = arith.constant 32 : index
      %get3A_3996 = tpu.vector_load %arg14[%get3A_3993, %get3A_3994, %get3A_3995] {strides = array<i32>} : memref<16x8x64xf32, #tpu.memory_space<vmem>>, vector<16xf32>,
      %mul3A_3997 = arith.mulf %get3A_3991, %get3A_3996 : vector<16xf32>
      %mul3A_3998 = arith.mulf %mul3A_3997, %get3A_7 : vector<16xf32>
      %add3A_3999 = arith.addf %add3A_3986, %mul3A_3998 : vector<16xf32>
      %get3A_4000 = arith.constant 15 : i32
      %get3A_4001 = arith.index_cast %get3A_4000 : i32 to index
      %get3A_4002 = arith.index_cast %squeeze3A_3959 : i32 to index
      %get3A_4003 = arith.constant 48 : index
      %get3A_4004 = tpu.vector_load %arg12[%get3A_4001, %get3A_4002, %get3A_4003] {strides = array<i32>} : memref<16x8x64xf32, #tpu.memory_space<vmem>>, vector<16xf32>,
      %get3A_4005 = arith.constant 15 : i32
      %get3A_4006 = arith.index_cast %get3A_4005 : i32 to index
      %get3A_4007 = arith.index_cast %squeeze3A_3961 : i32 to index
      %get3A_4008 = arith.constant 48 : index
      %get3A_4009 = tpu.vector_load %arg14[%get3A_4006, %get3A_4007, %get3A_4008] {strides = array<i32>} : memref<16x8x64xf32, #tpu.memory_space<vmem>>, vector<16xf32>,
      %mul3A_4010 = arith.mulf %get3A_4004, %get3A_4009 : vector<16xf32>
      %mul3A_4011 = arith.mulf %mul3A_4010, %get3A_9 : vector<16xf32>
      %add3A_4012 = arith.addf %add3A_3999, %mul3A_4011 : vector<16xf32>
      %eq3A_4013 = arith.constant 15 : i32
      %eq3A_4014 = vector.broadcast %eq3A_4013 : i32 to vector<16xi32>
      %eq3A_4015 = arith.cmpi eq, %iota3A, %eq3A_4014 : vector<16xi32>
      %reduce_sum3A_4016 = arith.constant true
      %reduce_sum3A_4017 = vector.broadcast %reduce_sum3A_4016 : i1 to vector<16xi1>
      %reduce_sum3A_4018 = tpu.scan <sum>, %add3A_4012 masked %reduce_sum3A_4017 : vector<16xf32>, vector<16xi1> -> vector<16xf32>
      %reduce_sum3A_4019 = vector.extract %reduce_sum3A_4018[15] : f32 from vector<16xf32>
      %broadcast_in_dim3A_4020 = vector.broadcast %reduce_sum3A_4019 : f32 to vector<16xf32>
      %select_n3A_4021 = arith.select %eq3A_4015, %broadcast_in_dim3A_4020, %select_n3A_3957 : vector<16xi1>, vector<16xf32>
      %add3A_4022 = arith.addf %select_n3A_4021, %get3A_11 : vector<16xf32>
      %mul3A_4023 = arith.constant 16 : i32
      %mul3A_4024 = arith.muli %add3A_2981, %mul3A_4023 : i32
      %swap3A_4025 = arith.index_cast %mul3A_4024 : i32 to index
      %swap3A_4026 = tpu.vector_load %arg17[%swap3A_4025] {strides = array<i32>} : memref<512xf32, #tpu.memory_space<vmem>>, vector<16xf32>,
      tpu.vector_store %arg17[%swap3A_4025], %add3A_4022 {strides = array<i32>} : memref<512xf32, #tpu.memory_space<vmem>>, vector<16xf32>,
    }
    %scan3A_630 = arith.constant 16 : i32
    %dma_wait3A = arith.constant 0 : i32
    %dma_wait3A_631 = arith.constant 0 : i32
    %dma_wait3A_632 = arith.constant 0 : i32
    %dma_wait3A_633 = tpu.memref_slice %arg4[%dma_wait3A, %dma_wait3A_631, %dma_wait3A_632] : memref<125000x8x64xf32, #tpu.memory_space<hbm>> -> memref<16x8x64xf32, #tpu.memory_space<hbm>>
    %dma_wait3A_634 = arith.constant 0 : i32
    %dma_wait3A_635 = arith.constant 0 : i32
    %dma_wait3A_636 = arith.constant 0 : i32
    %dma_wait3A_637 = tpu.memref_slice %arg4[%dma_wait3A_634, %dma_wait3A_635, %dma_wait3A_636] : memref<125000x8x64xf32, #tpu.memory_space<hbm>> -> memref<16x8x64xf32, #tpu.memory_space<hbm>>
    tpu.wait_dma2 semaphore(%arg18 : memref<!tpu.dma_semaphore, #tpu.memory_space<semaphore_mem>>) src(%dma_wait3A_637 : memref<16x8x64xf32, #tpu.memory_space<hbm>>) dst(%arg11 : memref<16x8x64xf32, #tpu.memory_space<vmem>>)
    %dma_wait3A_638 = arith.constant 0 : i32
    %dma_wait3A_639 = arith.constant 0 : i32
    %dma_wait3A_640 = arith.constant 0 : i32
    %dma_wait3A_641 = tpu.memref_slice %arg5[%dma_wait3A_638, %dma_wait3A_639, %dma_wait3A_640] : memref<125000x8x64xf32, #tpu.memory_space<hbm>> -> memref<16x8x64xf32, #tpu.memory_space<hbm>>
    %dma_wait3A_642 = arith.constant 0 : i32
    %dma_wait3A_643 = arith.constant 0 : i32
    %dma_wait3A_644 = arith.constant 0 : i32
    %dma_wait3A_645 = tpu.memref_slice %arg5[%dma_wait3A_642, %dma_wait3A_643, %dma_wait3A_644] : memref<125000x8x64xf32, #tpu.memory_space<hbm>> -> memref<16x8x64xf32, #tpu.memory_space<hbm>>
    tpu.wait_dma2 semaphore(%arg19 : memref<!tpu.dma_semaphore, #tpu.memory_space<semaphore_mem>>) src(%dma_wait3A_645 : memref<16x8x64xf32, #tpu.memory_space<hbm>>) dst(%arg13 : memref<16x8x64xf32, #tpu.memory_space<vmem>>)
    "tpu.region"() ({
      %run_scoped3A = tpu.sem_alloc : memref<!tpu.dma_semaphore, #tpu.memory_space<semaphore_mem>>
      %dma_start3A_646 = tpu.memref_slice %arg8[%mul3A_2] : memref<16384xf32, #tpu.memory_space<hbm>> -> memref<512xf32, #tpu.memory_space<hbm>>
      %dma_start3A_647 = tpu.memref_slice %arg8[%mul3A_2] : memref<16384xf32, #tpu.memory_space<hbm>> -> memref<512xf32, #tpu.memory_space<hbm>>
      tpu.enqueue_dma source(%arg17 : memref<512xf32, #tpu.memory_space<vmem>>) target(%dma_start3A_647 : memref<512xf32, #tpu.memory_space<hbm>>) target_semaphore(%run_scoped3A : memref<!tpu.dma_semaphore, #tpu.memory_space<semaphore_mem>>)
      %dma_wait3A_648 = tpu.memref_slice %arg8[%mul3A_2] : memref<16384xf32, #tpu.memory_space<hbm>> -> memref<512xf32, #tpu.memory_space<hbm>>
      %dma_wait3A_649 = tpu.memref_slice %arg8[%mul3A_2] : memref<16384xf32, #tpu.memory_space<hbm>> -> memref<512xf32, #tpu.memory_space<hbm>>
      tpu.wait_dma2 semaphore(%run_scoped3A : memref<!tpu.dma_semaphore, #tpu.memory_space<semaphore_mem>>) src(%arg17 : memref<512xf32, #tpu.memory_space<vmem>>) dst(%dma_wait3A_649 : memref<512xf32, #tpu.memory_space<hbm>>)
      tpu.yield
    }) : () -> ()
    return
  }
}

</mosaic_0001>

<sc_bundles>
// kernel: kernel.3.cloned.1.call-start
scs
__scs_entry_jumppad:
0x0: {  	(pc) =	sbr.rel $0x88, $3  }
0x1: {  	(tag) =	ssettag $0x0;
	lr =	simm.s32 $0x1  }
0x2: {  	[smem:$0x3F9B] =	sst lr;
	_ =	strace $0xD0000000  }
0x3: {  	_ = 	snop  }
0x4: {  	_ = 	snop  }
0x5: {  	_ = 	snop  }
0x6: {  	_ = 	snop  }
0x7: {  	_ = 	snop  }
__scs_overlays_trampoline_lowered:
0x8: {  	[smem:$0x3FAA] =	sst s0  }
0x9: {  	[smem:$0x3FAB] =	sst s1  }
0xa: {  	[smem:$0x3FAC] =	sst s2  }
0xb: {  	[smem:$0x3FAD] =	sst s3  }
0xc: {  	[smem:$0x3FAE] =	sst s4  }
0xd: {  	[smem:$0x3FAF] =	sst s5  }
0xe: {  	[smem:$0x3FB0] =	sst s6  }
0xf: {  	[smem:$0x3FB1] =	sst s7  }
0x10: {  	[smem:$0x3FB2] =	sst s8  }
0x11: {  	[smem:$0x3FB3] =	sst s9;
	s0 =	simm.s32 @!p0 $0x0  }
0x12: {  	s1 =	sld [smem:$0x3F99];
	s0 =	simm.s32 @p0 $0x1  }
0x13: {  	[smem:$0x3FB4] =	sst s0;
	s0 =	simm.s32 @!p1 $0x0  }
0x14: {  	s2 =	sld [smem:$0x3F98];
	s0 =	simm.s32 @p1 $0x1  }
0x15: {  	[smem:$0x3FB5] =	sst s0;
	s0 =	simm.s32 @!p2 $0x0  }
0x16: {  	s3 =	sld [smem:$0x3FDB];
	s0 =	simm.s32 @p2 $0x1  }
0x17: {  	s4 =	simm.s32 $0x1BF5;
	[smem:$0x3FB7] =	sst s0  }
0x18: {  	s0 =	sld [smem:$0x3F9A];
	_ =	swait.ge [sflag:s4], $0x0  }
0x19: {  	s7 =	sld [smem:$0x3F9B]  }
0x1a: {  	s8 =	sadd.s32 $0xFFFFE003, lr  }
0x1b: {  	s9 =	sadd.s32 $0xFFFFFEF7, lr;
	s5 =	simm.s32 $0xFFFFFFFF;
	p2 =	slt.u32 s8, $0xFFFFF086  }
0x1c: {  	p1 =	slt.u32 s9, $0xF7A;
	s5 =	simm.s32 @!p2 $0x0  }
0x1d: {  	s5 =	simm.s32 @p1 $0x1;
	p0 =	seq.s32 s7, s2  }
0x1e: {  	s7 =	smul.u32 @!p0 $0xF7A, s2;
	p2 =	seq.s32 @!p0 s5, $0x0  }
0x1f: {  	s9 =	smul.u32 $0xF7A, s1;
	s8 =	simm.s32 @!p0 $0x1BF5;
	p2 =	por !p2, p0  }
0x20: {  	[sflag:s8] =	ssyncset.s32 @!p0 $0xFFFFF086;
	s6 =	sadd.s32 @!p0 s3, s7;
	s7 =	simm.s32 @!p0 $0x108  }
0x21: {  	s3 =	sadd.s32 s3, s9;
	s6 =	sadd.s32 @!p0 $0x88, s6;
	s7 =	simm.s32 @p2 $0x1082  }
0x22: {  	[simem:s7], [sflag:s8] =	dma.local @!p0 [hbm:s6], $0xF7A  }
0x23: {  	s9 =	sor.u32 $0xD0000000, s2;
	s6 =	simm.s32 $0x108;
	_ =	swait.ge @!p0 [sflag:s8], $0x0  }
0x24: {  	s3 =	sadd.s32 $0x88, s3;
	s6 =	simm.s32 @!p1 $0x1082;
	[sflag:s4] =	ssyncset.s32 $0xFFFFF086  }
0x25: {  	[simem:s6], [sflag:s4] =	dma.local [hbm:s3], $0xF7A  }
0x26: {  	[smem:$0x3F9B] =	sst s1;
	(tag) =	ssettag s2;
	_ =	strace s9  }
0x27: {  	s1 =	sld [smem:$0x3FAB]  }
0x28: {  	s2 =	sld [smem:$0x3FAC]  }
0x29: {  	s4 =	sld [smem:$0x3FAE]  }
0x2a: {  	p0 =	seq.s32 s5, $0x0;
	s5 =	sld [smem:$0x3FAF]  }
0x2b: {  	s6 =	sld [smem:$0x3FB0]  }
0x2c: {  	s7 =	sld [smem:$0x3FB1]  }
0x2d: {  	s3 =	simm.s32 $0x108;
	s8 =	sld [smem:$0x3FB2]  }
0x2e: {  	s3 =	simm.s32 @!p0 $0x1082;
	s9 =	sld [smem:$0x3FB3]  }
0x2f: {  	lr =	sadd.s32 s0, s3;
	s0 =	sld [smem:$0x3FAA]  }
0x30: {  	s3 =	sld [smem:$0x3FAD]  }
0x31: {  	[smem:$0x3FB6] =	sst s10  }
0x32: {  	s10 =	sld [smem:$0x3FB4];
	_ =	sdelay $0x3  }
0x33: {  	p0 =	seq.s32 s10, $0x1;
	s10 =	sld [smem:$0x3FB6];
	_ =	sdelay $0x3  }
0x34: {  	[smem:$0x3FB6] =	sst s10  }
0x35: {  	s10 =	sld [smem:$0x3FB5];
	_ =	sdelay $0x3  }
0x36: {  	p1 =	seq.s32 s10, $0x1;
	s10 =	sld [smem:$0x3FB6];
	_ =	sdelay $0x3  }
0x37: {  	[smem:$0x3FB6] =	sst s10  }
0x38: {  	s10 =	sld [smem:$0x3FB7]  }
0x39: {  	_ = 	snop;
	(pc) =	sbr.ind lr, $3  }
0x3a: {  	_ = 	snop  }
0x3b: {  	_ = 	snop  }
0x3c: {  	p2 =	seq.s32 s10, $0x1;
	s10 =	sld [smem:$0x3FB6]  }
0x3d: {  	_ =	shalt  }
0x3e: {  	_ =	shalt  }
0x3f: {  	_ =	shalt  }
0x40: {  	_ =	shalt  }
0x41: {  	_ =	shalt  }
0x42: {  	_ =	shalt  }
0x43: {  	_ =	shalt  }
0x44: {  	_ =	shalt  }
0x45: {  	_ =	shalt  }
0x46: {  	_ =	shalt  }
0x47: {  	_ =	shalt  }
0x48: {  	_ =	shalt  }
0x49: {  	_ =	shalt  }
0x4a: {  	_ =	shalt  }
0x4b: {  	_ =	shalt  }
0x4c: {  	_ =	shalt  }
0x4d: {  	_ =	shalt  }
0x4e: {  	_ =	shalt  }
0x4f: {  	_ =	shalt  }
0x50: {  	_ =	shalt  }
0x51: {  	_ =	shalt  }
0x52: {  	_ =	shalt  }
0x53: {  	_ =	shalt  }
0x54: {  	_ =	shalt  }
0x55: {  	_ =	shalt  }
0x56: {  	_ =	shalt  }
0x57: {  	_ =	shalt  }
0x58: {  	_ =	shalt  }
0x59: {  	_ =	shalt  }
0x5a: {  	_ =	shalt  }
0x5b: {  	_ =	shalt  }
0x5c: {  	_ =	shalt  }
0x5d: {  	_ =	shalt  }
0x5e: {  	_ =	shalt  }
0x5f: {  	_ =	shalt  }
0x60: {  	_ =	shalt  }
0x61: {  	_ =	shalt  }
0x62: {  	_ =	shalt  }
0x63: {  	_ =	shalt  }
0x64: {  	_ =	shalt  }
0x65: {  	_ =	shalt  }
0x66: {  	_ =	shalt  }
0x67: {  	_ =	shalt  }
0x68: {  	_ =	shalt  }
0x69: {  	_ =	shalt  }
0x6a: {  	_ =	shalt  }
0x6b: {  	_ =	shalt  }
0x6c: {  	_ =	shalt  }
0x6d: {  	_ =	shalt  }
0x6e: {  	_ =	shalt  }
0x6f: {  	_ =	shalt  }
0x70: {  	_ =	shalt  }
0x71: {  	_ =	shalt  }
0x72: {  	_ =	shalt  }
0x73: {  	_ =	shalt  }
0x74: {  	_ =	shalt  }
0x75: {  	_ =	shalt  }
0x76: {  	_ =	shalt  }
0x77: {  	_ =	shalt  }
0x78: {  	_ =	shalt  }
0x79: {  	_ =	shalt  }
0x7a: {  	_ =	shalt  }
0x7b: {  	_ =	shalt  }
0x7c: {  	_ =	shalt  }
0x7d: {  	_ =	shalt  }
0x7e: {  	_ =	shalt  }
0x7f: {  	_ =	shalt  }
0x80: {  	_ =	shalt  }
0x81: {  	_ =	shalt  }
0x82: {  	_ =	shalt  }
0x83: {  	_ =	shalt  }
0x84: {  	_ =	shalt  }
0x85: {  	_ =	shalt  }
0x86: {  	_ =	shalt  }
0x87: {  	_ =	shalt  }
.Lfunc_end0:
.L_simem_size_0:
called_computation_lowered:
.L_overlay_start_0:
0x88: {  	s2 =	sld [smem:$0x3FD9]  }
0x89: {  	s3 =	sld [smem:$0x3FFE];
	_ =	sdelay $0x1  }
0x8a: {  	s1 =	srdreg.scid  }
0x8b: {  	s0 =	sand.u32 $0x1, s1  }
0x8c: {  	s17 =	sshll.u32 s0, $0xA;
	s2 =	sadd.s32 s3, s2  }
0x8d: {  	s2 =	sadd.s32 s2, s17  }
0x8e: {  	[smem:$0x3FC2] =	sst s2  }
0x8f: {  	_ = 	snop  }
0x90: {  	s2 =	sld [smem:$0x3FC9]  }
0x91: {  	s18 =	sld [smem:$0x3FC8]  }
0x92: {  	s4 =	sld [smem:$0x3FC5]  }
0x93: {  	s5 =	sld [smem:$0x3FD0];
	(tm) =	ssettm $0x1  }
0x94: {  	s6 =	sld [smem:$0x3FFB];
	_ =	sdelay $0x3  }
0x95: {  	_ =	strace s6  }
0x96: {  	s6 =	sld [smem:$0x3FFC];
	_ =	sdelay $0x3  }
0x97: {  	_ =	strace s6  }
0x98: {  	s6 =	sld [smem:$0x3FFD];
	_ =	sdelay $0x3  }
0x99: {  	_ =	strace s6  }
0x9a: {  	_ =	strace $0x8FFFFFFF  }
0x9b: {  	s19 =	sld [smem:$0x3FDB];
	_ =	sdelay $0x1  }
0x9c: {  	s7 =	simm.s32 $_scs_section_size  }
0x9d: {  	s8 =	simm.s32 $_size__tile_overlayer_lowered;
	s9 =	simm.s32 $_tile_overlayer_lowered  }
0x9e: {  	s22 =	simm.s32 $0x1BFF;
	s21 =	sshll.u32 s9, $0x1;
	s6 =	sadd.s32 s7, s19  }
0x9f: {  	s10 =	simm.s32 $0x0;
	s20 =	sshll.u32 s8, $0x1;
	s8 =	sadd.s32 s21, s6  }
0xa0: {  	[timem:s10], [sflag:s22] =	dma.local [hbm:s8], s20  }
0xa1: {  	_ =	swait.ge [sflag:s22], s20  }
0xa2: {  	s7 =	ssub.s32 $0x0, s20;
	[sflag:s22] =	ssyncset.done $0x0  }
0xa3: {  	[sflag:s22] =	ssyncadd.s32 s7;
	_ =	sdelay $0x1  }
0xa4: {  	s23 =	simm.s32 $0x1B8B  }
0xa5: {  	_ =	swait.ge [sflag:s23], $0x1  }
0xa6: {  	[sflag:s23] =	ssyncset.done $0x0  }
0xa7: {  	s25 =	simm.s32 $0x1B8E;
	s24 =	sld [smem:$0x3FFE];
	[sflag:s23] =	ssyncadd.s32 $0xFFFFFFFF  }
0xa8: {  	s26 =	simm.s32 $execute0_lowered;
	[smem:$0x3FD2] =	sst s25  }
0xa9: {  	s8 =	sshll.u32 s26, $0x1;
	_ =	strace $0x80000046;
	[dreg:$0x1] =	wrdreg $0xFFFFFFFF  }
0xaa: {  	s28 =	simm.s32 $_size_execute0_lowered;
	s6 =	sadd.s32 s6, s8;
	[dreg:$0x0] =	wrdreg $0x0  }
0xab: {  	s8 =	sshll.u32 s28, $0x1;
	[dreg:$0x2] =	wrdreg s6  }
0xac: {  	[dreg:$0x3] =	wrdreg s8  }
0xad: {  	[dreg:$0x4] =	wrdreg $0xC0  }
0xae: {  	_ =	task [dreg:s10], $0x5FFFF  }
0xaf: {  	[dreg:$0x1] =	wrdreg $0xFFFFFFFF  }
0xb0: {  	[dreg:$0x0] =	wrdreg $0x60  }
0xb1: {  	[dreg:$0x2] =	wrdreg s2  }
0xb2: {  	[dreg:$0x3] =	wrdreg s18  }
0xb3: {  	[dreg:$0x4] =	wrdreg s24  }
0xb4: {  	[dreg:$0x5] =	wrdreg s4  }
0xb5: {  	[dreg:$0x6] =	wrdreg s5  }
0xb6: {  	[dreg:$0x7] =	wrdreg $0x9  }
0xb7: {  	_ =	task.clear_ibuf [dreg:s10], $0x8FFFF;
	_ =	strace $0x90000046  }
0xb8: {  	s29 =	simm.s32 $0x9;
	_ =	strace $0x80000048  }
0xb9: {  	_ =	swait.ge [sflag:s29], $0x1  }
0xba: {  	[sflag:s29] =	ssyncadd.s32 $0xFFFFFFFF  }
0xbb: {  	_ =	strace $0x90000048  }
0xbc: {  	_ =	sfence  }
0xbd: {  	s30 =	sld [smem:$0x0];
	_ =	sdelay $0x2  }
0xbe: {  	s31 =	sshll.u32 s1, $0xD;
	s1 =	sshrl.u32 s1, $0x2  }
0xbf: {  	s3 =	sand.u32 $0x4000, s31;
	s1 =	sadd.s32 s1, s30  }
0xc0: {  	s0 =	sor.u32 s3, s0;
	s1 =	sshll.u32 s1, $0x11  }
0xc1: {  	s0 =	sor.u32 s1, s0  }
0xc2: {  	s0 =	sadd.s32 $0x8F2B, s0  }
0xc3: {  	[sflag:s0] =	ssyncadd.remote.s32 $0x1  }
0xc4: {  	_ =	sfence.sel $0xFFFF  }
0xc5: {  	[dreg:$0x0] =	wrdreg $0xFFFFFFFF;
	(pc) =	sbr.abs _section_cstart, $3  }
0xc6: {  	[dreg:$0x1] =	wrdreg $0xFFFFFFFF  }
0xc7: {  	_ =	task.clear_ibuf [dreg:s10], $0x2FFFF;
	_ =	strace $0x9FFFFFFF  }
0xc8: {  	(tm) =	ssettm $0x7FFFFFFF  }
0xc9: {  	_ =	shalt  }
tec
execute0_lowered:
.L_overlay_start_1:
0x0: {  	(tag) =	ssettag $0x1  }
0x1: {  	s0 =	rddreg [dreg:$0x0]  }
0x2: {  	s1 =	rddreg [dreg:$0x1]  }
0x3: {  	s5 =	rddreg [dreg:$0x2]  }
0x4: {  	s6 =	rddreg [dreg:$0x4];
	s2 =	simm.s32 $0x0  }
0x5: {  	s3 =	simm.s32 $0x4400;
	[smem:$0x7FF] =	sst s2  }
0x6: {  	s4 =	simm.s32 $0xC400;
	_ =	strace $0x80000047;
	[dreg:$0x6] =	wrdreg s3  }
0x7: {  	s7 =	simm.s32 $0x4800;
	[dreg:$0x7] =	wrdreg s4  }
0x8: {  	s12 =	simm.s32 $0xC800;
	[dreg:$0x8] =	wrdreg s7  }
0x9: {  	s13 =	simm.s32 $0x4C00;
	[dreg:$0x9] =	wrdreg s12  }
0xa: {  	s15 =	simm.s32 $0xCC00;
	[dreg:$0xa] =	wrdreg s13  }
0xb: {  	s16 =	simm.s32 $0x5000;
	[dreg:$0xb] =	wrdreg s15  }
0xc: {  	s17 =	simm.s32 $0xD000;
	[dreg:$0xc] =	wrdreg s16  }
0xd: {  	s18 =	simm.s32 $0x5400;
	[dreg:$0xd] =	wrdreg s17  }
0xe: {  	s19 =	simm.s32 $0xD400;
	[dreg:$0xe] =	wrdreg s18  }
0xf: {  	s14 =	srdreg.scid;
	s20 =	simm.s32 $0x5800;
	[dreg:$0xf] =	wrdreg s19  }
0x10: {  	s10 =	stileid.u32;
	s22 =	simm.s32 $0xD800;
	[dreg:$0x10] =	wrdreg s20  }
0x11: {  	s23 =	simm.s32 $0x5C00;
	s24 =	simm.s32 $0xDC00;
	[dreg:$0x11] =	wrdreg s22  }
0x12: {  	s25 =	simm.s32 $0x6000;
	s26 =	simm.s32 $0xE000;
	[dreg:$0x12] =	wrdreg s23  }
0x13: {  	s11 =	simm.s32 $0x6C00;
	s28 =	simm.s32 $0xA800;
	[dreg:$0x13] =	wrdreg s24  }
0x14: {  	s29 =	simm.s32 $0x2C00;
	s30 =	simm.s32 $0xAC00;
	[dreg:$0x14] =	wrdreg s25  }
0x15: {  	s21 =	sshll.u32 s10, $0x7;
	s10 =	simm.s32 $0xE800;
	[dreg:$0x15] =	wrdreg s26  }
0x16: {  	s31 =	simm.s32 $0x3000;
	s3 =	sadd.s32 $0x400, s5;
	[dreg:$0x19] =	wrdreg s10  }
0x17: {  	s4 =	sadd.s32 $0xF42800, s5;
	s5 =	sadd.s32 $0x1E84C00, s5;
	[dreg:$0x1a] =	wrdreg s11  }
0x18: {  	s7 =	sand.u32 $0x1, s14;
	s12 =	simm.s32 $0xEC00;
	[smem:$0x7F3] =	sst s5  }
0x19: {  	s22 =	simm.s32 $0x3;
	s13 =	simm.s32 $0x7000;
	[dreg:$0x1b] =	wrdreg s12  }
0x1a: {  	s24 =	simm.s32 $0x400;
	s14 =	simm.s32 $0xF000;
	[dreg:$0x1c] =	wrdreg s13  }
0x1b: {  	s25 =	simm.s32 $0x8400;
	s15 =	simm.s32 $0x7400;
	[dreg:$0x1d] =	wrdreg s14  }
0x1c: {  	s26 =	simm.s32 $0x800;
	s16 =	simm.s32 $0xF400;
	[dreg:$0x1e] =	wrdreg s15  }
0x1d: {  	s17 =	simm.s32 $0x7800;
	s18 =	simm.s32 $0xF800;
	[dreg:$0x1f] =	wrdreg s16  }
0x1e: {  	s19 =	simm.s32 $0x7C00;
	s20 =	simm.s32 $0xFC00;
	[smem:$0x7F8] =	sst s17  }
0x1f: {  	s23 =	simm.s32 $0x10000;
	s10 =	simm.s32 $0x9C00;
	[smem:$0x7F9] =	sst s18  }
0x20: {  	s11 =	simm.s32 $0x2000;
	s8 =	ssub.s32 $0x2, s7;
	[smem:$0x7FA] =	sst s19  }
0x21: {  	s7 =	sshll.u32 s7, $0x6;
	s12 =	simm.s32 $0x8C00;
	[smem:$0x7FB] =	sst s20  }
0x22: {  	s13 =	simm.s32 $0x1000;
	s14 =	simm.s32 $0x9000;
	[smem:$0x7FD] =	sst s23  }
0x23: {  	s15 =	simm.s32 $0xA000;
	s16 =	simm.s32 $0x2400;
	s17 =	simm.s32 $0xA400  }
0x24: {  	s18 =	simm.s32 $0x2800;
	s7 =	sor.u32 s7, s21;
	s21 =	simm.s32 $0x8000  }
0x25: {  	s19 =	simm.s32 $0x1;
	s0 =	sadd.s32 s0, s7;
	[smem:$0x7FC] =	sst s21  }
0x26: {  	s20 =	simm.s32 $0x2;
	s1 =	sadd.s32 s1, s7;
	[smem:$0x7F4] =	sst s0  }
0x27: {  	s23 =	simm.s32 $0x0;
	s5 =	sadd.s32 s6, s7;
	[smem:$0x7F5] =	sst s1  }
0x28: {  	s9 =	sshrl.u32 s8, $0x1;
	s6 =	simm.s32 $0x6400;
	[smem:$0x7F6] =	sst s5  }
0x29: {  	vm0 =	vmmov $0x1;
	vm1 =	vmmov $0x3;
	vm2 =	vmmov $0x7;
	s8 =	ssub.s32 s8, s9;
	s9 =	simm.s32 $0x6800;
	[dreg:$0x16] =	wrdreg s6  }
0x2a: {  	vm3 =	vmmov $0xf;
	vm4 =	vmmov $0x1f;
	vm5 =	vmmov $0x3f;
	s7 =	smax.u32 s8, $0x1;
	s8 =	simm.s32 $0xE400;
	[dreg:$0x18] =	wrdreg s9  }
0x2b: {  	vm6 =	vmmov $0x7f;
	vm7 =	vmmov $0xff;
	vm8 =	vmmov $0x1ff;
	s6 =	simm.s32 $0x8800;
	s1 =	simm.s32 $0xC00;
	s5 =	simm.s32 $0x1400  }
0x2c: {  	vm9 =	vmmov $0x3ff;
	vm10 =	vmmov $0x7ff;
	vm11 =	vmmov $0xfff;
	s0 =	simm.s32 $0x1800;
	s9 =	simm.s32 $0x1C00;
	[smem:$0x7F7] =	sst s7  }
0x2d: {  	vm12 =	vmmov $0x1fff;
	vm13 =	vmmov $0x3fff;
	vm14 =	vmmov $0x7fff;
	[dreg:$0x17] =	wrdreg s8;
	s7 =	simm.s32 $0x9400;
	s8 =	simm.s32 $0x9800  }
.LBB2_1:
0x2e: {  	s21 =	sld [smem:$0x7F4];
	_ =	sdelay $0x1  }
0x2f: {  	[smem:$0x7F2] =	sst s23  }
0x30: {  	[tilespmem:s2], [sflag:$0x3] =	stream.linear.gather [hbm4b:s21+s2], $0x200, $0x38;
	[tilespmem:$0x10700] =	vst v63  }
0x31: {  	_ =	swait.ge [sflag:s22], $0x200  }
0x32: {  	s21 =	sld [smem:$0x7F5]  }
0x33: {  	[sflag:s22] =	ssyncset.done $0x0  }
0x34: {  	s23 =	simm.s32 $0x200;
	[sflag:s22] =	ssyncadd.s32 $0xFFFFFE00  }
0x35: {  	[tilespmem:s23], [sflag:$0x3] =	stream.linear.gather [hbm4b:s21+s2], $0x200, $0x38;
	[tilespmem:$0x10700] =	vst v63  }
0x36: {  	_ =	swait.ge [sflag:s22], $0x200  }
0x37: {  	[sflag:s22] =	ssyncset.done $0x0  }
0x38: {  	[sflag:s22] =	ssyncadd.s32 $0xFFFFFE00  }
0x39: {  	s23 =	simm.s32 $0x10400;
	s21 =	rddreg [dreg:$0x3]  }
0x3a: {  	[tilespmem:s23], [sflag:$0x3] =	stream.linear.gather [hbm4b:s21+s2], $0x80, $0x38;
	[tilespmem:$0x10700] =	vst v63  }
0x3b: {  	_ =	swait.ge [sflag:s22], $0x80  }
0x3c: {  	s21 =	sld [smem:$0x7F3]  }
0x3d: {  	[sflag:s22] =	ssyncset.done $0x0  }
0x3e: {  	s23 =	simm.s32 $0x10480;
	[sflag:s22] =	ssyncadd.s32 $0xFFFFFF80  }
0x3f: {  	[tilespmem:s23], [sflag:$0x3] =	stream.linear.gather [hbm4b:s21+s2], $0x80, $0x38;
	[tilespmem:$0x10700] =	vst v63  }
0x40: {  	_ =	swait.ge [sflag:s22], $0x80  }
0x41: {  	[sflag:s22] =	ssyncset.done $0x0  }
0x42: {  	[sflag:s22] =	ssyncadd.s32 $0xFFFFFF80  }
0x43: {  	v0 =	vld [tilespmem:$0x0];
	_ =	sdelay $0x3  }
0x44: {  	v1 =	vld [tilespmem:$0x200]  }
0x45: {  	v0 =	vshrl.u32 v0, $0x3  }
0x46: {  	v6 =	vshll.u32 v0, $0x7  }
0x47: {  	(v2sf) =	vpush v6, $0x0;
	_ =	sdelay $0x1  }
0x48: {  	v0 =	vshrl.u32 v1, $0x3  }
0x49: {  	v5 =	vshll.u32 v0, $0x7  }
0x4a: {  	(v2sf) =	vpush v5, $0x0;
	_ =	sdelay $0x5  }
0x4b: {  	(v2sf) =	vpush v6, $0x1  }
0x4c: {  	(v2sf) =	vpush v5, $0x1;
	_ =	sdelay $0x2  }
0x4d: {  	v2 =	vld [tilespmem:$0x10420]  }
0x4e: {  	v3 =	vld [tilespmem:$0x10430];
	s23 =	spop (v2sf)  }
0x4f: {  	v4 =	vld [tilespmem:$0x10480];
	s21 =	sand.u32 $0x1FFFFF80, s23  }
0x50: {  	v1 =	vld [tilespmem:$0x10410];
	(v2sf) =	vpush v6, $0x2;
	s21 =	sadd.s32 s3, s21  }
0x51: {  	v0 =	vld [tilespmem:$0x10400];
	[tilespmem:s24], [sflag:$0x1] =	stream.linear.gather [hbm4b:s21+s2], $0x400, $0x38  }
0x52: {  	s24 =	spop (v2sf);
	(v2sf) =	vpush v5, $0x2;
	_ =	sdelay $0x5  }
0x53: {  	s22 =	spop (v2sf);
	(v2sf) =	vpush v6, $0x3  }
0x54: {  	s23 =	spop (v2sf);
	(v2sf) =	vpush v5, $0x3;
	_ =	sdelay $0x1  }
0x55: {  	s21 =	sand.u32 $0x1FFFFF80, s24  }
0x56: {  	s21 =	sadd.s32 s4, s21  }
0x57: {  	[tilespmem:s25], [sflag:$0x2] =	stream.linear.gather [hbm4b:s21+s2], $0x400, $0x38;
	[tilespmem:$0x10700] =	vst v63  }
0x58: {  	s21 =	sand.u32 $0x1FFFFF80, s22  }
0x59: {  	s21 =	sadd.s32 s3, s21;
	s24 =	spop (v2sf);
	(v2sf) =	vpush v6, $0x4  }
0x5a: {  	[tilespmem:s26], [sflag:$0x1] =	stream.linear.gather [hbm4b:s21+s2], $0x400, $0x38;
	[tilespmem:$0x10700] =	vst v63  }
0x5b: {  	s21 =	sand.u32 $0x1FFFFF80, s23;
	s25 =	spop (v2sf);
	(v2sf) =	vpush v5, $0x4  }
0x5c: {  	s21 =	sadd.s32 s4, s21  }
0x5d: {  	[tilespmem:s6], [sflag:$0x2] =	stream.linear.gather [hbm4b:s21+s2], $0x400, $0x38;
	[tilespmem:$0x10700] =	vst v63  }
0x5e: {  	s21 =	sand.u32 $0x1FFFFF80, s24  }
0x5f: {  	s21 =	sadd.s32 s3, s21  }
0x60: {  	[tilespmem:s1], [sflag:$0x1] =	stream.linear.gather [hbm4b:s21+s2], $0x400, $0x38;
	[tilespmem:$0x10700] =	vst v63  }
0x61: {  	s26 =	spop (v2sf);
	(v2sf) =	vpush v6, $0x5  }
0x62: {  	s1 =	spop (v2sf);
	(v2sf) =	vpush v5, $0x5;
	_ =	sdelay $0x4  }
0x63: {  	s21 =	sand.u32 $0x1FFFFF80, s25  }
0x64: {  	s21 =	sadd.s32 s4, s21;
	s6 =	spop (v2sf);
	(v2sf) =	vpush v6, $0x6  }
0x65: {  	[tilespmem:s12], [sflag:$0x2] =	stream.linear.gather [hbm4b:s21+s2], $0x400, $0x38;
	[tilespmem:$0x10700] =	vst v63  }
0x66: {  	s21 =	sand.u32 $0x1FFFFF80, s26;
	s12 =	spop (v2sf);
	(v2sf) =	vpush v5, $0x6  }
0x67: {  	s21 =	sadd.s32 s3, s21  }
0x68: {  	[tilespmem:s13], [sflag:$0x1] =	stream.linear.gather [hbm4b:s21+s2], $0x400, $0x38;
	[tilespmem:$0x10700] =	vst v63  }
0x69: {  	s21 =	sand.u32 $0x1FFFFF80, s1  }
0x6a: {  	s21 =	sadd.s32 s4, s21  }
0x6b: {  	[tilespmem:s14], [sflag:$0x2] =	stream.linear.gather [hbm4b:s21+s2], $0x400, $0x38;
	[tilespmem:$0x10700] =	vst v63  }
0x6c: {  	s13 =	spop (v2sf);
	(v2sf) =	vpush v6, $0x7  }
0x6d: {  	s14 =	spop (v2sf);
	(v2sf) =	vpush v5, $0x7;
	_ =	sdelay $0x4  }
0x6e: {  	s21 =	sand.u32 $0x1FFFFF80, s6  }
0x6f: {  	s21 =	sadd.s32 s3, s21;
	s22 =	spop (v2sf);
	(v2sf) =	vpush v6, $0x8  }
0x70: {  	[tilespmem:s5], [sflag:$0x1] =	stream.linear.gather [hbm4b:s21+s2], $0x400, $0x38;
	[tilespmem:$0x10700] =	vst v63  }
0x71: {  	s21 =	sand.u32 $0x1FFFFF80, s12;
	s23 =	spop (v2sf);
	(v2sf) =	vpush v5, $0x8  }
0x72: {  	s21 =	sadd.s32 s4, s21  }
0x73: {  	[tilespmem:s7], [sflag:$0x2] =	stream.linear.gather [hbm4b:s21+s2], $0x400, $0x38;
	[tilespmem:$0x10700] =	vst v63  }
0x74: {  	s21 =	sand.u32 $0x1FFFFF80, s13  }
0x75: {  	s21 =	sadd.s32 s3, s21  }
0x76: {  	[tilespmem:s0], [sflag:$0x1] =	stream.linear.gather [hbm4b:s21+s2], $0x400, $0x38;
	[tilespmem:$0x10700] =	vst v63  }
0x77: {  	s21 =	sand.u32 $0x1FFFFF80, s14;
	s24 =	spop (v2sf);
	(v2sf) =	vpush v6, $0x9  }
0x78: {  	s21 =	sadd.s32 s4, s21;
	s25 =	spop (v2sf);
	(v2sf) =	vpush v5, $0x9  }
0x79: {  	[tilespmem:s8], [sflag:$0x2] =	stream.linear.gather [hbm4b:s21+s2], $0x400, $0x38;
	[tilespmem:$0x10700] =	vst v63  }
0x7a: {  	s21 =	sand.u32 $0x1FFFFF80, s22  }
0x7b: {  	s21 =	sadd.s32 s3, s21  }
0x7c: {  	[tilespmem:s9], [sflag:$0x1] =	stream.linear.gather [hbm4b:s21+s2], $0x400, $0x38;
	[tilespmem:$0x10700] =	vst v63  }
0x7d: {  	s21 =	sand.u32 $0x1FFFFF80, s23  }
0x7e: {  	s21 =	sadd.s32 s4, s21;
	s26 =	spop (v2sf);
	(v2sf) =	vpush v6, $0xA  }
0x7f: {  	[tilespmem:s10], [sflag:$0x2] =	stream.linear.gather [hbm4b:s21+s2], $0x400, $0x38;
	[tilespmem:$0x10700] =	vst v63  }
0x80: {  	s21 =	sand.u32 $0x1FFFFF80, s24;
	s0 =	spop (v2sf);
	(v2sf) =	vpush v5, $0xA  }
0x81: {  	s21 =	sadd.s32 s3, s21  }
0x82: {  	[tilespmem:s11], [sflag:$0x1] =	stream.linear.gather [hbm4b:s21+s2], $0x400, $0x38;
	[tilespmem:$0x10700] =	vst v63  }
0x83: {  	s21 =	sand.u32 $0x1FFFFF80, s25  }
0x84: {  	s21 =	sadd.s32 s4, s21  }
0x85: {  	[tilespmem:s15], [sflag:$0x2] =	stream.linear.gather [hbm4b:s21+s2], $0x400, $0x38;
	[tilespmem:$0x10700] =	vst v63  }
0x86: {  	s21 =	sand.u32 $0x1FFFFF80, s26;
	s1 =	spop (v2sf);
	(v2sf) =	vpush v6, $0xB  }
0x87: {  	s21 =	sadd.s32 s3, s21;
	s5 =	spop (v2sf);
	(v2sf) =	vpush v5, $0xB  }
0x88: {  	[tilespmem:s16], [sflag:$0x1] =	stream.linear.gather [hbm4b:s21+s2], $0x400, $0x38;
	[tilespmem:$0x10700] =	vst v63  }
0x89: {  	s21 =	sand.u32 $0x1FFFFF80, s0  }
0x8a: {  	s21 =	sadd.s32 s4, s21  }
0x8b: {  	[tilespmem:s17], [sflag:$0x2] =	stream.linear.gather [hbm4b:s21+s2], $0x400, $0x38;
	[tilespmem:$0x10700] =	vst v63  }
0x8c: {  	s21 =	sand.u32 $0x1FFFFF80, s1  }
0x8d: {  	s21 =	sadd.s32 s3, s21;
	s6 =	spop (v2sf);
	(v2sf) =	vpush v6, $0xC  }
0x8e: {  	[tilespmem:s18], [sflag:$0x1] =	stream.linear.gather [hbm4b:s21+s2], $0x400, $0x38;
	[tilespmem:$0x10700] =	vst v63  }
0x8f: {  	s21 =	sand.u32 $0x1FFFFF80, s5;
	s7 =	spop (v2sf);
	(v2sf) =	vpush v5, $0xC  }
0x90: {  	s21 =	sadd.s32 s4, s21  }
0x91: {  	[tilespmem:s28], [sflag:$0x2] =	stream.linear.gather [hbm4b:s21+s2], $0x400, $0x38;
	[tilespmem:$0x10700] =	vst v63  }
0x92: {  	s21 =	sand.u32 $0x1FFFFF80, s6;
	(v2sf) =	vpush v6, $0xD  }
0x93: {  	s21 =	sadd.s32 s3, s21  }
0x94: {  	[tilespmem:s29], [sflag:$0x1] =	stream.linear.gather [hbm4b:s21+s2], $0x400, $0x38;
	[tilespmem:$0x10700] =	vst v63  }
0x95: {  	s21 =	sand.u32 $0x1FFFFF80, s7;
	s8 =	spop (v2sf);
	(v2sf) =	vpush v5, $0xD  }
0x96: {  	s21 =	sadd.s32 s4, s21;
	s9 =	spop (v2sf);
	(v2sf) =	vpush v6, $0xE  }
0x97: {  	[tilespmem:s30], [sflag:$0x2] =	stream.linear.gather [hbm4b:s21+s2], $0x400, $0x38;
	[tilespmem:$0x10700] =	vst v63  }
0x98: {  	s21 =	sand.u32 $0x1FFFFF80, s8  }
0x99: {  	s21 =	sadd.s32 s3, s21  }
0x9a: {  	[tilespmem:s31], [sflag:$0x1] =	stream.linear.gather [hbm4b:s21+s2], $0x400, $0x38;
	[tilespmem:$0x10700] =	vst v63  }
0x9b: {  	s21 =	sand.u32 $0x1FFFFF80, s9  }
0x9c: {  	s10 =	simm.s32 $0xB000;
	s21 =	sadd.s32 s4, s21;
	s11 =	spop (v2sf);
	(v2sf) =	vpush v5, $0xE  }
0x9d: {  	[tilespmem:s10], [sflag:$0x2] =	stream.linear.gather [hbm4b:s21+s2], $0x400, $0x38;
	[tilespmem:$0x10700] =	vst v63  }
0x9e: {  	s21 =	sand.u32 $0x1FFFFF80, s11;
	s12 =	spop (v2sf);
	(v2sf) =	vpush v6, $0xF  }
0x9f: {  	s11 =	simm.s32 $0x3400;
	s21 =	sadd.s32 s3, s21  }
0xa0: {  	[tilespmem:s11], [sflag:$0x1] =	stream.linear.gather [hbm4b:s21+s2], $0x400, $0x38;
	[tilespmem:$0x10700] =	vst v63  }
0xa1: {  	s21 =	sand.u32 $0x1FFFFF80, s12;
	s13 =	spop (v2sf);
	(v2sf) =	vpush v5, $0xF  }
0xa2: {  	s22 =	simm.s32 $0x210;
	s16 =	simm.s32 $0xB400;
	s21 =	sadd.s32 s4, s21  }
0xa3: {  	[tilespmem:s16], [sflag:$0x2] =	stream.linear.gather [hbm4b:s21+s2], $0x400, $0x38;
	[tilespmem:$0x10700] =	vst v63  }
0xa4: {  	s18 =	simm.s32 $0x3800;
	s14 =	spop (v2sf);
	s21 =	sand.u32 $0x1FFFFF80, s13  }
0xa5: {  	s15 =	sand.u32 $0x1FFFFF80, s14;
	s17 =	spop (v2sf);
	s21 =	sadd.s32 s3, s21  }
0xa6: {  	[tilespmem:s18], [sflag:$0x1] =	stream.linear.gather [hbm4b:s21+s2], $0x400, $0x38;
	[tilespmem:$0x10700] =	vst v63  }
0xa7: {  	s8 =	simm.s32 $0xB800;
	s23 =	sand.u32 $0x1FFFFF80, s17;
	s21 =	sadd.s32 s4, s15  }
0xa8: {  	[tilespmem:s8], [sflag:$0x2] =	stream.linear.gather [hbm4b:s21+s2], $0x400, $0x38;
	[tilespmem:$0x10700] =	vst v63  }
0xa9: {  	s0 =	simm.s32 $0x2C00;
	s10 =	simm.s32 $0x3C00;
	s21 =	sadd.s32 s3, s23  }
0xaa: {  	[tilespmem:s10], [sflag:$0x1] =	stream.linear.gather [hbm4b:s21+s2], $0x400, $0x38;
	[tilespmem:$0x10700] =	vst v63  }
0xab: {  	s1 =	simm.s32 $0xC00;
	s5 =	simm.s32 $0x1400;
	s24 =	spop (v2sf)  }
0xac: {  	s6 =	simm.s32 $0x8800;
	s7 =	simm.s32 $0x9400;
	s25 =	sand.u32 $0x1FFFFF80, s24  }
0xad: {  	s15 =	simm.s32 $0xBC00;
	s21 =	sadd.s32 s4, s25;
	s26 =	spop (v2sf)  }
0xae: {  	[tilespmem:s15], [sflag:$0x2] =	stream.linear.gather [hbm4b:s21+s2], $0x400, $0x38;
	[tilespmem:$0x10700] =	vst v63  }
0xaf: {  	s30 =	simm.s32 $0xC000;
	s9 =	simm.s32 $0x3000;
	s28 =	sand.u32 $0x1FFFFF80, s26  }
0xb0: {  	s17 =	simm.s32 $0x4000;
	s29 =	spop (v2sf);
	s21 =	sadd.s32 s3, s28  }
0xb1: {  	[tilespmem:s17], [sflag:$0x1] =	stream.linear.gather [hbm4b:s21+s2], $0x400, $0x38;
	[tilespmem:$0x10700] =	vst v63  }
0xb2: {  	s31 =	simm.s32 $0xA800;
	s12 =	simm.s32 $0x8C00;
	s21 =	sand.u32 $0x1FFFFF80, s29  }
0xb3: {  	s13 =	simm.s32 $0x1000;
	s14 =	simm.s32 $0x9000;
	s21 =	sadd.s32 s4, s21  }
0xb4: {  	[tilespmem:s30], [sflag:$0x2] =	stream.linear.gather [hbm4b:s21+s2], $0x400, $0x38;
	[tilespmem:$0x10700] =	vst v63  }
0xb5: {  	[tilespmem:$0x1FFF0] =	vst v4;
	s23 =	simm.s32 $0x10;
	s24 =	simm.s32 $0x10510;
	s21 =	simm.s32 $0x20  }
.LBB2_2:
0xb6: {  	v5 =	vld [tilespmem:s23+$0x0];
	_ =	sdelay $0x1  }
0xb7: {  	v7 =	vld [tilespmem:s22+$0x0];
	_ =	sdelay $0x2  }
0xb8: {  	v5 =	vshrl.u32 v5, $0x3  }
0xb9: {  	v6 =	vshll.u32 v5, $0x7  }
0xba: {  	v5 =	vshrl.u32 v7, $0x3;
	(v2sf) =	vpush v6, $0x0  }
0xbb: {  	v5 =	vshll.u32 v5, $0x7  }
0xbc: {  	(v2sf) =	vpush v5, $0x0;
	_ =	sdelay $0x4  }
0xbd: {  	(v2sf) =	vpush v6, $0x1;
	_ =	sdelay $0x2  }
0xbe: {  	(v2sf) =	vpush v5, $0x1;
	_ =	sdelay $0x4  }
0xbf: {  	s25 =	spop (v2sf);
	(v2sf) =	vpush v6, $0x2;
	_ =	sdelay $0x1  }
0xc0: {  	s28 =	spop (v2sf);
	(v2sf) =	vpush v5, $0x2;
	_ =	sdelay $0x1  }
0xc1: {  	s25 =	sand.u32 $0x1FFFFF80, s25  }
0xc2: {  	s26 =	rddreg [dreg:$0x6];
	s25 =	sadd.s32 s3, s25  }
0xc3: {  	[tilespmem:s26], [sflag:$0x1] =	stream.linear.gather [hbm4b:s25+s2], $0x400, $0x38;
	[tilespmem:$0x10700] =	vst v63  }
0xc4: {  	s25 =	sand.u32 $0x1FFFFF80, s28;
	s28 =	spop (v2sf);
	(v2sf) =	vpush v6, $0x3  }
0xc5: {  	s29 =	rddreg [dreg:$0x7];
	s25 =	sadd.s32 s4, s25  }
0xc6: {  	[tilespmem:s29], [sflag:$0x2] =	stream.linear.gather [hbm4b:s25+s2], $0x400, $0x38;
	[tilespmem:$0x10700] =	vst v63  }
0xc7: {  	s25 =	sand.u32 $0x1FFFFF80, s28;
	s28 =	spop (v2sf);
	(v2sf) =	vpush v5, $0x3;
	_ =	sdelay $0x1  }
0xc8: {  	s29 =	rddreg [dreg:$0x8];
	s25 =	sadd.s32 s3, s25  }
0xc9: {  	[tilespmem:s29], [sflag:$0x1] =	stream.linear.gather [hbm4b:s25+s2], $0x400, $0x38;
	[tilespmem:$0x10700] =	vst v63  }
0xca: {  	s25 =	sand.u32 $0x1FFFFF80, s28  }
0xcb: {  	s29 =	rddreg [dreg:$0x9];
	s25 =	sadd.s32 s4, s25;
	s28 =	spop (v2sf);
	(v2sf) =	vpush v6, $0x4  }
0xcc: {  	[tilespmem:s29], [sflag:$0x2] =	stream.linear.gather [hbm4b:s25+s2], $0x400, $0x38;
	[tilespmem:$0x10700] =	vst v63  }
0xcd: {  	s25 =	sand.u32 $0x1FFFFF80, s28;
	s28 =	spop (v2sf);
	(v2sf) =	vpush v5, $0x4;
	_ =	sdelay $0x2  }
0xce: {  	s29 =	rddreg [dreg:$0xa];
	s25 =	sadd.s32 s3, s25  }
0xcf: {  	[tilespmem:s29], [sflag:$0x1] =	stream.linear.gather [hbm4b:s25+s2], $0x400, $0x38;
	[tilespmem:$0x10700] =	vst v63  }
0xd0: {  	s25 =	sand.u32 $0x1FFFFF80, s28;
	s28 =	spop (v2sf);
	(v2sf) =	vpush v6, $0x5  }
0xd1: {  	s29 =	rddreg [dreg:$0xb];
	s25 =	sadd.s32 s4, s25  }
0xd2: {  	[tilespmem:s29], [sflag:$0x2] =	stream.linear.gather [hbm4b:s25+s2], $0x400, $0x38;
	[tilespmem:$0x10700] =	vst v63  }
0xd3: {  	s25 =	sand.u32 $0x1FFFFF80, s28;
	s28 =	spop (v2sf);
	(v2sf) =	vpush v5, $0x5;
	_ =	sdelay $0x1  }
0xd4: {  	s29 =	rddreg [dreg:$0xc];
	s25 =	sadd.s32 s3, s25  }
0xd5: {  	[tilespmem:s29], [sflag:$0x1] =	stream.linear.gather [hbm4b:s25+s2], $0x400, $0x38;
	[tilespmem:$0x10700] =	vst v63  }
0xd6: {  	s25 =	sand.u32 $0x1FFFFF80, s28  }
0xd7: {  	s29 =	rddreg [dreg:$0xd];
	s25 =	sadd.s32 s4, s25;
	s28 =	spop (v2sf);
	(v2sf) =	vpush v6, $0x6  }
0xd8: {  	[tilespmem:s29], [sflag:$0x2] =	stream.linear.gather [hbm4b:s25+s2], $0x400, $0x38;
	[tilespmem:$0x10700] =	vst v63  }
0xd9: {  	s25 =	sand.u32 $0x1FFFFF80, s28;
	s28 =	spop (v2sf);
	(v2sf) =	vpush v5, $0x6;
	_ =	sdelay $0x2  }
0xda: {  	s29 =	rddreg [dreg:$0xe];
	s25 =	sadd.s32 s3, s25  }
0xdb: {  	[tilespmem:s29], [sflag:$0x1] =	stream.linear.gather [hbm4b:s25+s2], $0x400, $0x38;
	[tilespmem:$0x10700] =	vst v63  }
0xdc: {  	s25 =	sand.u32 $0x1FFFFF80, s28;
	s28 =	spop (v2sf);
	(v2sf) =	vpush v6, $0x7  }
0xdd: {  	s29 =	rddreg [dreg:$0xf];
	s25 =	sadd.s32 s4, s25  }
0xde: {  	[tilespmem:s29], [sflag:$0x2] =	stream.linear.gather [hbm4b:s25+s2], $0x400, $0x38;
	[tilespmem:$0x10700] =	vst v63  }
0xdf: {  	s25 =	sand.u32 $0x1FFFFF80, s28;
	s28 =	spop (v2sf);
	(v2sf) =	vpush v5, $0x7;
	_ =	sdelay $0x1  }
0xe0: {  	s29 =	rddreg [dreg:$0x10];
	s25 =	sadd.s32 s3, s25  }
0xe1: {  	[tilespmem:s29], [sflag:$0x1] =	stream.linear.gather [hbm4b:s25+s2], $0x400, $0x38;
	[tilespmem:$0x10700] =	vst v63  }
0xe2: {  	s25 =	sand.u32 $0x1FFFFF80, s28  }
0xe3: {  	s29 =	rddreg [dreg:$0x11];
	s25 =	sadd.s32 s4, s25;
	s28 =	spop (v2sf);
	(v2sf) =	vpush v6, $0x8  }
0xe4: {  	[tilespmem:s29], [sflag:$0x2] =	stream.linear.gather [hbm4b:s25+s2], $0x400, $0x38;
	[tilespmem:$0x10700] =	vst v63  }
0xe5: {  	s25 =	sand.u32 $0x1FFFFF80, s28;
	s28 =	spop (v2sf);
	(v2sf) =	vpush v5, $0x8;
	_ =	sdelay $0x2  }
0xe6: {  	s29 =	rddreg [dreg:$0x12];
	s25 =	sadd.s32 s3, s25  }
0xe7: {  	[tilespmem:s29], [sflag:$0x1] =	stream.linear.gather [hbm4b:s25+s2], $0x400, $0x38;
	[tilespmem:$0x10700] =	vst v63  }
0xe8: {  	s25 =	sand.u32 $0x1FFFFF80, s28;
	s28 =	spop (v2sf);
	(v2sf) =	vpush v6, $0x9  }
0xe9: {  	s29 =	rddreg [dreg:$0x13];
	s25 =	sadd.s32 s4, s25  }
0xea: {  	[tilespmem:s29], [sflag:$0x2] =	stream.linear.gather [hbm4b:s25+s2], $0x400, $0x38;
	[tilespmem:$0x10700] =	vst v63  }
0xeb: {  	s25 =	sand.u32 $0x1FFFFF80, s28;
	s28 =	spop (v2sf);
	(v2sf) =	vpush v5, $0x9;
	_ =	sdelay $0x1  }
0xec: {  	s29 =	rddreg [dreg:$0x14];
	s25 =	sadd.s32 s3, s25  }
0xed: {  	[tilespmem:s29], [sflag:$0x1] =	stream.linear.gather [hbm4b:s25+s2], $0x400, $0x38;
	[tilespmem:$0x10700] =	vst v63  }
0xee: {  	s25 =	sand.u32 $0x1FFFFF80, s28  }
0xef: {  	s29 =	rddreg [dreg:$0x15];
	s25 =	sadd.s32 s4, s25;
	s28 =	spop (v2sf);
	(v2sf) =	vpush v6, $0xA  }
0xf0: {  	[tilespmem:s29], [sflag:$0x2] =	stream.linear.gather [hbm4b:s25+s2], $0x400, $0x38;
	[tilespmem:$0x10700] =	vst v63  }
0xf1: {  	s25 =	sand.u32 $0x1FFFFF80, s28;
	s28 =	spop (v2sf);
	(v2sf) =	vpush v5, $0xA;
	_ =	sdelay $0x2  }
0xf2: {  	s29 =	rddreg [dreg:$0x16];
	s25 =	sadd.s32 s3, s25  }
0xf3: {  	[tilespmem:s29], [sflag:$0x1] =	stream.linear.gather [hbm4b:s25+s2], $0x400, $0x38;
	[tilespmem:$0x10700] =	vst v63  }
0xf4: {  	s25 =	sand.u32 $0x1FFFFF80, s28;
	s28 =	spop (v2sf);
	(v2sf) =	vpush v6, $0xB  }
0xf5: {  	s29 =	rddreg [dreg:$0x17];
	s25 =	sadd.s32 s4, s25  }
0xf6: {  	[tilespmem:s29], [sflag:$0x2] =	stream.linear.gather [hbm4b:s25+s2], $0x400, $0x38;
	[tilespmem:$0x10700] =	vst v63  }
0xf7: {  	s25 =	sand.u32 $0x1FFFFF80, s28;
	s28 =	spop (v2sf);
	(v2sf) =	vpush v5, $0xB;
	_ =	sdelay $0x1  }
0xf8: {  	s29 =	rddreg [dreg:$0x18];
	s25 =	sadd.s32 s3, s25  }
0xf9: {  	[tilespmem:s29], [sflag:$0x1] =	stream.linear.gather [hbm4b:s25+s2], $0x400, $0x38;
	[tilespmem:$0x10700] =	vst v63  }
0xfa: {  	s25 =	sand.u32 $0x1FFFFF80, s28  }
0xfb: {  	s29 =	rddreg [dreg:$0x19];
	s25 =	sadd.s32 s4, s25;
	s28 =	spop (v2sf);
	(v2sf) =	vpush v6, $0xC  }
0xfc: {  	[tilespmem:s29], [sflag:$0x2] =	stream.linear.gather [hbm4b:s25+s2], $0x400, $0x38;
	[tilespmem:$0x10700] =	vst v63  }
0xfd: {  	s25 =	sand.u32 $0x1FFFFF80, s28;
	s28 =	spop (v2sf);
	(v2sf) =	vpush v5, $0xC;
	_ =	sdelay $0x1  }
0xfe: {  	s29 =	rddreg [dreg:$0x1a];
	s25 =	sadd.s32 s3, s25  }
0xff: {  	[tilespmem:s29], [sflag:$0x1] =	stream.linear.gather [hbm4b:s25+s2], $0x400, $0x38;
	[tilespmem:$0x10700] =	vst v63  }
0x100: {  	s25 =	sand.u32 $0x1FFFFF80, s28  }
0x101: {  	s29 =	rddreg [dreg:$0x1b];
	s28 =	spop (v2sf);
	(v2sf) =	vpush v6, $0xD;
	s25 =	sadd.s32 s4, s25  }
0x102: {  	[tilespmem:s29], [sflag:$0x2] =	stream.linear.gather [hbm4b:s25+s2], $0x400, $0x38;
	[tilespmem:$0x10700] =	vst v63  }
0x103: {  	s25 =	sand.u32 $0x1FFFFF80, s28  }
0x104: {  	s29 =	rddreg [dreg:$0x1c];
	s28 =	spop (v2sf);
	s25 =	sadd.s32 s3, s25  }
0x105: {  	(v2sf) =	vpush v5, $0xD;
	[tilespmem:s29], [sflag:$0x1] =	stream.linear.gather [hbm4b:s25+s2], $0x400, $0x38;
	[tilespmem:$0x10700] =	vst v63  }
0x106: {  	s25 =	sand.u32 $0x1FFFFF80, s28  }
0x107: {  	s29 =	rddreg [dreg:$0x1d];
	s25 =	sadd.s32 s4, s25  }
0x108: {  	[tilespmem:s29], [sflag:$0x2] =	stream.linear.gather [hbm4b:s25+s2], $0x400, $0x38;
	[tilespmem:$0x10700] =	vst v63  }
0x109: {  	s28 =	spop (v2sf);
	(v2sf) =	vpush v6, $0xE  }
0x10a: {  	s25 =	sand.u32 $0x1FFFFF80, s28  }
0x10b: {  	s29 =	rddreg [dreg:$0x1e];
	s28 =	spop (v2sf);
	s25 =	sadd.s32 s3, s25  }
0x10c: {  	[tilespmem:s29], [sflag:$0x1] =	stream.linear.gather [hbm4b:s25+s2], $0x400, $0x38;
	[tilespmem:$0x10700] =	vst v63  }
0x10d: {  	(v2sf) =	vpush v5, $0xE;
	s25 =	sand.u32 $0x1FFFFF80, s28  }
0x10e: {  	s29 =	rddreg [dreg:$0x1f];
	s25 =	sadd.s32 s4, s25  }
0x10f: {  	[tilespmem:s29], [sflag:$0x2] =	stream.linear.gather [hbm4b:s25+s2], $0x400, $0x38;
	[tilespmem:$0x10700] =	vst v63  }
0x110: {  	s28 =	spop (v2sf);
	s29 =	sld [smem:$0x7F8]  }
0x111: {  	(v2sf) =	vpush v6, $0xF;
	s25 =	sand.u32 $0x1FFFFF80, s28  }
0x112: {  	s25 =	sadd.s32 s3, s25  }
0x113: {  	[tilespmem:s29], [sflag:$0x1] =	stream.linear.gather [hbm4b:s25+s2], $0x400, $0x38;
	[tilespmem:$0x10700] =	vst v63  }
0x114: {  	s28 =	spop (v2sf);
	s29 =	sld [smem:$0x7F9]  }
0x115: {  	(v2sf) =	vpush v5, $0xF;
	s25 =	sand.u32 $0x1FFFFF80, s28  }
0x116: {  	s25 =	sadd.s32 s4, s25  }
0x117: {  	[tilespmem:s29], [sflag:$0x2] =	stream.linear.gather [hbm4b:s25+s2], $0x400, $0x38;
	[tilespmem:$0x10700] =	vst v63  }
0x118: {  	s29 =	sld [smem:$0x7FA];
	s28 =	spop (v2sf)  }
0x119: {  	s25 =	sand.u32 $0x1FFFFF80, s28  }
0x11a: {  	s25 =	sadd.s32 s3, s25  }
0x11b: {  	[tilespmem:s29], [sflag:$0x1] =	stream.linear.gather [hbm4b:s25+s2], $0x400, $0x38;
	[tilespmem:$0x10700] =	vst v63  }
0x11c: {  	s28 =	spop (v2sf);
	s29 =	sld [smem:$0x7FB]  }
0x11d: {  	s25 =	sand.u32 $0x1FFFFF80, s28  }
0x11e: {  	s25 =	sadd.s32 s4, s25  }
0x11f: {  	[tilespmem:s29], [sflag:$0x2] =	stream.linear.gather [hbm4b:s25+s2], $0x400, $0x38;
	[tilespmem:$0x10700] =	vst v63  }
0x120: {  	s28 =	spop (v2sf);
	s29 =	sld [smem:$0x7FC]  }
0x121: {  	s25 =	sand.u32 $0x1FFFFF80, s28  }
0x122: {  	s25 =	sadd.s32 s3, s25  }
0x123: {  	[tilespmem:s29], [sflag:$0x1] =	stream.linear.gather [hbm4b:s25+s2], $0x400, $0x38;
	[tilespmem:$0x10700] =	vst v63  }
0x124: {  	s28 =	spop (v2sf);
	s29 =	sld [smem:$0x7FD]  }
0x125: {  	s25 =	sand.u32 $0x1FFFFF80, s28  }
0x126: {  	s25 =	sadd.s32 s4, s25  }
0x127: {  	[tilespmem:s29], [sflag:$0x2] =	stream.linear.gather [hbm4b:s25+s2], $0x400, $0x38;
	[tilespmem:$0x10700] =	vst v63  }
0x128: {  	_ =	swait.ge [sflag:s19], $0x4000  }
0x129: {  	[sflag:s19] =	ssyncset.done $0x0  }
0x12a: {  	[sflag:s19] =	ssyncadd.s32 $0xFFFFC000  }
0x12b: {  	_ =	swait.ge [sflag:s20], $0x4000  }
0x12c: {  	[sflag:s20] =	ssyncset.done $0x0  }
0x12d: {  	[sflag:s20] =	ssyncadd.s32 $0xFFFFC000  }
0x12e: {  	v5 =	vld [tilespmem:s23+$0xFFFFFFF0];
	_ =	sdelay $0x2  }
0x12f: {  	v37 =	vld [tilespmem:s22+$0xFFFFFFF0];
	_ =	sdelay $0x1  }
0x130: {  	v5 =	vand.u32 $0x7, v5  }
0x131: {  	v9 =	vshll.u32 v5, $0x7  }
0x132: {  	(v2sf) =	vpush v9, $0x1  }
0x133: {  	v5 =	vand.u32 $0x7, v37;
	(v2sf) =	vpush v9, $0x0  }
0x134: {  	v8 =	vshll.u32 v5, $0x7  }
0x135: {  	(v2sf) =	vpush v8, $0x1  }
0x136: {  	(v2sf) =	vpush v8, $0x0;
	_ =	sdelay $0xa  }
0x137: {  	s25 =	spop (v2sf);
	(v2sf) =	vpush v9, $0x3  }
0x138: {  	s26 =	spop (v2sf);
	(v2sf) =	vpush v9, $0x2;
	v15 =	vld [tilespmem:s25+$0x800]  }
0x139: {  	v17 =	vld [tilespmem:s25+$0x810]  }
0x13a: {  	v19 =	vld [tilespmem:s25+$0x820];
	s28 =	spop (v2sf);
	(v2sf) =	vpush v8, $0x3  }
0x13b: {  	v21 =	vld [tilespmem:s25+$0x830];
	s29 =	spop (v2sf);
	(v2sf) =	vpush v8, $0x2  }
0x13c: {  	v5 =	vld [tilespmem:s26+$0x400]  }
0x13d: {  	v39 =	vld [tilespmem:s26+$0x410]  }
0x13e: {  	v11 =	vld [tilespmem:s26+$0x420]  }
0x13f: {  	v13 =	vld [tilespmem:s26+$0x430]  }
0x140: {  	v16 =	vld [tilespmem:s28+$0x8800]  }
0x141: {  	v18 =	vld [tilespmem:s28+$0x8810]  }
0x142: {  	v20 =	vld [tilespmem:s28+$0x8820]  }
0x143: {  	v22 =	vld [tilespmem:s28+$0x8830]  }
0x144: {  	v38 =	vld [tilespmem:s29+$0x8400]  }
0x145: {  	v10 =	vld [tilespmem:s29+$0x8410]  }
0x146: {  	v12 =	vld [tilespmem:s29+$0x8420];
	s26 =	spop (v2sf)  }
0x147: {  	v14 =	vld [tilespmem:s29+$0x8430];
	(v2sf) =	vpush v9, $0x5;
	s25 =	spop (v2sf)  }
0x148: {  	(v2sf) =	vpush v9, $0x4;
	v23 =	vld [tilespmem:s25+$0xC00]  }
0x149: {  	s28 =	spop (v2sf);
	v41 =	vld [tilespmem:s25+$0xC10];
	(v2sf) =	vpush v8, $0x5  }
0x14a: {  	v15 =	vmul.f32 v16, v15;
	v17 =	vmul.f32 v18, v17;
	v43 =	vld [tilespmem:s25+$0xC20];
	s29 =	spop (v2sf)  }
0x14b: {  	v48 =	vmul.f32 v20, v19;
	v50 =	vmul.f32 v22, v21;
	v40 =	vld [tilespmem:s29+$0x8C00]  }
0x14c: {  	v5 =	vmul.f32 v38, v5;
	v7 =	vmul.f32 v10, v39;
	v42 =	vld [tilespmem:s29+$0x8C10]  }
0x14d: {  	v11 =	vmul.f32 v12, v11;
	v13 =	vmul.f32 v14, v13;
	v44 =	vld [tilespmem:s29+$0x8C20]  }
0x14e: {  	v15 =	vmul.f32 v15, v0;
	v47 =	vmul.f32 v17, v1;
	v51 =	vld [tilespmem:s26+$0x1000]  }
0x14f: {  	v12 =	vmul.f32 v48, v2;
	v5 =	vmul.f32 v5, v0;
	v45 =	vld [tilespmem:s25+$0xC30]  }
0x150: {  	v7 =	vmul.f32 v7, v1;
	v11 =	vmul.f32 v11, v2;
	v46 =	vld [tilespmem:s29+$0x8C30]  }
0x151: {  	v56 =	vld [tilespmem:s26+$0x1010];
	v6 =	vmul.f32 v40, v23;
	v10 =	vmul.f32 v42, v41  }
0x152: {  	v5 =	vadd.f32 v7, v5;
	v7 =	vadd.f32 v47, v15;
	v59 =	vld [tilespmem:s26+$0x1020];
	v49 =	vmul.f32 v44, v43  }
0x153: {  	v61 =	vld [tilespmem:s26+$0x1030];
	(v2sf) =	vpush v8, $0x4;
	v6 =	vmul.f32 v6, v0;
	v10 =	vmul.f32 v10, v1  }
0x154: {  	v13 =	vmul.f32 v13, v3;
	v5 =	vadd.f32 v11, v5;
	v7 =	vadd.f32 v12, v7;
	v54 =	vld [tilespmem:s28+$0x9000]  }
0x155: {  	v58 =	vld [tilespmem:s28+$0x9010];
	v53 =	vmul.f32 v46, v45;
	v52 =	vmul.f32 v49, v2;
	v6 =	vadd.f32 v10, v6  }
0x156: {  	v55 =	vmul.f32 v50, v3;
	v5 =	vadd.f32 v13, v5;
	v60 =	vld [tilespmem:s28+$0x9020];
	s25 =	spop (v2sf);
	(v2sf) =	vpush v9, $0x7  }
0x157: {  	v62 =	vld [tilespmem:s28+$0x9030];
	v57 =	vmul.f32 v53, v3;
	v6 =	vadd.f32 v52, v6;
	s26 =	spop (v2sf);
	(v2sf) =	vpush v9, $0x6  }
0x158: {  	v7 =	vadd.f32 v55, v7;
	v18 =	vld [tilespmem:s25+$0x1800];
	s28 =	spop (v2sf);
	(v2sf) =	vpush v8, $0x7  }
0x159: {  	(xrf2) =	vadd.scan.msk.f32 $0xffff, v5;
	v20 =	vld [tilespmem:s25+$0x1810];
	v5 =	vadd.f32 v57, v6  }
0x15a: {  	(xrf2) =	vadd.scan.msk.f32 $0xffff, v7;
	v11 =	vmul.f32 v58, v56;
	v22 =	vld [tilespmem:s25+$0x1820]  }
0x15b: {  	v24 =	vld [tilespmem:s25+$0x1830];
	(xrf2) =	vadd.scan.msk.f32 $0xffff, v5;
	v5 =	vmul.f32 v54, v51  }
0x15c: {  	v11 =	vmul.f32 v11, v1;
	v12 =	vld [tilespmem:s26+$0x1410]  }
0x15d: {  	v6 =	vmul.f32 v60, v59;
	v14 =	vld [tilespmem:s26+$0x1420];
	v5 =	vmul.f32 v5, v0  }
0x15e: {  	v16 =	vld [tilespmem:s26+$0x1430]  }
0x15f: {  	v7 =	vmul.f32 v62, v61;
	v19 =	vld [tilespmem:s28+$0x9800];
	v6 =	vmul.f32 v6, v2;
	v5 =	vadd.f32 v11, v5  }
0x160: {  	v21 =	vld [tilespmem:s28+$0x9810]  }
0x161: {  	v10 =	vmul.f32 v7, v3;
	v23 =	vld [tilespmem:s28+$0x9820];
	v5 =	vadd.f32 v6, v5  }
0x162: {  	s29 =	spop (v2sf);
	v25 =	vld [tilespmem:s28+$0x9830]  }
0x163: {  	v13 =	vld [tilespmem:s29+$0x9410];
	v10 =	vadd.f32 v10, v5  }
0x164: {  	(v2sf) =	vpush v8, $0x6;
	v15 =	vld [tilespmem:s29+$0x9420];
	v6, _, _ =	vpop (xrf2)  }
0x165: {  	v7, _, _ =	vpop (xrf2);
	(xrf2) =	vadd.scan.msk.f32 $0xffff, v10;
	v10 =	vld [tilespmem:s26+$0x1400];
	s26 =	spop (v2sf)  }
0x166: {  	v17 =	vld [tilespmem:s29+$0x9430];
	v5, _, _ =	vpop (xrf2);
	(v2sf) =	vpush v9, $0x9;
	s25 =	spop (v2sf)  }
0x167: {  	v11 =	vld [tilespmem:s29+$0x9400];
	s28 =	spop (v2sf)  }
0x168: {  	v26 =	vld [tilespmem:s25+$0x1C00]  }
0x169: {  	v28 =	vld [tilespmem:s25+$0x1C10]  }
0x16a: {  	v30 =	vld [tilespmem:s25+$0x1C20]  }
0x16b: {  	v32 =	vld [tilespmem:s25+$0x1C30]  }
0x16c: {  	(v2sf) =	vpush v9, $0x8;
	v34 =	vld [tilespmem:s26+$0x2000]  }
0x16d: {  	v35 =	vld [tilespmem:s28+$0xA000]  }
0x16e: {  	v36 =	vld [tilespmem:s26+$0x2010]  }
0x16f: {  	v37 =	vld [tilespmem:s28+$0xA010]  }
0x170: {  	v38 =	vld [tilespmem:s26+$0x2020];
	(v2sf) =	vpush v8, $0x9  }
0x171: {  	v39 =	vld [tilespmem:s28+$0xA020]  }
0x172: {  	v40 =	vld [tilespmem:s26+$0x2030]  }
0x173: {  	s29 =	spop (v2sf);
	v41 =	vld [tilespmem:s28+$0xA030];
	(v2sf) =	vpush v8, $0x8  }
0x174: {  	v27 =	vld [tilespmem:s29+$0x9C00]  }
0x175: {  	v29 =	vld [tilespmem:s29+$0x9C10]  }
0x176: {  	v31 =	vld [tilespmem:s29+$0x9C20]  }
0x177: {  	v33 =	vld [tilespmem:s29+$0x9C30];
	s25 =	spop (v2sf)  }
0x178: {  	(v2sf) =	vpush v9, $0xB;
	v50 =	vld [tilespmem:s25+$0x2800]  }
0x179: {  	v52 =	vld [tilespmem:s25+$0x2810]  }
0x17a: {  	v54 =	vld [tilespmem:s25+$0x2820]  }
0x17b: {  	v56 =	vld [tilespmem:s25+$0x2830];
	s26 =	spop (v2sf)  }
0x17c: {  	(v2sf) =	vpush v9, $0xA;
	v42 =	vld [tilespmem:s26+$0x2400]  }
0x17d: {  	v44 =	vld [tilespmem:s26+$0x2410]  }
0x17e: {  	v46 =	vld [tilespmem:s26+$0x2420]  }
0x17f: {  	s28 =	spop (v2sf);
	(v2sf) =	vpush v8, $0xB;
	v48 =	vld [tilespmem:s26+$0x2430]  }
0x180: {  	v51 =	vld [tilespmem:s28+$0xA800]  }
0x181: {  	v53 =	vld [tilespmem:s28+$0xA810]  }
0x182: {  	s29 =	spop (v2sf);
	(v2sf) =	vpush v8, $0xA;
	v55 =	vld [tilespmem:s28+$0xA820]  }
0x183: {  	v57 =	vld [tilespmem:s28+$0xA830]  }
0x184: {  	v43 =	vld [tilespmem:s29+$0xA400]  }
0x185: {  	v45 =	vld [tilespmem:s29+$0xA410]  }
0x186: {  	v47 =	vld [tilespmem:s29+$0xA420]  }
0x187: {  	v49 =	vld [tilespmem:s29+$0xA430];
	s29 =	spop (v2sf)  }
0x188: {  	v18 =	vmul.f32 v19, v18;
	(v2sf) =	vpush v9, $0xD;
	v19 =	vld [tilespmem:s29+$0x3000]  }
0x189: {  	v22 =	vmul.f32 v23, v22;
	v23 =	vld [tilespmem:s29+$0x3010]  }
0x18a: {  	v26 =	vmul.f32 v27, v26;
	v27 =	vld [tilespmem:s29+$0x3020]  }
0x18b: {  	v30 =	vmul.f32 v31, v30;
	v31 =	vld [tilespmem:s29+$0x3030];
	s25 =	spop (v2sf);
	(v2sf) =	vpush v9, $0xC  }
0x18c: {  	v58 =	vld [tilespmem:s25+$0x2C00]  }
0x18d: {  	v60 =	vld [tilespmem:s25+$0x2C10]  }
0x18e: {  	v10 =	vmul.f32 v11, v10;
	s28 =	spop (v2sf);
	(v2sf) =	vpush v8, $0xD;
	v11 =	vld [tilespmem:s25+$0x2C20]  }
0x18f: {  	v20 =	vmul.f32 v21, v20;
	v14 =	vmul.f32 v15, v14;
	v15 =	vld [tilespmem:s25+$0x2C30]  }
0x190: {  	v24 =	vmul.f32 v25, v24;
	v12 =	vmul.f32 v13, v12;
	v21 =	vld [tilespmem:s28+$0xB000]  }
0x191: {  	v16 =	vmul.f32 v17, v16;
	v18 =	vmul.f32 v18, v0;
	s26 =	spop (v2sf);
	(v2sf) =	vpush v8, $0xC;
	v25 =	vld [tilespmem:s28+$0xB010]  }
0x192: {  	v12 =	vmul.f32 v12, v1;
	v28 =	vmul.f32 v29, v28;
	v29 =	vld [tilespmem:s28+$0xB020]  }
0x193: {  	v10 =	vmul.f32 v10, v0;
	v32 =	vmul.f32 v33, v32;
	v33 =	vld [tilespmem:s28+$0xB030]  }
0x194: {  	v20 =	vmul.f32 v20, v1;
	v62 =	vmul.f32 v37, v36;
	v59 =	vld [tilespmem:s26+$0xAC00]  }
0x195: {  	v14 =	vmul.f32 v14, v2;
	v63 =	vmul.f32 v35, v34;
	v10 =	vadd.f32 v12, v10;
	v13 =	vld [tilespmem:s26+$0xAC20]  }
0x196: {  	v35 =	vmul.f32 v62, v1;
	v62 =	vmul.f32 v41, v40;
	v61 =	vld [tilespmem:s26+$0xAC10]  }
0x197: {  	v16 =	vmul.f32 v16, v3;
	v10 =	vadd.f32 v14, v10;
	v49 =	vmul.f32 v49, v48;
	v17 =	vld [tilespmem:s26+$0xAC30];
	s26 =	spop (v2sf)  }
0x198: {  	v12 =	vmul.f32 v62, v3;
	v62 =	vmul.f32 v45, v44;
	(v2sf) =	vpush v9, $0xF;
	v45 =	vld [tilespmem:s26+$0x3800]  }
0x199: {  	v22 =	vmul.f32 v22, v2;
	v10 =	vadd.f32 v16, v10;
	v16 =	vmul.f32 v49, v3;
	v49 =	vld [tilespmem:s26+$0x3820]  }
0x19a: {  	v24 =	vmul.f32 v24, v3;
	v11 =	vmul.f32 v13, v11;
	v13 =	vld [tilespmem:s26+$0x3830];
	s25 =	spop (v2sf)  }
0x19b: {  	v26 =	vmul.f32 v26, v0;
	v28 =	vmul.f32 v28, v1;
	(v2sf) =	vpush v9, $0xE;
	v34 =	vld [tilespmem:s25+$0x3400]  }
0x19c: {  	v32 =	vmul.f32 v32, v3;
	v51 =	vmul.f32 v51, v50;
	v37 =	vld [tilespmem:s25+$0x3410]  }
0x19d: {  	v14 =	vmul.f32 v62, v1;
	v62 =	vmul.f32 v53, v52;
	s28 =	spop (v2sf);
	v41 =	vld [tilespmem:s25+$0x3420]  }
0x19e: {  	v52 =	vmul.f32 v55, v54;
	v54 =	vmul.f32 v57, v56;
	v48 =	vld [tilespmem:s28+$0xB810]  }
0x19f: {  	v53 =	vmul.f32 v62, v1;
	v15 =	vmul.f32 v17, v15;
	(v2sf) =	vpush v8, $0xF;
	v50 =	vld [tilespmem:s28+$0xB820]  }
0x1a0: {  	s29 =	spop (v2sf);
	(v2sf) =	vpush v8, $0xE;
	v8 =	vmul.f32 v63, v0;
	v63 =	vmul.f32 v39, v38;
	v17 =	vld [tilespmem:s28+$0xB830]  }
0x1a1: {  	v55 =	vmul.f32 v52, v2;
	v9 =	vmul.f32 v30, v2;
	v36 =	vld [tilespmem:s29+$0xB400]  }
0x1a2: {  	v39 =	vld [tilespmem:s29+$0xB410];
	v30 =	vmul.f32 v63, v2;
	v63 =	vmul.f32 v43, v42  }
0x1a3: {  	v18 =	vadd.f32 v20, v18;
	v57 =	vmul.f32 v54, v3;
	v62 =	vmul.f32 v25, v23;
	v44 =	vld [tilespmem:s29+$0xB430]  }
0x1a4: {  	v43 =	vld [tilespmem:s25+$0x3430];
	v20 =	vmul.f32 v63, v0;
	v63 =	vmul.f32 v47, v46  }
0x1a5: {  	v18 =	vadd.f32 v22, v18;
	v56 =	vmul.f32 v59, v58;
	v58 =	vmul.f32 v61, v60;
	v47 =	vld [tilespmem:s26+$0x3810]  }
0x1a6: {  	v26 =	vadd.f32 v28, v26;
	v42 =	vld [tilespmem:s29+$0xB420];
	v22 =	vmul.f32 v63, v2;
	v63 =	vmul.f32 v51, v0  }
0x1a7: {  	v59 =	vmul.f32 v56, v0;
	v60 =	vmul.f32 v58, v1;
	v8 =	vadd.f32 v35, v8;
	v46 =	vld [tilespmem:s28+$0xB800];
	s25 =	spop (v2sf)  }
0x1a8: {  	v14 =	vadd.f32 v14, v20;
	v20 =	vmul.f32 v62, v1;
	v63 =	vadd.f32 v53, v63;
	v62 =	vld [tilespmem:s25+$0x4000]  }
0x1a9: {  	v8 =	vadd.f32 v30, v8;
	v30 =	vadd.f32 v60, v59;
	v59 =	vmul.f32 v44, v43;
	v43 =	vld [tilespmem:s25+$0x4010]  }
0x1aa: {  	v40 =	vmul.f32 v33, v31;
	v23 =	vadd.f32 v55, v63;
	v63 =	vmul.f32 v48, v47;
	v47 =	vld [tilespmem:s25+$0x4020];
	s29 =	spop (v2sf)  }
0x1ab: {  	v61 =	vmul.f32 v21, v19;
	v9 =	vadd.f32 v9, v26;
	v38 =	vmul.f32 v29, v27;
	v19 =	vld [tilespmem:s29+$0x3C00]  }
0x1ac: {  	v18 =	vadd.f32 v24, v18;
	v54 =	vmul.f32 v40, v3;
	v11 =	vmul.f32 v11, v2;
	v25 =	vld [tilespmem:s29+$0x3C10]  }
0x1ad: {  	v15 =	vmul.f32 v15, v3;
	v9 =	vadd.f32 v32, v9;
	v24 =	vmul.f32 v38, v2;
	v53 =	vld [tilespmem:s29+$0x3C20]  }
0x1ae: {  	v13 =	vmul.f32 v17, v13;
	v8 =	vadd.f32 v12, v8;
	v12 =	vmul.f32 v61, v0;
	s26 =	spop (v2sf);
	v33 =	vld [tilespmem:s29+$0x3C30]  }
0x1af: {  	v52 =	vmul.f32 v36, v34;
	v11 =	vadd.f32 v11, v30;
	v61 =	vmul.f32 v46, v45;
	s28 =	spop (v2sf);
	v45 =	vld [tilespmem:s26+$0xC010]  }
0x1b0: {  	v58 =	vmul.f32 v42, v41;
	v42 =	vmul.f32 v50, v49;
	v12 =	vadd.f32 v20, v12;
	v21 =	vld [tilespmem:s28+$0xBC00]  }
0x1b1: {  	v13 =	vmul.f32 v13, v3;
	v14 =	vadd.f32 v22, v14;
	v55 =	vmul.f32 v39, v37;
	v51 =	vld [tilespmem:s28+$0xBC10]  }
0x1b2: {  	v60 =	vmul.f32 v58, v2;
	v30 =	vmul.f32 v59, v3;
	v12 =	vadd.f32 v24, v12;
	v56 =	vld [tilespmem:s28+$0xBC20]  }
0x1b3: {  	v23 =	vadd.f32 v57, v23;
	v57 =	vmul.f32 v52, v0;
	v22 =	vmul.f32 v55, v1;
	v40 =	vld [tilespmem:s26+$0xC000]  }
0x1b4: {  	v11 =	vadd.f32 v15, v11;
	v41 =	vmul.f32 v61, v0;
	v44 =	vmul.f32 v63, v1;
	v50 =	vld [tilespmem:s26+$0xC020]  }
0x1b5: {  	v46 =	vmul.f32 v42, v2;
	v12 =	vadd.f32 v54, v12;
	v48 =	vadd.f32 v22, v57;
	v34 =	vld [tilespmem:s28+$0xBC30]  }
0x1b6: {  	(xrf2) =	vadd.scan.msk.f32 $0xffff, v10;
	v15 =	vadd.f32 v44, v41;
	v19 =	vmul.f32 v21, v19;
	v49 =	vmul.f32 v51, v25  }
0x1b7: {  	(xrf2) =	vadd.scan.msk.f32 $0xffff, v18;
	v57 =	vld [tilespmem:s26+$0xC030];
	v54 =	vadd.f32 v60, v48;
	v60 =	vmul.f32 v45, v43;
	v52 =	vmul.f32 v56, v53  }
0x1b8: {  	(xrf2) =	vadd.scan.msk.f32 $0xffff, v9;
	v14 =	vadd.f32 v16, v14;
	v53 =	vld [tilespmem:s25+$0x4030];
	v51 =	vmul.f32 v19, v0;
	v55 =	vmul.f32 v49, v1  }
0x1b9: {  	(xrf2) =	vadd.scan.msk.f32 $0xffff, v8;
	v58 =	vadd.f32 v46, v15;
	v63 =	vmul.f32 v50, v47;
	v56 =	vmul.f32 v40, v62  }
0x1ba: {  	(xrf2) =	vadd.scan.msk.f32 $0xffff, v14;
	v61 =	vmul.f32 v34, v33;
	v59 =	vmul.f32 v52, v2;
	v10 =	vadd.f32 v55, v51  }
0x1bb: {  	(xrf2) =	vadd.scan.msk.f32 $0xffff, v23;
	v9 =	vadd.f32 v30, v54;
	v16 =	vmul.f32 v60, v1;
	v62 =	vmul.f32 v56, v0  }
0x1bc: {  	(xrf2) =	vadd.scan.msk.f32 $0xffff, v11;
	v8 =	vadd.f32 v13, v58;
	v19 =	vmul.f32 v61, v3;
	v10 =	vadd.f32 v59, v10  }
0x1bd: {  	(xrf2) =	vadd.scan.msk.f32 $0xffff, v12;
	v21 =	vmul.f32 v63, v2;
	v20 =	vadd.f32 v16, v62;
	v22 =	vmul.f32 v57, v53  }
0x1be: {  	v6 =	vbroadcast v6, $0xF;
	v7 =	vbroadcast v7, $0xF;
	(xrf2) =	vadd.scan.msk.f32 $0xffff, v9;
	v23 =	vadd.f32 v19, v10  }
0x1bf: {  	v5 =	vbroadcast v5, $0xF;
	v24, _, _ =	vpop (xrf2);
	(xrf2) =	vadd.scan.msk.f32 $0xffff, v8;
	v25 =	vadd.f32 v21, v20;
	v26 =	vmul.f32 v22, v3  }
0x1c0: {  	v6 =	vsel vm0, v6, v7;
	v27 =	vbroadcast v24, $0xF;
	v28, _, _ =	vpop (xrf2);
	(xrf2) =	vadd.scan.msk.f32 $0xffff, v23  }
0x1c1: {  	v5 =	vsel vm1, v6, v5;
	v29 =	vbroadcast v28, $0xF;
	v30, _, _ =	vpop (xrf2);
	v8 =	vadd.f32 v26, v25  }
0x1c2: {  	v5 =	vsel vm2, v5, v27;
	v31 =	vbroadcast v30, $0xF;
	v32, _, _ =	vpop (xrf2)  }
0x1c3: {  	v5 =	vsel vm3, v5, v29;
	v33 =	vbroadcast v32, $0xF;
	v34, _, _ =	vpop (xrf2);
	(xrf2) =	vadd.scan.msk.f32 $0xffff, v8  }
0x1c4: {  	v5 =	vsel vm4, v5, v31;
	v35 =	vbroadcast v34, $0xF;
	v36, _, _ =	vpop (xrf2)  }
0x1c5: {  	v5 =	vsel vm5, v5, v33;
	v37 =	vbroadcast v36, $0xF;
	v38, _, _ =	vpop (xrf2)  }
0x1c6: {  	v5 =	vsel vm6, v5, v35;
	v39 =	vbroadcast v38, $0xF;
	v40, _, _ =	vpop (xrf2)  }
0x1c7: {  	v5 =	vsel vm7, v5, v37;
	v41 =	vbroadcast v40, $0xF;
	v42, _, _ =	vpop (xrf2)  }
0x1c8: {  	v5 =	vsel vm8, v5, v39;
	v43 =	vbroadcast v42, $0xF;
	v44, _, _ =	vpop (xrf2)  }
0x1c9: {  	v5 =	vsel vm9, v5, v41;
	v45 =	vbroadcast v44, $0xF;
	v46, _, _ =	vpop (xrf2)  }
0x1ca: {  	v4 =	vld [tilespmem:$0x1FFF0];
	v5 =	vsel vm10, v5, v43;
	v47 =	vbroadcast v46, $0xF;
	v48, _, _ =	vpop (xrf2)  }
0x1cb: {  	v5 =	vsel vm11, v5, v45;
	v49 =	vbroadcast v48, $0xF  }
0x1cc: {  	v5 =	vsel vm12, v5, v47  }
0x1cd: {  	v50, _, _ =	vpop (xrf2);
	v5 =	vsel vm13, v5, v49  }
0x1ce: {  	v5 =	vsel vm14, v5, v50  }
0x1cf: {  	v5 =	vadd.f32 v5, v4;
	_ =	sdelay $0x1  }
0x1d0: {  	s26 =	sand.u32 $0x1E0, s21;
	[tilespmem:s24+$0xFFFFFFF0] =	vst v5  }
0x1d1: {  	v5 =	vld [tilespmem:s26+$0x0];
	_ =	sdelay $0x1  }
0x1d2: {  	v51 =	vld [tilespmem:s26+$0x200];
	_ =	sdelay $0x2  }
0x1d3: {  	v5 =	vshrl.u32 v5, $0x3  }
0x1d4: {  	v52 =	vshll.u32 v5, $0x7  }
0x1d5: {  	v5 =	vshrl.u32 v51, $0x3;
	(v2sf) =	vpush v52, $0x0  }
0x1d6: {  	v5 =	vshll.u32 v5, $0x7  }
0x1d7: {  	(v2sf) =	vpush v5, $0x0;
	_ =	sdelay $0x2  }
0x1d8: {  	(v2sf) =	vpush v52, $0x1;
	_ =	sdelay $0x2  }
0x1d9: {  	(v2sf) =	vpush v5, $0x1;
	_ =	sdelay $0x6  }
0x1da: {  	s28 =	spop (v2sf);
	(v2sf) =	vpush v52, $0x2;
	_ =	sdelay $0x1  }
0x1db: {  	s25 =	sand.u32 $0x1FFFFF80, s28;
	s28 =	spop (v2sf);
	(v2sf) =	vpush v5, $0x2  }
0x1dc: {  	s29 =	simm.s32 $0x400;
	s25 =	sadd.s32 s3, s25  }
0x1dd: {  	[tilespmem:s29], [sflag:$0x1] =	stream.linear.gather [hbm4b:s25+s2], $0x400, $0x38;
	[tilespmem:$0x10700] =	vst v63  }
0x1de: {  	s25 =	sand.u32 $0x1FFFFF80, s28;
	s28 =	spop (v2sf);
	(v2sf) =	vpush v52, $0x3;
	_ =	sdelay $0x2  }
0x1df: {  	s26 =	spop (v2sf);
	(v2sf) =	vpush v5, $0x3;
	_ =	sdelay $0x3  }
0x1e0: {  	s29 =	simm.s32 $0x8400;
	s25 =	sadd.s32 s4, s25  }
0x1e1: {  	[tilespmem:s29], [sflag:$0x2] =	stream.linear.gather [hbm4b:s25+s2], $0x400, $0x38;
	[tilespmem:$0x10700] =	vst v63  }
0x1e2: {  	s25 =	sand.u32 $0x1FFFFF80, s28  }
0x1e3: {  	s29 =	simm.s32 $0x800;
	s25 =	sadd.s32 s3, s25;
	s28 =	spop (v2sf);
	(v2sf) =	vpush v52, $0x4  }
0x1e4: {  	[tilespmem:s29], [sflag:$0x1] =	stream.linear.gather [hbm4b:s25+s2], $0x400, $0x38;
	[tilespmem:$0x10700] =	vst v63  }
0x1e5: {  	s25 =	sand.u32 $0x1FFFFF80, s26;
	s29 =	spop (v2sf);
	(v2sf) =	vpush v5, $0x4  }
0x1e6: {  	s25 =	sadd.s32 s4, s25  }
0x1e7: {  	[tilespmem:s6], [sflag:$0x2] =	stream.linear.gather [hbm4b:s25+s2], $0x400, $0x38;
	[tilespmem:$0x10700] =	vst v63  }
0x1e8: {  	s25 =	sand.u32 $0x1FFFFF80, s28;
	s26 =	spop (v2sf);
	(v2sf) =	vpush v52, $0x5  }
0x1e9: {  	s25 =	sadd.s32 s3, s25  }
0x1ea: {  	[tilespmem:s1], [sflag:$0x1] =	stream.linear.gather [hbm4b:s25+s2], $0x400, $0x38;
	[tilespmem:$0x10700] =	vst v63  }
0x1eb: {  	s25 =	sand.u32 $0x1FFFFF80, s29;
	s28 =	spop (v2sf);
	(v2sf) =	vpush v5, $0x5  }
0x1ec: {  	s25 =	sadd.s32 s4, s25  }
0x1ed: {  	[tilespmem:s12], [sflag:$0x2] =	stream.linear.gather [hbm4b:s25+s2], $0x400, $0x38;
	[tilespmem:$0x10700] =	vst v63  }
0x1ee: {  	s25 =	sand.u32 $0x1FFFFF80, s26  }
0x1ef: {  	s25 =	sadd.s32 s3, s25  }
0x1f0: {  	[tilespmem:s13], [sflag:$0x1] =	stream.linear.gather [hbm4b:s25+s2], $0x400, $0x38;
	[tilespmem:$0x10700] =	vst v63  }
0x1f1: {  	s25 =	sand.u32 $0x1FFFFF80, s28  }
0x1f2: {  	s25 =	sadd.s32 s4, s25;
	s29 =	spop (v2sf);
	(v2sf) =	vpush v52, $0x6  }
0x1f3: {  	[tilespmem:s14], [sflag:$0x2] =	stream.linear.gather [hbm4b:s25+s2], $0x400, $0x38;
	[tilespmem:$0x10700] =	vst v63  }
0x1f4: {  	s25 =	sand.u32 $0x1FFFFF80, s29;
	s26 =	spop (v2sf);
	(v2sf) =	vpush v5, $0x6  }
0x1f5: {  	s25 =	sadd.s32 s3, s25  }
0x1f6: {  	[tilespmem:s5], [sflag:$0x1] =	stream.linear.gather [hbm4b:s25+s2], $0x400, $0x38;
	[tilespmem:$0x10700] =	vst v63  }
0x1f7: {  	s25 =	sand.u32 $0x1FFFFF80, s26;
	s28 =	spop (v2sf);
	(v2sf) =	vpush v52, $0x7  }
0x1f8: {  	s25 =	sadd.s32 s4, s25  }
0x1f9: {  	[tilespmem:s7], [sflag:$0x2] =	stream.linear.gather [hbm4b:s25+s2], $0x400, $0x38;
	[tilespmem:$0x10700] =	vst v63  }
0x1fa: {  	s25 =	sand.u32 $0x1FFFFF80, s28;
	s28 =	spop (v2sf);
	(v2sf) =	vpush v5, $0x7;
	_ =	sdelay $0x3  }
0x1fb: {  	s29 =	simm.s32 $0x1800;
	s25 =	sadd.s32 s3, s25  }
0x1fc: {  	[tilespmem:s29], [sflag:$0x1] =	stream.linear.gather [hbm4b:s25+s2], $0x400, $0x38;
	[tilespmem:$0x10700] =	vst v63  }
0x1fd: {  	s25 =	sand.u32 $0x1FFFFF80, s28  }
0x1fe: {  	s29 =	simm.s32 $0x9800;
	s25 =	sadd.s32 s4, s25;
	s28 =	spop (v2sf);
	(v2sf) =	vpush v52, $0x8  }
0x1ff: {  	[tilespmem:s29], [sflag:$0x2] =	stream.linear.gather [hbm4b:s25+s2], $0x400, $0x38;
	[tilespmem:$0x10700] =	vst v63  }
0x200: {  	s25 =	sand.u32 $0x1FFFFF80, s28;
	s28 =	spop (v2sf);
	(v2sf) =	vpush v5, $0x8  }
0x201: {  	s29 =	simm.s32 $0x1C00;
	s25 =	sadd.s32 s3, s25  }
0x202: {  	[tilespmem:s29], [sflag:$0x1] =	stream.linear.gather [hbm4b:s25+s2], $0x400, $0x38;
	[tilespmem:$0x10700] =	vst v63  }
0x203: {  	s25 =	sand.u32 $0x1FFFFF80, s28;
	s28 =	spop (v2sf);
	(v2sf) =	vpush v52, $0x9  }
0x204: {  	s29 =	simm.s32 $0x9C00;
	s25 =	sadd.s32 s4, s25  }
0x205: {  	[tilespmem:s29], [sflag:$0x2] =	stream.linear.gather [hbm4b:s25+s2], $0x400, $0x38;
	[tilespmem:$0x10700] =	vst v63  }
0x206: {  	s25 =	sand.u32 $0x1FFFFF80, s28;
	s28 =	spop (v2sf);
	(v2sf) =	vpush v5, $0x9;
	_ =	sdelay $0x3  }
0x207: {  	s29 =	simm.s32 $0x2000;
	s25 =	sadd.s32 s3, s25  }
0x208: {  	[tilespmem:s29], [sflag:$0x1] =	stream.linear.gather [hbm4b:s25+s2], $0x400, $0x38;
	[tilespmem:$0x10700] =	vst v63  }
0x209: {  	s25 =	sand.u32 $0x1FFFFF80, s28  }
0x20a: {  	s29 =	simm.s32 $0xA000;
	s25 =	sadd.s32 s4, s25;
	s28 =	spop (v2sf);
	(v2sf) =	vpush v52, $0xA  }
0x20b: {  	[tilespmem:s29], [sflag:$0x2] =	stream.linear.gather [hbm4b:s25+s2], $0x400, $0x38;
	[tilespmem:$0x10700] =	vst v63  }
0x20c: {  	s25 =	sand.u32 $0x1FFFFF80, s28;
	s28 =	spop (v2sf);
	(v2sf) =	vpush v5, $0xA  }
0x20d: {  	s29 =	simm.s32 $0x2400;
	s25 =	sadd.s32 s3, s25  }
0x20e: {  	[tilespmem:s29], [sflag:$0x1] =	stream.linear.gather [hbm4b:s25+s2], $0x400, $0x38;
	[tilespmem:$0x10700] =	vst v63  }
0x20f: {  	s25 =	sand.u32 $0x1FFFFF80, s28;
	s26 =	spop (v2sf);
	(v2sf) =	vpush v52, $0xB  }
0x210: {  	s29 =	simm.s32 $0xA400;
	s25 =	sadd.s32 s4, s25  }
0x211: {  	[tilespmem:s29], [sflag:$0x2] =	stream.linear.gather [hbm4b:s25+s2], $0x400, $0x38;
	[tilespmem:$0x10700] =	vst v63  }
0x212: {  	s29 =	spop (v2sf);
	(v2sf) =	vpush v5, $0xB;
	_ =	sdelay $0x5  }
0x213: {  	s25 =	sand.u32 $0x1FFFFF80, s26  }
0x214: {  	s28 =	simm.s32 $0x2800;
	s25 =	sadd.s32 s3, s25;
	s26 =	spop (v2sf);
	(v2sf) =	vpush v52, $0xC  }
0x215: {  	[tilespmem:s28], [sflag:$0x1] =	stream.linear.gather [hbm4b:s25+s2], $0x400, $0x38;
	[tilespmem:$0x10700] =	vst v63  }
0x216: {  	s25 =	sand.u32 $0x1FFFFF80, s29;
	s28 =	spop (v2sf);
	(v2sf) =	vpush v5, $0xC  }
0x217: {  	s25 =	sadd.s32 s4, s25  }
0x218: {  	[tilespmem:s31], [sflag:$0x2] =	stream.linear.gather [hbm4b:s25+s2], $0x400, $0x38;
	[tilespmem:$0x10700] =	vst v63  }
0x219: {  	s25 =	sand.u32 $0x1FFFFF80, s26;
	s26 =	spop (v2sf);
	(v2sf) =	vpush v52, $0xD  }
0x21a: {  	s25 =	sadd.s32 s3, s25  }
0x21b: {  	[tilespmem:s0], [sflag:$0x1] =	stream.linear.gather [hbm4b:s25+s2], $0x400, $0x38;
	[tilespmem:$0x10700] =	vst v63  }
0x21c: {  	s25 =	sand.u32 $0x1FFFFF80, s28;
	s28 =	spop (v2sf);
	(v2sf) =	vpush v5, $0xD  }
0x21d: {  	s29 =	simm.s32 $0xAC00;
	s25 =	sadd.s32 s4, s25  }
0x21e: {  	[tilespmem:s29], [sflag:$0x2] =	stream.linear.gather [hbm4b:s25+s2], $0x400, $0x38;
	[tilespmem:$0x10700] =	vst v63  }
0x21f: {  	s25 =	sand.u32 $0x1FFFFF80, s26  }
0x220: {  	s25 =	sadd.s32 s3, s25  }
0x221: {  	[tilespmem:s9], [sflag:$0x1] =	stream.linear.gather [hbm4b:s25+s2], $0x400, $0x38;
	[tilespmem:$0x10700] =	vst v63  }
0x222: {  	s25 =	sand.u32 $0x1FFFFF80, s28  }
0x223: {  	s29 =	simm.s32 $0xB000;
	s25 =	sadd.s32 s4, s25;
	s26 =	spop (v2sf);
	(v2sf) =	vpush v52, $0xE  }
0x224: {  	[tilespmem:s29], [sflag:$0x2] =	stream.linear.gather [hbm4b:s25+s2], $0x400, $0x38;
	[tilespmem:$0x10700] =	vst v63  }
0x225: {  	s25 =	sand.u32 $0x1FFFFF80, s26;
	s28 =	spop (v2sf);
	(v2sf) =	vpush v5, $0xE  }
0x226: {  	s25 =	sadd.s32 s3, s25  }
0x227: {  	[tilespmem:s11], [sflag:$0x1] =	stream.linear.gather [hbm4b:s25+s2], $0x400, $0x38;
	[tilespmem:$0x10700] =	vst v63  }
0x228: {  	s25 =	sand.u32 $0x1FFFFF80, s28;
	s29 =	spop (v2sf);
	(v2sf) =	vpush v52, $0xF  }
0x229: {  	s25 =	sadd.s32 s4, s25  }
0x22a: {  	[tilespmem:s16], [sflag:$0x2] =	stream.linear.gather [hbm4b:s25+s2], $0x400, $0x38;
	[tilespmem:$0x10700] =	vst v63  }
0x22b: {  	s26 =	spop (v2sf);
	(v2sf) =	vpush v5, $0xF  }
0x22c: {  	s25 =	sand.u32 $0x1FFFFF80, s29  }
0x22d: {  	s25 =	sadd.s32 s3, s25  }
0x22e: {  	[tilespmem:s18], [sflag:$0x1] =	stream.linear.gather [hbm4b:s25+s2], $0x400, $0x38;
	[tilespmem:$0x10700] =	vst v63  }
0x22f: {  	s25 =	sand.u32 $0x1FFFFF80, s26  }
0x230: {  	s25 =	sadd.s32 s4, s25  }
0x231: {  	[tilespmem:s8], [sflag:$0x2] =	stream.linear.gather [hbm4b:s25+s2], $0x400, $0x38;
	[tilespmem:$0x10700] =	vst v63  }
0x232: {  	s28 =	spop (v2sf)  }
0x233: {  	s25 =	sand.u32 $0x1FFFFF80, s28  }
0x234: {  	s29 =	spop (v2sf);
	s25 =	sadd.s32 s3, s25  }
0x235: {  	[tilespmem:s10], [sflag:$0x1] =	stream.linear.gather [hbm4b:s25+s2], $0x400, $0x38;
	[tilespmem:$0x10700] =	vst v63  }
0x236: {  	s25 =	sand.u32 $0x1FFFFF80, s29  }
0x237: {  	s26 =	spop (v2sf);
	s25 =	sadd.s32 s4, s25  }
0x238: {  	[tilespmem:s15], [sflag:$0x2] =	stream.linear.gather [hbm4b:s25+s2], $0x400, $0x38;
	[tilespmem:$0x10700] =	vst v63  }
0x239: {  	s25 =	sand.u32 $0x1FFFFF80, s26  }
0x23a: {  	s28 =	spop (v2sf);
	s25 =	sadd.s32 s3, s25  }
0x23b: {  	[tilespmem:s17], [sflag:$0x1] =	stream.linear.gather [hbm4b:s25+s2], $0x400, $0x38;
	[tilespmem:$0x10700] =	vst v63  }
0x23c: {  	s25 =	sand.u32 $0x1FFFFF80, s28  }
0x23d: {  	s25 =	sadd.s32 s4, s25  }
0x23e: {  	[tilespmem:s30], [sflag:$0x2] =	stream.linear.gather [hbm4b:s25+s2], $0x400, $0x38;
	[tilespmem:$0x10700] =	vst v63  }
0x23f: {  	_ =	swait.ge [sflag:s19], $0x4000  }
0x240: {  	[sflag:s19] =	ssyncset.done $0x0  }
0x241: {  	[sflag:s19] =	ssyncadd.s32 $0xFFFFC000  }
0x242: {  	_ =	swait.ge [sflag:s20], $0x4000  }
0x243: {  	[sflag:s20] =	ssyncset.done $0x0  }
0x244: {  	[sflag:s20] =	ssyncadd.s32 $0xFFFFC000  }
0x245: {  	v5 =	vld [tilespmem:s23+$0x0];
	_ =	sdelay $0x4  }
0x246: {  	v5 =	vand.u32 $0x7, v5  }
0x247: {  	v6 =	vshll.u32 v5, $0x7  }
0x248: {  	v53 =	vld [tilespmem:s22+$0x0];
	(v2sf) =	vpush v6, $0x1;
	_ =	sdelay $0x1  }
0x249: {  	(v2sf) =	vpush v6, $0x0;
	_ =	sdelay $0x2  }
0x24a: {  	v5 =	vand.u32 $0x7, v53  }
0x24b: {  	v5 =	vshll.u32 v5, $0x7  }
0x24c: {  	(v2sf) =	vpush v5, $0x1;
	_ =	sdelay $0x2  }
0x24d: {  	(v2sf) =	vpush v5, $0x0;
	_ =	sdelay $0x4  }
0x24e: {  	s25 =	spop (v2sf)  }
0x24f: {  	(v2sf) =	vpush v6, $0x3;
	v15 =	vld [tilespmem:s25+$0x4800]  }
0x250: {  	s26 =	spop (v2sf);
	(v2sf) =	vpush v6, $0x2;
	v17 =	vld [tilespmem:s25+$0x4810]  }
0x251: {  	v19 =	vld [tilespmem:s25+$0x4820]  }
0x252: {  	v21 =	vld [tilespmem:s25+$0x4830]  }
0x253: {  	v4 =	vld [tilespmem:s26+$0x4400]  }
0x254: {  	v9 =	vld [tilespmem:s26+$0x4410]  }
0x255: {  	s28 =	spop (v2sf);
	(v2sf) =	vpush v5, $0x3;
	v11 =	vld [tilespmem:s26+$0x4420]  }
0x256: {  	v13 =	vld [tilespmem:s26+$0x4430]  }
0x257: {  	v16 =	vld [tilespmem:s28+$0xC800]  }
0x258: {  	s29 =	spop (v2sf);
	(v2sf) =	vpush v5, $0x2;
	v18 =	vld [tilespmem:s28+$0xC810]  }
0x259: {  	v20 =	vld [tilespmem:s28+$0xC820]  }
0x25a: {  	v22 =	vld [tilespmem:s28+$0xC830]  }
0x25b: {  	v10 =	vld [tilespmem:s29+$0xC410]  }
0x25c: {  	v12 =	vld [tilespmem:s29+$0xC420]  }
0x25d: {  	v14 =	vld [tilespmem:s29+$0xC430]  }
0x25e: {  	[tilespmem:$0x1FF00] =	vst v4;
	v4 =	vld [tilespmem:s29+$0xC400];
	s26 =	spop (v2sf);
	(v2sf) =	vpush v6, $0x5  }
0x25f: {  	s25 =	spop (v2sf);
	(v2sf) =	vpush v6, $0x4;
	v31 =	vld [tilespmem:s26+$0x5000]  }
0x260: {  	v33 =	vld [tilespmem:s26+$0x5010]  }
0x261: {  	v35 =	vld [tilespmem:s26+$0x5020]  }
0x262: {  	v37 =	vld [tilespmem:s26+$0x5030]  }
0x263: {  	v23 =	vld [tilespmem:s25+$0x4C00]  }
0x264: {  	s28 =	spop (v2sf);
	(v2sf) =	vpush v5, $0x5;
	v25 =	vld [tilespmem:s25+$0x4C10]  }
0x265: {  	v27 =	vld [tilespmem:s25+$0x4C20]  }
0x266: {  	v29 =	vld [tilespmem:s25+$0x4C30]  }
0x267: {  	s29 =	spop (v2sf);
	(v2sf) =	vpush v5, $0x4;
	v32 =	vld [tilespmem:s28+$0xD000]  }
0x268: {  	v34 =	vld [tilespmem:s28+$0xD010]  }
0x269: {  	v36 =	vld [tilespmem:s28+$0xD020]  }
0x26a: {  	v38 =	vld [tilespmem:s28+$0xD030]  }
0x26b: {  	v24 =	vld [tilespmem:s29+$0xCC00]  }
0x26c: {  	v26 =	vld [tilespmem:s29+$0xCC10]  }
0x26d: {  	v28 =	vld [tilespmem:s29+$0xCC20];
	s25 =	spop (v2sf);
	(v2sf) =	vpush v6, $0x7  }
0x26e: {  	v30 =	vld [tilespmem:s29+$0xCC30];
	s26 =	spop (v2sf);
	(v2sf) =	vpush v6, $0x6  }
0x26f: {  	v47 =	vld [tilespmem:s25+$0x5800]  }
0x270: {  	v49 =	vld [tilespmem:s25+$0x5810]  }
0x271: {  	v51 =	vld [tilespmem:s25+$0x5820]  }
0x272: {  	v53 =	vld [tilespmem:s25+$0x5830]  }
0x273: {  	s28 =	spop (v2sf);
	v39 =	vld [tilespmem:s26+$0x5400];
	(v2sf) =	vpush v5, $0x7  }
0x274: {  	v41 =	vld [tilespmem:s26+$0x5410]  }
0x275: {  	v43 =	vld [tilespmem:s26+$0x5420]  }
0x276: {  	v45 =	vld [tilespmem:s26+$0x5430];
	s29 =	spop (v2sf);
	(v2sf) =	vpush v5, $0x6  }
0x277: {  	v48 =	vld [tilespmem:s28+$0xD800]  }
0x278: {  	v50 =	vld [tilespmem:s28+$0xD810]  }
0x279: {  	v52 =	vld [tilespmem:s28+$0xD820]  }
0x27a: {  	v54 =	vld [tilespmem:s28+$0xD830]  }
0x27b: {  	v40 =	vld [tilespmem:s29+$0xD400]  }
0x27c: {  	v42 =	vld [tilespmem:s29+$0xD410];
	s26 =	spop (v2sf);
	(v2sf) =	vpush v6, $0x9  }
0x27d: {  	v44 =	vld [tilespmem:s29+$0xD420];
	s25 =	spop (v2sf);
	(v2sf) =	vpush v6, $0x8  }
0x27e: {  	v8 =	vld [tilespmem:s26+$0x6020]  }
0x27f: {  	v46 =	vld [tilespmem:s29+$0xD430]  }
0x280: {  	v63 =	vld [tilespmem:s26+$0x6000]  }
0x281: {  	v7 =	vld [tilespmem:s26+$0x6010]  }
0x282: {  	s28 =	spop (v2sf);
	v55 =	vld [tilespmem:s25+$0x5C00]  }
0x283: {  	[tilespmem:$0x1FF40] =	vst v8;
	v8 =	vld [tilespmem:s28+$0xE020]  }
0x284: {  	v57 =	vld [tilespmem:s25+$0x5C10]  }
0x285: {  	v59 =	vld [tilespmem:s25+$0x5C20];
	s29 =	spop (v2sf)  }
0x286: {  	v56 =	vld [tilespmem:s29+$0xDC00]  }
0x287: {  	v58 =	vld [tilespmem:s29+$0xDC10]  }
0x288: {  	(v2sf) =	vpush v5, $0x9;
	[tilespmem:$0x1FF50] =	vst v8;
	v8 =	vld [tilespmem:s26+$0x6030]  }
0x289: {  	v11 =	vmul.f32 v12, v11;
	v12 =	vmul.f32 v14, v13;
	v60 =	vld [tilespmem:s29+$0xDC20]  }
0x28a: {  	v14 =	vmul.f32 v16, v15;
	v15 =	vmul.f32 v18, v17;
	(v2sf) =	vpush v5, $0x8;
	v62 =	vld [tilespmem:s29+$0xDC30]  }
0x28b: {  	v17 =	vmul.f32 v20, v19;
	[tilespmem:$0x1FF20] =	vst v7;
	v7 =	vld [tilespmem:s28+$0xE010];
	s29 =	spop (v2sf)  }
0x28c: {  	v14 =	vmul.f32 v14, v0;
	v15 =	vmul.f32 v15, v1;
	v61 =	vld [tilespmem:s25+$0x5C30];
	s25 =	spop (v2sf)  }
0x28d: {  	v20 =	vmul.f32 v24, v23;
	v24 =	vmul.f32 v30, v29;
	[tilespmem:$0x1FF60] =	vst v8;
	v8 =	vld [tilespmem:s25+$0x6400]  }
0x28e: {  	[tilespmem:$0x1FF10] =	vst v4;
	v30 =	vmul.f32 v38, v37;
	v37 =	vmul.f32 v46, v45;
	v4 =	vld [tilespmem:s28+$0xE000]  }
0x28f: {  	v45 =	vmul.f32 v54, v53;
	v54 =	vadd.f32 v15, v14;
	v15 =	vmul.f32 v56, v55;
	v55 =	vld [tilespmem:$0x1FF20]  }
0x290: {  	[tilespmem:$0x1FF30] =	vst v7;
	v7 =	vld [tilespmem:s28+$0xE030]  }
0x291: {  	v56 =	vld [tilespmem:$0x1FF30]  }
0x292: {  	(v2sf) =	vpush v6, $0xB;
	[tilespmem:$0x1FF80] =	vst v8;
	v8 =	vld [tilespmem:s25+$0x6410]  }
0x293: {  	(v2sf) =	vpush v6, $0xA;
	v13 =	vld [tilespmem:s29+$0x6800]  }
0x294: {  	v19 =	vld [tilespmem:s29+$0x6810]  }
0x295: {  	v18 =	vmul.f32 v22, v21;
	v21 =	vmul.f32 v26, v25;
	v25 =	vld [tilespmem:s29+$0x6820]  }
0x296: {  	v26 =	vmul.f32 v32, v31;
	v31 =	vld [tilespmem:s29+$0x6830]  }
0x297: {  	s26 =	spop (v2sf);
	[tilespmem:$0x1FFA0] =	vst v8;
	v8 =	vld [tilespmem:s25+$0x6420]  }
0x298: {  	v16 =	vld [tilespmem:s26+$0xE800]  }
0x299: {  	s28 =	spop (v2sf);
	v22 =	vld [tilespmem:s26+$0xE810]  }
0x29a: {  	[tilespmem:$0x1FF70] =	vst v7;
	(v2sf) =	vpush v5, $0xB;
	v7 =	vld [tilespmem:s28+$0xE400]  }
0x29b: {  	v23 =	vmul.f32 v28, v27;
	v28 =	vld [tilespmem:s26+$0xE820]  }
0x29c: {  	[tilespmem:$0x1FFC0] =	vst v8;
	v8 =	vld [tilespmem:s25+$0x6430]  }
0x29d: {  	v27 =	vmul.f32 v34, v33;
	v34 =	vld [tilespmem:s26+$0xE830]  }
0x29e: {  	v9 =	vmul.f32 v10, v9;
	(v2sf) =	vpush v5, $0xA;
	v10 =	vld [tilespmem:s28+$0xE430]  }
0x29f: {  	[tilespmem:$0x1FF90] =	vst v7;
	v7 =	vld [tilespmem:$0x1FF10]  }
0x2a0: {  	v4 =	vmul.f32 v4, v63;
	v63 =	vld [tilespmem:$0x1FFA0]  }
0x2a1: {  	s25 =	spop (v2sf);
	(v2sf) =	vpush v6, $0xD;
	[tilespmem:$0x1FFE0] =	vst v8;
	v8 =	vld [tilespmem:s28+$0xE410]  }
0x2a2: {  	v29 =	vmul.f32 v36, v35;
	v14 =	vmul.f32 v23, v2;
	s29 =	spop (v2sf);
	(v2sf) =	vpush v6, $0xC;
	v23 =	vld [tilespmem:s25+$0x7000]  }
0x2a3: {  	v33 =	vmul.f32 v42, v41;
	v41 =	vmul.f32 v50, v49;
	v50 =	vld [tilespmem:s25+$0x7010]  }
0x2a4: {  	v35 =	vmul.f32 v44, v43;
	v43 =	vmul.f32 v52, v51;
	v52 =	vld [tilespmem:s25+$0x7030]  }
0x2a5: {  	v36 =	vld [tilespmem:s29+$0x6C00]  }
0x2a6: {  	[tilespmem:$0x1FFB0] =	vst v8;
	v8 =	vld [tilespmem:s28+$0xE420]  }
0x2a7: {  	v38 =	vld [tilespmem:s29+$0x6C10]  }
0x2a8: {  	v32 =	vmul.f32 v40, v39;
	v40 =	vld [tilespmem:s29+$0x6C20]  }
0x2a9: {  	v42 =	vld [tilespmem:s29+$0x6C30];
	s28 =	spop (v2sf)  }
0x2aa: {  	v49 =	vld [tilespmem:s28+$0xF000]  }
0x2ab: {  	v20 =	vmul.f32 v20, v0;
	v21 =	vmul.f32 v21, v1;
	[tilespmem:$0x1FFD0] =	vst v8;
	v8 =	vld [tilespmem:$0x1FF00]  }
0x2ac: {  	v51 =	vld [tilespmem:s28+$0xF010]  }
0x2ad: {  	v20 =	vadd.f32 v21, v20;
	v21 =	vmul.f32 v30, v3;
	s29 =	spop (v2sf);
	v30 =	vld [tilespmem:s28+$0xF020]  }
0x2ae: {  	v44 =	vld [tilespmem:s29+$0xEC00]  }
0x2af: {  	(v2sf) =	vpush v5, $0xD;
	v46 =	vld [tilespmem:s29+$0xEC10]  }
0x2b0: {  	v39 =	vmul.f32 v48, v47;
	(v2sf) =	vpush v5, $0xC;
	v47 =	vld [tilespmem:s29+$0xEC20];
	s26 =	spop (v2sf);
	v8 =	vmul.f32 v7, v8  }
0x2b1: {  	v48 =	vld [tilespmem:s29+$0xEC30];
	(v2sf) =	vpush v6, $0xF;
	s29 =	spop (v2sf)  }
0x2b2: {  	v9 =	vmul.f32 v9, v1;
	(v2sf) =	vpush v6, $0xE;
	v6 =	vld [tilespmem:s29+$0x7400];
	v8 =	vmul.f32 v8, v0  }
0x2b3: {  	v17 =	vmul.f32 v17, v2;
	v7 =	vmul.f32 v56, v55;
	v55 =	vld [tilespmem:s29+$0x7410]  }
0x2b4: {  	v18 =	vmul.f32 v18, v3;
	v56 =	vld [tilespmem:s29+$0x7420];
	v8 =	vadd.f32 v9, v8  }
0x2b5: {  	v9 =	vadd.f32 v17, v54;
	v54 =	vmul.f32 v27, v1;
	v27 =	vmul.f32 v62, v61;
	v61 =	vld [tilespmem:$0x1FF80]  }
0x2b6: {  	v11 =	vmul.f32 v11, v2;
	v33 =	vmul.f32 v33, v1;
	v62 =	vld [tilespmem:$0x1FF90]  }
0x2b7: {  	v17 =	vmul.f32 v32, v0;
	v9 =	vadd.f32 v18, v9;
	v18 =	vmul.f32 v29, v2;
	v29 =	vld [tilespmem:s25+$0x7020]  }
0x2b8: {  	v8 =	vadd.f32 v11, v8;
	v11 =	vmul.f32 v24, v3;
	v24 =	vmul.f32 v58, v57;
	v57 =	vld [tilespmem:$0x1FF40]  }
0x2b9: {  	v58 =	vmul.f32 v26, v0;
	v26 =	vmul.f32 v60, v59;
	v59 =	vld [tilespmem:$0x1FF60]  }
0x2ba: {  	v12 =	vmul.f32 v12, v3;
	v60 =	vld [tilespmem:$0x1FF70]  }
0x2bb: {  	v35 =	vmul.f32 v35, v2;
	v17 =	vadd.f32 v33, v17;
	v33 =	vld [tilespmem:s26+$0x7810]  }
0x2bc: {  	v37 =	vmul.f32 v37, v3;
	v8 =	vadd.f32 v12, v8;
	v12 =	vadd.f32 v54, v58;
	v58 =	vld [tilespmem:$0x1FF50]  }
0x2bd: {  	v14 =	vadd.f32 v14, v20;
	v20 =	vmul.f32 v39, v0;
	v43 =	vmul.f32 v43, v2;
	v54 =	vld [tilespmem:s28+$0xF030]  }
0x2be: {  	v45 =	vmul.f32 v45, v3;
	v39 =	vmul.f32 v62, v61;
	v61 =	vld [tilespmem:$0x1FFC0]  }
0x2bf: {  	v4 =	vmul.f32 v4, v0;
	v23 =	vmul.f32 v49, v23;
	s28 =	spop (v2sf);
	v62 =	vld [tilespmem:$0x1FFD0]  }
0x2c0: {  	v49 =	vmul.f32 v51, v50;
	v50 =	vld [tilespmem:s28+$0xF830];
	v12 =	vadd.f32 v18, v12;
	v18 =	vmul.f32 v41, v1  }
0x2c1: {  	v13 =	vmul.f32 v16, v13;
	v53 =	vmul.f32 v60, v59;
	v60 =	vld [tilespmem:$0x1FFB0]  }
0x2c2: {  	v19 =	vmul.f32 v22, v19;
	v18 =	vadd.f32 v18, v20;
	v20 =	vmul.f32 v28, v25;
	v25 =	vld [tilespmem:s26+$0x7800]  }
0x2c3: {  	v15 =	vmul.f32 v15, v0;
	v13 =	vmul.f32 v13, v0;
	v28 =	vld [tilespmem:s28+$0xF800]  }
0x2c4: {  	v19 =	vmul.f32 v19, v1;
	(v2sf) =	vpush v5, $0xF;
	v32 =	vmul.f32 v58, v57;
	v58 =	vld [tilespmem:s29+$0x7430];
	s29 =	spop (v2sf)  }
0x2c5: {  	v23 =	vmul.f32 v23, v0;
	v7 =	vmul.f32 v7, v1;
	(v2sf) =	vpush v5, $0xE;
	v5 =	vld [tilespmem:s29+$0xF400]  }
0x2c6: {  	v11 =	vadd.f32 v11, v14;
	v14 =	vmul.f32 v24, v1;
	v29 =	vmul.f32 v30, v29;
	v24 =	vld [tilespmem:s29+$0xF410]  }
0x2c7: {  	v12 =	vadd.f32 v21, v12;
	v21 =	vmul.f32 v26, v2;
	v26 =	vmul.f32 v27, v3;
	v16 =	vld [tilespmem:s29+$0xF420]  }
0x2c8: {  	v27 =	vmul.f32 v34, v31;
	v59 =	vmul.f32 v53, v3;
	v22 =	vld [tilespmem:s29+$0xF430]  }
0x2c9: {  	v13 =	vadd.f32 v19, v13;
	v53 =	vmul.f32 v54, v52;
	v57 =	vmul.f32 v62, v61;
	v61 =	vld [tilespmem:s28+$0xF810]  }
0x2ca: {  	v14 =	vadd.f32 v14, v15;
	v62 =	vmul.f32 v39, v0;
	v41 =	vmul.f32 v60, v63;
	v63 =	vld [tilespmem:$0x1FFE0]  }
0x2cb: {  	v4 =	vadd.f32 v7, v4;
	v39 =	vld [tilespmem:s26+$0x7820];
	s25 =	spop (v2sf);
	v20 =	vmul.f32 v20, v2;
	v27 =	vmul.f32 v27, v3  }
0x2cc: {  	v14 =	vadd.f32 v21, v14;
	v21 =	vmul.f32 v49, v1;
	s29 =	spop (v2sf);
	v60 =	vmul.f32 v46, v38;
	v46 =	vld [tilespmem:s28+$0xF820]  }
0x2cd: {  	v18 =	vadd.f32 v43, v18;
	v49 =	vmul.f32 v29, v2;
	v31 =	vmul.f32 v32, v2;
	v51 =	vld [tilespmem:s29+$0x7C00]  }
0x2ce: {  	v17 =	vadd.f32 v35, v17;
	v32 =	vmul.f32 v44, v36;
	v53 =	vmul.f32 v53, v3;
	v54 =	vld [tilespmem:s29+$0x7C10]  }
0x2cf: {  	v18 =	vadd.f32 v45, v18;
	v34 =	vld [tilespmem:s29+$0x7C30];
	v45 =	vmul.f32 v41, v1;
	v10 =	vmul.f32 v10, v63  }
0x2d0: {  	v4 =	vadd.f32 v31, v4;
	v63 =	vmul.f32 v47, v40;
	v40 =	vmul.f32 v48, v42;
	v48 =	vld [tilespmem:s26+$0x7830]  }
0x2d1: {  	v17 =	vadd.f32 v37, v17;
	v5 =	vmul.f32 v5, v6;
	v6 =	vld [tilespmem:s29+$0x7C20];
	v24 =	vmul.f32 v24, v55  }
0x2d2: {  	v4 =	vadd.f32 v59, v4;
	v55 =	vmul.f32 v32, v0;
	v59 =	vmul.f32 v28, v25;
	v25 =	vld [tilespmem:s25+$0x8030]  }
0x2d3: {  	v16 =	vmul.f32 v16, v56;
	v15 =	vadd.f32 v45, v62;
	v45 =	vld [tilespmem:s25+$0x8000];
	v47 =	vmul.f32 v57, v2;
	s26 =	spop (v2sf)  }
0x2d4: {  	v14 =	vadd.f32 v26, v14;
	v22 =	vmul.f32 v22, v58;
	v57 =	vmul.f32 v60, v1;
	v31 =	vld [tilespmem:s26+$0x10030]  }
0x2d5: {  	v60 =	vmul.f32 v61, v33;
	v7 =	vadd.f32 v47, v15;
	v47 =	vmul.f32 v50, v48;
	v48 =	vld [tilespmem:s26+$0x10000];
	s29 =	spop (v2sf)  }
0x2d6: {  	v13 =	vadd.f32 v20, v13;
	v44 =	vmul.f32 v46, v39;
	v5 =	vmul.f32 v5, v0;
	v56 =	vld [tilespmem:s29+$0xFC00]  }
0x2d7: {  	v21 =	vadd.f32 v21, v23;
	v59 =	vmul.f32 v59, v0;
	v10 =	vmul.f32 v10, v3;
	v58 =	vld [tilespmem:s29+$0xFC10]  }
0x2d8: {  	v63 =	vmul.f32 v63, v2;
	v15 =	vadd.f32 v57, v55;
	v46 =	vmul.f32 v40, v3;
	v61 =	vld [tilespmem:s29+$0xFC20]  }
0x2d9: {  	(xrf2) =	vadd.scan.msk.f32 $0xffff, v8;
	v13 =	vadd.f32 v27, v13;
	v57 =	vmul.f32 v24, v1;
	v60 =	vmul.f32 v60, v1;
	v62 =	vld [tilespmem:s29+$0xFC30]  }
0x2da: {  	(xrf2) =	vadd.scan.msk.f32 $0xffff, v9;
	v28 =	vmul.f32 v44, v2;
	v55 =	vld [tilespmem:s26+$0x10010];
	v52 =	vadd.f32 v63, v15;
	v63 =	vmul.f32 v48, v45  }
0x2db: {  	(xrf2) =	vadd.scan.msk.f32 $0xffff, v11;
	v7 =	vadd.f32 v10, v7;
	v35 =	vmul.f32 v47, v3;
	v50 =	vmul.f32 v56, v51;
	v51 =	vld [tilespmem:s25+$0x8010]  }
0x2dc: {  	(xrf2) =	vadd.scan.msk.f32 $0xffff, v12;
	v24 =	vld [tilespmem:s26+$0x10020];
	v5 =	vadd.f32 v57, v5;
	v44 =	vmul.f32 v31, v25;
	v37 =	vmul.f32 v63, v0  }
0x2dd: {  	(xrf2) =	vadd.scan.msk.f32 $0xffff, v17;
	v10 =	vadd.f32 v60, v59;
	v54 =	vmul.f32 v58, v54;
	v6 =	vmul.f32 v61, v6;
	v61 =	vld [tilespmem:s25+$0x8020]  }
0x2de: {  	(xrf2) =	vadd.scan.msk.f32 $0xffff, v18;
	v8 =	vadd.f32 v46, v52;
	v58 =	vmul.f32 v16, v2;
	v62 =	vmul.f32 v62, v34  }
0x2df: {  	(xrf2) =	vadd.scan.msk.f32 $0xffff, v14;
	v56 =	vadd.f32 v49, v21;
	v34 =	vmul.f32 v22, v3;
	v32 =	vmul.f32 v50, v0  }
0x2e0: {  	(xrf2) =	vadd.scan.msk.f32 $0xffff, v4;
	v4 =	vadd.f32 v28, v10;
	v33 =	vmul.f32 v54, v1;
	v30 =	vmul.f32 v55, v51  }
0x2e1: {  	(xrf2) =	vadd.scan.msk.f32 $0xffff, v7;
	v9 =	vadd.f32 v53, v56;
	v5 =	vadd.f32 v58, v5;
	v6 =	vmul.f32 v6, v2  }
0x2e2: {  	(xrf2) =	vadd.scan.msk.f32 $0xffff, v13;
	v36 =	vadd.f32 v33, v32;
	v12 =	vmul.f32 v24, v61;
	v38 =	vmul.f32 v30, v1  }
0x2e3: {  	v39, _, _ =	vpop (xrf2);
	(xrf2) =	vadd.scan.msk.f32 $0xffff, v8;
	v4 =	vadd.f32 v35, v4;
	v40 =	vmul.f32 v62, v3;
	v5 =	vadd.f32 v34, v5  }
0x2e4: {  	v41, _, _ =	vpop (xrf2);
	(xrf2) =	vadd.scan.msk.f32 $0xffff, v9;
	v6 =	vadd.f32 v6, v36;
	v43 =	vmul.f32 v12, v2;
	v42 =	vadd.f32 v38, v37  }
0x2e5: {  	v8 =	vbroadcast v41, $0xF;
	v45, _, _ =	vpop (xrf2);
	v48 =	vmul.f32 v44, v3;
	(xrf2) =	vadd.scan.msk.f32 $0xffff, v5  }
0x2e6: {  	v46, _, _ =	vpop (xrf2);
	v5 =	vbroadcast v39, $0xF;
	(xrf2) =	vadd.scan.msk.f32 $0xffff, v4;
	v6 =	vadd.f32 v40, v6;
	v4 =	vadd.f32 v43, v42  }
0x2e7: {  	v47 =	vbroadcast v45, $0xF  }
0x2e8: {  	v7 =	vbroadcast v46, $0xF;
	v49, _, _ =	vpop (xrf2);
	v5 =	vsel vm0, v5, v8;
	(xrf2) =	vadd.scan.msk.f32 $0xffff, v6;
	v4 =	vadd.f32 v48, v4  }
0x2e9: {  	v50, _, _ =	vpop (xrf2);
	v8 =	vbroadcast v49, $0xF;
	v5 =	vsel vm1, v5, v47  }
0x2ea: {  	v51, _, _ =	vpop (xrf2);
	v5 =	vsel vm2, v5, v7;
	v6 =	vbroadcast v50, $0xF  }
0x2eb: {  	v52 =	vbroadcast v51, $0xF;
	v53, _, _ =	vpop (xrf2);
	v5 =	vsel vm3, v5, v8  }
0x2ec: {  	v54 =	vbroadcast v53, $0xF;
	v5 =	vsel vm4, v5, v6;
	(xrf2) =	vadd.scan.msk.f32 $0xffff, v4;
	v4, _, _ =	vpop (xrf2)  }
0x2ed: {  	v5 =	vsel vm5, v5, v52;
	v55, _, _ =	vpop (xrf2);
	v4 =	vbroadcast v4, $0xF  }
0x2ee: {  	v5 =	vsel vm6, v5, v54;
	v56, _, _ =	vpop (xrf2);
	v57 =	vbroadcast v55, $0xF  }
0x2ef: {  	v58, _, _ =	vpop (xrf2);
	v4 =	vsel vm7, v5, v4;
	v5 =	vbroadcast v56, $0xF  }
0x2f0: {  	v59, _, _ =	vpop (xrf2);
	v4 =	vsel vm8, v4, v57;
	v60 =	vbroadcast v58, $0xF  }
0x2f1: {  	v61, _, _ =	vpop (xrf2);
	v4 =	vsel vm9, v4, v5;
	v5 =	vbroadcast v59, $0xF  }
0x2f2: {  	v62, _, _ =	vpop (xrf2);
	v4 =	vsel vm10, v4, v60  }
0x2f3: {  	v4 =	vsel vm11, v4, v5;
	v5 =	vbroadcast v62, $0xF  }
0x2f4: {  	v63 =	vbroadcast v61, $0xF;
	_ =	sdelay $0x1  }
0x2f5: {  	v4 =	vsel vm12, v4, v63  }
0x2f6: {  	v4 =	vsel vm13, v4, v5;
	v5, _, _ =	vpop (xrf2)  }
0x2f7: {  	v4 =	vsel vm14, v4, v5;
	v5 =	vld [tilespmem:$0x1FFF0];
	_ =	sdelay $0x1  }
0x2f8: {  	p0 =	sne.s32 s21, $0x200  }
.Ltmp0:
0x2f9: {  	_ = 	snop;
	(pc) =	sbr.rel @p0 .LBB2_2-.Ltmp0, $4  }
0x2fa: {  	_ = 	snop  }
0x2fb: {  	v4 =	vadd.f32 v4, v5  }
0x2fc: {  	s21 =	sadd.s32 $0x20, s21  }
0x2fd: {  	s22 =	sadd.s32 $0x20, s22;
	s23 =	sadd.s32 $0x20, s23;
	[tilespmem:s24+$0x0] =	vst v4;
	s24 =	sadd.s32 $0x20, s24  }
0x2fe: {  	_ =	swait.ge [sflag:s19], $0x4000  }
0x2ff: {  	[sflag:s19] =	ssyncset.done $0x0  }
0x300: {  	[sflag:s19] =	ssyncadd.s32 $0xFFFFC000  }
0x301: {  	_ =	swait.ge [sflag:s20], $0x4000  }
0x302: {  	s21 =	sld [smem:$0x7F6]  }
0x303: {  	[sflag:s20] =	ssyncset.done $0x0  }
0x304: {  	s0 =	simm.s32 $0x10500;
	s22 =	simm.s32 $0x3;
	[sflag:s20] =	ssyncadd.s32 $0xFFFFC000  }
0x305: {  	[hbm4b:s21+s2] =	stream.linear.scatter [tilespmem:s0], [sflag:$0x3], $0x200, $0x38;
	[tilespmem:$0x10700] =	vst v63  }
0x306: {  	_ =	swait.ge [sflag:s22], $0x200  }
0x307: {  	s24 =	simm.s32 $0x400;
	s25 =	simm.s32 $0x8400;
	s23 =	sld [smem:$0x7F2]  }
0x308: {  	s6 =	simm.s32 $0x8800;
	s1 =	simm.s32 $0xC00;
	s26 =	sld [smem:$0x7F7]  }
0x309: {  	s12 =	simm.s32 $0x8C00;
	s13 =	simm.s32 $0x1000;
	s14 =	simm.s32 $0x9000  }
0x30a: {  	s5 =	simm.s32 $0x1400;
	s7 =	simm.s32 $0x9400;
	s23 =	sadd.s32 $0x1, s23  }
0x30b: {  	s8 =	simm.s32 $0x9800;
	s9 =	simm.s32 $0x1C00;
	p0 =	sne.s32 s23, s26  }
.Ltmp1:
0x30c: {  	s10 =	simm.s32 $0x9C00;
	s11 =	simm.s32 $0x2000;
	(pc) =	sbr.rel @p0 .LBB2_1-.Ltmp1, $4  }
0x30d: {  	s15 =	simm.s32 $0xA000;
	s16 =	simm.s32 $0x2400;
	s17 =	simm.s32 $0xA400  }
0x30e: {  	s18 =	simm.s32 $0x2800;
	s28 =	simm.s32 $0xA800;
	s29 =	simm.s32 $0x2C00  }
0x30f: {  	s30 =	simm.s32 $0xAC00;
	s31 =	simm.s32 $0x3000;
	[sflag:s22] =	ssyncset.done $0x0  }
0x310: {  	s0 =	simm.s32 $0x1800;
	[sflag:s22] =	ssyncadd.s32 $0xFFFFFE00;
	s26 =	simm.s32 $0x800  }
0x311: {  	_ =	sfence.sel $0x180000  }
0x312: {  	[bflag:$0x0] =	sbarrier.arrive $0xFFFF  }
0x313: {  	_ =	strace $0x90000047  }
0x314: {  	s0 =	stileid.u32;
	[bflag:$0x2] =	sbarrier.arrive $0xFFFF  }
0x315: {  	p0 =	sne.s32 s0, $0x0;
	s0 =	rddreg [dreg:$0x5]  }
0x316: {  	s0 =	sadd.s32 @!p0 $0x100000, s0  }
0x317: {  	[sflag:s0] =	ssyncadd.tile.s32 @!p0 $0x1;
	_ =	shalt  }
.Lfunc_end2:
_tile_overlayer_lowered:
.L_overlay_start_2:
0x318: {  	(tag) =	ssettag $0x2  }
0x319: {  	s0 =	rddreg [dreg:$0x0];
	s2 =	stileid.u32  }
0x31a: {  	s1 =	rddreg [dreg:$0x1];
	p0 =	sne.s32 s2, $0x0  }
0x31b: {  	s3 =	rddreg [dreg:$0x2];
	[bflag:$0x3] =	sbarrier.arrive $0xFFFF;
	s2 =	simm.s32 @!p0 $0x1C03  }
0x31c: {  	[timem:s3], [sflag:s2] =	dma.local @!p0 [hbm:s0], s1  }
0x31d: {  	s0 =	simm.s32 @!p0 $0x3  }
0x31e: {  	_ =	swait.ge @!p0 [sflag:s0], s1  }
0x31f: {  	s1 =	ssub.s32 @!p0 $0x0, s1;
	[sflag:s0] =	ssyncset.done @!p0 $0x0  }
0x320: {  	[sflag:s0] =	ssyncadd.s32 @!p0 s1  }
0x321: {  	[bflag:$0x3] =	sbarrier.arrive $0xFFFF  }
0x322: {  	_ =	shalt  }

</sc_bundles>
